<compile_context>
chip_gen: v7x
topology: tpu7x:2x2x1
jax: 0.10.2.dev20260603
libtpu: 0.0.44.dev20260713+nightly
codegen_flags: <defaults>
</compile_context>

<pallas_src>
import functools

import jax
import jax.numpy as jnp
from jax import lax
from jax.experimental import pallas as pl
from jax.experimental.pallas import tpu as pltpu
from jax.experimental.pallas import tpu_sc as plsc

N = 10000
E = 320000
IN = 128
HID = 64
HEADS = 2
OUT = 64

NC = 2
NS = 16
NW = NC * NS
K = 128
NCHUNK = E // K
GMAX = -(-NCHUNK // NW)


def _dense1_body(x_ref, w_ref, asrc_ref, adst_ref, h_ref, tbl_ref):
    h = jnp.dot(x_ref[...], w_ref[...], preferred_element_type=jnp.float32)
    h_ref[...] = h
    a_s = jnp.dot(h, asrc_ref[...], preferred_element_type=jnp.float32)
    a_d = jnp.dot(h, adst_ref[...], preferred_element_type=jnp.float32)
    tbl_ref[...] = jnp.concatenate([a_s, a_d], axis=1)


def _dense1(x, W1, a_src1, a_dst1):
    A_src = jnp.zeros((HEADS * HID, 8), jnp.float32)
    A_dst = jnp.zeros((HEADS * HID, 8), jnp.float32)
    for h in range(HEADS):
        A_src = A_src.at[h * HID:(h + 1) * HID, h].set(a_src1[h])
        A_dst = A_dst.at[h * HID:(h + 1) * HID, h].set(a_dst1[h])
    B = 1000
    h1, tbl = pl.pallas_call(
        _dense1_body,
        grid=(N // B,),
        in_specs=[
            pl.BlockSpec((B, IN), lambda i: (i, 0)),
            pl.BlockSpec((IN, HEADS * HID), lambda i: (0, 0)),
            pl.BlockSpec((HEADS * HID, 8), lambda i: (0, 0)),
            pl.BlockSpec((HEADS * HID, 8), lambda i: (0, 0)),
        ],
        out_specs=[
            pl.BlockSpec((B, HEADS * HID), lambda i: (i, 0)),
            pl.BlockSpec((B, 16), lambda i: (i, 0)),
        ],
        out_shape=[
            jax.ShapeDtypeStruct((N, HEADS * HID), jnp.float32),
            jax.ShapeDtypeStruct((N, 16), jnp.float32),
        ],
    )(x, W1, A_src, A_dst)
    return h1, tbl


_SC_PARAMS = pltpu.CompilerParams(needs_layout_passes=False)


def _sc_pass1(tbl4, src, dst, H):
    mesh = plsc.VectorSubcoreMesh(core_axis_name="c", subcore_axis_name="s")

    @functools.partial(
        pl.kernel,
        mesh=mesh,
        compiler_params=_SC_PARAMS,
        out_type=[
            jax.ShapeDtypeStruct((NC, NS, H * N), jnp.float32),
            jax.ShapeDtypeStruct((E * H,), jnp.float32),
        ],
        scratch_types=[
            pltpu.VMEM((K,), jnp.int32),
            pltpu.VMEM((K,), jnp.int32),
            pltpu.VMEM((4 * N + 64,), jnp.float32),
            pltpu.VMEM((H * N,), jnp.float32),
            pltpu.VMEM((K * H,), jnp.float32),
        ],
    )
    def k(tbl_hbm, src_hbm, dst_hbm, den_hbm, ex_hbm,
          sidx, didx, tblv, denv, exbuf):
        cid = lax.axis_index("c")
        sid = lax.axis_index("s")
        wid = sid * NC + cid
        zero16 = jnp.zeros((16,), jnp.float32)

        pltpu.sync_copy(tbl_hbm, tblv)

        def _zden(r, carry):
            denv[pl.ds(r * 16, 16)] = zero16
            return carry
        lax.fori_loop(0, H * N // 16, _zden, 0)

        def _chunk(g, carry):
            cidx = g * NW + wid

            @pl.when(cidx < NCHUNK)
            def _():
                base = cidx * K
                pltpu.sync_copy(src_hbm.at[pl.ds(base, K)], sidx)
                pltpu.sync_copy(dst_hbm.at[pl.ds(base, K)], didx)

                def _jgrp(j, jcarry):
                    sv4 = sidx[pl.ds(j * 16, 16)] * 4
                    dv = didx[pl.ds(j * 16, 16)]
                    dv4 = dv * 4
                    for hh in range(H):
                        a_s = plsc.load_gather(tblv, [sv4 + hh])
                        a_d = plsc.load_gather(tblv, [dv4 + (2 + hh)])
                        e = a_s + a_d
                        e = jnp.where(e >= 0.0, e, 0.2 * e)
                        exv = jnp.exp(e)
                        plsc.addupdate_scatter(denv, [dv * H + hh], exv)
                        exbuf[pl.ds(hh * K + j * 16, 16)] = exv
                    return jcarry
                lax.fori_loop(0, K // 16, _jgrp, 0)
                pltpu.sync_copy(exbuf, ex_hbm.at[pl.ds(cidx * K * H, K * H)])
            return carry
        lax.fori_loop(0, GMAX, _chunk, 0)
        pltpu.sync_copy(denv, den_hbm.at[cid, sid])

    return k(tbl4, src, dst)


def _sc_pass2(h, exout, src, dst, H):
    mesh = plsc.VectorSubcoreMesh(core_axis_name="c", subcore_axis_name="s")

    @functools.partial(
        pl.kernel,
        mesh=mesh,
        compiler_params=_SC_PARAMS,
        out_type=jax.ShapeDtypeStruct((NC, N, 128), jnp.float32),
        scratch_types=[
            pltpu.VMEM((K,), jnp.int32),
            pltpu.VMEM((K,), jnp.int32),
            pltpu.VMEM((K * H,), jnp.float32),
            pltpu.VMEM((K, 128), jnp.float32),
            pltpu.VMEM_SHARED((N, 128), jnp.float32),
            pltpu.SemaphoreType.DMA,
        ],
    )
    def k(h_hbm, ex_hbm, src_hbm, dst_hbm, out_hbm,
          sidx, didx, exbuf, hbuf, acc, sem):
        cid = lax.axis_index("c")
        sid = lax.axis_index("s")
        wid = sid * NC + cid
        zero16 = jnp.zeros((16,), jnp.float32)

        def _zrow(r, carry):
            for c in range(8):
                hbuf[r, pl.ds(c * 16, 16)] = zero16
            return carry
        lax.fori_loop(0, K, _zrow, 0)
        for t in range(6):
            pltpu.sync_copy(
                hbuf.at[pl.ds(0, 104)],
                acc.at[pl.ds(sid * 624 + t * 104, 104)])

        @pl.when(sid == 0)
        def _ztail():
            pltpu.sync_copy(hbuf.at[pl.ds(0, 16)], acc.at[pl.ds(9984, 16)])
        plsc.subcore_barrier()

        def _chunk(g, carry):
            cidx = g * NW + wid

            @pl.when(cidx < NCHUNK)
            def _():
                base = cidx * K
                pltpu.sync_copy(src_hbm.at[pl.ds(base, K)], sidx)
                pltpu.sync_copy(dst_hbm.at[pl.ds(base, K)], didx)
                pltpu.sync_copy(ex_hbm.at[pl.ds(cidx * K * H, K * H)], exbuf)
                pltpu.async_copy(h_hbm.at[sidx], hbuf, sem).wait()

                def _jgrp(j, jcarry):
                    exg = [exbuf[pl.ds(hh * K + j * 16, 16)] for hh in range(H)]
                    for l in range(16):
                        row = j * 16 + l
                        for hh in range(H):
                            bex = jnp.full((16,), exg[hh][l], jnp.float32)
                            base_c = hh * (128 // H)
                            for c in range(128 // H // 16):
                                off = base_c + c * 16
                                hbuf[row, pl.ds(off, 16)] = (
                                    hbuf[row, pl.ds(off, 16)] * bex)
                    return jcarry
                lax.fori_loop(0, K // 16, _jgrp, 0)
                pltpu.sync_copy(hbuf, acc.at[didx], add=True)
            return carry
        lax.fori_loop(0, GMAX, _chunk, 0)

        plsc.subcore_barrier()
        pltpu.sync_copy(
            acc.at[pl.ds(sid * 624, 624)],
            out_hbm.at[cid, pl.ds(sid * 624, 624)])

        @pl.when(sid == 0)
        def _otail():
            pltpu.sync_copy(acc.at[pl.ds(9984, 16)],
                            out_hbm.at[cid, pl.ds(9984, 16)])

    return k(h, exout, src, dst)


def _sc_edge(h, tbl, src, dst, H):
    tbl4 = jnp.concatenate(
        [jnp.concatenate([tbl[:, 0:2], tbl[:, 8:10]], axis=1).reshape(-1),
         jnp.zeros((64,), jnp.float32)])
    den, exout = _sc_pass1(tbl4, src, dst, H)
    acc = _sc_pass2(h, exout, src, dst, H)
    return acc, den


def _finish1_body(n0_ref, n1_ref, den_ref, b1_ref, w2_ref, asrc2_ref,
                  adst2_ref, h2_ref, tbl2_ref):
    a = n0_ref[...] + n1_ref[...]
    den = jnp.sum(den_ref[...], axis=0)
    parts = []
    for h in range(HEADS):
        parts.append(a[:, h * HID:(h + 1) * HID]
                     / (den[:, h:h + 1] + 1e-16))
    h1 = jnp.concatenate(parts, axis=1) + b1_ref[...]
    h1 = jnp.maximum(h1, 0.0)
    h2 = jnp.dot(h1, w2_ref[...], preferred_element_type=jnp.float32)
    h2_ref[...] = h2
    a_s = jnp.dot(h2, asrc2_ref[...], preferred_element_type=jnp.float32)
    a_d = jnp.dot(h2, adst2_ref[...], preferred_element_type=jnp.float32)
    tbl2_ref[...] = jnp.concatenate([a_s, a_d], axis=1)


def _finish1(acc, den, b1, W2, a_src2, a_dst2):
    B = 1000
    acc2 = acc.reshape(NC * N, 128)
    den3 = den.reshape(NC * NS, N, HEADS)
    A_src = jnp.zeros((OUT, 8), jnp.float32).at[:, 0].set(a_src2[0])
    A_dst = jnp.zeros((OUT, 8), jnp.float32).at[:, 0].set(a_dst2[0])
    nb = N // B
    h2, tbl2 = pl.pallas_call(
        _finish1_body,
        grid=(nb,),
        in_specs=[
            pl.BlockSpec((B, 128), lambda i: (i, 0)),
            pl.BlockSpec((B, 128), lambda i, nb=nb: (nb + i, 0)),
            pl.BlockSpec((NC * NS, B, HEADS), lambda i: (0, i, 0)),
            pl.BlockSpec((1, HEADS * HID), lambda i: (0, 0)),
            pl.BlockSpec((HEADS * HID, OUT), lambda i: (0, 0)),
            pl.BlockSpec((OUT, 8), lambda i: (0, 0)),
            pl.BlockSpec((OUT, 8), lambda i: (0, 0)),
        ],
        out_specs=[
            pl.BlockSpec((B, OUT), lambda i: (i, 0)),
            pl.BlockSpec((B, 16), lambda i: (i, 0)),
        ],
        out_shape=[
            jax.ShapeDtypeStruct((N, OUT), jnp.float32),
            jax.ShapeDtypeStruct((N, 16), jnp.float32),
        ],
    )(acc2, acc2, den3, b1.reshape(1, HEADS * HID), W2, A_src, A_dst)
    return h2, tbl2


def _finish2_body(n0_ref, n1_ref, den_ref, b2_ref, out_ref):
    a = n0_ref[...] + n1_ref[...]
    den = jnp.sum(den_ref[...], axis=0)
    v = a[:, :OUT] / (den[:, 0:1] + 1e-16) + b2_ref[...]
    out_ref[...] = 1.0 / (1.0 + jnp.exp(-v))


def _finish2(acc, den, b2):
    B = 1000
    acc2 = acc.reshape(NC * N, 128)
    den3 = den.reshape(NC * NS, N, 1)
    nb = N // B
    return pl.pallas_call(
        _finish2_body,
        grid=(nb,),
        in_specs=[
            pl.BlockSpec((B, 128), lambda i: (i, 0)),
            pl.BlockSpec((B, 128), lambda i, nb=nb: (nb + i, 0)),
            pl.BlockSpec((NC * NS, B, 1), lambda i: (0, i, 0)),
            pl.BlockSpec((1, OUT), lambda i: (0, 0)),
        ],
        out_specs=pl.BlockSpec((B, OUT), lambda i: (i, 0)),
        out_shape=jax.ShapeDtypeStruct((N, OUT), jnp.float32),
    )(acc2, acc2, den3, b2.reshape(1, OUT))


def kernel(x, edge_index, W1, a_src1, a_dst1, b1, W2, a_src2, a_dst2, b2):
    src = edge_index[0].astype(jnp.int32)
    dst = edge_index[1].astype(jnp.int32)
    h1, tbl1 = _dense1(x, W1, a_src1, a_dst1)
    acc1, den1 = _sc_edge(h1, tbl1, src, dst, HEADS)
    h2, tbl2 = _finish1(acc1, den1, b1, W2, a_src2, a_dst2)
    h2p = jnp.concatenate([h2, jnp.zeros((N, 128 - OUT), jnp.float32)], axis=1)
    acc2, den2 = _sc_edge(h2p, tbl2, src, dst, 1)
    return _finish2(acc2, den2, b2)

# --- scband reference (transcript-rebuilt; emitter-appended) ---
"""Pipeline reference for scband-gat-31456340476248 (READ-ONLY COPY).

The authoritative reference and input builder live on the scoring server;
editing this copy changes nothing except your own understanding.
"""

import jax, jax.numpy as jnp
import numpy as np

N = 10000
E = 320000
IN = 128
HID = 64
HEADS = 2
OUT = 64


def setup_inputs(seed: int = 0) -> dict:
    key = jax.random.key(seed)
    ks = jax.random.split(key, 12)
    x = jax.random.normal(ks[0], (N, IN), dtype=jnp.float32)
    edge_index = jax.random.randint(ks[1], (2, E), 0, N, dtype=jnp.int64)
    W1 = jax.random.normal(ks[2], (IN, HEADS * HID), dtype=jnp.float32) * 0.1
    a_src1 = jax.random.normal(ks[3], (HEADS, HID), dtype=jnp.float32) * 0.1
    a_dst1 = jax.random.normal(ks[4], (HEADS, HID), dtype=jnp.float32) * 0.1
    b1 = jnp.zeros((HEADS * HID,), dtype=jnp.float32)
    W2 = jax.random.normal(ks[5], (HEADS * HID, OUT), dtype=jnp.float32) * 0.1
    a_src2 = jax.random.normal(ks[6], (1, OUT), dtype=jnp.float32) * 0.1
    a_dst2 = jax.random.normal(ks[7], (1, OUT), dtype=jnp.float32) * 0.1
    b2 = jnp.zeros((OUT,), dtype=jnp.float32)
    return {"x": x, "edge_index": edge_index, "W1": W1, "a_src1": a_src1,
            "a_dst1": a_dst1, "b1": b1, "W2": W2, "a_src2": a_src2,
            "a_dst2": a_dst2, "b2": b2}


def gat_conv(x, edge_index, W, a_src, a_dst, b, heads, out_ch):
    src = edge_index[0]
    dst = edge_index[1]
    n = x.shape[0]
    h = (x @ W).reshape(n, heads, out_ch)
    alpha_src = jnp.sum(h * a_src[None, :, :], axis=-1)  # [N, H]
    alpha_dst = jnp.sum(h * a_dst[None, :, :], axis=-1)  # [N, H]
    e = alpha_src[src] + alpha_dst[dst]                  # [E, H]
    e = jax.nn.leaky_relu(e, negative_slope=0.2)
    # softmax over incoming edges grouped by dst node
    emax = jax.ops.segment_max(e, dst, num_segments=n)
    emax = jnp.where(jnp.isfinite(emax), emax, 0.0)
    emax = jax.lax.stop_gradient(emax)
    ex = jnp.exp(e - emax[dst])
    denom = jax.ops.segment_sum(ex, dst, num_segments=n)
    alpha = ex / (denom[dst] + 1e-16)                    # [E, H]
    msg = h[src] * alpha[:, :, None]                     # [E, H, out]
    out = jax.ops.segment_sum(msg, dst, num_segments=n)  # [N, H, out]
    return out.reshape(n, heads * out_ch) + b


def reference(x, edge_index, W1, a_src1, a_dst1, b1, W2, a_src2, a_dst2, b2):
    h = gat_conv(x, edge_index, W1, a_src1, a_dst1, b1, HEADS, HID)
    h = jax.nn.relu(h)
    h = h.reshape(h.shape[0], -1)
    out = gat_conv(h, edge_index, W2, a_src2, a_dst2, b2, 1, OUT)
    return jax.nn.sigmoid(out)

if __name__ == "__main__":
    import jax
    _d = setup_inputs()
    print(jax.jit(kernel)(*tuple(_d.values())))

</pallas_src>

<mosaic_0001>
#map = affine_map<(d0, d1) -> (0, 0)>
#map1 = affine_map<(d0, d1) -> (0)>
#map2 = affine_map<(d0, d1) -> (0, 0, 0)>
module attributes {stable_mosaic.version = 14 : i64} {
  func.func @k(%arg0: i32, %arg1: i32, %arg2: memref<10000x128xf32, #tpu.memory_space<hbm>>, %arg3: memref<640000xf32, #tpu.memory_space<hbm>>, %arg4: memref<320000xi32, #tpu.memory_space<hbm>>, %arg5: memref<320000xi32, #tpu.memory_space<hbm>>, %arg6: memref<2x10000x128xf32, #tpu.memory_space<hbm>>, %arg7: memref<128xi32, #tpu.memory_space<vmem>>, %arg8: memref<128xi32, #tpu.memory_space<vmem>>, %arg9: memref<256xf32, #tpu.memory_space<vmem>>, %arg10: memref<128x128xf32, #tpu.memory_space<vmem>>, %arg11: memref<10000x128xf32, #tpu.memory_space<vmem_shared>>, %arg12: memref<!tpu.dma_semaphore, #tpu.memory_space<semaphore_mem>>) attributes {dimension_semantics = [#tpu.dimension_semantics<core_parallel>, #tpu.dimension_semantics<subcore_parallel>], iteration_bounds = array<i64: 2, 16>, scalar_prefetch = 0 : i64, scratch_operands = 6 : i64, tpu.core_type = #tpu.core_type<sc_vector_subcore>, window_params = [{transform_indices = #map}, {transform_indices = #map1}, {transform_indices = #map1}, {transform_indices = #map1}, {transform_indices = #map2}]} {
    %mul3A = arith.constant 2 : i32
    %mul3A_0 = arith.muli %arg1, %mul3A : i32
    %add3A = arith.addi %mul3A_0, %arg0 : i32
    %broadcast_in_dim3A = arith.constant 0.000000e+00 : f32
    %broadcast_in_dim3A_1 = vector.broadcast %broadcast_in_dim3A : f32 to vector<16xf32>
    %scan3A = arith.constant 0 : i32
    %scan3A_2 = arith.constant 0 : i32
    %scan3A_3 = arith.constant 128 : i32
    %scan3A_4 = arith.addi %scan3A_2, %scan3A_3 : i32
    %scan3A_5 = arith.constant 1 : i32
    scf.for %scan3A_49 = %scan3A_2 to %scan3A_4 step %scan3A_5  : i32 {
      %swap3A = arith.index_cast %scan3A_49 : i32 to index
      %swap3A_50 = arith.constant 0 : index
      %swap3A_51 = tpu.vector_load %arg10[%swap3A, %swap3A_50] {strides = array<i32>} : memref<128x128xf32, #tpu.memory_space<vmem>>, vector<16xf32>,
      tpu.vector_store %arg10[%swap3A, %swap3A_50], %broadcast_in_dim3A_1 {strides = array<i32>} : memref<128x128xf32, #tpu.memory_space<vmem>>, vector<16xf32>,
      %swap3A_52 = arith.index_cast %scan3A_49 : i32 to index
      %swap3A_53 = arith.constant 16 : index
      %swap3A_54 = tpu.vector_load %arg10[%swap3A_52, %swap3A_53] {strides = array<i32>} : memref<128x128xf32, #tpu.memory_space<vmem>>, vector<16xf32>,
      tpu.vector_store %arg10[%swap3A_52, %swap3A_53], %broadcast_in_dim3A_1 {strides = array<i32>} : memref<128x128xf32, #tpu.memory_space<vmem>>, vector<16xf32>,
      %swap3A_55 = arith.index_cast %scan3A_49 : i32 to index
      %swap3A_56 = arith.constant 32 : index
      %swap3A_57 = tpu.vector_load %arg10[%swap3A_55, %swap3A_56] {strides = array<i32>} : memref<128x128xf32, #tpu.memory_space<vmem>>, vector<16xf32>,
      tpu.vector_store %arg10[%swap3A_55, %swap3A_56], %broadcast_in_dim3A_1 {strides = array<i32>} : memref<128x128xf32, #tpu.memory_space<vmem>>, vector<16xf32>,
      %swap3A_58 = arith.index_cast %scan3A_49 : i32 to index
      %swap3A_59 = arith.constant 48 : index
      %swap3A_60 = tpu.vector_load %arg10[%swap3A_58, %swap3A_59] {strides = array<i32>} : memref<128x128xf32, #tpu.memory_space<vmem>>, vector<16xf32>,
      tpu.vector_store %arg10[%swap3A_58, %swap3A_59], %broadcast_in_dim3A_1 {strides = array<i32>} : memref<128x128xf32, #tpu.memory_space<vmem>>, vector<16xf32>,
      %swap3A_61 = arith.index_cast %scan3A_49 : i32 to index
      %swap3A_62 = arith.constant 64 : index
      %swap3A_63 = tpu.vector_load %arg10[%swap3A_61, %swap3A_62] {strides = array<i32>} : memref<128x128xf32, #tpu.memory_space<vmem>>, vector<16xf32>,
      tpu.vector_store %arg10[%swap3A_61, %swap3A_62], %broadcast_in_dim3A_1 {strides = array<i32>} : memref<128x128xf32, #tpu.memory_space<vmem>>, vector<16xf32>,
      %swap3A_64 = arith.index_cast %scan3A_49 : i32 to index
      %swap3A_65 = arith.constant 80 : index
      %swap3A_66 = tpu.vector_load %arg10[%swap3A_64, %swap3A_65] {strides = array<i32>} : memref<128x128xf32, #tpu.memory_space<vmem>>, vector<16xf32>,
      tpu.vector_store %arg10[%swap3A_64, %swap3A_65], %broadcast_in_dim3A_1 {strides = array<i32>} : memref<128x128xf32, #tpu.memory_space<vmem>>, vector<16xf32>,
      %swap3A_67 = arith.index_cast %scan3A_49 : i32 to index
      %swap3A_68 = arith.constant 96 : index
      %swap3A_69 = tpu.vector_load %arg10[%swap3A_67, %swap3A_68] {strides = array<i32>} : memref<128x128xf32, #tpu.memory_space<vmem>>, vector<16xf32>,
      tpu.vector_store %arg10[%swap3A_67, %swap3A_68], %broadcast_in_dim3A_1 {strides = array<i32>} : memref<128x128xf32, #tpu.memory_space<vmem>>, vector<16xf32>,
      %swap3A_70 = arith.index_cast %scan3A_49 : i32 to index
      %swap3A_71 = arith.constant 112 : index
      %swap3A_72 = tpu.vector_load %arg10[%swap3A_70, %swap3A_71] {strides = array<i32>} : memref<128x128xf32, #tpu.memory_space<vmem>>, vector<16xf32>,
      tpu.vector_store %arg10[%swap3A_70, %swap3A_71], %broadcast_in_dim3A_1 {strides = array<i32>} : memref<128x128xf32, #tpu.memory_space<vmem>>, vector<16xf32>,
    }
    %scan3A_6 = arith.constant 128 : i32
    %mul3A_7 = arith.constant 624 : i32
    %mul3A_8 = arith.muli %arg1, %mul3A_7 : i32
    %add3A_9 = arith.constant 0 : i32
    %add3A_10 = arith.addi %mul3A_8, %add3A_9 : i32
    "tpu.region"() ({
      %run_scoped3A = tpu.sem_alloc : memref<!tpu.dma_semaphore, #tpu.memory_space<semaphore_mem>>
      %dma_start3A = arith.constant 0 : i32
      %dma_start3A_49 = arith.constant 0 : i32
      %dma_start3A_50 = tpu.memref_slice %arg10[%dma_start3A, %dma_start3A_49] : memref<128x128xf32, #tpu.memory_space<vmem>> -> memref<104x128xf32, #tpu.memory_space<vmem>>
      %dma_start3A_51 = arith.constant 0 : i32
      %dma_start3A_52 = tpu.memref_slice %arg11[%add3A_10, %dma_start3A_51] : memref<10000x128xf32, #tpu.memory_space<vmem_shared>> -> memref<104x128xf32, #tpu.memory_space<vmem_shared>>
      %dma_start3A_53 = arith.constant 0 : i32
      %dma_start3A_54 = tpu.memref_slice %arg11[%add3A_10, %dma_start3A_53] : memref<10000x128xf32, #tpu.memory_space<vmem_shared>> -> memref<104x128xf32, #tpu.memory_space<vmem_shared>>
      %dma_start3A_55 = arith.constant 0 : i32
      %dma_start3A_56 = arith.constant 0 : i32
      %dma_start3A_57 = tpu.memref_slice %arg10[%dma_start3A_55, %dma_start3A_56] : memref<128x128xf32, #tpu.memory_space<vmem>> -> memref<104x128xf32, #tpu.memory_space<vmem>>
      tpu.enqueue_dma source(%dma_start3A_57 : memref<104x128xf32, #tpu.memory_space<vmem>>) target(%dma_start3A_54 : memref<104x128xf32, #tpu.memory_space<vmem_shared>>) target_semaphore(%run_scoped3A : memref<!tpu.dma_semaphore, #tpu.memory_space<semaphore_mem>>)
      %dma_wait3A = arith.constant 0 : i32
      %dma_wait3A_58 = arith.constant 0 : i32
      %dma_wait3A_59 = tpu.memref_slice %arg10[%dma_wait3A, %dma_wait3A_58] : memref<128x128xf32, #tpu.memory_space<vmem>> -> memref<104x128xf32, #tpu.memory_space<vmem>>
      %dma_wait3A_60 = arith.constant 0 : i32
      %dma_wait3A_61 = tpu.memref_slice %arg11[%add3A_10, %dma_wait3A_60] : memref<10000x128xf32, #tpu.memory_space<vmem_shared>> -> memref<104x128xf32, #tpu.memory_space<vmem_shared>>
      %dma_wait3A_62 = arith.constant 0 : i32
      %dma_wait3A_63 = tpu.memref_slice %arg11[%add3A_10, %dma_wait3A_62] : memref<10000x128xf32, #tpu.memory_space<vmem_shared>> -> memref<104x128xf32, #tpu.memory_space<vmem_shared>>
      %dma_wait3A_64 = arith.constant 0 : i32
      %dma_wait3A_65 = arith.constant 0 : i32
      %dma_wait3A_66 = tpu.memref_slice %arg10[%dma_wait3A_64, %dma_wait3A_65] : memref<128x128xf32, #tpu.memory_space<vmem>> -> memref<104x128xf32, #tpu.memory_space<vmem>>
      tpu.wait_dma2 semaphore(%run_scoped3A : memref<!tpu.dma_semaphore, #tpu.memory_space<semaphore_mem>>) src(%dma_wait3A_66 : memref<104x128xf32, #tpu.memory_space<vmem>>) dst(%dma_wait3A_63 : memref<104x128xf32, #tpu.memory_space<vmem_shared>>)
      tpu.yield
    }) : () -> ()
    %mul3A_11 = arith.constant 624 : i32
    %mul3A_12 = arith.muli %arg1, %mul3A_11 : i32
    %add3A_13 = arith.constant 104 : i32
    %add3A_14 = arith.addi %mul3A_12, %add3A_13 : i32
    "tpu.region"() ({
      %run_scoped3A = tpu.sem_alloc : memref<!tpu.dma_semaphore, #tpu.memory_space<semaphore_mem>>
      %dma_start3A = arith.constant 0 : i32
      %dma_start3A_49 = arith.constant 0 : i32
      %dma_start3A_50 = tpu.memref_slice %arg10[%dma_start3A, %dma_start3A_49] : memref<128x128xf32, #tpu.memory_space<vmem>> -> memref<104x128xf32, #tpu.memory_space<vmem>>
      %dma_start3A_51 = arith.constant 0 : i32
      %dma_start3A_52 = tpu.memref_slice %arg11[%add3A_14, %dma_start3A_51] : memref<10000x128xf32, #tpu.memory_space<vmem_shared>> -> memref<104x128xf32, #tpu.memory_space<vmem_shared>>
      %dma_start3A_53 = arith.constant 0 : i32
      %dma_start3A_54 = tpu.memref_slice %arg11[%add3A_14, %dma_start3A_53] : memref<10000x128xf32, #tpu.memory_space<vmem_shared>> -> memref<104x128xf32, #tpu.memory_space<vmem_shared>>
      %dma_start3A_55 = arith.constant 0 : i32
      %dma_start3A_56 = arith.constant 0 : i32
      %dma_start3A_57 = tpu.memref_slice %arg10[%dma_start3A_55, %dma_start3A_56] : memref<128x128xf32, #tpu.memory_space<vmem>> -> memref<104x128xf32, #tpu.memory_space<vmem>>
      tpu.enqueue_dma source(%dma_start3A_57 : memref<104x128xf32, #tpu.memory_space<vmem>>) target(%dma_start3A_54 : memref<104x128xf32, #tpu.memory_space<vmem_shared>>) target_semaphore(%run_scoped3A : memref<!tpu.dma_semaphore, #tpu.memory_space<semaphore_mem>>)
      %dma_wait3A = arith.constant 0 : i32
      %dma_wait3A_58 = arith.constant 0 : i32
      %dma_wait3A_59 = tpu.memref_slice %arg10[%dma_wait3A, %dma_wait3A_58] : memref<128x128xf32, #tpu.memory_space<vmem>> -> memref<104x128xf32, #tpu.memory_space<vmem>>
      %dma_wait3A_60 = arith.constant 0 : i32
      %dma_wait3A_61 = tpu.memref_slice %arg11[%add3A_14, %dma_wait3A_60] : memref<10000x128xf32, #tpu.memory_space<vmem_shared>> -> memref<104x128xf32, #tpu.memory_space<vmem_shared>>
      %dma_wait3A_62 = arith.constant 0 : i32
      %dma_wait3A_63 = tpu.memref_slice %arg11[%add3A_14, %dma_wait3A_62] : memref<10000x128xf32, #tpu.memory_space<vmem_shared>> -> memref<104x128xf32, #tpu.memory_space<vmem_shared>>
      %dma_wait3A_64 = arith.constant 0 : i32
      %dma_wait3A_65 = arith.constant 0 : i32
      %dma_wait3A_66 = tpu.memref_slice %arg10[%dma_wait3A_64, %dma_wait3A_65] : memref<128x128xf32, #tpu.memory_space<vmem>> -> memref<104x128xf32, #tpu.memory_space<vmem>>
      tpu.wait_dma2 semaphore(%run_scoped3A : memref<!tpu.dma_semaphore, #tpu.memory_space<semaphore_mem>>) src(%dma_wait3A_66 : memref<104x128xf32, #tpu.memory_space<vmem>>) dst(%dma_wait3A_63 : memref<104x128xf32, #tpu.memory_space<vmem_shared>>)
      tpu.yield
    }) : () -> ()
    %mul3A_15 = arith.constant 624 : i32
    %mul3A_16 = arith.muli %arg1, %mul3A_15 : i32
    %add3A_17 = arith.constant 208 : i32
    %add3A_18 = arith.addi %mul3A_16, %add3A_17 : i32
    "tpu.region"() ({
      %run_scoped3A = tpu.sem_alloc : memref<!tpu.dma_semaphore, #tpu.memory_space<semaphore_mem>>
      %dma_start3A = arith.constant 0 : i32
      %dma_start3A_49 = arith.constant 0 : i32
      %dma_start3A_50 = tpu.memref_slice %arg10[%dma_start3A, %dma_start3A_49] : memref<128x128xf32, #tpu.memory_space<vmem>> -> memref<104x128xf32, #tpu.memory_space<vmem>>
      %dma_start3A_51 = arith.constant 0 : i32
      %dma_start3A_52 = tpu.memref_slice %arg11[%add3A_18, %dma_start3A_51] : memref<10000x128xf32, #tpu.memory_space<vmem_shared>> -> memref<104x128xf32, #tpu.memory_space<vmem_shared>>
      %dma_start3A_53 = arith.constant 0 : i32
      %dma_start3A_54 = tpu.memref_slice %arg11[%add3A_18, %dma_start3A_53] : memref<10000x128xf32, #tpu.memory_space<vmem_shared>> -> memref<104x128xf32, #tpu.memory_space<vmem_shared>>
      %dma_start3A_55 = arith.constant 0 : i32
      %dma_start3A_56 = arith.constant 0 : i32
      %dma_start3A_57 = tpu.memref_slice %arg10[%dma_start3A_55, %dma_start3A_56] : memref<128x128xf32, #tpu.memory_space<vmem>> -> memref<104x128xf32, #tpu.memory_space<vmem>>
      tpu.enqueue_dma source(%dma_start3A_57 : memref<104x128xf32, #tpu.memory_space<vmem>>) target(%dma_start3A_54 : memref<104x128xf32, #tpu.memory_space<vmem_shared>>) target_semaphore(%run_scoped3A : memref<!tpu.dma_semaphore, #tpu.memory_space<semaphore_mem>>)
      %dma_wait3A = arith.constant 0 : i32
      %dma_wait3A_58 = arith.constant 0 : i32
      %dma_wait3A_59 = tpu.memref_slice %arg10[%dma_wait3A, %dma_wait3A_58] : memref<128x128xf32, #tpu.memory_space<vmem>> -> memref<104x128xf32, #tpu.memory_space<vmem>>
      %dma_wait3A_60 = arith.constant 0 : i32
      %dma_wait3A_61 = tpu.memref_slice %arg11[%add3A_18, %dma_wait3A_60] : memref<10000x128xf32, #tpu.memory_space<vmem_shared>> -> memref<104x128xf32, #tpu.memory_space<vmem_shared>>
      %dma_wait3A_62 = arith.constant 0 : i32
      %dma_wait3A_63 = tpu.memref_slice %arg11[%add3A_18, %dma_wait3A_62] : memref<10000x128xf32, #tpu.memory_space<vmem_shared>> -> memref<104x128xf32, #tpu.memory_space<vmem_shared>>
      %dma_wait3A_64 = arith.constant 0 : i32
      %dma_wait3A_65 = arith.constant 0 : i32
      %dma_wait3A_66 = tpu.memref_slice %arg10[%dma_wait3A_64, %dma_wait3A_65] : memref<128x128xf32, #tpu.memory_space<vmem>> -> memref<104x128xf32, #tpu.memory_space<vmem>>
      tpu.wait_dma2 semaphore(%run_scoped3A : memref<!tpu.dma_semaphore, #tpu.memory_space<semaphore_mem>>) src(%dma_wait3A_66 : memref<104x128xf32, #tpu.memory_space<vmem>>) dst(%dma_wait3A_63 : memref<104x128xf32, #tpu.memory_space<vmem_shared>>)
      tpu.yield
    }) : () -> ()
    %mul3A_19 = arith.constant 624 : i32
    %mul3A_20 = arith.muli %arg1, %mul3A_19 : i32
    %add3A_21 = arith.constant 312 : i32
    %add3A_22 = arith.addi %mul3A_20, %add3A_21 : i32
    "tpu.region"() ({
      %run_scoped3A = tpu.sem_alloc : memref<!tpu.dma_semaphore, #tpu.memory_space<semaphore_mem>>
      %dma_start3A = arith.constant 0 : i32
      %dma_start3A_49 = arith.constant 0 : i32
      %dma_start3A_50 = tpu.memref_slice %arg10[%dma_start3A, %dma_start3A_49] : memref<128x128xf32, #tpu.memory_space<vmem>> -> memref<104x128xf32, #tpu.memory_space<vmem>>
      %dma_start3A_51 = arith.constant 0 : i32
      %dma_start3A_52 = tpu.memref_slice %arg11[%add3A_22, %dma_start3A_51] : memref<10000x128xf32, #tpu.memory_space<vmem_shared>> -> memref<104x128xf32, #tpu.memory_space<vmem_shared>>
      %dma_start3A_53 = arith.constant 0 : i32
      %dma_start3A_54 = tpu.memref_slice %arg11[%add3A_22, %dma_start3A_53] : memref<10000x128xf32, #tpu.memory_space<vmem_shared>> -> memref<104x128xf32, #tpu.memory_space<vmem_shared>>
      %dma_start3A_55 = arith.constant 0 : i32
      %dma_start3A_56 = arith.constant 0 : i32
      %dma_start3A_57 = tpu.memref_slice %arg10[%dma_start3A_55, %dma_start3A_56] : memref<128x128xf32, #tpu.memory_space<vmem>> -> memref<104x128xf32, #tpu.memory_space<vmem>>
      tpu.enqueue_dma source(%dma_start3A_57 : memref<104x128xf32, #tpu.memory_space<vmem>>) target(%dma_start3A_54 : memref<104x128xf32, #tpu.memory_space<vmem_shared>>) target_semaphore(%run_scoped3A : memref<!tpu.dma_semaphore, #tpu.memory_space<semaphore_mem>>)
      %dma_wait3A = arith.constant 0 : i32
      %dma_wait3A_58 = arith.constant 0 : i32
      %dma_wait3A_59 = tpu.memref_slice %arg10[%dma_wait3A, %dma_wait3A_58] : memref<128x128xf32, #tpu.memory_space<vmem>> -> memref<104x128xf32, #tpu.memory_space<vmem>>
      %dma_wait3A_60 = arith.constant 0 : i32
      %dma_wait3A_61 = tpu.memref_slice %arg11[%add3A_22, %dma_wait3A_60] : memref<10000x128xf32, #tpu.memory_space<vmem_shared>> -> memref<104x128xf32, #tpu.memory_space<vmem_shared>>
      %dma_wait3A_62 = arith.constant 0 : i32
      %dma_wait3A_63 = tpu.memref_slice %arg11[%add3A_22, %dma_wait3A_62] : memref<10000x128xf32, #tpu.memory_space<vmem_shared>> -> memref<104x128xf32, #tpu.memory_space<vmem_shared>>
      %dma_wait3A_64 = arith.constant 0 : i32
      %dma_wait3A_65 = arith.constant 0 : i32
      %dma_wait3A_66 = tpu.memref_slice %arg10[%dma_wait3A_64, %dma_wait3A_65] : memref<128x128xf32, #tpu.memory_space<vmem>> -> memref<104x128xf32, #tpu.memory_space<vmem>>
      tpu.wait_dma2 semaphore(%run_scoped3A : memref<!tpu.dma_semaphore, #tpu.memory_space<semaphore_mem>>) src(%dma_wait3A_66 : memref<104x128xf32, #tpu.memory_space<vmem>>) dst(%dma_wait3A_63 : memref<104x128xf32, #tpu.memory_space<vmem_shared>>)
      tpu.yield
    }) : () -> ()
    %mul3A_23 = arith.constant 624 : i32
    %mul3A_24 = arith.muli %arg1, %mul3A_23 : i32
    %add3A_25 = arith.constant 416 : i32
    %add3A_26 = arith.addi %mul3A_24, %add3A_25 : i32
    "tpu.region"() ({
      %run_scoped3A = tpu.sem_alloc : memref<!tpu.dma_semaphore, #tpu.memory_space<semaphore_mem>>
      %dma_start3A = arith.constant 0 : i32
      %dma_start3A_49 = arith.constant 0 : i32
      %dma_start3A_50 = tpu.memref_slice %arg10[%dma_start3A, %dma_start3A_49] : memref<128x128xf32, #tpu.memory_space<vmem>> -> memref<104x128xf32, #tpu.memory_space<vmem>>
      %dma_start3A_51 = arith.constant 0 : i32
      %dma_start3A_52 = tpu.memref_slice %arg11[%add3A_26, %dma_start3A_51] : memref<10000x128xf32, #tpu.memory_space<vmem_shared>> -> memref<104x128xf32, #tpu.memory_space<vmem_shared>>
      %dma_start3A_53 = arith.constant 0 : i32
      %dma_start3A_54 = tpu.memref_slice %arg11[%add3A_26, %dma_start3A_53] : memref<10000x128xf32, #tpu.memory_space<vmem_shared>> -> memref<104x128xf32, #tpu.memory_space<vmem_shared>>
      %dma_start3A_55 = arith.constant 0 : i32
      %dma_start3A_56 = arith.constant 0 : i32
      %dma_start3A_57 = tpu.memref_slice %arg10[%dma_start3A_55, %dma_start3A_56] : memref<128x128xf32, #tpu.memory_space<vmem>> -> memref<104x128xf32, #tpu.memory_space<vmem>>
      tpu.enqueue_dma source(%dma_start3A_57 : memref<104x128xf32, #tpu.memory_space<vmem>>) target(%dma_start3A_54 : memref<104x128xf32, #tpu.memory_space<vmem_shared>>) target_semaphore(%run_scoped3A : memref<!tpu.dma_semaphore, #tpu.memory_space<semaphore_mem>>)
      %dma_wait3A = arith.constant 0 : i32
      %dma_wait3A_58 = arith.constant 0 : i32
      %dma_wait3A_59 = tpu.memref_slice %arg10[%dma_wait3A, %dma_wait3A_58] : memref<128x128xf32, #tpu.memory_space<vmem>> -> memref<104x128xf32, #tpu.memory_space<vmem>>
      %dma_wait3A_60 = arith.constant 0 : i32
      %dma_wait3A_61 = tpu.memref_slice %arg11[%add3A_26, %dma_wait3A_60] : memref<10000x128xf32, #tpu.memory_space<vmem_shared>> -> memref<104x128xf32, #tpu.memory_space<vmem_shared>>
      %dma_wait3A_62 = arith.constant 0 : i32
      %dma_wait3A_63 = tpu.memref_slice %arg11[%add3A_26, %dma_wait3A_62] : memref<10000x128xf32, #tpu.memory_space<vmem_shared>> -> memref<104x128xf32, #tpu.memory_space<vmem_shared>>
      %dma_wait3A_64 = arith.constant 0 : i32
      %dma_wait3A_65 = arith.constant 0 : i32
      %dma_wait3A_66 = tpu.memref_slice %arg10[%dma_wait3A_64, %dma_wait3A_65] : memref<128x128xf32, #tpu.memory_space<vmem>> -> memref<104x128xf32, #tpu.memory_space<vmem>>
      tpu.wait_dma2 semaphore(%run_scoped3A : memref<!tpu.dma_semaphore, #tpu.memory_space<semaphore_mem>>) src(%dma_wait3A_66 : memref<104x128xf32, #tpu.memory_space<vmem>>) dst(%dma_wait3A_63 : memref<104x128xf32, #tpu.memory_space<vmem_shared>>)
      tpu.yield
    }) : () -> ()
    %mul3A_27 = arith.constant 624 : i32
    %mul3A_28 = arith.muli %arg1, %mul3A_27 : i32
    %add3A_29 = arith.constant 520 : i32
    %add3A_30 = arith.addi %mul3A_28, %add3A_29 : i32
    "tpu.region"() ({
      %run_scoped3A = tpu.sem_alloc : memref<!tpu.dma_semaphore, #tpu.memory_space<semaphore_mem>>
      %dma_start3A = arith.constant 0 : i32
      %dma_start3A_49 = arith.constant 0 : i32
      %dma_start3A_50 = tpu.memref_slice %arg10[%dma_start3A, %dma_start3A_49] : memref<128x128xf32, #tpu.memory_space<vmem>> -> memref<104x128xf32, #tpu.memory_space<vmem>>
      %dma_start3A_51 = arith.constant 0 : i32
      %dma_start3A_52 = tpu.memref_slice %arg11[%add3A_30, %dma_start3A_51] : memref<10000x128xf32, #tpu.memory_space<vmem_shared>> -> memref<104x128xf32, #tpu.memory_space<vmem_shared>>
      %dma_start3A_53 = arith.constant 0 : i32
      %dma_start3A_54 = tpu.memref_slice %arg11[%add3A_30, %dma_start3A_53] : memref<10000x128xf32, #tpu.memory_space<vmem_shared>> -> memref<104x128xf32, #tpu.memory_space<vmem_shared>>
      %dma_start3A_55 = arith.constant 0 : i32
      %dma_start3A_56 = arith.constant 0 : i32
      %dma_start3A_57 = tpu.memref_slice %arg10[%dma_start3A_55, %dma_start3A_56] : memref<128x128xf32, #tpu.memory_space<vmem>> -> memref<104x128xf32, #tpu.memory_space<vmem>>
      tpu.enqueue_dma source(%dma_start3A_57 : memref<104x128xf32, #tpu.memory_space<vmem>>) target(%dma_start3A_54 : memref<104x128xf32, #tpu.memory_space<vmem_shared>>) target_semaphore(%run_scoped3A : memref<!tpu.dma_semaphore, #tpu.memory_space<semaphore_mem>>)
      %dma_wait3A = arith.constant 0 : i32
      %dma_wait3A_58 = arith.constant 0 : i32
      %dma_wait3A_59 = tpu.memref_slice %arg10[%dma_wait3A, %dma_wait3A_58] : memref<128x128xf32, #tpu.memory_space<vmem>> -> memref<104x128xf32, #tpu.memory_space<vmem>>
      %dma_wait3A_60 = arith.constant 0 : i32
      %dma_wait3A_61 = tpu.memref_slice %arg11[%add3A_30, %dma_wait3A_60] : memref<10000x128xf32, #tpu.memory_space<vmem_shared>> -> memref<104x128xf32, #tpu.memory_space<vmem_shared>>
      %dma_wait3A_62 = arith.constant 0 : i32
      %dma_wait3A_63 = tpu.memref_slice %arg11[%add3A_30, %dma_wait3A_62] : memref<10000x128xf32, #tpu.memory_space<vmem_shared>> -> memref<104x128xf32, #tpu.memory_space<vmem_shared>>
      %dma_wait3A_64 = arith.constant 0 : i32
      %dma_wait3A_65 = arith.constant 0 : i32
      %dma_wait3A_66 = tpu.memref_slice %arg10[%dma_wait3A_64, %dma_wait3A_65] : memref<128x128xf32, #tpu.memory_space<vmem>> -> memref<104x128xf32, #tpu.memory_space<vmem>>
      tpu.wait_dma2 semaphore(%run_scoped3A : memref<!tpu.dma_semaphore, #tpu.memory_space<semaphore_mem>>) src(%dma_wait3A_66 : memref<104x128xf32, #tpu.memory_space<vmem>>) dst(%dma_wait3A_63 : memref<104x128xf32, #tpu.memory_space<vmem_shared>>)
      tpu.yield
    }) : () -> ()
    %eq3A = arith.constant 0 : i32
    %eq3A_31 = arith.cmpi eq, %arg1, %eq3A : i32
    %convert_element_type3A = arith.extui %eq3A_31 : i1 to i32
    %cond3A = arith.constant 0 : i32
    %cond3A_32 = arith.cmpi ne, %convert_element_type3A, %cond3A : i32
    scf.if %cond3A_32 {
      "tpu.region"() ({
        %run_scoped3A = tpu.sem_alloc : memref<!tpu.dma_semaphore, #tpu.memory_space<semaphore_mem>>
        %dma_start3A = arith.constant 0 : i32
        %dma_start3A_49 = arith.constant 0 : i32
        %dma_start3A_50 = tpu.memref_slice %arg10[%dma_start3A, %dma_start3A_49] : memref<128x128xf32, #tpu.memory_space<vmem>> -> memref<16x128xf32, #tpu.memory_space<vmem>>
        %dma_start3A_51 = arith.constant 9984 : i32
        %dma_start3A_52 = arith.constant 0 : i32
        %dma_start3A_53 = tpu.memref_slice %arg11[%dma_start3A_51, %dma_start3A_52] : memref<10000x128xf32, #tpu.memory_space<vmem_shared>> -> memref<16x128xf32, #tpu.memory_space<vmem_shared>>
        %dma_start3A_54 = arith.constant 9984 : i32
        %dma_start3A_55 = arith.constant 0 : i32
        %dma_start3A_56 = tpu.memref_slice %arg11[%dma_start3A_54, %dma_start3A_55] : memref<10000x128xf32, #tpu.memory_space<vmem_shared>> -> memref<16x128xf32, #tpu.memory_space<vmem_shared>>
        %dma_start3A_57 = arith.constant 0 : i32
        %dma_start3A_58 = arith.constant 0 : i32
        %dma_start3A_59 = tpu.memref_slice %arg10[%dma_start3A_57, %dma_start3A_58] : memref<128x128xf32, #tpu.memory_space<vmem>> -> memref<16x128xf32, #tpu.memory_space<vmem>>
        tpu.enqueue_dma source(%dma_start3A_59 : memref<16x128xf32, #tpu.memory_space<vmem>>) target(%dma_start3A_56 : memref<16x128xf32, #tpu.memory_space<vmem_shared>>) target_semaphore(%run_scoped3A : memref<!tpu.dma_semaphore, #tpu.memory_space<semaphore_mem>>)
        %dma_wait3A = arith.constant 0 : i32
        %dma_wait3A_60 = arith.constant 0 : i32
        %dma_wait3A_61 = tpu.memref_slice %arg10[%dma_wait3A, %dma_wait3A_60] : memref<128x128xf32, #tpu.memory_space<vmem>> -> memref<16x128xf32, #tpu.memory_space<vmem>>
        %dma_wait3A_62 = arith.constant 9984 : i32
        %dma_wait3A_63 = arith.constant 0 : i32
        %dma_wait3A_64 = tpu.memref_slice %arg11[%dma_wait3A_62, %dma_wait3A_63] : memref<10000x128xf32, #tpu.memory_space<vmem_shared>> -> memref<16x128xf32, #tpu.memory_space<vmem_shared>>
        %dma_wait3A_65 = arith.constant 9984 : i32
        %dma_wait3A_66 = arith.constant 0 : i32
        %dma_wait3A_67 = tpu.memref_slice %arg11[%dma_wait3A_65, %dma_wait3A_66] : memref<10000x128xf32, #tpu.memory_space<vmem_shared>> -> memref<16x128xf32, #tpu.memory_space<vmem_shared>>
        %dma_wait3A_68 = arith.constant 0 : i32
        %dma_wait3A_69 = arith.constant 0 : i32
        %dma_wait3A_70 = tpu.memref_slice %arg10[%dma_wait3A_68, %dma_wait3A_69] : memref<128x128xf32, #tpu.memory_space<vmem>> -> memref<16x128xf32, #tpu.memory_space<vmem>>
        tpu.wait_dma2 semaphore(%run_scoped3A : memref<!tpu.dma_semaphore, #tpu.memory_space<semaphore_mem>>) src(%dma_wait3A_70 : memref<16x128xf32, #tpu.memory_space<vmem>>) dst(%dma_wait3A_67 : memref<16x128xf32, #tpu.memory_space<vmem_shared>>)
        tpu.yield
      }) : () -> ()
    } else {
    }
    %barrier3A = arith.constant 0 : index
    tpu.barrier barrier_id(%barrier3A)
    %scan3A_33 = arith.constant 0 : i32
    %scan3A_34 = arith.constant 0 : i32
    %scan3A_35 = arith.constant 79 : i32
    %scan3A_36 = arith.addi %scan3A_34, %scan3A_35 : i32
    %scan3A_37 = arith.constant 1 : i32
    scf.for %scan3A_49 = %scan3A_34 to %scan3A_36 step %scan3A_37  : i32 {
      %mul3A_50 = arith.constant 32 : i32
      %mul3A_51 = arith.muli %scan3A_49, %mul3A_50 : i32
      %add3A_52 = arith.addi %mul3A_51, %add3A : i32
      %lt3A = arith.constant 2500 : i32
      %lt3A_53 = arith.cmpi slt, %add3A_52, %lt3A : i32
      %convert_element_type3A_54 = arith.extui %lt3A_53 : i1 to i32
      %cond3A_55 = arith.constant 0 : i32
      %cond3A_56 = arith.cmpi ne, %convert_element_type3A_54, %cond3A_55 : i32
      scf.if %cond3A_56 {
        %mul3A_57 = arith.constant 128 : i32
        %mul3A_58 = arith.muli %add3A_52, %mul3A_57 : i32
        "tpu.region"() ({
          %run_scoped3A = tpu.sem_alloc : memref<!tpu.dma_semaphore, #tpu.memory_space<semaphore_mem>>
          %dma_start3A_73 = tpu.memref_slice %arg4[%mul3A_58] : memref<320000xi32, #tpu.memory_space<hbm>> -> memref<128xi32, #tpu.memory_space<hbm>>
          %dma_start3A_74 = tpu.memref_slice %arg4[%mul3A_58] : memref<320000xi32, #tpu.memory_space<hbm>> -> memref<128xi32, #tpu.memory_space<hbm>>
          tpu.enqueue_dma source(%dma_start3A_74 : memref<128xi32, #tpu.memory_space<hbm>>) target(%arg7 : memref<128xi32, #tpu.memory_space<vmem>>) target_semaphore(%run_scoped3A : memref<!tpu.dma_semaphore, #tpu.memory_space<semaphore_mem>>)
          %dma_wait3A_75 = tpu.memref_slice %arg4[%mul3A_58] : memref<320000xi32, #tpu.memory_space<hbm>> -> memref<128xi32, #tpu.memory_space<hbm>>
          %dma_wait3A_76 = tpu.memref_slice %arg4[%mul3A_58] : memref<320000xi32, #tpu.memory_space<hbm>> -> memref<128xi32, #tpu.memory_space<hbm>>
          tpu.wait_dma2 semaphore(%run_scoped3A : memref<!tpu.dma_semaphore, #tpu.memory_space<semaphore_mem>>) src(%dma_wait3A_76 : memref<128xi32, #tpu.memory_space<hbm>>) dst(%arg7 : memref<128xi32, #tpu.memory_space<vmem>>)
          tpu.yield
        }) : () -> ()
        "tpu.region"() ({
          %run_scoped3A = tpu.sem_alloc : memref<!tpu.dma_semaphore, #tpu.memory_space<semaphore_mem>>
          %dma_start3A_73 = tpu.memref_slice %arg5[%mul3A_58] : memref<320000xi32, #tpu.memory_space<hbm>> -> memref<128xi32, #tpu.memory_space<hbm>>
          %dma_start3A_74 = tpu.memref_slice %arg5[%mul3A_58] : memref<320000xi32, #tpu.memory_space<hbm>> -> memref<128xi32, #tpu.memory_space<hbm>>
          tpu.enqueue_dma source(%dma_start3A_74 : memref<128xi32, #tpu.memory_space<hbm>>) target(%arg8 : memref<128xi32, #tpu.memory_space<vmem>>) target_semaphore(%run_scoped3A : memref<!tpu.dma_semaphore, #tpu.memory_space<semaphore_mem>>)
          %dma_wait3A_75 = tpu.memref_slice %arg5[%mul3A_58] : memref<320000xi32, #tpu.memory_space<hbm>> -> memref<128xi32, #tpu.memory_space<hbm>>
          %dma_wait3A_76 = tpu.memref_slice %arg5[%mul3A_58] : memref<320000xi32, #tpu.memory_space<hbm>> -> memref<128xi32, #tpu.memory_space<hbm>>
          tpu.wait_dma2 semaphore(%run_scoped3A : memref<!tpu.dma_semaphore, #tpu.memory_space<semaphore_mem>>) src(%dma_wait3A_76 : memref<128xi32, #tpu.memory_space<hbm>>) dst(%arg8 : memref<128xi32, #tpu.memory_space<vmem>>)
          tpu.yield
        }) : () -> ()
        %mul3A_59 = arith.constant 128 : i32
        %mul3A_60 = arith.muli %add3A_52, %mul3A_59 : i32
        %mul3A_61 = arith.constant 2 : i32
        %mul3A_62 = arith.muli %mul3A_60, %mul3A_61 : i32
        "tpu.region"() ({
          %run_scoped3A = tpu.sem_alloc : memref<!tpu.dma_semaphore, #tpu.memory_space<semaphore_mem>>
          %dma_start3A_73 = tpu.memref_slice %arg3[%mul3A_62] : memref<640000xf32, #tpu.memory_space<hbm>> -> memref<256xf32, #tpu.memory_space<hbm>>
          %dma_start3A_74 = tpu.memref_slice %arg3[%mul3A_62] : memref<640000xf32, #tpu.memory_space<hbm>> -> memref<256xf32, #tpu.memory_space<hbm>>
          tpu.enqueue_dma source(%dma_start3A_74 : memref<256xf32, #tpu.memory_space<hbm>>) target(%arg9 : memref<256xf32, #tpu.memory_space<vmem>>) target_semaphore(%run_scoped3A : memref<!tpu.dma_semaphore, #tpu.memory_space<semaphore_mem>>)
          %dma_wait3A_75 = tpu.memref_slice %arg3[%mul3A_62] : memref<640000xf32, #tpu.memory_space<hbm>> -> memref<256xf32, #tpu.memory_space<hbm>>
          %dma_wait3A_76 = tpu.memref_slice %arg3[%mul3A_62] : memref<640000xf32, #tpu.memory_space<hbm>> -> memref<256xf32, #tpu.memory_space<hbm>>
          tpu.wait_dma2 semaphore(%run_scoped3A : memref<!tpu.dma_semaphore, #tpu.memory_space<semaphore_mem>>) src(%dma_wait3A_76 : memref<256xf32, #tpu.memory_space<hbm>>) dst(%arg9 : memref<256xf32, #tpu.memory_space<vmem>>)
          tpu.yield
        }) : () -> ()
        %dma_start3A = arith.constant 0 : i32
        %dma_start3A_63 = arith.constant 0 : i32
        %dma_start3A_64 = tpu.memref_slice %arg2[%dma_start3A, %dma_start3A_63] : memref<10000x128xf32, #tpu.memory_space<hbm>> -> memref<10000x128xf32, #tpu.memory_space<hbm>>
        tpu.enqueue_indirect_dma source(%dma_start3A_64 : memref<10000x128xf32, #tpu.memory_space<hbm>>) target(%arg10 : memref<128x128xf32, #tpu.memory_space<vmem>>) offsets(%arg7 : memref<128xi32, #tpu.memory_space<vmem>>) semaphore(%arg12 : memref<!tpu.dma_semaphore, #tpu.memory_space<semaphore_mem>>)
        %dma_wait3A = arith.constant 0 : i32
        %dma_wait3A_65 = arith.constant 0 : i32
        %dma_wait3A_66 = tpu.memref_slice %arg2[%dma_wait3A, %dma_wait3A_65] : memref<10000x128xf32, #tpu.memory_space<hbm>> -> memref<10000x128xf32, #tpu.memory_space<hbm>>
        tpu.wait_indirect_dma semaphore(%arg12 : memref<!tpu.dma_semaphore, #tpu.memory_space<semaphore_mem>>) src(%dma_wait3A_66 : memref<10000x128xf32, #tpu.memory_space<hbm>>) dst(%arg10 : memref<128x128xf32, #tpu.memory_space<vmem>>)
        %scan3A_67 = arith.constant 0 : i32
        %scan3A_68 = arith.constant 0 : i32
        %scan3A_69 = arith.constant 8 : i32
        %scan3A_70 = arith.addi %scan3A_68, %scan3A_69 : i32
        %scan3A_71 = arith.constant 1 : i32
        scf.for %scan3A_73 = %scan3A_68 to %scan3A_70 step %scan3A_71  : i32 {
          %mul3A_74 = arith.constant 16 : i32
          %mul3A_75 = arith.muli %scan3A_73, %mul3A_74 : i32
          %add3A_76 = arith.constant 0 : i32
          %add3A_77 = arith.addi %add3A_76, %mul3A_75 : i32
          %get3A = arith.index_cast %add3A_77 : i32 to index
          %get3A_78 = tpu.vector_load %arg9[%get3A] {strides = array<i32>} : memref<256xf32, #tpu.memory_space<vmem>>, vector<16xf32>,
          %mul3A_79 = arith.constant 16 : i32
          %mul3A_80 = arith.muli %scan3A_73, %mul3A_79 : i32
          %add3A_81 = arith.constant 128 : i32
          %add3A_82 = arith.addi %add3A_81, %mul3A_80 : i32
          %get3A_83 = arith.index_cast %add3A_82 : i32 to index
          %get3A_84 = tpu.vector_load %arg9[%get3A_83] {strides = array<i32>} : memref<256xf32, #tpu.memory_space<vmem>>, vector<16xf32>,
          %mul3A_85 = arith.constant 16 : i32
          %mul3A_86 = arith.muli %scan3A_73, %mul3A_85 : i32
          %add3A_87 = arith.constant 0 : i32
          %add3A_88 = arith.addi %mul3A_86, %add3A_87 : i32
          %slice3A = vector.extract_strided_slice %get3A_78 {offsets = [0], sizes = [1], strides = [1]} : vector<16xf32> to vector<1xf32>
          %squeeze3A = vector.extract %slice3A[0] : f32 from vector<1xf32>
          %broadcast_in_dim3A_89 = vector.broadcast %squeeze3A : f32 to vector<16xf32>
          %get3A_90 = arith.index_cast %add3A_88 : i32 to index
          %get3A_91 = arith.constant 0 : index
          %get3A_92 = tpu.vector_load %arg10[%get3A_90, %get3A_91] {strides = array<i32>} : memref<128x128xf32, #tpu.memory_space<vmem>>, vector<16xf32>,
          %mul3A_93 = arith.mulf %get3A_92, %broadcast_in_dim3A_89 : vector<16xf32>
          %swap3A = arith.index_cast %add3A_88 : i32 to index
          %swap3A_94 = arith.constant 0 : index
          %swap3A_95 = tpu.vector_load %arg10[%swap3A, %swap3A_94] {strides = array<i32>} : memref<128x128xf32, #tpu.memory_space<vmem>>, vector<16xf32>,
          tpu.vector_store %arg10[%swap3A, %swap3A_94], %mul3A_93 {strides = array<i32>} : memref<128x128xf32, #tpu.memory_space<vmem>>, vector<16xf32>,
          %get3A_96 = arith.index_cast %add3A_88 : i32 to index
          %get3A_97 = arith.constant 16 : index
          %get3A_98 = tpu.vector_load %arg10[%get3A_96, %get3A_97] {strides = array<i32>} : memref<128x128xf32, #tpu.memory_space<vmem>>, vector<16xf32>,
          %mul3A_99 = arith.mulf %get3A_98, %broadcast_in_dim3A_89 : vector<16xf32>
          %swap3A_100 = arith.index_cast %add3A_88 : i32 to index
          %swap3A_101 = arith.constant 16 : index
          %swap3A_102 = tpu.vector_load %arg10[%swap3A_100, %swap3A_101] {strides = array<i32>} : memref<128x128xf32, #tpu.memory_space<vmem>>, vector<16xf32>,
          tpu.vector_store %arg10[%swap3A_100, %swap3A_101], %mul3A_99 {strides = array<i32>} : memref<128x128xf32, #tpu.memory_space<vmem>>, vector<16xf32>,
          %get3A_103 = arith.index_cast %add3A_88 : i32 to index
          %get3A_104 = arith.constant 32 : index
          %get3A_105 = tpu.vector_load %arg10[%get3A_103, %get3A_104] {strides = array<i32>} : memref<128x128xf32, #tpu.memory_space<vmem>>, vector<16xf32>,
          %mul3A_106 = arith.mulf %get3A_105, %broadcast_in_dim3A_89 : vector<16xf32>
          %swap3A_107 = arith.index_cast %add3A_88 : i32 to index
          %swap3A_108 = arith.constant 32 : index
          %swap3A_109 = tpu.vector_load %arg10[%swap3A_107, %swap3A_108] {strides = array<i32>} : memref<128x128xf32, #tpu.memory_space<vmem>>, vector<16xf32>,
          tpu.vector_store %arg10[%swap3A_107, %swap3A_108], %mul3A_106 {strides = array<i32>} : memref<128x128xf32, #tpu.memory_space<vmem>>, vector<16xf32>,
          %get3A_110 = arith.index_cast %add3A_88 : i32 to index
          %get3A_111 = arith.constant 48 : index
          %get3A_112 = tpu.vector_load %arg10[%get3A_110, %get3A_111] {strides = array<i32>} : memref<128x128xf32, #tpu.memory_space<vmem>>, vector<16xf32>,
          %mul3A_113 = arith.mulf %get3A_112, %broadcast_in_dim3A_89 : vector<16xf32>
          %swap3A_114 = arith.index_cast %add3A_88 : i32 to index
          %swap3A_115 = arith.constant 48 : index
          %swap3A_116 = tpu.vector_load %arg10[%swap3A_114, %swap3A_115] {strides = array<i32>} : memref<128x128xf32, #tpu.memory_space<vmem>>, vector<16xf32>,
          tpu.vector_store %arg10[%swap3A_114, %swap3A_115], %mul3A_113 {strides = array<i32>} : memref<128x128xf32, #tpu.memory_space<vmem>>, vector<16xf32>,
          %slice3A_117 = vector.extract_strided_slice %get3A_84 {offsets = [0], sizes = [1], strides = [1]} : vector<16xf32> to vector<1xf32>
          %squeeze3A_118 = vector.extract %slice3A_117[0] : f32 from vector<1xf32>
          %broadcast_in_dim3A_119 = vector.broadcast %squeeze3A_118 : f32 to vector<16xf32>
          %get3A_120 = arith.index_cast %add3A_88 : i32 to index
          %get3A_121 = arith.constant 64 : index
          %get3A_122 = tpu.vector_load %arg10[%get3A_120, %get3A_121] {strides = array<i32>} : memref<128x128xf32, #tpu.memory_space<vmem>>, vector<16xf32>,
          %mul3A_123 = arith.mulf %get3A_122, %broadcast_in_dim3A_119 : vector<16xf32>
          %swap3A_124 = arith.index_cast %add3A_88 : i32 to index
          %swap3A_125 = arith.constant 64 : index
          %swap3A_126 = tpu.vector_load %arg10[%swap3A_124, %swap3A_125] {strides = array<i32>} : memref<128x128xf32, #tpu.memory_space<vmem>>, vector<16xf32>,
          tpu.vector_store %arg10[%swap3A_124, %swap3A_125], %mul3A_123 {strides = array<i32>} : memref<128x128xf32, #tpu.memory_space<vmem>>, vector<16xf32>,
          %get3A_127 = arith.index_cast %add3A_88 : i32 to index
          %get3A_128 = arith.constant 80 : index
          %get3A_129 = tpu.vector_load %arg10[%get3A_127, %get3A_128] {strides = array<i32>} : memref<128x128xf32, #tpu.memory_space<vmem>>, vector<16xf32>,
          %mul3A_130 = arith.mulf %get3A_129, %broadcast_in_dim3A_119 : vector<16xf32>
          %swap3A_131 = arith.index_cast %add3A_88 : i32 to index
          %swap3A_132 = arith.constant 80 : index
          %swap3A_133 = tpu.vector_load %arg10[%swap3A_131, %swap3A_132] {strides = array<i32>} : memref<128x128xf32, #tpu.memory_space<vmem>>, vector<16xf32>,
          tpu.vector_store %arg10[%swap3A_131, %swap3A_132], %mul3A_130 {strides = array<i32>} : memref<128x128xf32, #tpu.memory_space<vmem>>, vector<16xf32>,
          %get3A_134 = arith.index_cast %add3A_88 : i32 to index
          %get3A_135 = arith.constant 96 : index
          %get3A_136 = tpu.vector_load %arg10[%get3A_134, %get3A_135] {strides = array<i32>} : memref<128x128xf32, #tpu.memory_space<vmem>>, vector<16xf32>,
          %mul3A_137 = arith.mulf %get3A_136, %broadcast_in_dim3A_119 : vector<16xf32>
          %swap3A_138 = arith.index_cast %add3A_88 : i32 to index
          %swap3A_139 = arith.constant 96 : index
          %swap3A_140 = tpu.vector_load %arg10[%swap3A_138, %swap3A_139] {strides = array<i32>} : memref<128x128xf32, #tpu.memory_space<vmem>>, vector<16xf32>,
          tpu.vector_store %arg10[%swap3A_138, %swap3A_139], %mul3A_137 {strides = array<i32>} : memref<128x128xf32, #tpu.memory_space<vmem>>, vector<16xf32>,
          %get3A_141 = arith.index_cast %add3A_88 : i32 to index
          %get3A_142 = arith.constant 112 : index
          %get3A_143 = tpu.vector_load %arg10[%get3A_141, %get3A_142] {strides = array<i32>} : memref<128x128xf32, #tpu.memory_space<vmem>>, vector<16xf32>,
          %mul3A_144 = arith.mulf %get3A_143, %broadcast_in_dim3A_119 : vector<16xf32>
          %swap3A_145 = arith.index_cast %add3A_88 : i32 to index
          %swap3A_146 = arith.constant 112 : index
          %swap3A_147 = tpu.vector_load %arg10[%swap3A_145, %swap3A_146] {strides = array<i32>} : memref<128x128xf32, #tpu.memory_space<vmem>>, vector<16xf32>,
          tpu.vector_store %arg10[%swap3A_145, %swap3A_146], %mul3A_144 {strides = array<i32>} : memref<128x128xf32, #tpu.memory_space<vmem>>, vector<16xf32>,
          %mul3A_148 = arith.constant 16 : i32
          %mul3A_149 = arith.muli %scan3A_73, %mul3A_148 : i32
          %add3A_150 = arith.constant 1 : i32
          %add3A_151 = arith.addi %mul3A_149, %add3A_150 : i32
          %slice3A_152 = vector.extract_strided_slice %get3A_78 {offsets = [1], sizes = [1], strides = [1]} : vector<16xf32> to vector<1xf32>
          %squeeze3A_153 = vector.extract %slice3A_152[0] : f32 from vector<1xf32>
          %broadcast_in_dim3A_154 = vector.broadcast %squeeze3A_153 : f32 to vector<16xf32>
          %get3A_155 = arith.index_cast %add3A_151 : i32 to index
          %get3A_156 = arith.constant 0 : index
          %get3A_157 = tpu.vector_load %arg10[%get3A_155, %get3A_156] {strides = array<i32>} : memref<128x128xf32, #tpu.memory_space<vmem>>, vector<16xf32>,
          %mul3A_158 = arith.mulf %get3A_157, %broadcast_in_dim3A_154 : vector<16xf32>
          %swap3A_159 = arith.index_cast %add3A_151 : i32 to index
          %swap3A_160 = arith.constant 0 : index
          %swap3A_161 = tpu.vector_load %arg10[%swap3A_159, %swap3A_160] {strides = array<i32>} : memref<128x128xf32, #tpu.memory_space<vmem>>, vector<16xf32>,
          tpu.vector_store %arg10[%swap3A_159, %swap3A_160], %mul3A_158 {strides = array<i32>} : memref<128x128xf32, #tpu.memory_space<vmem>>, vector<16xf32>,
          %get3A_162 = arith.index_cast %add3A_151 : i32 to index
          %get3A_163 = arith.constant 16 : index
          %get3A_164 = tpu.vector_load %arg10[%get3A_162, %get3A_163] {strides = array<i32>} : memref<128x128xf32, #tpu.memory_space<vmem>>, vector<16xf32>,
          %mul3A_165 = arith.mulf %get3A_164, %broadcast_in_dim3A_154 : vector<16xf32>
          %swap3A_166 = arith.index_cast %add3A_151 : i32 to index
          %swap3A_167 = arith.constant 16 : index
          %swap3A_168 = tpu.vector_load %arg10[%swap3A_166, %swap3A_167] {strides = array<i32>} : memref<128x128xf32, #tpu.memory_space<vmem>>, vector<16xf32>,
          tpu.vector_store %arg10[%swap3A_166, %swap3A_167], %mul3A_165 {strides = array<i32>} : memref<128x128xf32, #tpu.memory_space<vmem>>, vector<16xf32>,
          %get3A_169 = arith.index_cast %add3A_151 : i32 to index
          %get3A_170 = arith.constant 32 : index
          %get3A_171 = tpu.vector_load %arg10[%get3A_169, %get3A_170] {strides = array<i32>} : memref<128x128xf32, #tpu.memory_space<vmem>>, vector<16xf32>,
          %mul3A_172 = arith.mulf %get3A_171, %broadcast_in_dim3A_154 : vector<16xf32>
          %swap3A_173 = arith.index_cast %add3A_151 : i32 to index
          %swap3A_174 = arith.constant 32 : index
          %swap3A_175 = tpu.vector_load %arg10[%swap3A_173, %swap3A_174] {strides = array<i32>} : memref<128x128xf32, #tpu.memory_space<vmem>>, vector<16xf32>,
          tpu.vector_store %arg10[%swap3A_173, %swap3A_174], %mul3A_172 {strides = array<i32>} : memref<128x128xf32, #tpu.memory_space<vmem>>, vector<16xf32>,
          %get3A_176 = arith.index_cast %add3A_151 : i32 to index
          %get3A_177 = arith.constant 48 : index
          %get3A_178 = tpu.vector_load %arg10[%get3A_176, %get3A_177] {strides = array<i32>} : memref<128x128xf32, #tpu.memory_space<vmem>>, vector<16xf32>,
          %mul3A_179 = arith.mulf %get3A_178, %broadcast_in_dim3A_154 : vector<16xf32>
          %swap3A_180 = arith.index_cast %add3A_151 : i32 to index
          %swap3A_181 = arith.constant 48 : index
          %swap3A_182 = tpu.vector_load %arg10[%swap3A_180, %swap3A_181] {strides = array<i32>} : memref<128x128xf32, #tpu.memory_space<vmem>>, vector<16xf32>,
          tpu.vector_store %arg10[%swap3A_180, %swap3A_181], %mul3A_179 {strides = array<i32>} : memref<128x128xf32, #tpu.memory_space<vmem>>, vector<16xf32>,
          %slice3A_183 = vector.extract_strided_slice %get3A_84 {offsets = [1], sizes = [1], strides = [1]} : vector<16xf32> to vector<1xf32>
          %squeeze3A_184 = vector.extract %slice3A_183[0] : f32 from vector<1xf32>
          %broadcast_in_dim3A_185 = vector.broadcast %squeeze3A_184 : f32 to vector<16xf32>
          %get3A_186 = arith.index_cast %add3A_151 : i32 to index
          %get3A_187 = arith.constant 64 : index
          %get3A_188 = tpu.vector_load %arg10[%get3A_186, %get3A_187] {strides = array<i32>} : memref<128x128xf32, #tpu.memory_space<vmem>>, vector<16xf32>,
          %mul3A_189 = arith.mulf %get3A_188, %broadcast_in_dim3A_185 : vector<16xf32>
          %swap3A_190 = arith.index_cast %add3A_151 : i32 to index
          %swap3A_191 = arith.constant 64 : index
          %swap3A_192 = tpu.vector_load %arg10[%swap3A_190, %swap3A_191] {strides = array<i32>} : memref<128x128xf32, #tpu.memory_space<vmem>>, vector<16xf32>,
          tpu.vector_store %arg10[%swap3A_190, %swap3A_191], %mul3A_189 {strides = array<i32>} : memref<128x128xf32, #tpu.memory_space<vmem>>, vector<16xf32>,
          %get3A_193 = arith.index_cast %add3A_151 : i32 to index
          %get3A_194 = arith.constant 80 : index
          %get3A_195 = tpu.vector_load %arg10[%get3A_193, %get3A_194] {strides = array<i32>} : memref<128x128xf32, #tpu.memory_space<vmem>>, vector<16xf32>,
          %mul3A_196 = arith.mulf %get3A_195, %broadcast_in_dim3A_185 : vector<16xf32>
          %swap3A_197 = arith.index_cast %add3A_151 : i32 to index
          %swap3A_198 = arith.constant 80 : index
          %swap3A_199 = tpu.vector_load %arg10[%swap3A_197, %swap3A_198] {strides = array<i32>} : memref<128x128xf32, #tpu.memory_space<vmem>>, vector<16xf32>,
          tpu.vector_store %arg10[%swap3A_197, %swap3A_198], %mul3A_196 {strides = array<i32>} : memref<128x128xf32, #tpu.memory_space<vmem>>, vector<16xf32>,
          %get3A_200 = arith.index_cast %add3A_151 : i32 to index
          %get3A_201 = arith.constant 96 : index
          %get3A_202 = tpu.vector_load %arg10[%get3A_200, %get3A_201] {strides = array<i32>} : memref<128x128xf32, #tpu.memory_space<vmem>>, vector<16xf32>,
          %mul3A_203 = arith.mulf %get3A_202, %broadcast_in_dim3A_185 : vector<16xf32>
          %swap3A_204 = arith.index_cast %add3A_151 : i32 to index
          %swap3A_205 = arith.constant 96 : index
          %swap3A_206 = tpu.vector_load %arg10[%swap3A_204, %swap3A_205] {strides = array<i32>} : memref<128x128xf32, #tpu.memory_space<vmem>>, vector<16xf32>,
          tpu.vector_store %arg10[%swap3A_204, %swap3A_205], %mul3A_203 {strides = array<i32>} : memref<128x128xf32, #tpu.memory_space<vmem>>, vector<16xf32>,
          %get3A_207 = arith.index_cast %add3A_151 : i32 to index
          %get3A_208 = arith.constant 112 : index
          %get3A_209 = tpu.vector_load %arg10[%get3A_207, %get3A_208] {strides = array<i32>} : memref<128x128xf32, #tpu.memory_space<vmem>>, vector<16xf32>,
          %mul3A_210 = arith.mulf %get3A_209, %broadcast_in_dim3A_185 : vector<16xf32>
          %swap3A_211 = arith.index_cast %add3A_151 : i32 to index
          %swap3A_212 = arith.constant 112 : index
          %swap3A_213 = tpu.vector_load %arg10[%swap3A_211, %swap3A_212] {strides = array<i32>} : memref<128x128xf32, #tpu.memory_space<vmem>>, vector<16xf32>,
          tpu.vector_store %arg10[%swap3A_211, %swap3A_212], %mul3A_210 {strides = array<i32>} : memref<128x128xf32, #tpu.memory_space<vmem>>, vector<16xf32>,
          %mul3A_214 = arith.constant 16 : i32
          %mul3A_215 = arith.muli %scan3A_73, %mul3A_214 : i32
          %add3A_216 = arith.constant 2 : i32
          %add3A_217 = arith.addi %mul3A_215, %add3A_216 : i32
          %slice3A_218 = vector.extract_strided_slice %get3A_78 {offsets = [2], sizes = [1], strides = [1]} : vector<16xf32> to vector<1xf32>
          %squeeze3A_219 = vector.extract %slice3A_218[0] : f32 from vector<1xf32>
          %broadcast_in_dim3A_220 = vector.broadcast %squeeze3A_219 : f32 to vector<16xf32>
          %get3A_221 = arith.index_cast %add3A_217 : i32 to index
          %get3A_222 = arith.constant 0 : index
          %get3A_223 = tpu.vector_load %arg10[%get3A_221, %get3A_222] {strides = array<i32>} : memref<128x128xf32, #tpu.memory_space<vmem>>, vector<16xf32>,
          %mul3A_224 = arith.mulf %get3A_223, %broadcast_in_dim3A_220 : vector<16xf32>
          %swap3A_225 = arith.index_cast %add3A_217 : i32 to index
          %swap3A_226 = arith.constant 0 : index
          %swap3A_227 = tpu.vector_load %arg10[%swap3A_225, %swap3A_226] {strides = array<i32>} : memref<128x128xf32, #tpu.memory_space<vmem>>, vector<16xf32>,
          tpu.vector_store %arg10[%swap3A_225, %swap3A_226], %mul3A_224 {strides = array<i32>} : memref<128x128xf32, #tpu.memory_space<vmem>>, vector<16xf32>,
          %get3A_228 = arith.index_cast %add3A_217 : i32 to index
          %get3A_229 = arith.constant 16 : index
          %get3A_230 = tpu.vector_load %arg10[%get3A_228, %get3A_229] {strides = array<i32>} : memref<128x128xf32, #tpu.memory_space<vmem>>, vector<16xf32>,
          %mul3A_231 = arith.mulf %get3A_230, %broadcast_in_dim3A_220 : vector<16xf32>
          %swap3A_232 = arith.index_cast %add3A_217 : i32 to index
          %swap3A_233 = arith.constant 16 : index
          %swap3A_234 = tpu.vector_load %arg10[%swap3A_232, %swap3A_233] {strides = array<i32>} : memref<128x128xf32, #tpu.memory_space<vmem>>, vector<16xf32>,
          tpu.vector_store %arg10[%swap3A_232, %swap3A_233], %mul3A_231 {strides = array<i32>} : memref<128x128xf32, #tpu.memory_space<vmem>>, vector<16xf32>,
          %get3A_235 = arith.index_cast %add3A_217 : i32 to index
          %get3A_236 = arith.constant 32 : index
          %get3A_237 = tpu.vector_load %arg10[%get3A_235, %get3A_236] {strides = array<i32>} : memref<128x128xf32, #tpu.memory_space<vmem>>, vector<16xf32>,
          %mul3A_238 = arith.mulf %get3A_237, %broadcast_in_dim3A_220 : vector<16xf32>
          %swap3A_239 = arith.index_cast %add3A_217 : i32 to index
          %swap3A_240 = arith.constant 32 : index
          %swap3A_241 = tpu.vector_load %arg10[%swap3A_239, %swap3A_240] {strides = array<i32>} : memref<128x128xf32, #tpu.memory_space<vmem>>, vector<16xf32>,
          tpu.vector_store %arg10[%swap3A_239, %swap3A_240], %mul3A_238 {strides = array<i32>} : memref<128x128xf32, #tpu.memory_space<vmem>>, vector<16xf32>,
          %get3A_242 = arith.index_cast %add3A_217 : i32 to index
          %get3A_243 = arith.constant 48 : index
          %get3A_244 = tpu.vector_load %arg10[%get3A_242, %get3A_243] {strides = array<i32>} : memref<128x128xf32, #tpu.memory_space<vmem>>, vector<16xf32>,
          %mul3A_245 = arith.mulf %get3A_244, %broadcast_in_dim3A_220 : vector<16xf32>
          %swap3A_246 = arith.index_cast %add3A_217 : i32 to index
          %swap3A_247 = arith.constant 48 : index
          %swap3A_248 = tpu.vector_load %arg10[%swap3A_246, %swap3A_247] {strides = array<i32>} : memref<128x128xf32, #tpu.memory_space<vmem>>, vector<16xf32>,
          tpu.vector_store %arg10[%swap3A_246, %swap3A_247], %mul3A_245 {strides = array<i32>} : memref<128x128xf32, #tpu.memory_space<vmem>>, vector<16xf32>,
          %slice3A_249 = vector.extract_strided_slice %get3A_84 {offsets = [2], sizes = [1], strides = [1]} : vector<16xf32> to vector<1xf32>
          %squeeze3A_250 = vector.extract %slice3A_249[0] : f32 from vector<1xf32>
          %broadcast_in_dim3A_251 = vector.broadcast %squeeze3A_250 : f32 to vector<16xf32>
          %get3A_252 = arith.index_cast %add3A_217 : i32 to index
          %get3A_253 = arith.constant 64 : index
          %get3A_254 = tpu.vector_load %arg10[%get3A_252, %get3A_253] {strides = array<i32>} : memref<128x128xf32, #tpu.memory_space<vmem>>, vector<16xf32>,
          %mul3A_255 = arith.mulf %get3A_254, %broadcast_in_dim3A_251 : vector<16xf32>
          %swap3A_256 = arith.index_cast %add3A_217 : i32 to index
          %swap3A_257 = arith.constant 64 : index
          %swap3A_258 = tpu.vector_load %arg10[%swap3A_256, %swap3A_257] {strides = array<i32>} : memref<128x128xf32, #tpu.memory_space<vmem>>, vector<16xf32>,
          tpu.vector_store %arg10[%swap3A_256, %swap3A_257], %mul3A_255 {strides = array<i32>} : memref<128x128xf32, #tpu.memory_space<vmem>>, vector<16xf32>,
          %get3A_259 = arith.index_cast %add3A_217 : i32 to index
          %get3A_260 = arith.constant 80 : index
          %get3A_261 = tpu.vector_load %arg10[%get3A_259, %get3A_260] {strides = array<i32>} : memref<128x128xf32, #tpu.memory_space<vmem>>, vector<16xf32>,
          %mul3A_262 = arith.mulf %get3A_261, %broadcast_in_dim3A_251 : vector<16xf32>
          %swap3A_263 = arith.index_cast %add3A_217 : i32 to index
          %swap3A_264 = arith.constant 80 : index
          %swap3A_265 = tpu.vector_load %arg10[%swap3A_263, %swap3A_264] {strides = array<i32>} : memref<128x128xf32, #tpu.memory_space<vmem>>, vector<16xf32>,
          tpu.vector_store %arg10[%swap3A_263, %swap3A_264], %mul3A_262 {strides = array<i32>} : memref<128x128xf32, #tpu.memory_space<vmem>>, vector<16xf32>,
          %get3A_266 = arith.index_cast %add3A_217 : i32 to index
          %get3A_267 = arith.constant 96 : index
          %get3A_268 = tpu.vector_load %arg10[%get3A_266, %get3A_267] {strides = array<i32>} : memref<128x128xf32, #tpu.memory_space<vmem>>, vector<16xf32>,
          %mul3A_269 = arith.mulf %get3A_268, %broadcast_in_dim3A_251 : vector<16xf32>
          %swap3A_270 = arith.index_cast %add3A_217 : i32 to index
          %swap3A_271 = arith.constant 96 : index
          %swap3A_272 = tpu.vector_load %arg10[%swap3A_270, %swap3A_271] {strides = array<i32>} : memref<128x128xf32, #tpu.memory_space<vmem>>, vector<16xf32>,
          tpu.vector_store %arg10[%swap3A_270, %swap3A_271], %mul3A_269 {strides = array<i32>} : memref<128x128xf32, #tpu.memory_space<vmem>>, vector<16xf32>,
          %get3A_273 = arith.index_cast %add3A_217 : i32 to index
          %get3A_274 = arith.constant 112 : index
          %get3A_275 = tpu.vector_load %arg10[%get3A_273, %get3A_274] {strides = array<i32>} : memref<128x128xf32, #tpu.memory_space<vmem>>, vector<16xf32>,
          %mul3A_276 = arith.mulf %get3A_275, %broadcast_in_dim3A_251 : vector<16xf32>
          %swap3A_277 = arith.index_cast %add3A_217 : i32 to index
          %swap3A_278 = arith.constant 112 : index
          %swap3A_279 = tpu.vector_load %arg10[%swap3A_277, %swap3A_278] {strides = array<i32>} : memref<128x128xf32, #tpu.memory_space<vmem>>, vector<16xf32>,
          tpu.vector_store %arg10[%swap3A_277, %swap3A_278], %mul3A_276 {strides = array<i32>} : memref<128x128xf32, #tpu.memory_space<vmem>>, vector<16xf32>,
          %mul3A_280 = arith.constant 16 : i32
          %mul3A_281 = arith.muli %scan3A_73, %mul3A_280 : i32
          %add3A_282 = arith.constant 3 : i32
          %add3A_283 = arith.addi %mul3A_281, %add3A_282 : i32
          %slice3A_284 = vector.extract_strided_slice %get3A_78 {offsets = [3], sizes = [1], strides = [1]} : vector<16xf32> to vector<1xf32>
          %squeeze3A_285 = vector.extract %slice3A_284[0] : f32 from vector<1xf32>
          %broadcast_in_dim3A_286 = vector.broadcast %squeeze3A_285 : f32 to vector<16xf32>
          %get3A_287 = arith.index_cast %add3A_283 : i32 to index
          %get3A_288 = arith.constant 0 : index
          %get3A_289 = tpu.vector_load %arg10[%get3A_287, %get3A_288] {strides = array<i32>} : memref<128x128xf32, #tpu.memory_space<vmem>>, vector<16xf32>,
          %mul3A_290 = arith.mulf %get3A_289, %broadcast_in_dim3A_286 : vector<16xf32>
          %swap3A_291 = arith.index_cast %add3A_283 : i32 to index
          %swap3A_292 = arith.constant 0 : index
          %swap3A_293 = tpu.vector_load %arg10[%swap3A_291, %swap3A_292] {strides = array<i32>} : memref<128x128xf32, #tpu.memory_space<vmem>>, vector<16xf32>,
          tpu.vector_store %arg10[%swap3A_291, %swap3A_292], %mul3A_290 {strides = array<i32>} : memref<128x128xf32, #tpu.memory_space<vmem>>, vector<16xf32>,
          %get3A_294 = arith.index_cast %add3A_283 : i32 to index
          %get3A_295 = arith.constant 16 : index
          %get3A_296 = tpu.vector_load %arg10[%get3A_294, %get3A_295] {strides = array<i32>} : memref<128x128xf32, #tpu.memory_space<vmem>>, vector<16xf32>,
          %mul3A_297 = arith.mulf %get3A_296, %broadcast_in_dim3A_286 : vector<16xf32>
          %swap3A_298 = arith.index_cast %add3A_283 : i32 to index
          %swap3A_299 = arith.constant 16 : index
          %swap3A_300 = tpu.vector_load %arg10[%swap3A_298, %swap3A_299] {strides = array<i32>} : memref<128x128xf32, #tpu.memory_space<vmem>>, vector<16xf32>,
          tpu.vector_store %arg10[%swap3A_298, %swap3A_299], %mul3A_297 {strides = array<i32>} : memref<128x128xf32, #tpu.memory_space<vmem>>, vector<16xf32>,
          %get3A_301 = arith.index_cast %add3A_283 : i32 to index
          %get3A_302 = arith.constant 32 : index
          %get3A_303 = tpu.vector_load %arg10[%get3A_301, %get3A_302] {strides = array<i32>} : memref<128x128xf32, #tpu.memory_space<vmem>>, vector<16xf32>,
          %mul3A_304 = arith.mulf %get3A_303, %broadcast_in_dim3A_286 : vector<16xf32>
          %swap3A_305 = arith.index_cast %add3A_283 : i32 to index
          %swap3A_306 = arith.constant 32 : index
          %swap3A_307 = tpu.vector_load %arg10[%swap3A_305, %swap3A_306] {strides = array<i32>} : memref<128x128xf32, #tpu.memory_space<vmem>>, vector<16xf32>,
          tpu.vector_store %arg10[%swap3A_305, %swap3A_306], %mul3A_304 {strides = array<i32>} : memref<128x128xf32, #tpu.memory_space<vmem>>, vector<16xf32>,
          %get3A_308 = arith.index_cast %add3A_283 : i32 to index
          %get3A_309 = arith.constant 48 : index
          %get3A_310 = tpu.vector_load %arg10[%get3A_308, %get3A_309] {strides = array<i32>} : memref<128x128xf32, #tpu.memory_space<vmem>>, vector<16xf32>,
          %mul3A_311 = arith.mulf %get3A_310, %broadcast_in_dim3A_286 : vector<16xf32>
          %swap3A_312 = arith.index_cast %add3A_283 : i32 to index
          %swap3A_313 = arith.constant 48 : index
          %swap3A_314 = tpu.vector_load %arg10[%swap3A_312, %swap3A_313] {strides = array<i32>} : memref<128x128xf32, #tpu.memory_space<vmem>>, vector<16xf32>,
          tpu.vector_store %arg10[%swap3A_312, %swap3A_313], %mul3A_311 {strides = array<i32>} : memref<128x128xf32, #tpu.memory_space<vmem>>, vector<16xf32>,
          %slice3A_315 = vector.extract_strided_slice %get3A_84 {offsets = [3], sizes = [1], strides = [1]} : vector<16xf32> to vector<1xf32>
          %squeeze3A_316 = vector.extract %slice3A_315[0] : f32 from vector<1xf32>
          %broadcast_in_dim3A_317 = vector.broadcast %squeeze3A_316 : f32 to vector<16xf32>
          %get3A_318 = arith.index_cast %add3A_283 : i32 to index
          %get3A_319 = arith.constant 64 : index
          %get3A_320 = tpu.vector_load %arg10[%get3A_318, %get3A_319] {strides = array<i32>} : memref<128x128xf32, #tpu.memory_space<vmem>>, vector<16xf32>,
          %mul3A_321 = arith.mulf %get3A_320, %broadcast_in_dim3A_317 : vector<16xf32>
          %swap3A_322 = arith.index_cast %add3A_283 : i32 to index
          %swap3A_323 = arith.constant 64 : index
          %swap3A_324 = tpu.vector_load %arg10[%swap3A_322, %swap3A_323] {strides = array<i32>} : memref<128x128xf32, #tpu.memory_space<vmem>>, vector<16xf32>,
          tpu.vector_store %arg10[%swap3A_322, %swap3A_323], %mul3A_321 {strides = array<i32>} : memref<128x128xf32, #tpu.memory_space<vmem>>, vector<16xf32>,
          %get3A_325 = arith.index_cast %add3A_283 : i32 to index
          %get3A_326 = arith.constant 80 : index
          %get3A_327 = tpu.vector_load %arg10[%get3A_325, %get3A_326] {strides = array<i32>} : memref<128x128xf32, #tpu.memory_space<vmem>>, vector<16xf32>,
          %mul3A_328 = arith.mulf %get3A_327, %broadcast_in_dim3A_317 : vector<16xf32>
          %swap3A_329 = arith.index_cast %add3A_283 : i32 to index
          %swap3A_330 = arith.constant 80 : index
          %swap3A_331 = tpu.vector_load %arg10[%swap3A_329, %swap3A_330] {strides = array<i32>} : memref<128x128xf32, #tpu.memory_space<vmem>>, vector<16xf32>,
          tpu.vector_store %arg10[%swap3A_329, %swap3A_330], %mul3A_328 {strides = array<i32>} : memref<128x128xf32, #tpu.memory_space<vmem>>, vector<16xf32>,
          %get3A_332 = arith.index_cast %add3A_283 : i32 to index
          %get3A_333 = arith.constant 96 : index
          %get3A_334 = tpu.vector_load %arg10[%get3A_332, %get3A_333] {strides = array<i32>} : memref<128x128xf32, #tpu.memory_space<vmem>>, vector<16xf32>,
          %mul3A_335 = arith.mulf %get3A_334, %broadcast_in_dim3A_317 : vector<16xf32>
          %swap3A_336 = arith.index_cast %add3A_283 : i32 to index
          %swap3A_337 = arith.constant 96 : index
          %swap3A_338 = tpu.vector_load %arg10[%swap3A_336, %swap3A_337] {strides = array<i32>} : memref<128x128xf32, #tpu.memory_space<vmem>>, vector<16xf32>,
          tpu.vector_store %arg10[%swap3A_336, %swap3A_337], %mul3A_335 {strides = array<i32>} : memref<128x128xf32, #tpu.memory_space<vmem>>, vector<16xf32>,
          %get3A_339 = arith.index_cast %add3A_283 : i32 to index
          %get3A_340 = arith.constant 112 : index
          %get3A_341 = tpu.vector_load %arg10[%get3A_339, %get3A_340] {strides = array<i32>} : memref<128x128xf32, #tpu.memory_space<vmem>>, vector<16xf32>,
          %mul3A_342 = arith.mulf %get3A_341, %broadcast_in_dim3A_317 : vector<16xf32>
          %swap3A_343 = arith.index_cast %add3A_283 : i32 to index
          %swap3A_344 = arith.constant 112 : index
          %swap3A_345 = tpu.vector_load %arg10[%swap3A_343, %swap3A_344] {strides = array<i32>} : memref<128x128xf32, #tpu.memory_space<vmem>>, vector<16xf32>,
          tpu.vector_store %arg10[%swap3A_343, %swap3A_344], %mul3A_342 {strides = array<i32>} : memref<128x128xf32, #tpu.memory_space<vmem>>, vector<16xf32>,
          %mul3A_346 = arith.constant 16 : i32
          %mul3A_347 = arith.muli %scan3A_73, %mul3A_346 : i32
          %add3A_348 = arith.constant 4 : i32
          %add3A_349 = arith.addi %mul3A_347, %add3A_348 : i32
          %slice3A_350 = vector.extract_strided_slice %get3A_78 {offsets = [4], sizes = [1], strides = [1]} : vector<16xf32> to vector<1xf32>
          %squeeze3A_351 = vector.extract %slice3A_350[0] : f32 from vector<1xf32>
          %broadcast_in_dim3A_352 = vector.broadcast %squeeze3A_351 : f32 to vector<16xf32>
          %get3A_353 = arith.index_cast %add3A_349 : i32 to index
          %get3A_354 = arith.constant 0 : index
          %get3A_355 = tpu.vector_load %arg10[%get3A_353, %get3A_354] {strides = array<i32>} : memref<128x128xf32, #tpu.memory_space<vmem>>, vector<16xf32>,
          %mul3A_356 = arith.mulf %get3A_355, %broadcast_in_dim3A_352 : vector<16xf32>
          %swap3A_357 = arith.index_cast %add3A_349 : i32 to index
          %swap3A_358 = arith.constant 0 : index
          %swap3A_359 = tpu.vector_load %arg10[%swap3A_357, %swap3A_358] {strides = array<i32>} : memref<128x128xf32, #tpu.memory_space<vmem>>, vector<16xf32>,
          tpu.vector_store %arg10[%swap3A_357, %swap3A_358], %mul3A_356 {strides = array<i32>} : memref<128x128xf32, #tpu.memory_space<vmem>>, vector<16xf32>,
          %get3A_360 = arith.index_cast %add3A_349 : i32 to index
          %get3A_361 = arith.constant 16 : index
          %get3A_362 = tpu.vector_load %arg10[%get3A_360, %get3A_361] {strides = array<i32>} : memref<128x128xf32, #tpu.memory_space<vmem>>, vector<16xf32>,
          %mul3A_363 = arith.mulf %get3A_362, %broadcast_in_dim3A_352 : vector<16xf32>
          %swap3A_364 = arith.index_cast %add3A_349 : i32 to index
          %swap3A_365 = arith.constant 16 : index
          %swap3A_366 = tpu.vector_load %arg10[%swap3A_364, %swap3A_365] {strides = array<i32>} : memref<128x128xf32, #tpu.memory_space<vmem>>, vector<16xf32>,
          tpu.vector_store %arg10[%swap3A_364, %swap3A_365], %mul3A_363 {strides = array<i32>} : memref<128x128xf32, #tpu.memory_space<vmem>>, vector<16xf32>,
          %get3A_367 = arith.index_cast %add3A_349 : i32 to index
          %get3A_368 = arith.constant 32 : index
          %get3A_369 = tpu.vector_load %arg10[%get3A_367, %get3A_368] {strides = array<i32>} : memref<128x128xf32, #tpu.memory_space<vmem>>, vector<16xf32>,
          %mul3A_370 = arith.mulf %get3A_369, %broadcast_in_dim3A_352 : vector<16xf32>
          %swap3A_371 = arith.index_cast %add3A_349 : i32 to index
          %swap3A_372 = arith.constant 32 : index
          %swap3A_373 = tpu.vector_load %arg10[%swap3A_371, %swap3A_372] {strides = array<i32>} : memref<128x128xf32, #tpu.memory_space<vmem>>, vector<16xf32>,
          tpu.vector_store %arg10[%swap3A_371, %swap3A_372], %mul3A_370 {strides = array<i32>} : memref<128x128xf32, #tpu.memory_space<vmem>>, vector<16xf32>,
          %get3A_374 = arith.index_cast %add3A_349 : i32 to index
          %get3A_375 = arith.constant 48 : index
          %get3A_376 = tpu.vector_load %arg10[%get3A_374, %get3A_375] {strides = array<i32>} : memref<128x128xf32, #tpu.memory_space<vmem>>, vector<16xf32>,
          %mul3A_377 = arith.mulf %get3A_376, %broadcast_in_dim3A_352 : vector<16xf32>
          %swap3A_378 = arith.index_cast %add3A_349 : i32 to index
          %swap3A_379 = arith.constant 48 : index
          %swap3A_380 = tpu.vector_load %arg10[%swap3A_378, %swap3A_379] {strides = array<i32>} : memref<128x128xf32, #tpu.memory_space<vmem>>, vector<16xf32>,
          tpu.vector_store %arg10[%swap3A_378, %swap3A_379], %mul3A_377 {strides = array<i32>} : memref<128x128xf32, #tpu.memory_space<vmem>>, vector<16xf32>,
          %slice3A_381 = vector.extract_strided_slice %get3A_84 {offsets = [4], sizes = [1], strides = [1]} : vector<16xf32> to vector<1xf32>
          %squeeze3A_382 = vector.extract %slice3A_381[0] : f32 from vector<1xf32>
          %broadcast_in_dim3A_383 = vector.broadcast %squeeze3A_382 : f32 to vector<16xf32>
          %get3A_384 = arith.index_cast %add3A_349 : i32 to index
          %get3A_385 = arith.constant 64 : index
          %get3A_386 = tpu.vector_load %arg10[%get3A_384, %get3A_385] {strides = array<i32>} : memref<128x128xf32, #tpu.memory_space<vmem>>, vector<16xf32>,
          %mul3A_387 = arith.mulf %get3A_386, %broadcast_in_dim3A_383 : vector<16xf32>
          %swap3A_388 = arith.index_cast %add3A_349 : i32 to index
          %swap3A_389 = arith.constant 64 : index
          %swap3A_390 = tpu.vector_load %arg10[%swap3A_388, %swap3A_389] {strides = array<i32>} : memref<128x128xf32, #tpu.memory_space<vmem>>, vector<16xf32>,
          tpu.vector_store %arg10[%swap3A_388, %swap3A_389], %mul3A_387 {strides = array<i32>} : memref<128x128xf32, #tpu.memory_space<vmem>>, vector<16xf32>,
          %get3A_391 = arith.index_cast %add3A_349 : i32 to index
          %get3A_392 = arith.constant 80 : index
          %get3A_393 = tpu.vector_load %arg10[%get3A_391, %get3A_392] {strides = array<i32>} : memref<128x128xf32, #tpu.memory_space<vmem>>, vector<16xf32>,
          %mul3A_394 = arith.mulf %get3A_393, %broadcast_in_dim3A_383 : vector<16xf32>
          %swap3A_395 = arith.index_cast %add3A_349 : i32 to index
          %swap3A_396 = arith.constant 80 : index
          %swap3A_397 = tpu.vector_load %arg10[%swap3A_395, %swap3A_396] {strides = array<i32>} : memref<128x128xf32, #tpu.memory_space<vmem>>, vector<16xf32>,
          tpu.vector_store %arg10[%swap3A_395, %swap3A_396], %mul3A_394 {strides = array<i32>} : memref<128x128xf32, #tpu.memory_space<vmem>>, vector<16xf32>,
          %get3A_398 = arith.index_cast %add3A_349 : i32 to index
          %get3A_399 = arith.constant 96 : index
          %get3A_400 = tpu.vector_load %arg10[%get3A_398, %get3A_399] {strides = array<i32>} : memref<128x128xf32, #tpu.memory_space<vmem>>, vector<16xf32>,
          %mul3A_401 = arith.mulf %get3A_400, %broadcast_in_dim3A_383 : vector<16xf32>
          %swap3A_402 = arith.index_cast %add3A_349 : i32 to index
          %swap3A_403 = arith.constant 96 : index
          %swap3A_404 = tpu.vector_load %arg10[%swap3A_402, %swap3A_403] {strides = array<i32>} : memref<128x128xf32, #tpu.memory_space<vmem>>, vector<16xf32>,
          tpu.vector_store %arg10[%swap3A_402, %swap3A_403], %mul3A_401 {strides = array<i32>} : memref<128x128xf32, #tpu.memory_space<vmem>>, vector<16xf32>,
          %get3A_405 = arith.index_cast %add3A_349 : i32 to index
          %get3A_406 = arith.constant 112 : index
          %get3A_407 = tpu.vector_load %arg10[%get3A_405, %get3A_406] {strides = array<i32>} : memref<128x128xf32, #tpu.memory_space<vmem>>, vector<16xf32>,
          %mul3A_408 = arith.mulf %get3A_407, %broadcast_in_dim3A_383 : vector<16xf32>
          %swap3A_409 = arith.index_cast %add3A_349 : i32 to index
          %swap3A_410 = arith.constant 112 : index
          %swap3A_411 = tpu.vector_load %arg10[%swap3A_409, %swap3A_410] {strides = array<i32>} : memref<128x128xf32, #tpu.memory_space<vmem>>, vector<16xf32>,
          tpu.vector_store %arg10[%swap3A_409, %swap3A_410], %mul3A_408 {strides = array<i32>} : memref<128x128xf32, #tpu.memory_space<vmem>>, vector<16xf32>,
          %mul3A_412 = arith.constant 16 : i32
          %mul3A_413 = arith.muli %scan3A_73, %mul3A_412 : i32
          %add3A_414 = arith.constant 5 : i32
          %add3A_415 = arith.addi %mul3A_413, %add3A_414 : i32
          %slice3A_416 = vector.extract_strided_slice %get3A_78 {offsets = [5], sizes = [1], strides = [1]} : vector<16xf32> to vector<1xf32>
          %squeeze3A_417 = vector.extract %slice3A_416[0] : f32 from vector<1xf32>
          %broadcast_in_dim3A_418 = vector.broadcast %squeeze3A_417 : f32 to vector<16xf32>
          %get3A_419 = arith.index_cast %add3A_415 : i32 to index
          %get3A_420 = arith.constant 0 : index
          %get3A_421 = tpu.vector_load %arg10[%get3A_419, %get3A_420] {strides = array<i32>} : memref<128x128xf32, #tpu.memory_space<vmem>>, vector<16xf32>,
          %mul3A_422 = arith.mulf %get3A_421, %broadcast_in_dim3A_418 : vector<16xf32>
          %swap3A_423 = arith.index_cast %add3A_415 : i32 to index
          %swap3A_424 = arith.constant 0 : index
          %swap3A_425 = tpu.vector_load %arg10[%swap3A_423, %swap3A_424] {strides = array<i32>} : memref<128x128xf32, #tpu.memory_space<vmem>>, vector<16xf32>,
          tpu.vector_store %arg10[%swap3A_423, %swap3A_424], %mul3A_422 {strides = array<i32>} : memref<128x128xf32, #tpu.memory_space<vmem>>, vector<16xf32>,
          %get3A_426 = arith.index_cast %add3A_415 : i32 to index
          %get3A_427 = arith.constant 16 : index
          %get3A_428 = tpu.vector_load %arg10[%get3A_426, %get3A_427] {strides = array<i32>} : memref<128x128xf32, #tpu.memory_space<vmem>>, vector<16xf32>,
          %mul3A_429 = arith.mulf %get3A_428, %broadcast_in_dim3A_418 : vector<16xf32>
          %swap3A_430 = arith.index_cast %add3A_415 : i32 to index
          %swap3A_431 = arith.constant 16 : index
          %swap3A_432 = tpu.vector_load %arg10[%swap3A_430, %swap3A_431] {strides = array<i32>} : memref<128x128xf32, #tpu.memory_space<vmem>>, vector<16xf32>,
          tpu.vector_store %arg10[%swap3A_430, %swap3A_431], %mul3A_429 {strides = array<i32>} : memref<128x128xf32, #tpu.memory_space<vmem>>, vector<16xf32>,
          %get3A_433 = arith.index_cast %add3A_415 : i32 to index
          %get3A_434 = arith.constant 32 : index
          %get3A_435 = tpu.vector_load %arg10[%get3A_433, %get3A_434] {strides = array<i32>} : memref<128x128xf32, #tpu.memory_space<vmem>>, vector<16xf32>,
          %mul3A_436 = arith.mulf %get3A_435, %broadcast_in_dim3A_418 : vector<16xf32>
          %swap3A_437 = arith.index_cast %add3A_415 : i32 to index
          %swap3A_438 = arith.constant 32 : index
          %swap3A_439 = tpu.vector_load %arg10[%swap3A_437, %swap3A_438] {strides = array<i32>} : memref<128x128xf32, #tpu.memory_space<vmem>>, vector<16xf32>,
          tpu.vector_store %arg10[%swap3A_437, %swap3A_438], %mul3A_436 {strides = array<i32>} : memref<128x128xf32, #tpu.memory_space<vmem>>, vector<16xf32>,
          %get3A_440 = arith.index_cast %add3A_415 : i32 to index
          %get3A_441 = arith.constant 48 : index
          %get3A_442 = tpu.vector_load %arg10[%get3A_440, %get3A_441] {strides = array<i32>} : memref<128x128xf32, #tpu.memory_space<vmem>>, vector<16xf32>,
          %mul3A_443 = arith.mulf %get3A_442, %broadcast_in_dim3A_418 : vector<16xf32>
          %swap3A_444 = arith.index_cast %add3A_415 : i32 to index
          %swap3A_445 = arith.constant 48 : index
          %swap3A_446 = tpu.vector_load %arg10[%swap3A_444, %swap3A_445] {strides = array<i32>} : memref<128x128xf32, #tpu.memory_space<vmem>>, vector<16xf32>,
          tpu.vector_store %arg10[%swap3A_444, %swap3A_445], %mul3A_443 {strides = array<i32>} : memref<128x128xf32, #tpu.memory_space<vmem>>, vector<16xf32>,
          %slice3A_447 = vector.extract_strided_slice %get3A_84 {offsets = [5], sizes = [1], strides = [1]} : vector<16xf32> to vector<1xf32>
          %squeeze3A_448 = vector.extract %slice3A_447[0] : f32 from vector<1xf32>
          %broadcast_in_dim3A_449 = vector.broadcast %squeeze3A_448 : f32 to vector<16xf32>
          %get3A_450 = arith.index_cast %add3A_415 : i32 to index
          %get3A_451 = arith.constant 64 : index
          %get3A_452 = tpu.vector_load %arg10[%get3A_450, %get3A_451] {strides = array<i32>} : memref<128x128xf32, #tpu.memory_space<vmem>>, vector<16xf32>,
          %mul3A_453 = arith.mulf %get3A_452, %broadcast_in_dim3A_449 : vector<16xf32>
          %swap3A_454 = arith.index_cast %add3A_415 : i32 to index
          %swap3A_455 = arith.constant 64 : index
          %swap3A_456 = tpu.vector_load %arg10[%swap3A_454, %swap3A_455] {strides = array<i32>} : memref<128x128xf32, #tpu.memory_space<vmem>>, vector<16xf32>,
          tpu.vector_store %arg10[%swap3A_454, %swap3A_455], %mul3A_453 {strides = array<i32>} : memref<128x128xf32, #tpu.memory_space<vmem>>, vector<16xf32>,
          %get3A_457 = arith.index_cast %add3A_415 : i32 to index
          %get3A_458 = arith.constant 80 : index
          %get3A_459 = tpu.vector_load %arg10[%get3A_457, %get3A_458] {strides = array<i32>} : memref<128x128xf32, #tpu.memory_space<vmem>>, vector<16xf32>,
          %mul3A_460 = arith.mulf %get3A_459, %broadcast_in_dim3A_449 : vector<16xf32>
          %swap3A_461 = arith.index_cast %add3A_415 : i32 to index
          %swap3A_462 = arith.constant 80 : index
          %swap3A_463 = tpu.vector_load %arg10[%swap3A_461, %swap3A_462] {strides = array<i32>} : memref<128x128xf32, #tpu.memory_space<vmem>>, vector<16xf32>,
          tpu.vector_store %arg10[%swap3A_461, %swap3A_462], %mul3A_460 {strides = array<i32>} : memref<128x128xf32, #tpu.memory_space<vmem>>, vector<16xf32>,
          %get3A_464 = arith.index_cast %add3A_415 : i32 to index
          %get3A_465 = arith.constant 96 : index
          %get3A_466 = tpu.vector_load %arg10[%get3A_464, %get3A_465] {strides = array<i32>} : memref<128x128xf32, #tpu.memory_space<vmem>>, vector<16xf32>,
          %mul3A_467 = arith.mulf %get3A_466, %broadcast_in_dim3A_449 : vector<16xf32>
          %swap3A_468 = arith.index_cast %add3A_415 : i32 to index
          %swap3A_469 = arith.constant 96 : index
          %swap3A_470 = tpu.vector_load %arg10[%swap3A_468, %swap3A_469] {strides = array<i32>} : memref<128x128xf32, #tpu.memory_space<vmem>>, vector<16xf32>,
          tpu.vector_store %arg10[%swap3A_468, %swap3A_469], %mul3A_467 {strides = array<i32>} : memref<128x128xf32, #tpu.memory_space<vmem>>, vector<16xf32>,
          %get3A_471 = arith.index_cast %add3A_415 : i32 to index
          %get3A_472 = arith.constant 112 : index
          %get3A_473 = tpu.vector_load %arg10[%get3A_471, %get3A_472] {strides = array<i32>} : memref<128x128xf32, #tpu.memory_space<vmem>>, vector<16xf32>,
          %mul3A_474 = arith.mulf %get3A_473, %broadcast_in_dim3A_449 : vector<16xf32>
          %swap3A_475 = arith.index_cast %add3A_415 : i32 to index
          %swap3A_476 = arith.constant 112 : index
          %swap3A_477 = tpu.vector_load %arg10[%swap3A_475, %swap3A_476] {strides = array<i32>} : memref<128x128xf32, #tpu.memory_space<vmem>>, vector<16xf32>,
          tpu.vector_store %arg10[%swap3A_475, %swap3A_476], %mul3A_474 {strides = array<i32>} : memref<128x128xf32, #tpu.memory_space<vmem>>, vector<16xf32>,
          %mul3A_478 = arith.constant 16 : i32
          %mul3A_479 = arith.muli %scan3A_73, %mul3A_478 : i32
          %add3A_480 = arith.constant 6 : i32
          %add3A_481 = arith.addi %mul3A_479, %add3A_480 : i32
          %slice3A_482 = vector.extract_strided_slice %get3A_78 {offsets = [6], sizes = [1], strides = [1]} : vector<16xf32> to vector<1xf32>
          %squeeze3A_483 = vector.extract %slice3A_482[0] : f32 from vector<1xf32>
          %broadcast_in_dim3A_484 = vector.broadcast %squeeze3A_483 : f32 to vector<16xf32>
          %get3A_485 = arith.index_cast %add3A_481 : i32 to index
          %get3A_486 = arith.constant 0 : index
          %get3A_487 = tpu.vector_load %arg10[%get3A_485, %get3A_486] {strides = array<i32>} : memref<128x128xf32, #tpu.memory_space<vmem>>, vector<16xf32>,
          %mul3A_488 = arith.mulf %get3A_487, %broadcast_in_dim3A_484 : vector<16xf32>
          %swap3A_489 = arith.index_cast %add3A_481 : i32 to index
          %swap3A_490 = arith.constant 0 : index
          %swap3A_491 = tpu.vector_load %arg10[%swap3A_489, %swap3A_490] {strides = array<i32>} : memref<128x128xf32, #tpu.memory_space<vmem>>, vector<16xf32>,
          tpu.vector_store %arg10[%swap3A_489, %swap3A_490], %mul3A_488 {strides = array<i32>} : memref<128x128xf32, #tpu.memory_space<vmem>>, vector<16xf32>,
          %get3A_492 = arith.index_cast %add3A_481 : i32 to index
          %get3A_493 = arith.constant 16 : index
          %get3A_494 = tpu.vector_load %arg10[%get3A_492, %get3A_493] {strides = array<i32>} : memref<128x128xf32, #tpu.memory_space<vmem>>, vector<16xf32>,
          %mul3A_495 = arith.mulf %get3A_494, %broadcast_in_dim3A_484 : vector<16xf32>
          %swap3A_496 = arith.index_cast %add3A_481 : i32 to index
          %swap3A_497 = arith.constant 16 : index
          %swap3A_498 = tpu.vector_load %arg10[%swap3A_496, %swap3A_497] {strides = array<i32>} : memref<128x128xf32, #tpu.memory_space<vmem>>, vector<16xf32>,
          tpu.vector_store %arg10[%swap3A_496, %swap3A_497], %mul3A_495 {strides = array<i32>} : memref<128x128xf32, #tpu.memory_space<vmem>>, vector<16xf32>,
          %get3A_499 = arith.index_cast %add3A_481 : i32 to index
          %get3A_500 = arith.constant 32 : index
          %get3A_501 = tpu.vector_load %arg10[%get3A_499, %get3A_500] {strides = array<i32>} : memref<128x128xf32, #tpu.memory_space<vmem>>, vector<16xf32>,
          %mul3A_502 = arith.mulf %get3A_501, %broadcast_in_dim3A_484 : vector<16xf32>
          %swap3A_503 = arith.index_cast %add3A_481 : i32 to index
          %swap3A_504 = arith.constant 32 : index
          %swap3A_505 = tpu.vector_load %arg10[%swap3A_503, %swap3A_504] {strides = array<i32>} : memref<128x128xf32, #tpu.memory_space<vmem>>, vector<16xf32>,
          tpu.vector_store %arg10[%swap3A_503, %swap3A_504], %mul3A_502 {strides = array<i32>} : memref<128x128xf32, #tpu.memory_space<vmem>>, vector<16xf32>,
          %get3A_506 = arith.index_cast %add3A_481 : i32 to index
          %get3A_507 = arith.constant 48 : index
          %get3A_508 = tpu.vector_load %arg10[%get3A_506, %get3A_507] {strides = array<i32>} : memref<128x128xf32, #tpu.memory_space<vmem>>, vector<16xf32>,
          %mul3A_509 = arith.mulf %get3A_508, %broadcast_in_dim3A_484 : vector<16xf32>
          %swap3A_510 = arith.index_cast %add3A_481 : i32 to index
          %swap3A_511 = arith.constant 48 : index
          %swap3A_512 = tpu.vector_load %arg10[%swap3A_510, %swap3A_511] {strides = array<i32>} : memref<128x128xf32, #tpu.memory_space<vmem>>, vector<16xf32>,
          tpu.vector_store %arg10[%swap3A_510, %swap3A_511], %mul3A_509 {strides = array<i32>} : memref<128x128xf32, #tpu.memory_space<vmem>>, vector<16xf32>,
          %slice3A_513 = vector.extract_strided_slice %get3A_84 {offsets = [6], sizes = [1], strides = [1]} : vector<16xf32> to vector<1xf32>
          %squeeze3A_514 = vector.extract %slice3A_513[0] : f32 from vector<1xf32>
          %broadcast_in_dim3A_515 = vector.broadcast %squeeze3A_514 : f32 to vector<16xf32>
          %get3A_516 = arith.index_cast %add3A_481 : i32 to index
          %get3A_517 = arith.constant 64 : index
          %get3A_518 = tpu.vector_load %arg10[%get3A_516, %get3A_517] {strides = array<i32>} : memref<128x128xf32, #tpu.memory_space<vmem>>, vector<16xf32>,
          %mul3A_519 = arith.mulf %get3A_518, %broadcast_in_dim3A_515 : vector<16xf32>
          %swap3A_520 = arith.index_cast %add3A_481 : i32 to index
          %swap3A_521 = arith.constant 64 : index
          %swap3A_522 = tpu.vector_load %arg10[%swap3A_520, %swap3A_521] {strides = array<i32>} : memref<128x128xf32, #tpu.memory_space<vmem>>, vector<16xf32>,
          tpu.vector_store %arg10[%swap3A_520, %swap3A_521], %mul3A_519 {strides = array<i32>} : memref<128x128xf32, #tpu.memory_space<vmem>>, vector<16xf32>,
          %get3A_523 = arith.index_cast %add3A_481 : i32 to index
          %get3A_524 = arith.constant 80 : index
          %get3A_525 = tpu.vector_load %arg10[%get3A_523, %get3A_524] {strides = array<i32>} : memref<128x128xf32, #tpu.memory_space<vmem>>, vector<16xf32>,
          %mul3A_526 = arith.mulf %get3A_525, %broadcast_in_dim3A_515 : vector<16xf32>
          %swap3A_527 = arith.index_cast %add3A_481 : i32 to index
          %swap3A_528 = arith.constant 80 : index
          %swap3A_529 = tpu.vector_load %arg10[%swap3A_527, %swap3A_528] {strides = array<i32>} : memref<128x128xf32, #tpu.memory_space<vmem>>, vector<16xf32>,
          tpu.vector_store %arg10[%swap3A_527, %swap3A_528], %mul3A_526 {strides = array<i32>} : memref<128x128xf32, #tpu.memory_space<vmem>>, vector<16xf32>,
          %get3A_530 = arith.index_cast %add3A_481 : i32 to index
          %get3A_531 = arith.constant 96 : index
          %get3A_532 = tpu.vector_load %arg10[%get3A_530, %get3A_531] {strides = array<i32>} : memref<128x128xf32, #tpu.memory_space<vmem>>, vector<16xf32>,
          %mul3A_533 = arith.mulf %get3A_532, %broadcast_in_dim3A_515 : vector<16xf32>
          %swap3A_534 = arith.index_cast %add3A_481 : i32 to index
          %swap3A_535 = arith.constant 96 : index
          %swap3A_536 = tpu.vector_load %arg10[%swap3A_534, %swap3A_535] {strides = array<i32>} : memref<128x128xf32, #tpu.memory_space<vmem>>, vector<16xf32>,
          tpu.vector_store %arg10[%swap3A_534, %swap3A_535], %mul3A_533 {strides = array<i32>} : memref<128x128xf32, #tpu.memory_space<vmem>>, vector<16xf32>,
          %get3A_537 = arith.index_cast %add3A_481 : i32 to index
          %get3A_538 = arith.constant 112 : index
          %get3A_539 = tpu.vector_load %arg10[%get3A_537, %get3A_538] {strides = array<i32>} : memref<128x128xf32, #tpu.memory_space<vmem>>, vector<16xf32>,
          %mul3A_540 = arith.mulf %get3A_539, %broadcast_in_dim3A_515 : vector<16xf32>
          %swap3A_541 = arith.index_cast %add3A_481 : i32 to index
          %swap3A_542 = arith.constant 112 : index
          %swap3A_543 = tpu.vector_load %arg10[%swap3A_541, %swap3A_542] {strides = array<i32>} : memref<128x128xf32, #tpu.memory_space<vmem>>, vector<16xf32>,
          tpu.vector_store %arg10[%swap3A_541, %swap3A_542], %mul3A_540 {strides = array<i32>} : memref<128x128xf32, #tpu.memory_space<vmem>>, vector<16xf32>,
          %mul3A_544 = arith.constant 16 : i32
          %mul3A_545 = arith.muli %scan3A_73, %mul3A_544 : i32
          %add3A_546 = arith.constant 7 : i32
          %add3A_547 = arith.addi %mul3A_545, %add3A_546 : i32
          %slice3A_548 = vector.extract_strided_slice %get3A_78 {offsets = [7], sizes = [1], strides = [1]} : vector<16xf32> to vector<1xf32>
          %squeeze3A_549 = vector.extract %slice3A_548[0] : f32 from vector<1xf32>
          %broadcast_in_dim3A_550 = vector.broadcast %squeeze3A_549 : f32 to vector<16xf32>
          %get3A_551 = arith.index_cast %add3A_547 : i32 to index
          %get3A_552 = arith.constant 0 : index
          %get3A_553 = tpu.vector_load %arg10[%get3A_551, %get3A_552] {strides = array<i32>} : memref<128x128xf32, #tpu.memory_space<vmem>>, vector<16xf32>,
          %mul3A_554 = arith.mulf %get3A_553, %broadcast_in_dim3A_550 : vector<16xf32>
          %swap3A_555 = arith.index_cast %add3A_547 : i32 to index
          %swap3A_556 = arith.constant 0 : index
          %swap3A_557 = tpu.vector_load %arg10[%swap3A_555, %swap3A_556] {strides = array<i32>} : memref<128x128xf32, #tpu.memory_space<vmem>>, vector<16xf32>,
          tpu.vector_store %arg10[%swap3A_555, %swap3A_556], %mul3A_554 {strides = array<i32>} : memref<128x128xf32, #tpu.memory_space<vmem>>, vector<16xf32>,
          %get3A_558 = arith.index_cast %add3A_547 : i32 to index
          %get3A_559 = arith.constant 16 : index
          %get3A_560 = tpu.vector_load %arg10[%get3A_558, %get3A_559] {strides = array<i32>} : memref<128x128xf32, #tpu.memory_space<vmem>>, vector<16xf32>,
          %mul3A_561 = arith.mulf %get3A_560, %broadcast_in_dim3A_550 : vector<16xf32>
          %swap3A_562 = arith.index_cast %add3A_547 : i32 to index
          %swap3A_563 = arith.constant 16 : index
          %swap3A_564 = tpu.vector_load %arg10[%swap3A_562, %swap3A_563] {strides = array<i32>} : memref<128x128xf32, #tpu.memory_space<vmem>>, vector<16xf32>,
          tpu.vector_store %arg10[%swap3A_562, %swap3A_563], %mul3A_561 {strides = array<i32>} : memref<128x128xf32, #tpu.memory_space<vmem>>, vector<16xf32>,
          %get3A_565 = arith.index_cast %add3A_547 : i32 to index
          %get3A_566 = arith.constant 32 : index
          %get3A_567 = tpu.vector_load %arg10[%get3A_565, %get3A_566] {strides = array<i32>} : memref<128x128xf32, #tpu.memory_space<vmem>>, vector<16xf32>,
          %mul3A_568 = arith.mulf %get3A_567, %broadcast_in_dim3A_550 : vector<16xf32>
          %swap3A_569 = arith.index_cast %add3A_547 : i32 to index
          %swap3A_570 = arith.constant 32 : index
          %swap3A_571 = tpu.vector_load %arg10[%swap3A_569, %swap3A_570] {strides = array<i32>} : memref<128x128xf32, #tpu.memory_space<vmem>>, vector<16xf32>,
          tpu.vector_store %arg10[%swap3A_569, %swap3A_570], %mul3A_568 {strides = array<i32>} : memref<128x128xf32, #tpu.memory_space<vmem>>, vector<16xf32>,
          %get3A_572 = arith.index_cast %add3A_547 : i32 to index
          %get3A_573 = arith.constant 48 : index
          %get3A_574 = tpu.vector_load %arg10[%get3A_572, %get3A_573] {strides = array<i32>} : memref<128x128xf32, #tpu.memory_space<vmem>>, vector<16xf32>,
          %mul3A_575 = arith.mulf %get3A_574, %broadcast_in_dim3A_550 : vector<16xf32>
          %swap3A_576 = arith.index_cast %add3A_547 : i32 to index
          %swap3A_577 = arith.constant 48 : index
          %swap3A_578 = tpu.vector_load %arg10[%swap3A_576, %swap3A_577] {strides = array<i32>} : memref<128x128xf32, #tpu.memory_space<vmem>>, vector<16xf32>,
          tpu.vector_store %arg10[%swap3A_576, %swap3A_577], %mul3A_575 {strides = array<i32>} : memref<128x128xf32, #tpu.memory_space<vmem>>, vector<16xf32>,
          %slice3A_579 = vector.extract_strided_slice %get3A_84 {offsets = [7], sizes = [1], strides = [1]} : vector<16xf32> to vector<1xf32>
          %squeeze3A_580 = vector.extract %slice3A_579[0] : f32 from vector<1xf32>
          %broadcast_in_dim3A_581 = vector.broadcast %squeeze3A_580 : f32 to vector<16xf32>
          %get3A_582 = arith.index_cast %add3A_547 : i32 to index
          %get3A_583 = arith.constant 64 : index
          %get3A_584 = tpu.vector_load %arg10[%get3A_582, %get3A_583] {strides = array<i32>} : memref<128x128xf32, #tpu.memory_space<vmem>>, vector<16xf32>,
          %mul3A_585 = arith.mulf %get3A_584, %broadcast_in_dim3A_581 : vector<16xf32>
          %swap3A_586 = arith.index_cast %add3A_547 : i32 to index
          %swap3A_587 = arith.constant 64 : index
          %swap3A_588 = tpu.vector_load %arg10[%swap3A_586, %swap3A_587] {strides = array<i32>} : memref<128x128xf32, #tpu.memory_space<vmem>>, vector<16xf32>,
          tpu.vector_store %arg10[%swap3A_586, %swap3A_587], %mul3A_585 {strides = array<i32>} : memref<128x128xf32, #tpu.memory_space<vmem>>, vector<16xf32>,
          %get3A_589 = arith.index_cast %add3A_547 : i32 to index
          %get3A_590 = arith.constant 80 : index
          %get3A_591 = tpu.vector_load %arg10[%get3A_589, %get3A_590] {strides = array<i32>} : memref<128x128xf32, #tpu.memory_space<vmem>>, vector<16xf32>,
          %mul3A_592 = arith.mulf %get3A_591, %broadcast_in_dim3A_581 : vector<16xf32>
          %swap3A_593 = arith.index_cast %add3A_547 : i32 to index
          %swap3A_594 = arith.constant 80 : index
          %swap3A_595 = tpu.vector_load %arg10[%swap3A_593, %swap3A_594] {strides = array<i32>} : memref<128x128xf32, #tpu.memory_space<vmem>>, vector<16xf32>,
          tpu.vector_store %arg10[%swap3A_593, %swap3A_594], %mul3A_592 {strides = array<i32>} : memref<128x128xf32, #tpu.memory_space<vmem>>, vector<16xf32>,
          %get3A_596 = arith.index_cast %add3A_547 : i32 to index
          %get3A_597 = arith.constant 96 : index
          %get3A_598 = tpu.vector_load %arg10[%get3A_596, %get3A_597] {strides = array<i32>} : memref<128x128xf32, #tpu.memory_space<vmem>>, vector<16xf32>,
          %mul3A_599 = arith.mulf %get3A_598, %broadcast_in_dim3A_581 : vector<16xf32>
          %swap3A_600 = arith.index_cast %add3A_547 : i32 to index
          %swap3A_601 = arith.constant 96 : index
          %swap3A_602 = tpu.vector_load %arg10[%swap3A_600, %swap3A_601] {strides = array<i32>} : memref<128x128xf32, #tpu.memory_space<vmem>>, vector<16xf32>,
          tpu.vector_store %arg10[%swap3A_600, %swap3A_601], %mul3A_599 {strides = array<i32>} : memref<128x128xf32, #tpu.memory_space<vmem>>, vector<16xf32>,
          %get3A_603 = arith.index_cast %add3A_547 : i32 to index
          %get3A_604 = arith.constant 112 : index
          %get3A_605 = tpu.vector_load %arg10[%get3A_603, %get3A_604] {strides = array<i32>} : memref<128x128xf32, #tpu.memory_space<vmem>>, vector<16xf32>,
          %mul3A_606 = arith.mulf %get3A_605, %broadcast_in_dim3A_581 : vector<16xf32>
          %swap3A_607 = arith.index_cast %add3A_547 : i32 to index
          %swap3A_608 = arith.constant 112 : index
          %swap3A_609 = tpu.vector_load %arg10[%swap3A_607, %swap3A_608] {strides = array<i32>} : memref<128x128xf32, #tpu.memory_space<vmem>>, vector<16xf32>,
          tpu.vector_store %arg10[%swap3A_607, %swap3A_608], %mul3A_606 {strides = array<i32>} : memref<128x128xf32, #tpu.memory_space<vmem>>, vector<16xf32>,
          %mul3A_610 = arith.constant 16 : i32
          %mul3A_611 = arith.muli %scan3A_73, %mul3A_610 : i32
          %add3A_612 = arith.constant 8 : i32
          %add3A_613 = arith.addi %mul3A_611, %add3A_612 : i32
          %slice3A_614 = vector.extract_strided_slice %get3A_78 {offsets = [8], sizes = [1], strides = [1]} : vector<16xf32> to vector<1xf32>
          %squeeze3A_615 = vector.extract %slice3A_614[0] : f32 from vector<1xf32>
          %broadcast_in_dim3A_616 = vector.broadcast %squeeze3A_615 : f32 to vector<16xf32>
          %get3A_617 = arith.index_cast %add3A_613 : i32 to index
          %get3A_618 = arith.constant 0 : index
          %get3A_619 = tpu.vector_load %arg10[%get3A_617, %get3A_618] {strides = array<i32>} : memref<128x128xf32, #tpu.memory_space<vmem>>, vector<16xf32>,
          %mul3A_620 = arith.mulf %get3A_619, %broadcast_in_dim3A_616 : vector<16xf32>
          %swap3A_621 = arith.index_cast %add3A_613 : i32 to index
          %swap3A_622 = arith.constant 0 : index
          %swap3A_623 = tpu.vector_load %arg10[%swap3A_621, %swap3A_622] {strides = array<i32>} : memref<128x128xf32, #tpu.memory_space<vmem>>, vector<16xf32>,
          tpu.vector_store %arg10[%swap3A_621, %swap3A_622], %mul3A_620 {strides = array<i32>} : memref<128x128xf32, #tpu.memory_space<vmem>>, vector<16xf32>,
          %get3A_624 = arith.index_cast %add3A_613 : i32 to index
          %get3A_625 = arith.constant 16 : index
          %get3A_626 = tpu.vector_load %arg10[%get3A_624, %get3A_625] {strides = array<i32>} : memref<128x128xf32, #tpu.memory_space<vmem>>, vector<16xf32>,
          %mul3A_627 = arith.mulf %get3A_626, %broadcast_in_dim3A_616 : vector<16xf32>
          %swap3A_628 = arith.index_cast %add3A_613 : i32 to index
          %swap3A_629 = arith.constant 16 : index
          %swap3A_630 = tpu.vector_load %arg10[%swap3A_628, %swap3A_629] {strides = array<i32>} : memref<128x128xf32, #tpu.memory_space<vmem>>, vector<16xf32>,
          tpu.vector_store %arg10[%swap3A_628, %swap3A_629], %mul3A_627 {strides = array<i32>} : memref<128x128xf32, #tpu.memory_space<vmem>>, vector<16xf32>,
          %get3A_631 = arith.index_cast %add3A_613 : i32 to index
          %get3A_632 = arith.constant 32 : index
          %get3A_633 = tpu.vector_load %arg10[%get3A_631, %get3A_632] {strides = array<i32>} : memref<128x128xf32, #tpu.memory_space<vmem>>, vector<16xf32>,
          %mul3A_634 = arith.mulf %get3A_633, %broadcast_in_dim3A_616 : vector<16xf32>
          %swap3A_635 = arith.index_cast %add3A_613 : i32 to index
          %swap3A_636 = arith.constant 32 : index
          %swap3A_637 = tpu.vector_load %arg10[%swap3A_635, %swap3A_636] {strides = array<i32>} : memref<128x128xf32, #tpu.memory_space<vmem>>, vector<16xf32>,
          tpu.vector_store %arg10[%swap3A_635, %swap3A_636], %mul3A_634 {strides = array<i32>} : memref<128x128xf32, #tpu.memory_space<vmem>>, vector<16xf32>,
          %get3A_638 = arith.index_cast %add3A_613 : i32 to index
          %get3A_639 = arith.constant 48 : index
          %get3A_640 = tpu.vector_load %arg10[%get3A_638, %get3A_639] {strides = array<i32>} : memref<128x128xf32, #tpu.memory_space<vmem>>, vector<16xf32>,
          %mul3A_641 = arith.mulf %get3A_640, %broadcast_in_dim3A_616 : vector<16xf32>
          %swap3A_642 = arith.index_cast %add3A_613 : i32 to index
          %swap3A_643 = arith.constant 48 : index
          %swap3A_644 = tpu.vector_load %arg10[%swap3A_642, %swap3A_643] {strides = array<i32>} : memref<128x128xf32, #tpu.memory_space<vmem>>, vector<16xf32>,
          tpu.vector_store %arg10[%swap3A_642, %swap3A_643], %mul3A_641 {strides = array<i32>} : memref<128x128xf32, #tpu.memory_space<vmem>>, vector<16xf32>,
          %slice3A_645 = vector.extract_strided_slice %get3A_84 {offsets = [8], sizes = [1], strides = [1]} : vector<16xf32> to vector<1xf32>
          %squeeze3A_646 = vector.extract %slice3A_645[0] : f32 from vector<1xf32>
          %broadcast_in_dim3A_647 = vector.broadcast %squeeze3A_646 : f32 to vector<16xf32>
          %get3A_648 = arith.index_cast %add3A_613 : i32 to index
          %get3A_649 = arith.constant 64 : index
          %get3A_650 = tpu.vector_load %arg10[%get3A_648, %get3A_649] {strides = array<i32>} : memref<128x128xf32, #tpu.memory_space<vmem>>, vector<16xf32>,
          %mul3A_651 = arith.mulf %get3A_650, %broadcast_in_dim3A_647 : vector<16xf32>
          %swap3A_652 = arith.index_cast %add3A_613 : i32 to index
          %swap3A_653 = arith.constant 64 : index
          %swap3A_654 = tpu.vector_load %arg10[%swap3A_652, %swap3A_653] {strides = array<i32>} : memref<128x128xf32, #tpu.memory_space<vmem>>, vector<16xf32>,
          tpu.vector_store %arg10[%swap3A_652, %swap3A_653], %mul3A_651 {strides = array<i32>} : memref<128x128xf32, #tpu.memory_space<vmem>>, vector<16xf32>,
          %get3A_655 = arith.index_cast %add3A_613 : i32 to index
          %get3A_656 = arith.constant 80 : index
          %get3A_657 = tpu.vector_load %arg10[%get3A_655, %get3A_656] {strides = array<i32>} : memref<128x128xf32, #tpu.memory_space<vmem>>, vector<16xf32>,
          %mul3A_658 = arith.mulf %get3A_657, %broadcast_in_dim3A_647 : vector<16xf32>
          %swap3A_659 = arith.index_cast %add3A_613 : i32 to index
          %swap3A_660 = arith.constant 80 : index
          %swap3A_661 = tpu.vector_load %arg10[%swap3A_659, %swap3A_660] {strides = array<i32>} : memref<128x128xf32, #tpu.memory_space<vmem>>, vector<16xf32>,
          tpu.vector_store %arg10[%swap3A_659, %swap3A_660], %mul3A_658 {strides = array<i32>} : memref<128x128xf32, #tpu.memory_space<vmem>>, vector<16xf32>,
          %get3A_662 = arith.index_cast %add3A_613 : i32 to index
          %get3A_663 = arith.constant 96 : index
          %get3A_664 = tpu.vector_load %arg10[%get3A_662, %get3A_663] {strides = array<i32>} : memref<128x128xf32, #tpu.memory_space<vmem>>, vector<16xf32>,
          %mul3A_665 = arith.mulf %get3A_664, %broadcast_in_dim3A_647 : vector<16xf32>
          %swap3A_666 = arith.index_cast %add3A_613 : i32 to index
          %swap3A_667 = arith.constant 96 : index
          %swap3A_668 = tpu.vector_load %arg10[%swap3A_666, %swap3A_667] {strides = array<i32>} : memref<128x128xf32, #tpu.memory_space<vmem>>, vector<16xf32>,
          tpu.vector_store %arg10[%swap3A_666, %swap3A_667], %mul3A_665 {strides = array<i32>} : memref<128x128xf32, #tpu.memory_space<vmem>>, vector<16xf32>,
          %get3A_669 = arith.index_cast %add3A_613 : i32 to index
          %get3A_670 = arith.constant 112 : index
          %get3A_671 = tpu.vector_load %arg10[%get3A_669, %get3A_670] {strides = array<i32>} : memref<128x128xf32, #tpu.memory_space<vmem>>, vector<16xf32>,
          %mul3A_672 = arith.mulf %get3A_671, %broadcast_in_dim3A_647 : vector<16xf32>
          %swap3A_673 = arith.index_cast %add3A_613 : i32 to index
          %swap3A_674 = arith.constant 112 : index
          %swap3A_675 = tpu.vector_load %arg10[%swap3A_673, %swap3A_674] {strides = array<i32>} : memref<128x128xf32, #tpu.memory_space<vmem>>, vector<16xf32>,
          tpu.vector_store %arg10[%swap3A_673, %swap3A_674], %mul3A_672 {strides = array<i32>} : memref<128x128xf32, #tpu.memory_space<vmem>>, vector<16xf32>,
          %mul3A_676 = arith.constant 16 : i32
          %mul3A_677 = arith.muli %scan3A_73, %mul3A_676 : i32
          %add3A_678 = arith.constant 9 : i32
          %add3A_679 = arith.addi %mul3A_677, %add3A_678 : i32
          %slice3A_680 = vector.extract_strided_slice %get3A_78 {offsets = [9], sizes = [1], strides = [1]} : vector<16xf32> to vector<1xf32>
          %squeeze3A_681 = vector.extract %slice3A_680[0] : f32 from vector<1xf32>
          %broadcast_in_dim3A_682 = vector.broadcast %squeeze3A_681 : f32 to vector<16xf32>
          %get3A_683 = arith.index_cast %add3A_679 : i32 to index
          %get3A_684 = arith.constant 0 : index
          %get3A_685 = tpu.vector_load %arg10[%get3A_683, %get3A_684] {strides = array<i32>} : memref<128x128xf32, #tpu.memory_space<vmem>>, vector<16xf32>,
          %mul3A_686 = arith.mulf %get3A_685, %broadcast_in_dim3A_682 : vector<16xf32>
          %swap3A_687 = arith.index_cast %add3A_679 : i32 to index
          %swap3A_688 = arith.constant 0 : index
          %swap3A_689 = tpu.vector_load %arg10[%swap3A_687, %swap3A_688] {strides = array<i32>} : memref<128x128xf32, #tpu.memory_space<vmem>>, vector<16xf32>,
          tpu.vector_store %arg10[%swap3A_687, %swap3A_688], %mul3A_686 {strides = array<i32>} : memref<128x128xf32, #tpu.memory_space<vmem>>, vector<16xf32>,
          %get3A_690 = arith.index_cast %add3A_679 : i32 to index
          %get3A_691 = arith.constant 16 : index
          %get3A_692 = tpu.vector_load %arg10[%get3A_690, %get3A_691] {strides = array<i32>} : memref<128x128xf32, #tpu.memory_space<vmem>>, vector<16xf32>,
          %mul3A_693 = arith.mulf %get3A_692, %broadcast_in_dim3A_682 : vector<16xf32>
          %swap3A_694 = arith.index_cast %add3A_679 : i32 to index
          %swap3A_695 = arith.constant 16 : index
          %swap3A_696 = tpu.vector_load %arg10[%swap3A_694, %swap3A_695] {strides = array<i32>} : memref<128x128xf32, #tpu.memory_space<vmem>>, vector<16xf32>,
          tpu.vector_store %arg10[%swap3A_694, %swap3A_695], %mul3A_693 {strides = array<i32>} : memref<128x128xf32, #tpu.memory_space<vmem>>, vector<16xf32>,
          %get3A_697 = arith.index_cast %add3A_679 : i32 to index
          %get3A_698 = arith.constant 32 : index
          %get3A_699 = tpu.vector_load %arg10[%get3A_697, %get3A_698] {strides = array<i32>} : memref<128x128xf32, #tpu.memory_space<vmem>>, vector<16xf32>,
          %mul3A_700 = arith.mulf %get3A_699, %broadcast_in_dim3A_682 : vector<16xf32>
          %swap3A_701 = arith.index_cast %add3A_679 : i32 to index
          %swap3A_702 = arith.constant 32 : index
          %swap3A_703 = tpu.vector_load %arg10[%swap3A_701, %swap3A_702] {strides = array<i32>} : memref<128x128xf32, #tpu.memory_space<vmem>>, vector<16xf32>,
          tpu.vector_store %arg10[%swap3A_701, %swap3A_702], %mul3A_700 {strides = array<i32>} : memref<128x128xf32, #tpu.memory_space<vmem>>, vector<16xf32>,
          %get3A_704 = arith.index_cast %add3A_679 : i32 to index
          %get3A_705 = arith.constant 48 : index
          %get3A_706 = tpu.vector_load %arg10[%get3A_704, %get3A_705] {strides = array<i32>} : memref<128x128xf32, #tpu.memory_space<vmem>>, vector<16xf32>,
          %mul3A_707 = arith.mulf %get3A_706, %broadcast_in_dim3A_682 : vector<16xf32>
          %swap3A_708 = arith.index_cast %add3A_679 : i32 to index
          %swap3A_709 = arith.constant 48 : index
          %swap3A_710 = tpu.vector_load %arg10[%swap3A_708, %swap3A_709] {strides = array<i32>} : memref<128x128xf32, #tpu.memory_space<vmem>>, vector<16xf32>,
          tpu.vector_store %arg10[%swap3A_708, %swap3A_709], %mul3A_707 {strides = array<i32>} : memref<128x128xf32, #tpu.memory_space<vmem>>, vector<16xf32>,
          %slice3A_711 = vector.extract_strided_slice %get3A_84 {offsets = [9], sizes = [1], strides = [1]} : vector<16xf32> to vector<1xf32>
          %squeeze3A_712 = vector.extract %slice3A_711[0] : f32 from vector<1xf32>
          %broadcast_in_dim3A_713 = vector.broadcast %squeeze3A_712 : f32 to vector<16xf32>
          %get3A_714 = arith.index_cast %add3A_679 : i32 to index
          %get3A_715 = arith.constant 64 : index
          %get3A_716 = tpu.vector_load %arg10[%get3A_714, %get3A_715] {strides = array<i32>} : memref<128x128xf32, #tpu.memory_space<vmem>>, vector<16xf32>,
          %mul3A_717 = arith.mulf %get3A_716, %broadcast_in_dim3A_713 : vector<16xf32>
          %swap3A_718 = arith.index_cast %add3A_679 : i32 to index
          %swap3A_719 = arith.constant 64 : index
          %swap3A_720 = tpu.vector_load %arg10[%swap3A_718, %swap3A_719] {strides = array<i32>} : memref<128x128xf32, #tpu.memory_space<vmem>>, vector<16xf32>,
          tpu.vector_store %arg10[%swap3A_718, %swap3A_719], %mul3A_717 {strides = array<i32>} : memref<128x128xf32, #tpu.memory_space<vmem>>, vector<16xf32>,
          %get3A_721 = arith.index_cast %add3A_679 : i32 to index
          %get3A_722 = arith.constant 80 : index
          %get3A_723 = tpu.vector_load %arg10[%get3A_721, %get3A_722] {strides = array<i32>} : memref<128x128xf32, #tpu.memory_space<vmem>>, vector<16xf32>,
          %mul3A_724 = arith.mulf %get3A_723, %broadcast_in_dim3A_713 : vector<16xf32>
          %swap3A_725 = arith.index_cast %add3A_679 : i32 to index
          %swap3A_726 = arith.constant 80 : index
          %swap3A_727 = tpu.vector_load %arg10[%swap3A_725, %swap3A_726] {strides = array<i32>} : memref<128x128xf32, #tpu.memory_space<vmem>>, vector<16xf32>,
          tpu.vector_store %arg10[%swap3A_725, %swap3A_726], %mul3A_724 {strides = array<i32>} : memref<128x128xf32, #tpu.memory_space<vmem>>, vector<16xf32>,
          %get3A_728 = arith.index_cast %add3A_679 : i32 to index
          %get3A_729 = arith.constant 96 : index
          %get3A_730 = tpu.vector_load %arg10[%get3A_728, %get3A_729] {strides = array<i32>} : memref<128x128xf32, #tpu.memory_space<vmem>>, vector<16xf32>,
          %mul3A_731 = arith.mulf %get3A_730, %broadcast_in_dim3A_713 : vector<16xf32>
          %swap3A_732 = arith.index_cast %add3A_679 : i32 to index
          %swap3A_733 = arith.constant 96 : index
          %swap3A_734 = tpu.vector_load %arg10[%swap3A_732, %swap3A_733] {strides = array<i32>} : memref<128x128xf32, #tpu.memory_space<vmem>>, vector<16xf32>,
          tpu.vector_store %arg10[%swap3A_732, %swap3A_733], %mul3A_731 {strides = array<i32>} : memref<128x128xf32, #tpu.memory_space<vmem>>, vector<16xf32>,
          %get3A_735 = arith.index_cast %add3A_679 : i32 to index
          %get3A_736 = arith.constant 112 : index
          %get3A_737 = tpu.vector_load %arg10[%get3A_735, %get3A_736] {strides = array<i32>} : memref<128x128xf32, #tpu.memory_space<vmem>>, vector<16xf32>,
          %mul3A_738 = arith.mulf %get3A_737, %broadcast_in_dim3A_713 : vector<16xf32>
          %swap3A_739 = arith.index_cast %add3A_679 : i32 to index
          %swap3A_740 = arith.constant 112 : index
          %swap3A_741 = tpu.vector_load %arg10[%swap3A_739, %swap3A_740] {strides = array<i32>} : memref<128x128xf32, #tpu.memory_space<vmem>>, vector<16xf32>,
          tpu.vector_store %arg10[%swap3A_739, %swap3A_740], %mul3A_738 {strides = array<i32>} : memref<128x128xf32, #tpu.memory_space<vmem>>, vector<16xf32>,
          %mul3A_742 = arith.constant 16 : i32
          %mul3A_743 = arith.muli %scan3A_73, %mul3A_742 : i32
          %add3A_744 = arith.constant 10 : i32
          %add3A_745 = arith.addi %mul3A_743, %add3A_744 : i32
          %slice3A_746 = vector.extract_strided_slice %get3A_78 {offsets = [10], sizes = [1], strides = [1]} : vector<16xf32> to vector<1xf32>
          %squeeze3A_747 = vector.extract %slice3A_746[0] : f32 from vector<1xf32>
          %broadcast_in_dim3A_748 = vector.broadcast %squeeze3A_747 : f32 to vector<16xf32>
          %get3A_749 = arith.index_cast %add3A_745 : i32 to index
          %get3A_750 = arith.constant 0 : index
          %get3A_751 = tpu.vector_load %arg10[%get3A_749, %get3A_750] {strides = array<i32>} : memref<128x128xf32, #tpu.memory_space<vmem>>, vector<16xf32>,
          %mul3A_752 = arith.mulf %get3A_751, %broadcast_in_dim3A_748 : vector<16xf32>
          %swap3A_753 = arith.index_cast %add3A_745 : i32 to index
          %swap3A_754 = arith.constant 0 : index
          %swap3A_755 = tpu.vector_load %arg10[%swap3A_753, %swap3A_754] {strides = array<i32>} : memref<128x128xf32, #tpu.memory_space<vmem>>, vector<16xf32>,
          tpu.vector_store %arg10[%swap3A_753, %swap3A_754], %mul3A_752 {strides = array<i32>} : memref<128x128xf32, #tpu.memory_space<vmem>>, vector<16xf32>,
          %get3A_756 = arith.index_cast %add3A_745 : i32 to index
          %get3A_757 = arith.constant 16 : index
          %get3A_758 = tpu.vector_load %arg10[%get3A_756, %get3A_757] {strides = array<i32>} : memref<128x128xf32, #tpu.memory_space<vmem>>, vector<16xf32>,
          %mul3A_759 = arith.mulf %get3A_758, %broadcast_in_dim3A_748 : vector<16xf32>
          %swap3A_760 = arith.index_cast %add3A_745 : i32 to index
          %swap3A_761 = arith.constant 16 : index
          %swap3A_762 = tpu.vector_load %arg10[%swap3A_760, %swap3A_761] {strides = array<i32>} : memref<128x128xf32, #tpu.memory_space<vmem>>, vector<16xf32>,
          tpu.vector_store %arg10[%swap3A_760, %swap3A_761], %mul3A_759 {strides = array<i32>} : memref<128x128xf32, #tpu.memory_space<vmem>>, vector<16xf32>,
          %get3A_763 = arith.index_cast %add3A_745 : i32 to index
          %get3A_764 = arith.constant 32 : index
          %get3A_765 = tpu.vector_load %arg10[%get3A_763, %get3A_764] {strides = array<i32>} : memref<128x128xf32, #tpu.memory_space<vmem>>, vector<16xf32>,
          %mul3A_766 = arith.mulf %get3A_765, %broadcast_in_dim3A_748 : vector<16xf32>
          %swap3A_767 = arith.index_cast %add3A_745 : i32 to index
          %swap3A_768 = arith.constant 32 : index
          %swap3A_769 = tpu.vector_load %arg10[%swap3A_767, %swap3A_768] {strides = array<i32>} : memref<128x128xf32, #tpu.memory_space<vmem>>, vector<16xf32>,
          tpu.vector_store %arg10[%swap3A_767, %swap3A_768], %mul3A_766 {strides = array<i32>} : memref<128x128xf32, #tpu.memory_space<vmem>>, vector<16xf32>,
          %get3A_770 = arith.index_cast %add3A_745 : i32 to index
          %get3A_771 = arith.constant 48 : index
          %get3A_772 = tpu.vector_load %arg10[%get3A_770, %get3A_771] {strides = array<i32>} : memref<128x128xf32, #tpu.memory_space<vmem>>, vector<16xf32>,
          %mul3A_773 = arith.mulf %get3A_772, %broadcast_in_dim3A_748 : vector<16xf32>
          %swap3A_774 = arith.index_cast %add3A_745 : i32 to index
          %swap3A_775 = arith.constant 48 : index
          %swap3A_776 = tpu.vector_load %arg10[%swap3A_774, %swap3A_775] {strides = array<i32>} : memref<128x128xf32, #tpu.memory_space<vmem>>, vector<16xf32>,
          tpu.vector_store %arg10[%swap3A_774, %swap3A_775], %mul3A_773 {strides = array<i32>} : memref<128x128xf32, #tpu.memory_space<vmem>>, vector<16xf32>,
          %slice3A_777 = vector.extract_strided_slice %get3A_84 {offsets = [10], sizes = [1], strides = [1]} : vector<16xf32> to vector<1xf32>
          %squeeze3A_778 = vector.extract %slice3A_777[0] : f32 from vector<1xf32>
          %broadcast_in_dim3A_779 = vector.broadcast %squeeze3A_778 : f32 to vector<16xf32>
          %get3A_780 = arith.index_cast %add3A_745 : i32 to index
          %get3A_781 = arith.constant 64 : index
          %get3A_782 = tpu.vector_load %arg10[%get3A_780, %get3A_781] {strides = array<i32>} : memref<128x128xf32, #tpu.memory_space<vmem>>, vector<16xf32>,
          %mul3A_783 = arith.mulf %get3A_782, %broadcast_in_dim3A_779 : vector<16xf32>
          %swap3A_784 = arith.index_cast %add3A_745 : i32 to index
          %swap3A_785 = arith.constant 64 : index
          %swap3A_786 = tpu.vector_load %arg10[%swap3A_784, %swap3A_785] {strides = array<i32>} : memref<128x128xf32, #tpu.memory_space<vmem>>, vector<16xf32>,
          tpu.vector_store %arg10[%swap3A_784, %swap3A_785], %mul3A_783 {strides = array<i32>} : memref<128x128xf32, #tpu.memory_space<vmem>>, vector<16xf32>,
          %get3A_787 = arith.index_cast %add3A_745 : i32 to index
          %get3A_788 = arith.constant 80 : index
          %get3A_789 = tpu.vector_load %arg10[%get3A_787, %get3A_788] {strides = array<i32>} : memref<128x128xf32, #tpu.memory_space<vmem>>, vector<16xf32>,
          %mul3A_790 = arith.mulf %get3A_789, %broadcast_in_dim3A_779 : vector<16xf32>
          %swap3A_791 = arith.index_cast %add3A_745 : i32 to index
          %swap3A_792 = arith.constant 80 : index
          %swap3A_793 = tpu.vector_load %arg10[%swap3A_791, %swap3A_792] {strides = array<i32>} : memref<128x128xf32, #tpu.memory_space<vmem>>, vector<16xf32>,
          tpu.vector_store %arg10[%swap3A_791, %swap3A_792], %mul3A_790 {strides = array<i32>} : memref<128x128xf32, #tpu.memory_space<vmem>>, vector<16xf32>,
          %get3A_794 = arith.index_cast %add3A_745 : i32 to index
          %get3A_795 = arith.constant 96 : index
          %get3A_796 = tpu.vector_load %arg10[%get3A_794, %get3A_795] {strides = array<i32>} : memref<128x128xf32, #tpu.memory_space<vmem>>, vector<16xf32>,
          %mul3A_797 = arith.mulf %get3A_796, %broadcast_in_dim3A_779 : vector<16xf32>
          %swap3A_798 = arith.index_cast %add3A_745 : i32 to index
          %swap3A_799 = arith.constant 96 : index
          %swap3A_800 = tpu.vector_load %arg10[%swap3A_798, %swap3A_799] {strides = array<i32>} : memref<128x128xf32, #tpu.memory_space<vmem>>, vector<16xf32>,
          tpu.vector_store %arg10[%swap3A_798, %swap3A_799], %mul3A_797 {strides = array<i32>} : memref<128x128xf32, #tpu.memory_space<vmem>>, vector<16xf32>,
          %get3A_801 = arith.index_cast %add3A_745 : i32 to index
          %get3A_802 = arith.constant 112 : index
          %get3A_803 = tpu.vector_load %arg10[%get3A_801, %get3A_802] {strides = array<i32>} : memref<128x128xf32, #tpu.memory_space<vmem>>, vector<16xf32>,
          %mul3A_804 = arith.mulf %get3A_803, %broadcast_in_dim3A_779 : vector<16xf32>
          %swap3A_805 = arith.index_cast %add3A_745 : i32 to index
          %swap3A_806 = arith.constant 112 : index
          %swap3A_807 = tpu.vector_load %arg10[%swap3A_805, %swap3A_806] {strides = array<i32>} : memref<128x128xf32, #tpu.memory_space<vmem>>, vector<16xf32>,
          tpu.vector_store %arg10[%swap3A_805, %swap3A_806], %mul3A_804 {strides = array<i32>} : memref<128x128xf32, #tpu.memory_space<vmem>>, vector<16xf32>,
          %mul3A_808 = arith.constant 16 : i32
          %mul3A_809 = arith.muli %scan3A_73, %mul3A_808 : i32
          %add3A_810 = arith.constant 11 : i32
          %add3A_811 = arith.addi %mul3A_809, %add3A_810 : i32
          %slice3A_812 = vector.extract_strided_slice %get3A_78 {offsets = [11], sizes = [1], strides = [1]} : vector<16xf32> to vector<1xf32>
          %squeeze3A_813 = vector.extract %slice3A_812[0] : f32 from vector<1xf32>
          %broadcast_in_dim3A_814 = vector.broadcast %squeeze3A_813 : f32 to vector<16xf32>
          %get3A_815 = arith.index_cast %add3A_811 : i32 to index
          %get3A_816 = arith.constant 0 : index
          %get3A_817 = tpu.vector_load %arg10[%get3A_815, %get3A_816] {strides = array<i32>} : memref<128x128xf32, #tpu.memory_space<vmem>>, vector<16xf32>,
          %mul3A_818 = arith.mulf %get3A_817, %broadcast_in_dim3A_814 : vector<16xf32>
          %swap3A_819 = arith.index_cast %add3A_811 : i32 to index
          %swap3A_820 = arith.constant 0 : index
          %swap3A_821 = tpu.vector_load %arg10[%swap3A_819, %swap3A_820] {strides = array<i32>} : memref<128x128xf32, #tpu.memory_space<vmem>>, vector<16xf32>,
          tpu.vector_store %arg10[%swap3A_819, %swap3A_820], %mul3A_818 {strides = array<i32>} : memref<128x128xf32, #tpu.memory_space<vmem>>, vector<16xf32>,
          %get3A_822 = arith.index_cast %add3A_811 : i32 to index
          %get3A_823 = arith.constant 16 : index
          %get3A_824 = tpu.vector_load %arg10[%get3A_822, %get3A_823] {strides = array<i32>} : memref<128x128xf32, #tpu.memory_space<vmem>>, vector<16xf32>,
          %mul3A_825 = arith.mulf %get3A_824, %broadcast_in_dim3A_814 : vector<16xf32>
          %swap3A_826 = arith.index_cast %add3A_811 : i32 to index
          %swap3A_827 = arith.constant 16 : index
          %swap3A_828 = tpu.vector_load %arg10[%swap3A_826, %swap3A_827] {strides = array<i32>} : memref<128x128xf32, #tpu.memory_space<vmem>>, vector<16xf32>,
          tpu.vector_store %arg10[%swap3A_826, %swap3A_827], %mul3A_825 {strides = array<i32>} : memref<128x128xf32, #tpu.memory_space<vmem>>, vector<16xf32>,
          %get3A_829 = arith.index_cast %add3A_811 : i32 to index
          %get3A_830 = arith.constant 32 : index
          %get3A_831 = tpu.vector_load %arg10[%get3A_829, %get3A_830] {strides = array<i32>} : memref<128x128xf32, #tpu.memory_space<vmem>>, vector<16xf32>,
          %mul3A_832 = arith.mulf %get3A_831, %broadcast_in_dim3A_814 : vector<16xf32>
          %swap3A_833 = arith.index_cast %add3A_811 : i32 to index
          %swap3A_834 = arith.constant 32 : index
          %swap3A_835 = tpu.vector_load %arg10[%swap3A_833, %swap3A_834] {strides = array<i32>} : memref<128x128xf32, #tpu.memory_space<vmem>>, vector<16xf32>,
          tpu.vector_store %arg10[%swap3A_833, %swap3A_834], %mul3A_832 {strides = array<i32>} : memref<128x128xf32, #tpu.memory_space<vmem>>, vector<16xf32>,
          %get3A_836 = arith.index_cast %add3A_811 : i32 to index
          %get3A_837 = arith.constant 48 : index
          %get3A_838 = tpu.vector_load %arg10[%get3A_836, %get3A_837] {strides = array<i32>} : memref<128x128xf32, #tpu.memory_space<vmem>>, vector<16xf32>,
          %mul3A_839 = arith.mulf %get3A_838, %broadcast_in_dim3A_814 : vector<16xf32>
          %swap3A_840 = arith.index_cast %add3A_811 : i32 to index
          %swap3A_841 = arith.constant 48 : index
          %swap3A_842 = tpu.vector_load %arg10[%swap3A_840, %swap3A_841] {strides = array<i32>} : memref<128x128xf32, #tpu.memory_space<vmem>>, vector<16xf32>,
          tpu.vector_store %arg10[%swap3A_840, %swap3A_841], %mul3A_839 {strides = array<i32>} : memref<128x128xf32, #tpu.memory_space<vmem>>, vector<16xf32>,
          %slice3A_843 = vector.extract_strided_slice %get3A_84 {offsets = [11], sizes = [1], strides = [1]} : vector<16xf32> to vector<1xf32>
          %squeeze3A_844 = vector.extract %slice3A_843[0] : f32 from vector<1xf32>
          %broadcast_in_dim3A_845 = vector.broadcast %squeeze3A_844 : f32 to vector<16xf32>
          %get3A_846 = arith.index_cast %add3A_811 : i32 to index
          %get3A_847 = arith.constant 64 : index
          %get3A_848 = tpu.vector_load %arg10[%get3A_846, %get3A_847] {strides = array<i32>} : memref<128x128xf32, #tpu.memory_space<vmem>>, vector<16xf32>,
          %mul3A_849 = arith.mulf %get3A_848, %broadcast_in_dim3A_845 : vector<16xf32>
          %swap3A_850 = arith.index_cast %add3A_811 : i32 to index
          %swap3A_851 = arith.constant 64 : index
          %swap3A_852 = tpu.vector_load %arg10[%swap3A_850, %swap3A_851] {strides = array<i32>} : memref<128x128xf32, #tpu.memory_space<vmem>>, vector<16xf32>,
          tpu.vector_store %arg10[%swap3A_850, %swap3A_851], %mul3A_849 {strides = array<i32>} : memref<128x128xf32, #tpu.memory_space<vmem>>, vector<16xf32>,
          %get3A_853 = arith.index_cast %add3A_811 : i32 to index
          %get3A_854 = arith.constant 80 : index
          %get3A_855 = tpu.vector_load %arg10[%get3A_853, %get3A_854] {strides = array<i32>} : memref<128x128xf32, #tpu.memory_space<vmem>>, vector<16xf32>,
          %mul3A_856 = arith.mulf %get3A_855, %broadcast_in_dim3A_845 : vector<16xf32>
          %swap3A_857 = arith.index_cast %add3A_811 : i32 to index
          %swap3A_858 = arith.constant 80 : index
          %swap3A_859 = tpu.vector_load %arg10[%swap3A_857, %swap3A_858] {strides = array<i32>} : memref<128x128xf32, #tpu.memory_space<vmem>>, vector<16xf32>,
          tpu.vector_store %arg10[%swap3A_857, %swap3A_858], %mul3A_856 {strides = array<i32>} : memref<128x128xf32, #tpu.memory_space<vmem>>, vector<16xf32>,
          %get3A_860 = arith.index_cast %add3A_811 : i32 to index
          %get3A_861 = arith.constant 96 : index
          %get3A_862 = tpu.vector_load %arg10[%get3A_860, %get3A_861] {strides = array<i32>} : memref<128x128xf32, #tpu.memory_space<vmem>>, vector<16xf32>,
          %mul3A_863 = arith.mulf %get3A_862, %broadcast_in_dim3A_845 : vector<16xf32>
          %swap3A_864 = arith.index_cast %add3A_811 : i32 to index
          %swap3A_865 = arith.constant 96 : index
          %swap3A_866 = tpu.vector_load %arg10[%swap3A_864, %swap3A_865] {strides = array<i32>} : memref<128x128xf32, #tpu.memory_space<vmem>>, vector<16xf32>,
          tpu.vector_store %arg10[%swap3A_864, %swap3A_865], %mul3A_863 {strides = array<i32>} : memref<128x128xf32, #tpu.memory_space<vmem>>, vector<16xf32>,
          %get3A_867 = arith.index_cast %add3A_811 : i32 to index
          %get3A_868 = arith.constant 112 : index
          %get3A_869 = tpu.vector_load %arg10[%get3A_867, %get3A_868] {strides = array<i32>} : memref<128x128xf32, #tpu.memory_space<vmem>>, vector<16xf32>,
          %mul3A_870 = arith.mulf %get3A_869, %broadcast_in_dim3A_845 : vector<16xf32>
          %swap3A_871 = arith.index_cast %add3A_811 : i32 to index
          %swap3A_872 = arith.constant 112 : index
          %swap3A_873 = tpu.vector_load %arg10[%swap3A_871, %swap3A_872] {strides = array<i32>} : memref<128x128xf32, #tpu.memory_space<vmem>>, vector<16xf32>,
          tpu.vector_store %arg10[%swap3A_871, %swap3A_872], %mul3A_870 {strides = array<i32>} : memref<128x128xf32, #tpu.memory_space<vmem>>, vector<16xf32>,
          %mul3A_874 = arith.constant 16 : i32
          %mul3A_875 = arith.muli %scan3A_73, %mul3A_874 : i32
          %add3A_876 = arith.constant 12 : i32
          %add3A_877 = arith.addi %mul3A_875, %add3A_876 : i32
          %slice3A_878 = vector.extract_strided_slice %get3A_78 {offsets = [12], sizes = [1], strides = [1]} : vector<16xf32> to vector<1xf32>
          %squeeze3A_879 = vector.extract %slice3A_878[0] : f32 from vector<1xf32>
          %broadcast_in_dim3A_880 = vector.broadcast %squeeze3A_879 : f32 to vector<16xf32>
          %get3A_881 = arith.index_cast %add3A_877 : i32 to index
          %get3A_882 = arith.constant 0 : index
          %get3A_883 = tpu.vector_load %arg10[%get3A_881, %get3A_882] {strides = array<i32>} : memref<128x128xf32, #tpu.memory_space<vmem>>, vector<16xf32>,
          %mul3A_884 = arith.mulf %get3A_883, %broadcast_in_dim3A_880 : vector<16xf32>
          %swap3A_885 = arith.index_cast %add3A_877 : i32 to index
          %swap3A_886 = arith.constant 0 : index
          %swap3A_887 = tpu.vector_load %arg10[%swap3A_885, %swap3A_886] {strides = array<i32>} : memref<128x128xf32, #tpu.memory_space<vmem>>, vector<16xf32>,
          tpu.vector_store %arg10[%swap3A_885, %swap3A_886], %mul3A_884 {strides = array<i32>} : memref<128x128xf32, #tpu.memory_space<vmem>>, vector<16xf32>,
          %get3A_888 = arith.index_cast %add3A_877 : i32 to index
          %get3A_889 = arith.constant 16 : index
          %get3A_890 = tpu.vector_load %arg10[%get3A_888, %get3A_889] {strides = array<i32>} : memref<128x128xf32, #tpu.memory_space<vmem>>, vector<16xf32>,
          %mul3A_891 = arith.mulf %get3A_890, %broadcast_in_dim3A_880 : vector<16xf32>
          %swap3A_892 = arith.index_cast %add3A_877 : i32 to index
          %swap3A_893 = arith.constant 16 : index
          %swap3A_894 = tpu.vector_load %arg10[%swap3A_892, %swap3A_893] {strides = array<i32>} : memref<128x128xf32, #tpu.memory_space<vmem>>, vector<16xf32>,
          tpu.vector_store %arg10[%swap3A_892, %swap3A_893], %mul3A_891 {strides = array<i32>} : memref<128x128xf32, #tpu.memory_space<vmem>>, vector<16xf32>,
          %get3A_895 = arith.index_cast %add3A_877 : i32 to index
          %get3A_896 = arith.constant 32 : index
          %get3A_897 = tpu.vector_load %arg10[%get3A_895, %get3A_896] {strides = array<i32>} : memref<128x128xf32, #tpu.memory_space<vmem>>, vector<16xf32>,
          %mul3A_898 = arith.mulf %get3A_897, %broadcast_in_dim3A_880 : vector<16xf32>
          %swap3A_899 = arith.index_cast %add3A_877 : i32 to index
          %swap3A_900 = arith.constant 32 : index
          %swap3A_901 = tpu.vector_load %arg10[%swap3A_899, %swap3A_900] {strides = array<i32>} : memref<128x128xf32, #tpu.memory_space<vmem>>, vector<16xf32>,
          tpu.vector_store %arg10[%swap3A_899, %swap3A_900], %mul3A_898 {strides = array<i32>} : memref<128x128xf32, #tpu.memory_space<vmem>>, vector<16xf32>,
          %get3A_902 = arith.index_cast %add3A_877 : i32 to index
          %get3A_903 = arith.constant 48 : index
          %get3A_904 = tpu.vector_load %arg10[%get3A_902, %get3A_903] {strides = array<i32>} : memref<128x128xf32, #tpu.memory_space<vmem>>, vector<16xf32>,
          %mul3A_905 = arith.mulf %get3A_904, %broadcast_in_dim3A_880 : vector<16xf32>
          %swap3A_906 = arith.index_cast %add3A_877 : i32 to index
          %swap3A_907 = arith.constant 48 : index
          %swap3A_908 = tpu.vector_load %arg10[%swap3A_906, %swap3A_907] {strides = array<i32>} : memref<128x128xf32, #tpu.memory_space<vmem>>, vector<16xf32>,
          tpu.vector_store %arg10[%swap3A_906, %swap3A_907], %mul3A_905 {strides = array<i32>} : memref<128x128xf32, #tpu.memory_space<vmem>>, vector<16xf32>,
          %slice3A_909 = vector.extract_strided_slice %get3A_84 {offsets = [12], sizes = [1], strides = [1]} : vector<16xf32> to vector<1xf32>
          %squeeze3A_910 = vector.extract %slice3A_909[0] : f32 from vector<1xf32>
          %broadcast_in_dim3A_911 = vector.broadcast %squeeze3A_910 : f32 to vector<16xf32>
          %get3A_912 = arith.index_cast %add3A_877 : i32 to index
          %get3A_913 = arith.constant 64 : index
          %get3A_914 = tpu.vector_load %arg10[%get3A_912, %get3A_913] {strides = array<i32>} : memref<128x128xf32, #tpu.memory_space<vmem>>, vector<16xf32>,
          %mul3A_915 = arith.mulf %get3A_914, %broadcast_in_dim3A_911 : vector<16xf32>
          %swap3A_916 = arith.index_cast %add3A_877 : i32 to index
          %swap3A_917 = arith.constant 64 : index
          %swap3A_918 = tpu.vector_load %arg10[%swap3A_916, %swap3A_917] {strides = array<i32>} : memref<128x128xf32, #tpu.memory_space<vmem>>, vector<16xf32>,
          tpu.vector_store %arg10[%swap3A_916, %swap3A_917], %mul3A_915 {strides = array<i32>} : memref<128x128xf32, #tpu.memory_space<vmem>>, vector<16xf32>,
          %get3A_919 = arith.index_cast %add3A_877 : i32 to index
          %get3A_920 = arith.constant 80 : index
          %get3A_921 = tpu.vector_load %arg10[%get3A_919, %get3A_920] {strides = array<i32>} : memref<128x128xf32, #tpu.memory_space<vmem>>, vector<16xf32>,
          %mul3A_922 = arith.mulf %get3A_921, %broadcast_in_dim3A_911 : vector<16xf32>
          %swap3A_923 = arith.index_cast %add3A_877 : i32 to index
          %swap3A_924 = arith.constant 80 : index
          %swap3A_925 = tpu.vector_load %arg10[%swap3A_923, %swap3A_924] {strides = array<i32>} : memref<128x128xf32, #tpu.memory_space<vmem>>, vector<16xf32>,
          tpu.vector_store %arg10[%swap3A_923, %swap3A_924], %mul3A_922 {strides = array<i32>} : memref<128x128xf32, #tpu.memory_space<vmem>>, vector<16xf32>,
          %get3A_926 = arith.index_cast %add3A_877 : i32 to index
          %get3A_927 = arith.constant 96 : index
          %get3A_928 = tpu.vector_load %arg10[%get3A_926, %get3A_927] {strides = array<i32>} : memref<128x128xf32, #tpu.memory_space<vmem>>, vector<16xf32>,
          %mul3A_929 = arith.mulf %get3A_928, %broadcast_in_dim3A_911 : vector<16xf32>
          %swap3A_930 = arith.index_cast %add3A_877 : i32 to index
          %swap3A_931 = arith.constant 96 : index
          %swap3A_932 = tpu.vector_load %arg10[%swap3A_930, %swap3A_931] {strides = array<i32>} : memref<128x128xf32, #tpu.memory_space<vmem>>, vector<16xf32>,
          tpu.vector_store %arg10[%swap3A_930, %swap3A_931], %mul3A_929 {strides = array<i32>} : memref<128x128xf32, #tpu.memory_space<vmem>>, vector<16xf32>,
          %get3A_933 = arith.index_cast %add3A_877 : i32 to index
          %get3A_934 = arith.constant 112 : index
          %get3A_935 = tpu.vector_load %arg10[%get3A_933, %get3A_934] {strides = array<i32>} : memref<128x128xf32, #tpu.memory_space<vmem>>, vector<16xf32>,
          %mul3A_936 = arith.mulf %get3A_935, %broadcast_in_dim3A_911 : vector<16xf32>
          %swap3A_937 = arith.index_cast %add3A_877 : i32 to index
          %swap3A_938 = arith.constant 112 : index
          %swap3A_939 = tpu.vector_load %arg10[%swap3A_937, %swap3A_938] {strides = array<i32>} : memref<128x128xf32, #tpu.memory_space<vmem>>, vector<16xf32>,
          tpu.vector_store %arg10[%swap3A_937, %swap3A_938], %mul3A_936 {strides = array<i32>} : memref<128x128xf32, #tpu.memory_space<vmem>>, vector<16xf32>,
          %mul3A_940 = arith.constant 16 : i32
          %mul3A_941 = arith.muli %scan3A_73, %mul3A_940 : i32
          %add3A_942 = arith.constant 13 : i32
          %add3A_943 = arith.addi %mul3A_941, %add3A_942 : i32
          %slice3A_944 = vector.extract_strided_slice %get3A_78 {offsets = [13], sizes = [1], strides = [1]} : vector<16xf32> to vector<1xf32>
          %squeeze3A_945 = vector.extract %slice3A_944[0] : f32 from vector<1xf32>
          %broadcast_in_dim3A_946 = vector.broadcast %squeeze3A_945 : f32 to vector<16xf32>
          %get3A_947 = arith.index_cast %add3A_943 : i32 to index
          %get3A_948 = arith.constant 0 : index
          %get3A_949 = tpu.vector_load %arg10[%get3A_947, %get3A_948] {strides = array<i32>} : memref<128x128xf32, #tpu.memory_space<vmem>>, vector<16xf32>,
          %mul3A_950 = arith.mulf %get3A_949, %broadcast_in_dim3A_946 : vector<16xf32>
          %swap3A_951 = arith.index_cast %add3A_943 : i32 to index
          %swap3A_952 = arith.constant 0 : index
          %swap3A_953 = tpu.vector_load %arg10[%swap3A_951, %swap3A_952] {strides = array<i32>} : memref<128x128xf32, #tpu.memory_space<vmem>>, vector<16xf32>,
          tpu.vector_store %arg10[%swap3A_951, %swap3A_952], %mul3A_950 {strides = array<i32>} : memref<128x128xf32, #tpu.memory_space<vmem>>, vector<16xf32>,
          %get3A_954 = arith.index_cast %add3A_943 : i32 to index
          %get3A_955 = arith.constant 16 : index
          %get3A_956 = tpu.vector_load %arg10[%get3A_954, %get3A_955] {strides = array<i32>} : memref<128x128xf32, #tpu.memory_space<vmem>>, vector<16xf32>,
          %mul3A_957 = arith.mulf %get3A_956, %broadcast_in_dim3A_946 : vector<16xf32>
          %swap3A_958 = arith.index_cast %add3A_943 : i32 to index
          %swap3A_959 = arith.constant 16 : index
          %swap3A_960 = tpu.vector_load %arg10[%swap3A_958, %swap3A_959] {strides = array<i32>} : memref<128x128xf32, #tpu.memory_space<vmem>>, vector<16xf32>,
          tpu.vector_store %arg10[%swap3A_958, %swap3A_959], %mul3A_957 {strides = array<i32>} : memref<128x128xf32, #tpu.memory_space<vmem>>, vector<16xf32>,
          %get3A_961 = arith.index_cast %add3A_943 : i32 to index
          %get3A_962 = arith.constant 32 : index
          %get3A_963 = tpu.vector_load %arg10[%get3A_961, %get3A_962] {strides = array<i32>} : memref<128x128xf32, #tpu.memory_space<vmem>>, vector<16xf32>,
          %mul3A_964 = arith.mulf %get3A_963, %broadcast_in_dim3A_946 : vector<16xf32>
          %swap3A_965 = arith.index_cast %add3A_943 : i32 to index
          %swap3A_966 = arith.constant 32 : index
          %swap3A_967 = tpu.vector_load %arg10[%swap3A_965, %swap3A_966] {strides = array<i32>} : memref<128x128xf32, #tpu.memory_space<vmem>>, vector<16xf32>,
          tpu.vector_store %arg10[%swap3A_965, %swap3A_966], %mul3A_964 {strides = array<i32>} : memref<128x128xf32, #tpu.memory_space<vmem>>, vector<16xf32>,
          %get3A_968 = arith.index_cast %add3A_943 : i32 to index
          %get3A_969 = arith.constant 48 : index
          %get3A_970 = tpu.vector_load %arg10[%get3A_968, %get3A_969] {strides = array<i32>} : memref<128x128xf32, #tpu.memory_space<vmem>>, vector<16xf32>,
          %mul3A_971 = arith.mulf %get3A_970, %broadcast_in_dim3A_946 : vector<16xf32>
          %swap3A_972 = arith.index_cast %add3A_943 : i32 to index
          %swap3A_973 = arith.constant 48 : index
          %swap3A_974 = tpu.vector_load %arg10[%swap3A_972, %swap3A_973] {strides = array<i32>} : memref<128x128xf32, #tpu.memory_space<vmem>>, vector<16xf32>,
          tpu.vector_store %arg10[%swap3A_972, %swap3A_973], %mul3A_971 {strides = array<i32>} : memref<128x128xf32, #tpu.memory_space<vmem>>, vector<16xf32>,
          %slice3A_975 = vector.extract_strided_slice %get3A_84 {offsets = [13], sizes = [1], strides = [1]} : vector<16xf32> to vector<1xf32>
          %squeeze3A_976 = vector.extract %slice3A_975[0] : f32 from vector<1xf32>
          %broadcast_in_dim3A_977 = vector.broadcast %squeeze3A_976 : f32 to vector<16xf32>
          %get3A_978 = arith.index_cast %add3A_943 : i32 to index
          %get3A_979 = arith.constant 64 : index
          %get3A_980 = tpu.vector_load %arg10[%get3A_978, %get3A_979] {strides = array<i32>} : memref<128x128xf32, #tpu.memory_space<vmem>>, vector<16xf32>,
          %mul3A_981 = arith.mulf %get3A_980, %broadcast_in_dim3A_977 : vector<16xf32>
          %swap3A_982 = arith.index_cast %add3A_943 : i32 to index
          %swap3A_983 = arith.constant 64 : index
          %swap3A_984 = tpu.vector_load %arg10[%swap3A_982, %swap3A_983] {strides = array<i32>} : memref<128x128xf32, #tpu.memory_space<vmem>>, vector<16xf32>,
          tpu.vector_store %arg10[%swap3A_982, %swap3A_983], %mul3A_981 {strides = array<i32>} : memref<128x128xf32, #tpu.memory_space<vmem>>, vector<16xf32>,
          %get3A_985 = arith.index_cast %add3A_943 : i32 to index
          %get3A_986 = arith.constant 80 : index
          %get3A_987 = tpu.vector_load %arg10[%get3A_985, %get3A_986] {strides = array<i32>} : memref<128x128xf32, #tpu.memory_space<vmem>>, vector<16xf32>,
          %mul3A_988 = arith.mulf %get3A_987, %broadcast_in_dim3A_977 : vector<16xf32>
          %swap3A_989 = arith.index_cast %add3A_943 : i32 to index
          %swap3A_990 = arith.constant 80 : index
          %swap3A_991 = tpu.vector_load %arg10[%swap3A_989, %swap3A_990] {strides = array<i32>} : memref<128x128xf32, #tpu.memory_space<vmem>>, vector<16xf32>,
          tpu.vector_store %arg10[%swap3A_989, %swap3A_990], %mul3A_988 {strides = array<i32>} : memref<128x128xf32, #tpu.memory_space<vmem>>, vector<16xf32>,
          %get3A_992 = arith.index_cast %add3A_943 : i32 to index
          %get3A_993 = arith.constant 96 : index
          %get3A_994 = tpu.vector_load %arg10[%get3A_992, %get3A_993] {strides = array<i32>} : memref<128x128xf32, #tpu.memory_space<vmem>>, vector<16xf32>,
          %mul3A_995 = arith.mulf %get3A_994, %broadcast_in_dim3A_977 : vector<16xf32>
          %swap3A_996 = arith.index_cast %add3A_943 : i32 to index
          %swap3A_997 = arith.constant 96 : index
          %swap3A_998 = tpu.vector_load %arg10[%swap3A_996, %swap3A_997] {strides = array<i32>} : memref<128x128xf32, #tpu.memory_space<vmem>>, vector<16xf32>,
          tpu.vector_store %arg10[%swap3A_996, %swap3A_997], %mul3A_995 {strides = array<i32>} : memref<128x128xf32, #tpu.memory_space<vmem>>, vector<16xf32>,
          %get3A_999 = arith.index_cast %add3A_943 : i32 to index
          %get3A_1000 = arith.constant 112 : index
          %get3A_1001 = tpu.vector_load %arg10[%get3A_999, %get3A_1000] {strides = array<i32>} : memref<128x128xf32, #tpu.memory_space<vmem>>, vector<16xf32>,
          %mul3A_1002 = arith.mulf %get3A_1001, %broadcast_in_dim3A_977 : vector<16xf32>
          %swap3A_1003 = arith.index_cast %add3A_943 : i32 to index
          %swap3A_1004 = arith.constant 112 : index
          %swap3A_1005 = tpu.vector_load %arg10[%swap3A_1003, %swap3A_1004] {strides = array<i32>} : memref<128x128xf32, #tpu.memory_space<vmem>>, vector<16xf32>,
          tpu.vector_store %arg10[%swap3A_1003, %swap3A_1004], %mul3A_1002 {strides = array<i32>} : memref<128x128xf32, #tpu.memory_space<vmem>>, vector<16xf32>,
          %mul3A_1006 = arith.constant 16 : i32
          %mul3A_1007 = arith.muli %scan3A_73, %mul3A_1006 : i32
          %add3A_1008 = arith.constant 14 : i32
          %add3A_1009 = arith.addi %mul3A_1007, %add3A_1008 : i32
          %slice3A_1010 = vector.extract_strided_slice %get3A_78 {offsets = [14], sizes = [1], strides = [1]} : vector<16xf32> to vector<1xf32>
          %squeeze3A_1011 = vector.extract %slice3A_1010[0] : f32 from vector<1xf32>
          %broadcast_in_dim3A_1012 = vector.broadcast %squeeze3A_1011 : f32 to vector<16xf32>
          %get3A_1013 = arith.index_cast %add3A_1009 : i32 to index
          %get3A_1014 = arith.constant 0 : index
          %get3A_1015 = tpu.vector_load %arg10[%get3A_1013, %get3A_1014] {strides = array<i32>} : memref<128x128xf32, #tpu.memory_space<vmem>>, vector<16xf32>,
          %mul3A_1016 = arith.mulf %get3A_1015, %broadcast_in_dim3A_1012 : vector<16xf32>
          %swap3A_1017 = arith.index_cast %add3A_1009 : i32 to index
          %swap3A_1018 = arith.constant 0 : index
          %swap3A_1019 = tpu.vector_load %arg10[%swap3A_1017, %swap3A_1018] {strides = array<i32>} : memref<128x128xf32, #tpu.memory_space<vmem>>, vector<16xf32>,
          tpu.vector_store %arg10[%swap3A_1017, %swap3A_1018], %mul3A_1016 {strides = array<i32>} : memref<128x128xf32, #tpu.memory_space<vmem>>, vector<16xf32>,
          %get3A_1020 = arith.index_cast %add3A_1009 : i32 to index
          %get3A_1021 = arith.constant 16 : index
          %get3A_1022 = tpu.vector_load %arg10[%get3A_1020, %get3A_1021] {strides = array<i32>} : memref<128x128xf32, #tpu.memory_space<vmem>>, vector<16xf32>,
          %mul3A_1023 = arith.mulf %get3A_1022, %broadcast_in_dim3A_1012 : vector<16xf32>
          %swap3A_1024 = arith.index_cast %add3A_1009 : i32 to index
          %swap3A_1025 = arith.constant 16 : index
          %swap3A_1026 = tpu.vector_load %arg10[%swap3A_1024, %swap3A_1025] {strides = array<i32>} : memref<128x128xf32, #tpu.memory_space<vmem>>, vector<16xf32>,
          tpu.vector_store %arg10[%swap3A_1024, %swap3A_1025], %mul3A_1023 {strides = array<i32>} : memref<128x128xf32, #tpu.memory_space<vmem>>, vector<16xf32>,
          %get3A_1027 = arith.index_cast %add3A_1009 : i32 to index
          %get3A_1028 = arith.constant 32 : index
          %get3A_1029 = tpu.vector_load %arg10[%get3A_1027, %get3A_1028] {strides = array<i32>} : memref<128x128xf32, #tpu.memory_space<vmem>>, vector<16xf32>,
          %mul3A_1030 = arith.mulf %get3A_1029, %broadcast_in_dim3A_1012 : vector<16xf32>
          %swap3A_1031 = arith.index_cast %add3A_1009 : i32 to index
          %swap3A_1032 = arith.constant 32 : index
          %swap3A_1033 = tpu.vector_load %arg10[%swap3A_1031, %swap3A_1032] {strides = array<i32>} : memref<128x128xf32, #tpu.memory_space<vmem>>, vector<16xf32>,
          tpu.vector_store %arg10[%swap3A_1031, %swap3A_1032], %mul3A_1030 {strides = array<i32>} : memref<128x128xf32, #tpu.memory_space<vmem>>, vector<16xf32>,
          %get3A_1034 = arith.index_cast %add3A_1009 : i32 to index
          %get3A_1035 = arith.constant 48 : index
          %get3A_1036 = tpu.vector_load %arg10[%get3A_1034, %get3A_1035] {strides = array<i32>} : memref<128x128xf32, #tpu.memory_space<vmem>>, vector<16xf32>,
          %mul3A_1037 = arith.mulf %get3A_1036, %broadcast_in_dim3A_1012 : vector<16xf32>
          %swap3A_1038 = arith.index_cast %add3A_1009 : i32 to index
          %swap3A_1039 = arith.constant 48 : index
          %swap3A_1040 = tpu.vector_load %arg10[%swap3A_1038, %swap3A_1039] {strides = array<i32>} : memref<128x128xf32, #tpu.memory_space<vmem>>, vector<16xf32>,
          tpu.vector_store %arg10[%swap3A_1038, %swap3A_1039], %mul3A_1037 {strides = array<i32>} : memref<128x128xf32, #tpu.memory_space<vmem>>, vector<16xf32>,
          %slice3A_1041 = vector.extract_strided_slice %get3A_84 {offsets = [14], sizes = [1], strides = [1]} : vector<16xf32> to vector<1xf32>
          %squeeze3A_1042 = vector.extract %slice3A_1041[0] : f32 from vector<1xf32>
          %broadcast_in_dim3A_1043 = vector.broadcast %squeeze3A_1042 : f32 to vector<16xf32>
          %get3A_1044 = arith.index_cast %add3A_1009 : i32 to index
          %get3A_1045 = arith.constant 64 : index
          %get3A_1046 = tpu.vector_load %arg10[%get3A_1044, %get3A_1045] {strides = array<i32>} : memref<128x128xf32, #tpu.memory_space<vmem>>, vector<16xf32>,
          %mul3A_1047 = arith.mulf %get3A_1046, %broadcast_in_dim3A_1043 : vector<16xf32>
          %swap3A_1048 = arith.index_cast %add3A_1009 : i32 to index
          %swap3A_1049 = arith.constant 64 : index
          %swap3A_1050 = tpu.vector_load %arg10[%swap3A_1048, %swap3A_1049] {strides = array<i32>} : memref<128x128xf32, #tpu.memory_space<vmem>>, vector<16xf32>,
          tpu.vector_store %arg10[%swap3A_1048, %swap3A_1049], %mul3A_1047 {strides = array<i32>} : memref<128x128xf32, #tpu.memory_space<vmem>>, vector<16xf32>,
          %get3A_1051 = arith.index_cast %add3A_1009 : i32 to index
          %get3A_1052 = arith.constant 80 : index
          %get3A_1053 = tpu.vector_load %arg10[%get3A_1051, %get3A_1052] {strides = array<i32>} : memref<128x128xf32, #tpu.memory_space<vmem>>, vector<16xf32>,
          %mul3A_1054 = arith.mulf %get3A_1053, %broadcast_in_dim3A_1043 : vector<16xf32>
          %swap3A_1055 = arith.index_cast %add3A_1009 : i32 to index
          %swap3A_1056 = arith.constant 80 : index
          %swap3A_1057 = tpu.vector_load %arg10[%swap3A_1055, %swap3A_1056] {strides = array<i32>} : memref<128x128xf32, #tpu.memory_space<vmem>>, vector<16xf32>,
          tpu.vector_store %arg10[%swap3A_1055, %swap3A_1056], %mul3A_1054 {strides = array<i32>} : memref<128x128xf32, #tpu.memory_space<vmem>>, vector<16xf32>,
          %get3A_1058 = arith.index_cast %add3A_1009 : i32 to index
          %get3A_1059 = arith.constant 96 : index
          %get3A_1060 = tpu.vector_load %arg10[%get3A_1058, %get3A_1059] {strides = array<i32>} : memref<128x128xf32, #tpu.memory_space<vmem>>, vector<16xf32>,
          %mul3A_1061 = arith.mulf %get3A_1060, %broadcast_in_dim3A_1043 : vector<16xf32>
          %swap3A_1062 = arith.index_cast %add3A_1009 : i32 to index
          %swap3A_1063 = arith.constant 96 : index
          %swap3A_1064 = tpu.vector_load %arg10[%swap3A_1062, %swap3A_1063] {strides = array<i32>} : memref<128x128xf32, #tpu.memory_space<vmem>>, vector<16xf32>,
          tpu.vector_store %arg10[%swap3A_1062, %swap3A_1063], %mul3A_1061 {strides = array<i32>} : memref<128x128xf32, #tpu.memory_space<vmem>>, vector<16xf32>,
          %get3A_1065 = arith.index_cast %add3A_1009 : i32 to index
          %get3A_1066 = arith.constant 112 : index
          %get3A_1067 = tpu.vector_load %arg10[%get3A_1065, %get3A_1066] {strides = array<i32>} : memref<128x128xf32, #tpu.memory_space<vmem>>, vector<16xf32>,
          %mul3A_1068 = arith.mulf %get3A_1067, %broadcast_in_dim3A_1043 : vector<16xf32>
          %swap3A_1069 = arith.index_cast %add3A_1009 : i32 to index
          %swap3A_1070 = arith.constant 112 : index
          %swap3A_1071 = tpu.vector_load %arg10[%swap3A_1069, %swap3A_1070] {strides = array<i32>} : memref<128x128xf32, #tpu.memory_space<vmem>>, vector<16xf32>,
          tpu.vector_store %arg10[%swap3A_1069, %swap3A_1070], %mul3A_1068 {strides = array<i32>} : memref<128x128xf32, #tpu.memory_space<vmem>>, vector<16xf32>,
          %mul3A_1072 = arith.constant 16 : i32
          %mul3A_1073 = arith.muli %scan3A_73, %mul3A_1072 : i32
          %add3A_1074 = arith.constant 15 : i32
          %add3A_1075 = arith.addi %mul3A_1073, %add3A_1074 : i32
          %slice3A_1076 = vector.extract_strided_slice %get3A_78 {offsets = [15], sizes = [1], strides = [1]} : vector<16xf32> to vector<1xf32>
          %squeeze3A_1077 = vector.extract %slice3A_1076[0] : f32 from vector<1xf32>
          %broadcast_in_dim3A_1078 = vector.broadcast %squeeze3A_1077 : f32 to vector<16xf32>
          %get3A_1079 = arith.index_cast %add3A_1075 : i32 to index
          %get3A_1080 = arith.constant 0 : index
          %get3A_1081 = tpu.vector_load %arg10[%get3A_1079, %get3A_1080] {strides = array<i32>} : memref<128x128xf32, #tpu.memory_space<vmem>>, vector<16xf32>,
          %mul3A_1082 = arith.mulf %get3A_1081, %broadcast_in_dim3A_1078 : vector<16xf32>
          %swap3A_1083 = arith.index_cast %add3A_1075 : i32 to index
          %swap3A_1084 = arith.constant 0 : index
          %swap3A_1085 = tpu.vector_load %arg10[%swap3A_1083, %swap3A_1084] {strides = array<i32>} : memref<128x128xf32, #tpu.memory_space<vmem>>, vector<16xf32>,
          tpu.vector_store %arg10[%swap3A_1083, %swap3A_1084], %mul3A_1082 {strides = array<i32>} : memref<128x128xf32, #tpu.memory_space<vmem>>, vector<16xf32>,
          %get3A_1086 = arith.index_cast %add3A_1075 : i32 to index
          %get3A_1087 = arith.constant 16 : index
          %get3A_1088 = tpu.vector_load %arg10[%get3A_1086, %get3A_1087] {strides = array<i32>} : memref<128x128xf32, #tpu.memory_space<vmem>>, vector<16xf32>,
          %mul3A_1089 = arith.mulf %get3A_1088, %broadcast_in_dim3A_1078 : vector<16xf32>
          %swap3A_1090 = arith.index_cast %add3A_1075 : i32 to index
          %swap3A_1091 = arith.constant 16 : index
          %swap3A_1092 = tpu.vector_load %arg10[%swap3A_1090, %swap3A_1091] {strides = array<i32>} : memref<128x128xf32, #tpu.memory_space<vmem>>, vector<16xf32>,
          tpu.vector_store %arg10[%swap3A_1090, %swap3A_1091], %mul3A_1089 {strides = array<i32>} : memref<128x128xf32, #tpu.memory_space<vmem>>, vector<16xf32>,
          %get3A_1093 = arith.index_cast %add3A_1075 : i32 to index
          %get3A_1094 = arith.constant 32 : index
          %get3A_1095 = tpu.vector_load %arg10[%get3A_1093, %get3A_1094] {strides = array<i32>} : memref<128x128xf32, #tpu.memory_space<vmem>>, vector<16xf32>,
          %mul3A_1096 = arith.mulf %get3A_1095, %broadcast_in_dim3A_1078 : vector<16xf32>
          %swap3A_1097 = arith.index_cast %add3A_1075 : i32 to index
          %swap3A_1098 = arith.constant 32 : index
          %swap3A_1099 = tpu.vector_load %arg10[%swap3A_1097, %swap3A_1098] {strides = array<i32>} : memref<128x128xf32, #tpu.memory_space<vmem>>, vector<16xf32>,
          tpu.vector_store %arg10[%swap3A_1097, %swap3A_1098], %mul3A_1096 {strides = array<i32>} : memref<128x128xf32, #tpu.memory_space<vmem>>, vector<16xf32>,
          %get3A_1100 = arith.index_cast %add3A_1075 : i32 to index
          %get3A_1101 = arith.constant 48 : index
          %get3A_1102 = tpu.vector_load %arg10[%get3A_1100, %get3A_1101] {strides = array<i32>} : memref<128x128xf32, #tpu.memory_space<vmem>>, vector<16xf32>,
          %mul3A_1103 = arith.mulf %get3A_1102, %broadcast_in_dim3A_1078 : vector<16xf32>
          %swap3A_1104 = arith.index_cast %add3A_1075 : i32 to index
          %swap3A_1105 = arith.constant 48 : index
          %swap3A_1106 = tpu.vector_load %arg10[%swap3A_1104, %swap3A_1105] {strides = array<i32>} : memref<128x128xf32, #tpu.memory_space<vmem>>, vector<16xf32>,
          tpu.vector_store %arg10[%swap3A_1104, %swap3A_1105], %mul3A_1103 {strides = array<i32>} : memref<128x128xf32, #tpu.memory_space<vmem>>, vector<16xf32>,
          %slice3A_1107 = vector.extract_strided_slice %get3A_84 {offsets = [15], sizes = [1], strides = [1]} : vector<16xf32> to vector<1xf32>
          %squeeze3A_1108 = vector.extract %slice3A_1107[0] : f32 from vector<1xf32>
          %broadcast_in_dim3A_1109 = vector.broadcast %squeeze3A_1108 : f32 to vector<16xf32>
          %get3A_1110 = arith.index_cast %add3A_1075 : i32 to index
          %get3A_1111 = arith.constant 64 : index
          %get3A_1112 = tpu.vector_load %arg10[%get3A_1110, %get3A_1111] {strides = array<i32>} : memref<128x128xf32, #tpu.memory_space<vmem>>, vector<16xf32>,
          %mul3A_1113 = arith.mulf %get3A_1112, %broadcast_in_dim3A_1109 : vector<16xf32>
          %swap3A_1114 = arith.index_cast %add3A_1075 : i32 to index
          %swap3A_1115 = arith.constant 64 : index
          %swap3A_1116 = tpu.vector_load %arg10[%swap3A_1114, %swap3A_1115] {strides = array<i32>} : memref<128x128xf32, #tpu.memory_space<vmem>>, vector<16xf32>,
          tpu.vector_store %arg10[%swap3A_1114, %swap3A_1115], %mul3A_1113 {strides = array<i32>} : memref<128x128xf32, #tpu.memory_space<vmem>>, vector<16xf32>,
          %get3A_1117 = arith.index_cast %add3A_1075 : i32 to index
          %get3A_1118 = arith.constant 80 : index
          %get3A_1119 = tpu.vector_load %arg10[%get3A_1117, %get3A_1118] {strides = array<i32>} : memref<128x128xf32, #tpu.memory_space<vmem>>, vector<16xf32>,
          %mul3A_1120 = arith.mulf %get3A_1119, %broadcast_in_dim3A_1109 : vector<16xf32>
          %swap3A_1121 = arith.index_cast %add3A_1075 : i32 to index
          %swap3A_1122 = arith.constant 80 : index
          %swap3A_1123 = tpu.vector_load %arg10[%swap3A_1121, %swap3A_1122] {strides = array<i32>} : memref<128x128xf32, #tpu.memory_space<vmem>>, vector<16xf32>,
          tpu.vector_store %arg10[%swap3A_1121, %swap3A_1122], %mul3A_1120 {strides = array<i32>} : memref<128x128xf32, #tpu.memory_space<vmem>>, vector<16xf32>,
          %get3A_1124 = arith.index_cast %add3A_1075 : i32 to index
          %get3A_1125 = arith.constant 96 : index
          %get3A_1126 = tpu.vector_load %arg10[%get3A_1124, %get3A_1125] {strides = array<i32>} : memref<128x128xf32, #tpu.memory_space<vmem>>, vector<16xf32>,
          %mul3A_1127 = arith.mulf %get3A_1126, %broadcast_in_dim3A_1109 : vector<16xf32>
          %swap3A_1128 = arith.index_cast %add3A_1075 : i32 to index
          %swap3A_1129 = arith.constant 96 : index
          %swap3A_1130 = tpu.vector_load %arg10[%swap3A_1128, %swap3A_1129] {strides = array<i32>} : memref<128x128xf32, #tpu.memory_space<vmem>>, vector<16xf32>,
          tpu.vector_store %arg10[%swap3A_1128, %swap3A_1129], %mul3A_1127 {strides = array<i32>} : memref<128x128xf32, #tpu.memory_space<vmem>>, vector<16xf32>,
          %get3A_1131 = arith.index_cast %add3A_1075 : i32 to index
          %get3A_1132 = arith.constant 112 : index
          %get3A_1133 = tpu.vector_load %arg10[%get3A_1131, %get3A_1132] {strides = array<i32>} : memref<128x128xf32, #tpu.memory_space<vmem>>, vector<16xf32>,
          %mul3A_1134 = arith.mulf %get3A_1133, %broadcast_in_dim3A_1109 : vector<16xf32>
          %swap3A_1135 = arith.index_cast %add3A_1075 : i32 to index
          %swap3A_1136 = arith.constant 112 : index
          %swap3A_1137 = tpu.vector_load %arg10[%swap3A_1135, %swap3A_1136] {strides = array<i32>} : memref<128x128xf32, #tpu.memory_space<vmem>>, vector<16xf32>,
          tpu.vector_store %arg10[%swap3A_1135, %swap3A_1136], %mul3A_1134 {strides = array<i32>} : memref<128x128xf32, #tpu.memory_space<vmem>>, vector<16xf32>,
        }
        %scan3A_72 = arith.constant 8 : i32
        "tpu.region"() ({
          %run_scoped3A = tpu.sem_alloc : memref<!tpu.dma_semaphore, #tpu.memory_space<semaphore_mem>>
          %dma_start3A_73 = arith.constant 0 : i32
          %dma_start3A_74 = arith.constant 0 : i32
          %dma_start3A_75 = tpu.memref_slice %arg11[%dma_start3A_73, %dma_start3A_74] : memref<10000x128xf32, #tpu.memory_space<vmem_shared>> -> memref<10000x128xf32, #tpu.memory_space<vmem_shared>>
          tpu.enqueue_indirect_dma source(%arg10 : memref<128x128xf32, #tpu.memory_space<vmem>>) target(%dma_start3A_75 : memref<10000x128xf32, #tpu.memory_space<vmem_shared>>) offsets(%arg8 : memref<128xi32, #tpu.memory_space<vmem>>) semaphore(%run_scoped3A : memref<!tpu.dma_semaphore, #tpu.memory_space<semaphore_mem>>) {add = true}
          %dma_wait3A_76 = arith.constant 0 : i32
          %dma_wait3A_77 = arith.constant 0 : i32
          %dma_wait3A_78 = tpu.memref_slice %arg11[%dma_wait3A_76, %dma_wait3A_77] : memref<10000x128xf32, #tpu.memory_space<vmem_shared>> -> memref<10000x128xf32, #tpu.memory_space<vmem_shared>>
          tpu.wait_indirect_dma semaphore(%run_scoped3A : memref<!tpu.dma_semaphore, #tpu.memory_space<semaphore_mem>>) src(%arg10 : memref<128x128xf32, #tpu.memory_space<vmem>>) dst(%dma_wait3A_78 : memref<10000x128xf32, #tpu.memory_space<vmem_shared>>)
          tpu.yield
        }) : () -> ()
      } else {
      }
    }
    %scan3A_38 = arith.constant 79 : i32
    %barrier3A_39 = arith.constant 0 : index
    tpu.barrier barrier_id(%barrier3A_39)
    %mul3A_40 = arith.constant 624 : i32
    %mul3A_41 = arith.muli %arg1, %mul3A_40 : i32
    %mul3A_42 = arith.constant 624 : i32
    %mul3A_43 = arith.muli %arg1, %mul3A_42 : i32
    "tpu.region"() ({
      %run_scoped3A = tpu.sem_alloc : memref<!tpu.dma_semaphore, #tpu.memory_space<semaphore_mem>>
      %dma_start3A = arith.constant 0 : i32
      %dma_start3A_49 = tpu.memref_slice %arg6[%arg0, %mul3A_43, %dma_start3A] : memref<2x10000x128xf32, #tpu.memory_space<hbm>> -> memref<1x624x128xf32, #tpu.memory_space<hbm>>
      %dma_start3A_50 = tpu.memref_squeeze %dma_start3A_49 : memref<1x624x128xf32, #tpu.memory_space<hbm>> -> memref<624x128xf32, #tpu.memory_space<hbm>>
      %dma_start3A_51 = arith.constant 0 : i32
      %dma_start3A_52 = tpu.memref_slice %arg11[%mul3A_41, %dma_start3A_51] : memref<10000x128xf32, #tpu.memory_space<vmem_shared>> -> memref<624x128xf32, #tpu.memory_space<vmem_shared>>
      tpu.enqueue_dma source(%dma_start3A_52 : memref<624x128xf32, #tpu.memory_space<vmem_shared>>) target(%dma_start3A_50 : memref<624x128xf32, #tpu.memory_space<hbm>>) target_semaphore(%run_scoped3A : memref<!tpu.dma_semaphore, #tpu.memory_space<semaphore_mem>>)
      %dma_wait3A = arith.constant 0 : i32
      %dma_wait3A_53 = tpu.memref_slice %arg6[%arg0, %mul3A_43, %dma_wait3A] : memref<2x10000x128xf32, #tpu.memory_space<hbm>> -> memref<1x624x128xf32, #tpu.memory_space<hbm>>
      %dma_wait3A_54 = tpu.memref_squeeze %dma_wait3A_53 : memref<1x624x128xf32, #tpu.memory_space<hbm>> -> memref<624x128xf32, #tpu.memory_space<hbm>>
      %dma_wait3A_55 = arith.constant 0 : i32
      %dma_wait3A_56 = tpu.memref_slice %arg11[%mul3A_41, %dma_wait3A_55] : memref<10000x128xf32, #tpu.memory_space<vmem_shared>> -> memref<624x128xf32, #tpu.memory_space<vmem_shared>>
      tpu.wait_dma2 semaphore(%run_scoped3A : memref<!tpu.dma_semaphore, #tpu.memory_space<semaphore_mem>>) src(%dma_wait3A_56 : memref<624x128xf32, #tpu.memory_space<vmem_shared>>) dst(%dma_wait3A_54 : memref<624x128xf32, #tpu.memory_space<hbm>>)
      tpu.yield
    }) : () -> ()
    %eq3A_44 = arith.constant 0 : i32
    %eq3A_45 = arith.cmpi eq, %arg1, %eq3A_44 : i32
    %convert_element_type3A_46 = arith.extui %eq3A_45 : i1 to i32
    %cond3A_47 = arith.constant 0 : i32
    %cond3A_48 = arith.cmpi ne, %convert_element_type3A_46, %cond3A_47 : i32
    scf.if %cond3A_48 {
      "tpu.region"() ({
        %run_scoped3A = tpu.sem_alloc : memref<!tpu.dma_semaphore, #tpu.memory_space<semaphore_mem>>
        %dma_start3A = arith.constant 9984 : i32
        %dma_start3A_49 = arith.constant 0 : i32
        %dma_start3A_50 = tpu.memref_slice %arg6[%arg0, %dma_start3A, %dma_start3A_49] : memref<2x10000x128xf32, #tpu.memory_space<hbm>> -> memref<1x16x128xf32, #tpu.memory_space<hbm>>
        %dma_start3A_51 = tpu.memref_squeeze %dma_start3A_50 : memref<1x16x128xf32, #tpu.memory_space<hbm>> -> memref<16x128xf32, #tpu.memory_space<hbm>>
        %dma_start3A_52 = arith.constant 9984 : i32
        %dma_start3A_53 = arith.constant 0 : i32
        %dma_start3A_54 = tpu.memref_slice %arg11[%dma_start3A_52, %dma_start3A_53] : memref<10000x128xf32, #tpu.memory_space<vmem_shared>> -> memref<16x128xf32, #tpu.memory_space<vmem_shared>>
        tpu.enqueue_dma source(%dma_start3A_54 : memref<16x128xf32, #tpu.memory_space<vmem_shared>>) target(%dma_start3A_51 : memref<16x128xf32, #tpu.memory_space<hbm>>) target_semaphore(%run_scoped3A : memref<!tpu.dma_semaphore, #tpu.memory_space<semaphore_mem>>)
        %dma_wait3A = arith.constant 9984 : i32
        %dma_wait3A_55 = arith.constant 0 : i32
        %dma_wait3A_56 = tpu.memref_slice %arg6[%arg0, %dma_wait3A, %dma_wait3A_55] : memref<2x10000x128xf32, #tpu.memory_space<hbm>> -> memref<1x16x128xf32, #tpu.memory_space<hbm>>
        %dma_wait3A_57 = tpu.memref_squeeze %dma_wait3A_56 : memref<1x16x128xf32, #tpu.memory_space<hbm>> -> memref<16x128xf32, #tpu.memory_space<hbm>>
        %dma_wait3A_58 = arith.constant 9984 : i32
        %dma_wait3A_59 = arith.constant 0 : i32
        %dma_wait3A_60 = tpu.memref_slice %arg11[%dma_wait3A_58, %dma_wait3A_59] : memref<10000x128xf32, #tpu.memory_space<vmem_shared>> -> memref<16x128xf32, #tpu.memory_space<vmem_shared>>
        tpu.wait_dma2 semaphore(%run_scoped3A : memref<!tpu.dma_semaphore, #tpu.memory_space<semaphore_mem>>) src(%dma_wait3A_60 : memref<16x128xf32, #tpu.memory_space<vmem_shared>>) dst(%dma_wait3A_57 : memref<16x128xf32, #tpu.memory_space<hbm>>)
        tpu.yield
      }) : () -> ()
    } else {
    }
    return
  }
}

#map = affine_map<(d0, d1) -> (0)>
#map1 = affine_map<(d0, d1) -> (0, 0, 0)>
module attributes {stable_mosaic.version = 14 : i64} {
  func.func @k(%arg0: i32, %arg1: i32, %arg2: memref<40064xf32, #tpu.memory_space<hbm>>, %arg3: memref<320000xi32, #tpu.memory_space<hbm>>, %arg4: memref<320000xi32, #tpu.memory_space<hbm>>, %arg5: memref<2x16x20000xf32, #tpu.memory_space<hbm>>, %arg6: memref<640000xf32, #tpu.memory_space<hbm>>, %arg7: memref<128xi32, #tpu.memory_space<vmem>>, %arg8: memref<128xi32, #tpu.memory_space<vmem>>, %arg9: memref<40064xf32, #tpu.memory_space<vmem>>, %arg10: memref<20000xf32, #tpu.memory_space<vmem>>, %arg11: memref<256xf32, #tpu.memory_space<vmem>>) attributes {dimension_semantics = [#tpu.dimension_semantics<core_parallel>, #tpu.dimension_semantics<subcore_parallel>], iteration_bounds = array<i64: 2, 16>, scalar_prefetch = 0 : i64, scratch_operands = 5 : i64, tpu.core_type = #tpu.core_type<sc_vector_subcore>, window_params = [{transform_indices = #map}, {transform_indices = #map}, {transform_indices = #map}, {transform_indices = #map1}, {transform_indices = #map}]} {
    %mul3A = arith.constant 2 : i32
    %mul3A_0 = arith.muli %arg1, %mul3A : i32
    %add3A = arith.addi %mul3A_0, %arg0 : i32
    %broadcast_in_dim3A = arith.constant 0.000000e+00 : f32
    %broadcast_in_dim3A_1 = vector.broadcast %broadcast_in_dim3A : f32 to vector<16xf32>
    "tpu.region"() ({
      %run_scoped3A = tpu.sem_alloc : memref<!tpu.dma_semaphore, #tpu.memory_space<semaphore_mem>>
      tpu.enqueue_dma source(%arg2 : memref<40064xf32, #tpu.memory_space<hbm>>) target(%arg9 : memref<40064xf32, #tpu.memory_space<vmem>>) target_semaphore(%run_scoped3A : memref<!tpu.dma_semaphore, #tpu.memory_space<semaphore_mem>>)
      tpu.wait_dma2 semaphore(%run_scoped3A : memref<!tpu.dma_semaphore, #tpu.memory_space<semaphore_mem>>) src(%arg2 : memref<40064xf32, #tpu.memory_space<hbm>>) dst(%arg9 : memref<40064xf32, #tpu.memory_space<vmem>>)
      tpu.yield
    }) : () -> ()
    %scan3A = arith.constant 0 : i32
    %scan3A_2 = arith.constant 0 : i32
    %scan3A_3 = arith.constant 1250 : i32
    %scan3A_4 = arith.addi %scan3A_2, %scan3A_3 : i32
    %scan3A_5 = arith.constant 1 : i32
    scf.for %scan3A_13 = %scan3A_2 to %scan3A_4 step %scan3A_5  : i32 {
      %mul3A_14 = arith.constant 16 : i32
      %mul3A_15 = arith.muli %scan3A_13, %mul3A_14 : i32
      %swap3A = arith.index_cast %mul3A_15 : i32 to index
      %swap3A_16 = tpu.vector_load %arg10[%swap3A] {strides = array<i32>} : memref<20000xf32, #tpu.memory_space<vmem>>, vector<16xf32>,
      tpu.vector_store %arg10[%swap3A], %broadcast_in_dim3A_1 {strides = array<i32>} : memref<20000xf32, #tpu.memory_space<vmem>>, vector<16xf32>,
    }
    %scan3A_6 = arith.constant 1250 : i32
    %scan3A_7 = arith.constant 0 : i32
    %scan3A_8 = arith.constant 0 : i32
    %scan3A_9 = arith.constant 79 : i32
    %scan3A_10 = arith.addi %scan3A_8, %scan3A_9 : i32
    %scan3A_11 = arith.constant 1 : i32
    scf.for %scan3A_13 = %scan3A_8 to %scan3A_10 step %scan3A_11  : i32 {
      %mul3A_14 = arith.constant 32 : i32
      %mul3A_15 = arith.muli %scan3A_13, %mul3A_14 : i32
      %add3A_16 = arith.addi %mul3A_15, %add3A : i32
      %lt3A = arith.constant 2500 : i32
      %lt3A_17 = arith.cmpi slt, %add3A_16, %lt3A : i32
      %convert_element_type3A = arith.extui %lt3A_17 : i1 to i32
      %cond3A = arith.constant 0 : i32
      %cond3A_18 = arith.cmpi ne, %convert_element_type3A, %cond3A : i32
      scf.if %cond3A_18 {
        %mul3A_19 = arith.constant 128 : i32
        %mul3A_20 = arith.muli %add3A_16, %mul3A_19 : i32
        "tpu.region"() ({
          %run_scoped3A = tpu.sem_alloc : memref<!tpu.dma_semaphore, #tpu.memory_space<semaphore_mem>>
          %dma_start3A = tpu.memref_slice %arg3[%mul3A_20] : memref<320000xi32, #tpu.memory_space<hbm>> -> memref<128xi32, #tpu.memory_space<hbm>>
          %dma_start3A_31 = tpu.memref_slice %arg3[%mul3A_20] : memref<320000xi32, #tpu.memory_space<hbm>> -> memref<128xi32, #tpu.memory_space<hbm>>
          tpu.enqueue_dma source(%dma_start3A_31 : memref<128xi32, #tpu.memory_space<hbm>>) target(%arg7 : memref<128xi32, #tpu.memory_space<vmem>>) target_semaphore(%run_scoped3A : memref<!tpu.dma_semaphore, #tpu.memory_space<semaphore_mem>>)
          %dma_wait3A = tpu.memref_slice %arg3[%mul3A_20] : memref<320000xi32, #tpu.memory_space<hbm>> -> memref<128xi32, #tpu.memory_space<hbm>>
          %dma_wait3A_32 = tpu.memref_slice %arg3[%mul3A_20] : memref<320000xi32, #tpu.memory_space<hbm>> -> memref<128xi32, #tpu.memory_space<hbm>>
          tpu.wait_dma2 semaphore(%run_scoped3A : memref<!tpu.dma_semaphore, #tpu.memory_space<semaphore_mem>>) src(%dma_wait3A_32 : memref<128xi32, #tpu.memory_space<hbm>>) dst(%arg7 : memref<128xi32, #tpu.memory_space<vmem>>)
          tpu.yield
        }) : () -> ()
        "tpu.region"() ({
          %run_scoped3A = tpu.sem_alloc : memref<!tpu.dma_semaphore, #tpu.memory_space<semaphore_mem>>
          %dma_start3A = tpu.memref_slice %arg4[%mul3A_20] : memref<320000xi32, #tpu.memory_space<hbm>> -> memref<128xi32, #tpu.memory_space<hbm>>
          %dma_start3A_31 = tpu.memref_slice %arg4[%mul3A_20] : memref<320000xi32, #tpu.memory_space<hbm>> -> memref<128xi32, #tpu.memory_space<hbm>>
          tpu.enqueue_dma source(%dma_start3A_31 : memref<128xi32, #tpu.memory_space<hbm>>) target(%arg8 : memref<128xi32, #tpu.memory_space<vmem>>) target_semaphore(%run_scoped3A : memref<!tpu.dma_semaphore, #tpu.memory_space<semaphore_mem>>)
          %dma_wait3A = tpu.memref_slice %arg4[%mul3A_20] : memref<320000xi32, #tpu.memory_space<hbm>> -> memref<128xi32, #tpu.memory_space<hbm>>
          %dma_wait3A_32 = tpu.memref_slice %arg4[%mul3A_20] : memref<320000xi32, #tpu.memory_space<hbm>> -> memref<128xi32, #tpu.memory_space<hbm>>
          tpu.wait_dma2 semaphore(%run_scoped3A : memref<!tpu.dma_semaphore, #tpu.memory_space<semaphore_mem>>) src(%dma_wait3A_32 : memref<128xi32, #tpu.memory_space<hbm>>) dst(%arg8 : memref<128xi32, #tpu.memory_space<vmem>>)
          tpu.yield
        }) : () -> ()
        %scan3A_21 = arith.constant 0 : i32
        %scan3A_22 = arith.constant 0 : i32
        %scan3A_23 = arith.constant 8 : i32
        %scan3A_24 = arith.addi %scan3A_22, %scan3A_23 : i32
        %scan3A_25 = arith.constant 1 : i32
        scf.for %scan3A_31 = %scan3A_22 to %scan3A_24 step %scan3A_25  : i32 {
          %mul3A_32 = arith.constant 16 : i32
          %mul3A_33 = arith.muli %scan3A_31, %mul3A_32 : i32
          %get3A = arith.index_cast %mul3A_33 : i32 to index
          %get3A_34 = tpu.vector_load %arg7[%get3A] {strides = array<i32>} : memref<128xi32, #tpu.memory_space<vmem>>, vector<16xi32>,
          %mul3A_35 = arith.constant 4 : i32
          %mul3A_36 = vector.broadcast %mul3A_35 : i32 to vector<16xi32>
          %mul3A_37 = arith.muli %get3A_34, %mul3A_36 : vector<16xi32>
          %mul3A_38 = arith.constant 16 : i32
          %mul3A_39 = arith.muli %scan3A_31, %mul3A_38 : i32
          %get3A_40 = arith.index_cast %mul3A_39 : i32 to index
          %get3A_41 = tpu.vector_load %arg8[%get3A_40] {strides = array<i32>} : memref<128xi32, #tpu.memory_space<vmem>>, vector<16xi32>,
          %mul3A_42 = arith.constant 4 : i32
          %mul3A_43 = vector.broadcast %mul3A_42 : i32 to vector<16xi32>
          %mul3A_44 = arith.muli %get3A_41, %mul3A_43 : vector<16xi32>
          %add3A_45 = arith.constant 0 : i32
          %add3A_46 = vector.broadcast %add3A_45 : i32 to vector<16xi32>
          %add3A_47 = arith.addi %mul3A_37, %add3A_46 : vector<16xi32>
          %gather3A = tpu.vector_load_idx %arg9[%add3A_47] : memref<40064xf32, #tpu.memory_space<vmem>>[vector<16xi32>], vector<16xf32>,
          %add3A_48 = arith.constant 2 : i32
          %add3A_49 = vector.broadcast %add3A_48 : i32 to vector<16xi32>
          %add3A_50 = arith.addi %mul3A_44, %add3A_49 : vector<16xi32>
          %gather3A_51 = tpu.vector_load_idx %arg9[%add3A_50] : memref<40064xf32, #tpu.memory_space<vmem>>[vector<16xi32>], vector<16xf32>,
          %add3A_52 = arith.addf %gather3A, %gather3A_51 : vector<16xf32>
          %ge3A = arith.constant 0.000000e+00 : f32
          %ge3A_53 = vector.broadcast %ge3A : f32 to vector<16xf32>
          %ge3A_54 = arith.cmpf oge, %add3A_52, %ge3A_53 : vector<16xf32>
          %mul3A_55 = arith.constant 2.000000e-01 : f32
          %mul3A_56 = vector.broadcast %mul3A_55 : f32 to vector<16xf32>
          %mul3A_57 = arith.mulf %mul3A_56, %add3A_52 : vector<16xf32>
          %select_n3A = arith.select %ge3A_54, %add3A_52, %mul3A_57 : vector<16xi1>, vector<16xf32>
          %exp3A = math.exp %select_n3A : vector<16xf32>
          %mul3A_58 = arith.constant 2 : i32
          %mul3A_59 = vector.broadcast %mul3A_58 : i32 to vector<16xi32>
          %mul3A_60 = arith.muli %get3A_41, %mul3A_59 : vector<16xi32>
          %add3A_61 = arith.constant 0 : i32
          %add3A_62 = vector.broadcast %add3A_61 : i32 to vector<16xi32>
          %add3A_63 = arith.addi %mul3A_60, %add3A_62 : vector<16xi32>
          tpu.vector_store_idx %arg10[%add3A_63], %exp3A {add = true} : memref<20000xf32, #tpu.memory_space<vmem>>[vector<16xi32>], vector<16xf32>,
          %mul3A_64 = arith.constant 16 : i32
          %mul3A_65 = arith.muli %scan3A_31, %mul3A_64 : i32
          %add3A_66 = arith.constant 0 : i32
          %add3A_67 = arith.addi %add3A_66, %mul3A_65 : i32
          %swap3A = arith.index_cast %add3A_67 : i32 to index
          %swap3A_68 = tpu.vector_load %arg11[%swap3A] {strides = array<i32>} : memref<256xf32, #tpu.memory_space<vmem>>, vector<16xf32>,
          tpu.vector_store %arg11[%swap3A], %exp3A {strides = array<i32>} : memref<256xf32, #tpu.memory_space<vmem>>, vector<16xf32>,
          %add3A_69 = arith.constant 1 : i32
          %add3A_70 = vector.broadcast %add3A_69 : i32 to vector<16xi32>
          %add3A_71 = arith.addi %mul3A_37, %add3A_70 : vector<16xi32>
          %gather3A_72 = tpu.vector_load_idx %arg9[%add3A_71] : memref<40064xf32, #tpu.memory_space<vmem>>[vector<16xi32>], vector<16xf32>,
          %add3A_73 = arith.constant 3 : i32
          %add3A_74 = vector.broadcast %add3A_73 : i32 to vector<16xi32>
          %add3A_75 = arith.addi %mul3A_44, %add3A_74 : vector<16xi32>
          %gather3A_76 = tpu.vector_load_idx %arg9[%add3A_75] : memref<40064xf32, #tpu.memory_space<vmem>>[vector<16xi32>], vector<16xf32>,
          %add3A_77 = arith.addf %gather3A_72, %gather3A_76 : vector<16xf32>
          %ge3A_78 = arith.constant 0.000000e+00 : f32
          %ge3A_79 = vector.broadcast %ge3A_78 : f32 to vector<16xf32>
          %ge3A_80 = arith.cmpf oge, %add3A_77, %ge3A_79 : vector<16xf32>
          %mul3A_81 = arith.constant 2.000000e-01 : f32
          %mul3A_82 = vector.broadcast %mul3A_81 : f32 to vector<16xf32>
          %mul3A_83 = arith.mulf %mul3A_82, %add3A_77 : vector<16xf32>
          %select_n3A_84 = arith.select %ge3A_80, %add3A_77, %mul3A_83 : vector<16xi1>, vector<16xf32>
          %exp3A_85 = math.exp %select_n3A_84 : vector<16xf32>
          %mul3A_86 = arith.constant 2 : i32
          %mul3A_87 = vector.broadcast %mul3A_86 : i32 to vector<16xi32>
          %mul3A_88 = arith.muli %get3A_41, %mul3A_87 : vector<16xi32>
          %add3A_89 = arith.constant 1 : i32
          %add3A_90 = vector.broadcast %add3A_89 : i32 to vector<16xi32>
          %add3A_91 = arith.addi %mul3A_88, %add3A_90 : vector<16xi32>
          tpu.vector_store_idx %arg10[%add3A_91], %exp3A_85 {add = true} : memref<20000xf32, #tpu.memory_space<vmem>>[vector<16xi32>], vector<16xf32>,
          %mul3A_92 = arith.constant 16 : i32
          %mul3A_93 = arith.muli %scan3A_31, %mul3A_92 : i32
          %add3A_94 = arith.constant 128 : i32
          %add3A_95 = arith.addi %add3A_94, %mul3A_93 : i32
          %swap3A_96 = arith.index_cast %add3A_95 : i32 to index
          %swap3A_97 = tpu.vector_load %arg11[%swap3A_96] {strides = array<i32>} : memref<256xf32, #tpu.memory_space<vmem>>, vector<16xf32>,
          tpu.vector_store %arg11[%swap3A_96], %exp3A_85 {strides = array<i32>} : memref<256xf32, #tpu.memory_space<vmem>>, vector<16xf32>,
        }
        %scan3A_26 = arith.constant 8 : i32
        %mul3A_27 = arith.constant 128 : i32
        %mul3A_28 = arith.muli %add3A_16, %mul3A_27 : i32
        %mul3A_29 = arith.constant 2 : i32
        %mul3A_30 = arith.muli %mul3A_28, %mul3A_29 : i32
        "tpu.region"() ({
          %run_scoped3A = tpu.sem_alloc : memref<!tpu.dma_semaphore, #tpu.memory_space<semaphore_mem>>
          %dma_start3A = tpu.memref_slice %arg6[%mul3A_30] : memref<640000xf32, #tpu.memory_space<hbm>> -> memref<256xf32, #tpu.memory_space<hbm>>
          %dma_start3A_31 = tpu.memref_slice %arg6[%mul3A_30] : memref<640000xf32, #tpu.memory_space<hbm>> -> memref<256xf32, #tpu.memory_space<hbm>>
          tpu.enqueue_dma source(%arg11 : memref<256xf32, #tpu.memory_space<vmem>>) target(%dma_start3A_31 : memref<256xf32, #tpu.memory_space<hbm>>) target_semaphore(%run_scoped3A : memref<!tpu.dma_semaphore, #tpu.memory_space<semaphore_mem>>)
          %dma_wait3A = tpu.memref_slice %arg6[%mul3A_30] : memref<640000xf32, #tpu.memory_space<hbm>> -> memref<256xf32, #tpu.memory_space<hbm>>
          %dma_wait3A_32 = tpu.memref_slice %arg6[%mul3A_30] : memref<640000xf32, #tpu.memory_space<hbm>> -> memref<256xf32, #tpu.memory_space<hbm>>
          tpu.wait_dma2 semaphore(%run_scoped3A : memref<!tpu.dma_semaphore, #tpu.memory_space<semaphore_mem>>) src(%arg11 : memref<256xf32, #tpu.memory_space<vmem>>) dst(%dma_wait3A_32 : memref<256xf32, #tpu.memory_space<hbm>>)
          tpu.yield
        }) : () -> ()
      } else {
      }
    }
    %scan3A_12 = arith.constant 79 : i32
    "tpu.region"() ({
      %run_scoped3A = tpu.sem_alloc : memref<!tpu.dma_semaphore, #tpu.memory_space<semaphore_mem>>
      %dma_start3A = arith.constant 0 : i32
      %dma_start3A_13 = tpu.memref_slice %arg5[%arg0, %arg1, %dma_start3A] : memref<2x16x20000xf32, #tpu.memory_space<hbm>> -> memref<1x1x20000xf32, #tpu.memory_space<hbm>>
      %dma_start3A_14 = tpu.memref_squeeze %dma_start3A_13 : memref<1x1x20000xf32, #tpu.memory_space<hbm>> -> memref<20000xf32, #tpu.memory_space<hbm>>
      %dma_start3A_15 = arith.constant 0 : i32
      %dma_start3A_16 = tpu.memref_slice %arg5[%arg0, %arg1, %dma_start3A_15] : memref<2x16x20000xf32, #tpu.memory_space<hbm>> -> memref<1x1x20000xf32, #tpu.memory_space<hbm>>
      %dma_start3A_17 = tpu.memref_squeeze %dma_start3A_16 : memref<1x1x20000xf32, #tpu.memory_space<hbm>> -> memref<20000xf32, #tpu.memory_space<hbm>>
      tpu.enqueue_dma source(%arg10 : memref<20000xf32, #tpu.memory_space<vmem>>) target(%dma_start3A_17 : memref<20000xf32, #tpu.memory_space<hbm>>) target_semaphore(%run_scoped3A : memref<!tpu.dma_semaphore, #tpu.memory_space<semaphore_mem>>)
      %dma_wait3A = arith.constant 0 : i32
      %dma_wait3A_18 = tpu.memref_slice %arg5[%arg0, %arg1, %dma_wait3A] : memref<2x16x20000xf32, #tpu.memory_space<hbm>> -> memref<1x1x20000xf32, #tpu.memory_space<hbm>>
      %dma_wait3A_19 = tpu.memref_squeeze %dma_wait3A_18 : memref<1x1x20000xf32, #tpu.memory_space<hbm>> -> memref<20000xf32, #tpu.memory_space<hbm>>
      %dma_wait3A_20 = arith.constant 0 : i32
      %dma_wait3A_21 = tpu.memref_slice %arg5[%arg0, %arg1, %dma_wait3A_20] : memref<2x16x20000xf32, #tpu.memory_space<hbm>> -> memref<1x1x20000xf32, #tpu.memory_space<hbm>>
      %dma_wait3A_22 = tpu.memref_squeeze %dma_wait3A_21 : memref<1x1x20000xf32, #tpu.memory_space<hbm>> -> memref<20000xf32, #tpu.memory_space<hbm>>
      tpu.wait_dma2 semaphore(%run_scoped3A : memref<!tpu.dma_semaphore, #tpu.memory_space<semaphore_mem>>) src(%arg10 : memref<20000xf32, #tpu.memory_space<vmem>>) dst(%dma_wait3A_22 : memref<20000xf32, #tpu.memory_space<hbm>>)
      tpu.yield
    }) : () -> ()
    return
  }
}

#map = affine_map<(d0, d1) -> (0)>
#map1 = affine_map<(d0, d1) -> (0, 0, 0)>
module attributes {stable_mosaic.version = 14 : i64} {
  func.func @k(%arg0: i32, %arg1: i32, %arg2: memref<40064xf32, #tpu.memory_space<hbm>>, %arg3: memref<320000xi32, #tpu.memory_space<hbm>>, %arg4: memref<320000xi32, #tpu.memory_space<hbm>>, %arg5: memref<2x16x10000xf32, #tpu.memory_space<hbm>>, %arg6: memref<320000xf32, #tpu.memory_space<hbm>>, %arg7: memref<128xi32, #tpu.memory_space<vmem>>, %arg8: memref<128xi32, #tpu.memory_space<vmem>>, %arg9: memref<40064xf32, #tpu.memory_space<vmem>>, %arg10: memref<10000xf32, #tpu.memory_space<vmem>>, %arg11: memref<128xf32, #tpu.memory_space<vmem>>) attributes {dimension_semantics = [#tpu.dimension_semantics<core_parallel>, #tpu.dimension_semantics<subcore_parallel>], iteration_bounds = array<i64: 2, 16>, scalar_prefetch = 0 : i64, scratch_operands = 5 : i64, tpu.core_type = #tpu.core_type<sc_vector_subcore>, window_params = [{transform_indices = #map}, {transform_indices = #map}, {transform_indices = #map}, {transform_indices = #map1}, {transform_indices = #map}]} {
    %mul3A = arith.constant 2 : i32
    %mul3A_0 = arith.muli %arg1, %mul3A : i32
    %add3A = arith.addi %mul3A_0, %arg0 : i32
    %broadcast_in_dim3A = arith.constant 0.000000e+00 : f32
    %broadcast_in_dim3A_1 = vector.broadcast %broadcast_in_dim3A : f32 to vector<16xf32>
    "tpu.region"() ({
      %run_scoped3A = tpu.sem_alloc : memref<!tpu.dma_semaphore, #tpu.memory_space<semaphore_mem>>
      tpu.enqueue_dma source(%arg2 : memref<40064xf32, #tpu.memory_space<hbm>>) target(%arg9 : memref<40064xf32, #tpu.memory_space<vmem>>) target_semaphore(%run_scoped3A : memref<!tpu.dma_semaphore, #tpu.memory_space<semaphore_mem>>)
      tpu.wait_dma2 semaphore(%run_scoped3A : memref<!tpu.dma_semaphore, #tpu.memory_space<semaphore_mem>>) src(%arg2 : memref<40064xf32, #tpu.memory_space<hbm>>) dst(%arg9 : memref<40064xf32, #tpu.memory_space<vmem>>)
      tpu.yield
    }) : () -> ()
    %scan3A = arith.constant 0 : i32
    %scan3A_2 = arith.constant 0 : i32
    %scan3A_3 = arith.constant 625 : i32
    %scan3A_4 = arith.addi %scan3A_2, %scan3A_3 : i32
    %scan3A_5 = arith.constant 1 : i32
    scf.for %scan3A_13 = %scan3A_2 to %scan3A_4 step %scan3A_5  : i32 {
      %mul3A_14 = arith.constant 16 : i32
      %mul3A_15 = arith.muli %scan3A_13, %mul3A_14 : i32
      %swap3A = arith.index_cast %mul3A_15 : i32 to index
      %swap3A_16 = tpu.vector_load %arg10[%swap3A] {strides = array<i32>} : memref<10000xf32, #tpu.memory_space<vmem>>, vector<16xf32>,
      tpu.vector_store %arg10[%swap3A], %broadcast_in_dim3A_1 {strides = array<i32>} : memref<10000xf32, #tpu.memory_space<vmem>>, vector<16xf32>,
    }
    %scan3A_6 = arith.constant 625 : i32
    %scan3A_7 = arith.constant 0 : i32
    %scan3A_8 = arith.constant 0 : i32
    %scan3A_9 = arith.constant 79 : i32
    %scan3A_10 = arith.addi %scan3A_8, %scan3A_9 : i32
    %scan3A_11 = arith.constant 1 : i32
    scf.for %scan3A_13 = %scan3A_8 to %scan3A_10 step %scan3A_11  : i32 {
      %mul3A_14 = arith.constant 32 : i32
      %mul3A_15 = arith.muli %scan3A_13, %mul3A_14 : i32
      %add3A_16 = arith.addi %mul3A_15, %add3A : i32
      %lt3A = arith.constant 2500 : i32
      %lt3A_17 = arith.cmpi slt, %add3A_16, %lt3A : i32
      %convert_element_type3A = arith.extui %lt3A_17 : i1 to i32
      %cond3A = arith.constant 0 : i32
      %cond3A_18 = arith.cmpi ne, %convert_element_type3A, %cond3A : i32
      scf.if %cond3A_18 {
        %mul3A_19 = arith.constant 128 : i32
        %mul3A_20 = arith.muli %add3A_16, %mul3A_19 : i32
        "tpu.region"() ({
          %run_scoped3A = tpu.sem_alloc : memref<!tpu.dma_semaphore, #tpu.memory_space<semaphore_mem>>
          %dma_start3A = tpu.memref_slice %arg3[%mul3A_20] : memref<320000xi32, #tpu.memory_space<hbm>> -> memref<128xi32, #tpu.memory_space<hbm>>
          %dma_start3A_31 = tpu.memref_slice %arg3[%mul3A_20] : memref<320000xi32, #tpu.memory_space<hbm>> -> memref<128xi32, #tpu.memory_space<hbm>>
          tpu.enqueue_dma source(%dma_start3A_31 : memref<128xi32, #tpu.memory_space<hbm>>) target(%arg7 : memref<128xi32, #tpu.memory_space<vmem>>) target_semaphore(%run_scoped3A : memref<!tpu.dma_semaphore, #tpu.memory_space<semaphore_mem>>)
          %dma_wait3A = tpu.memref_slice %arg3[%mul3A_20] : memref<320000xi32, #tpu.memory_space<hbm>> -> memref<128xi32, #tpu.memory_space<hbm>>
          %dma_wait3A_32 = tpu.memref_slice %arg3[%mul3A_20] : memref<320000xi32, #tpu.memory_space<hbm>> -> memref<128xi32, #tpu.memory_space<hbm>>
          tpu.wait_dma2 semaphore(%run_scoped3A : memref<!tpu.dma_semaphore, #tpu.memory_space<semaphore_mem>>) src(%dma_wait3A_32 : memref<128xi32, #tpu.memory_space<hbm>>) dst(%arg7 : memref<128xi32, #tpu.memory_space<vmem>>)
          tpu.yield
        }) : () -> ()
        "tpu.region"() ({
          %run_scoped3A = tpu.sem_alloc : memref<!tpu.dma_semaphore, #tpu.memory_space<semaphore_mem>>
          %dma_start3A = tpu.memref_slice %arg4[%mul3A_20] : memref<320000xi32, #tpu.memory_space<hbm>> -> memref<128xi32, #tpu.memory_space<hbm>>
          %dma_start3A_31 = tpu.memref_slice %arg4[%mul3A_20] : memref<320000xi32, #tpu.memory_space<hbm>> -> memref<128xi32, #tpu.memory_space<hbm>>
          tpu.enqueue_dma source(%dma_start3A_31 : memref<128xi32, #tpu.memory_space<hbm>>) target(%arg8 : memref<128xi32, #tpu.memory_space<vmem>>) target_semaphore(%run_scoped3A : memref<!tpu.dma_semaphore, #tpu.memory_space<semaphore_mem>>)
          %dma_wait3A = tpu.memref_slice %arg4[%mul3A_20] : memref<320000xi32, #tpu.memory_space<hbm>> -> memref<128xi32, #tpu.memory_space<hbm>>
          %dma_wait3A_32 = tpu.memref_slice %arg4[%mul3A_20] : memref<320000xi32, #tpu.memory_space<hbm>> -> memref<128xi32, #tpu.memory_space<hbm>>
          tpu.wait_dma2 semaphore(%run_scoped3A : memref<!tpu.dma_semaphore, #tpu.memory_space<semaphore_mem>>) src(%dma_wait3A_32 : memref<128xi32, #tpu.memory_space<hbm>>) dst(%arg8 : memref<128xi32, #tpu.memory_space<vmem>>)
          tpu.yield
        }) : () -> ()
        %scan3A_21 = arith.constant 0 : i32
        %scan3A_22 = arith.constant 0 : i32
        %scan3A_23 = arith.constant 8 : i32
        %scan3A_24 = arith.addi %scan3A_22, %scan3A_23 : i32
        %scan3A_25 = arith.constant 1 : i32
        scf.for %scan3A_31 = %scan3A_22 to %scan3A_24 step %scan3A_25  : i32 {
          %mul3A_32 = arith.constant 16 : i32
          %mul3A_33 = arith.muli %scan3A_31, %mul3A_32 : i32
          %get3A = arith.index_cast %mul3A_33 : i32 to index
          %get3A_34 = tpu.vector_load %arg7[%get3A] {strides = array<i32>} : memref<128xi32, #tpu.memory_space<vmem>>, vector<16xi32>,
          %mul3A_35 = arith.constant 4 : i32
          %mul3A_36 = vector.broadcast %mul3A_35 : i32 to vector<16xi32>
          %mul3A_37 = arith.muli %get3A_34, %mul3A_36 : vector<16xi32>
          %mul3A_38 = arith.constant 16 : i32
          %mul3A_39 = arith.muli %scan3A_31, %mul3A_38 : i32
          %get3A_40 = arith.index_cast %mul3A_39 : i32 to index
          %get3A_41 = tpu.vector_load %arg8[%get3A_40] {strides = array<i32>} : memref<128xi32, #tpu.memory_space<vmem>>, vector<16xi32>,
          %mul3A_42 = arith.constant 4 : i32
          %mul3A_43 = vector.broadcast %mul3A_42 : i32 to vector<16xi32>
          %mul3A_44 = arith.muli %get3A_41, %mul3A_43 : vector<16xi32>
          %add3A_45 = arith.constant 0 : i32
          %add3A_46 = vector.broadcast %add3A_45 : i32 to vector<16xi32>
          %add3A_47 = arith.addi %mul3A_37, %add3A_46 : vector<16xi32>
          %gather3A = tpu.vector_load_idx %arg9[%add3A_47] : memref<40064xf32, #tpu.memory_space<vmem>>[vector<16xi32>], vector<16xf32>,
          %add3A_48 = arith.constant 2 : i32
          %add3A_49 = vector.broadcast %add3A_48 : i32 to vector<16xi32>
          %add3A_50 = arith.addi %mul3A_44, %add3A_49 : vector<16xi32>
          %gather3A_51 = tpu.vector_load_idx %arg9[%add3A_50] : memref<40064xf32, #tpu.memory_space<vmem>>[vector<16xi32>], vector<16xf32>,
          %add3A_52 = arith.addf %gather3A, %gather3A_51 : vector<16xf32>
          %ge3A = arith.constant 0.000000e+00 : f32
          %ge3A_53 = vector.broadcast %ge3A : f32 to vector<16xf32>
          %ge3A_54 = arith.cmpf oge, %add3A_52, %ge3A_53 : vector<16xf32>
          %mul3A_55 = arith.constant 2.000000e-01 : f32
          %mul3A_56 = vector.broadcast %mul3A_55 : f32 to vector<16xf32>
          %mul3A_57 = arith.mulf %mul3A_56, %add3A_52 : vector<16xf32>
          %select_n3A = arith.select %ge3A_54, %add3A_52, %mul3A_57 : vector<16xi1>, vector<16xf32>
          %exp3A = math.exp %select_n3A : vector<16xf32>
          %mul3A_58 = arith.constant 1 : i32
          %mul3A_59 = vector.broadcast %mul3A_58 : i32 to vector<16xi32>
          %mul3A_60 = arith.muli %get3A_41, %mul3A_59 : vector<16xi32>
          %add3A_61 = arith.constant 0 : i32
          %add3A_62 = vector.broadcast %add3A_61 : i32 to vector<16xi32>
          %add3A_63 = arith.addi %mul3A_60, %add3A_62 : vector<16xi32>
          tpu.vector_store_idx %arg10[%add3A_63], %exp3A {add = true} : memref<10000xf32, #tpu.memory_space<vmem>>[vector<16xi32>], vector<16xf32>,
          %mul3A_64 = arith.constant 16 : i32
          %mul3A_65 = arith.muli %scan3A_31, %mul3A_64 : i32
          %add3A_66 = arith.constant 0 : i32
          %add3A_67 = arith.addi %add3A_66, %mul3A_65 : i32
          %swap3A = arith.index_cast %add3A_67 : i32 to index
          %swap3A_68 = tpu.vector_load %arg11[%swap3A] {strides = array<i32>} : memref<128xf32, #tpu.memory_space<vmem>>, vector<16xf32>,
          tpu.vector_store %arg11[%swap3A], %exp3A {strides = array<i32>} : memref<128xf32, #tpu.memory_space<vmem>>, vector<16xf32>,
        }
        %scan3A_26 = arith.constant 8 : i32
        %mul3A_27 = arith.constant 128 : i32
        %mul3A_28 = arith.muli %add3A_16, %mul3A_27 : i32
        %mul3A_29 = arith.constant 1 : i32
        %mul3A_30 = arith.muli %mul3A_28, %mul3A_29 : i32
        "tpu.region"() ({
          %run_scoped3A = tpu.sem_alloc : memref<!tpu.dma_semaphore, #tpu.memory_space<semaphore_mem>>
          %dma_start3A = tpu.memref_slice %arg6[%mul3A_30] : memref<320000xf32, #tpu.memory_space<hbm>> -> memref<128xf32, #tpu.memory_space<hbm>>
          %dma_start3A_31 = tpu.memref_slice %arg6[%mul3A_30] : memref<320000xf32, #tpu.memory_space<hbm>> -> memref<128xf32, #tpu.memory_space<hbm>>
          tpu.enqueue_dma source(%arg11 : memref<128xf32, #tpu.memory_space<vmem>>) target(%dma_start3A_31 : memref<128xf32, #tpu.memory_space<hbm>>) target_semaphore(%run_scoped3A : memref<!tpu.dma_semaphore, #tpu.memory_space<semaphore_mem>>)
          %dma_wait3A = tpu.memref_slice %arg6[%mul3A_30] : memref<320000xf32, #tpu.memory_space<hbm>> -> memref<128xf32, #tpu.memory_space<hbm>>
          %dma_wait3A_32 = tpu.memref_slice %arg6[%mul3A_30] : memref<320000xf32, #tpu.memory_space<hbm>> -> memref<128xf32, #tpu.memory_space<hbm>>
          tpu.wait_dma2 semaphore(%run_scoped3A : memref<!tpu.dma_semaphore, #tpu.memory_space<semaphore_mem>>) src(%arg11 : memref<128xf32, #tpu.memory_space<vmem>>) dst(%dma_wait3A_32 : memref<128xf32, #tpu.memory_space<hbm>>)
          tpu.yield
        }) : () -> ()
      } else {
      }
    }
    %scan3A_12 = arith.constant 79 : i32
    "tpu.region"() ({
      %run_scoped3A = tpu.sem_alloc : memref<!tpu.dma_semaphore, #tpu.memory_space<semaphore_mem>>
      %dma_start3A = arith.constant 0 : i32
      %dma_start3A_13 = tpu.memref_slice %arg5[%arg0, %arg1, %dma_start3A] : memref<2x16x10000xf32, #tpu.memory_space<hbm>> -> memref<1x1x10000xf32, #tpu.memory_space<hbm>>
      %dma_start3A_14 = tpu.memref_squeeze %dma_start3A_13 : memref<1x1x10000xf32, #tpu.memory_space<hbm>> -> memref<10000xf32, #tpu.memory_space<hbm>>
      %dma_start3A_15 = arith.constant 0 : i32
      %dma_start3A_16 = tpu.memref_slice %arg5[%arg0, %arg1, %dma_start3A_15] : memref<2x16x10000xf32, #tpu.memory_space<hbm>> -> memref<1x1x10000xf32, #tpu.memory_space<hbm>>
      %dma_start3A_17 = tpu.memref_squeeze %dma_start3A_16 : memref<1x1x10000xf32, #tpu.memory_space<hbm>> -> memref<10000xf32, #tpu.memory_space<hbm>>
      tpu.enqueue_dma source(%arg10 : memref<10000xf32, #tpu.memory_space<vmem>>) target(%dma_start3A_17 : memref<10000xf32, #tpu.memory_space<hbm>>) target_semaphore(%run_scoped3A : memref<!tpu.dma_semaphore, #tpu.memory_space<semaphore_mem>>)
      %dma_wait3A = arith.constant 0 : i32
      %dma_wait3A_18 = tpu.memref_slice %arg5[%arg0, %arg1, %dma_wait3A] : memref<2x16x10000xf32, #tpu.memory_space<hbm>> -> memref<1x1x10000xf32, #tpu.memory_space<hbm>>
      %dma_wait3A_19 = tpu.memref_squeeze %dma_wait3A_18 : memref<1x1x10000xf32, #tpu.memory_space<hbm>> -> memref<10000xf32, #tpu.memory_space<hbm>>
      %dma_wait3A_20 = arith.constant 0 : i32
      %dma_wait3A_21 = tpu.memref_slice %arg5[%arg0, %arg1, %dma_wait3A_20] : memref<2x16x10000xf32, #tpu.memory_space<hbm>> -> memref<1x1x10000xf32, #tpu.memory_space<hbm>>
      %dma_wait3A_22 = tpu.memref_squeeze %dma_wait3A_21 : memref<1x1x10000xf32, #tpu.memory_space<hbm>> -> memref<10000xf32, #tpu.memory_space<hbm>>
      tpu.wait_dma2 semaphore(%run_scoped3A : memref<!tpu.dma_semaphore, #tpu.memory_space<semaphore_mem>>) src(%arg10 : memref<10000xf32, #tpu.memory_space<vmem>>) dst(%dma_wait3A_22 : memref<10000xf32, #tpu.memory_space<hbm>>)
      tpu.yield
    }) : () -> ()
    return
  }
}

#map = affine_map<(d0, d1) -> (0, 0)>
#map1 = affine_map<(d0, d1) -> (0)>
#map2 = affine_map<(d0, d1) -> (0, 0, 0)>
module attributes {stable_mosaic.version = 14 : i64} {
  func.func @k(%arg0: i32, %arg1: i32, %arg2: memref<10000x128xf32, #tpu.memory_space<hbm>>, %arg3: memref<320000xf32, #tpu.memory_space<hbm>>, %arg4: memref<320000xi32, #tpu.memory_space<hbm>>, %arg5: memref<320000xi32, #tpu.memory_space<hbm>>, %arg6: memref<2x10000x128xf32, #tpu.memory_space<hbm>>, %arg7: memref<128xi32, #tpu.memory_space<vmem>>, %arg8: memref<128xi32, #tpu.memory_space<vmem>>, %arg9: memref<128xf32, #tpu.memory_space<vmem>>, %arg10: memref<128x128xf32, #tpu.memory_space<vmem>>, %arg11: memref<10000x128xf32, #tpu.memory_space<vmem_shared>>, %arg12: memref<!tpu.dma_semaphore, #tpu.memory_space<semaphore_mem>>) attributes {dimension_semantics = [#tpu.dimension_semantics<core_parallel>, #tpu.dimension_semantics<subcore_parallel>], iteration_bounds = array<i64: 2, 16>, scalar_prefetch = 0 : i64, scratch_operands = 6 : i64, tpu.core_type = #tpu.core_type<sc_vector_subcore>, window_params = [{transform_indices = #map}, {transform_indices = #map1}, {transform_indices = #map1}, {transform_indices = #map1}, {transform_indices = #map2}]} {
    %mul3A = arith.constant 2 : i32
    %mul3A_0 = arith.muli %arg1, %mul3A : i32
    %add3A = arith.addi %mul3A_0, %arg0 : i32
    %broadcast_in_dim3A = arith.constant 0.000000e+00 : f32
    %broadcast_in_dim3A_1 = vector.broadcast %broadcast_in_dim3A : f32 to vector<16xf32>
    %scan3A = arith.constant 0 : i32
    %scan3A_2 = arith.constant 0 : i32
    %scan3A_3 = arith.constant 128 : i32
    %scan3A_4 = arith.addi %scan3A_2, %scan3A_3 : i32
    %scan3A_5 = arith.constant 1 : i32
    scf.for %scan3A_49 = %scan3A_2 to %scan3A_4 step %scan3A_5  : i32 {
      %swap3A = arith.index_cast %scan3A_49 : i32 to index
      %swap3A_50 = arith.constant 0 : index
      %swap3A_51 = tpu.vector_load %arg10[%swap3A, %swap3A_50] {strides = array<i32>} : memref<128x128xf32, #tpu.memory_space<vmem>>, vector<16xf32>,
      tpu.vector_store %arg10[%swap3A, %swap3A_50], %broadcast_in_dim3A_1 {strides = array<i32>} : memref<128x128xf32, #tpu.memory_space<vmem>>, vector<16xf32>,
      %swap3A_52 = arith.index_cast %scan3A_49 : i32 to index
      %swap3A_53 = arith.constant 16 : index
      %swap3A_54 = tpu.vector_load %arg10[%swap3A_52, %swap3A_53] {strides = array<i32>} : memref<128x128xf32, #tpu.memory_space<vmem>>, vector<16xf32>,
      tpu.vector_store %arg10[%swap3A_52, %swap3A_53], %broadcast_in_dim3A_1 {strides = array<i32>} : memref<128x128xf32, #tpu.memory_space<vmem>>, vector<16xf32>,
      %swap3A_55 = arith.index_cast %scan3A_49 : i32 to index
      %swap3A_56 = arith.constant 32 : index
      %swap3A_57 = tpu.vector_load %arg10[%swap3A_55, %swap3A_56] {strides = array<i32>} : memref<128x128xf32, #tpu.memory_space<vmem>>, vector<16xf32>,
      tpu.vector_store %arg10[%swap3A_55, %swap3A_56], %broadcast_in_dim3A_1 {strides = array<i32>} : memref<128x128xf32, #tpu.memory_space<vmem>>, vector<16xf32>,
      %swap3A_58 = arith.index_cast %scan3A_49 : i32 to index
      %swap3A_59 = arith.constant 48 : index
      %swap3A_60 = tpu.vector_load %arg10[%swap3A_58, %swap3A_59] {strides = array<i32>} : memref<128x128xf32, #tpu.memory_space<vmem>>, vector<16xf32>,
      tpu.vector_store %arg10[%swap3A_58, %swap3A_59], %broadcast_in_dim3A_1 {strides = array<i32>} : memref<128x128xf32, #tpu.memory_space<vmem>>, vector<16xf32>,
      %swap3A_61 = arith.index_cast %scan3A_49 : i32 to index
      %swap3A_62 = arith.constant 64 : index
      %swap3A_63 = tpu.vector_load %arg10[%swap3A_61, %swap3A_62] {strides = array<i32>} : memref<128x128xf32, #tpu.memory_space<vmem>>, vector<16xf32>,
      tpu.vector_store %arg10[%swap3A_61, %swap3A_62], %broadcast_in_dim3A_1 {strides = array<i32>} : memref<128x128xf32, #tpu.memory_space<vmem>>, vector<16xf32>,
      %swap3A_64 = arith.index_cast %scan3A_49 : i32 to index
      %swap3A_65 = arith.constant 80 : index
      %swap3A_66 = tpu.vector_load %arg10[%swap3A_64, %swap3A_65] {strides = array<i32>} : memref<128x128xf32, #tpu.memory_space<vmem>>, vector<16xf32>,
      tpu.vector_store %arg10[%swap3A_64, %swap3A_65], %broadcast_in_dim3A_1 {strides = array<i32>} : memref<128x128xf32, #tpu.memory_space<vmem>>, vector<16xf32>,
      %swap3A_67 = arith.index_cast %scan3A_49 : i32 to index
      %swap3A_68 = arith.constant 96 : index
      %swap3A_69 = tpu.vector_load %arg10[%swap3A_67, %swap3A_68] {strides = array<i32>} : memref<128x128xf32, #tpu.memory_space<vmem>>, vector<16xf32>,
      tpu.vector_store %arg10[%swap3A_67, %swap3A_68], %broadcast_in_dim3A_1 {strides = array<i32>} : memref<128x128xf32, #tpu.memory_space<vmem>>, vector<16xf32>,
      %swap3A_70 = arith.index_cast %scan3A_49 : i32 to index
      %swap3A_71 = arith.constant 112 : index
      %swap3A_72 = tpu.vector_load %arg10[%swap3A_70, %swap3A_71] {strides = array<i32>} : memref<128x128xf32, #tpu.memory_space<vmem>>, vector<16xf32>,
      tpu.vector_store %arg10[%swap3A_70, %swap3A_71], %broadcast_in_dim3A_1 {strides = array<i32>} : memref<128x128xf32, #tpu.memory_space<vmem>>, vector<16xf32>,
    }
    %scan3A_6 = arith.constant 128 : i32
    %mul3A_7 = arith.constant 624 : i32
    %mul3A_8 = arith.muli %arg1, %mul3A_7 : i32
    %add3A_9 = arith.constant 0 : i32
    %add3A_10 = arith.addi %mul3A_8, %add3A_9 : i32
    "tpu.region"() ({
      %run_scoped3A = tpu.sem_alloc : memref<!tpu.dma_semaphore, #tpu.memory_space<semaphore_mem>>
      %dma_start3A = arith.constant 0 : i32
      %dma_start3A_49 = arith.constant 0 : i32
      %dma_start3A_50 = tpu.memref_slice %arg10[%dma_start3A, %dma_start3A_49] : memref<128x128xf32, #tpu.memory_space<vmem>> -> memref<104x128xf32, #tpu.memory_space<vmem>>
      %dma_start3A_51 = arith.constant 0 : i32
      %dma_start3A_52 = tpu.memref_slice %arg11[%add3A_10, %dma_start3A_51] : memref<10000x128xf32, #tpu.memory_space<vmem_shared>> -> memref<104x128xf32, #tpu.memory_space<vmem_shared>>
      %dma_start3A_53 = arith.constant 0 : i32
      %dma_start3A_54 = tpu.memref_slice %arg11[%add3A_10, %dma_start3A_53] : memref<10000x128xf32, #tpu.memory_space<vmem_shared>> -> memref<104x128xf32, #tpu.memory_space<vmem_shared>>
      %dma_start3A_55 = arith.constant 0 : i32
      %dma_start3A_56 = arith.constant 0 : i32
      %dma_start3A_57 = tpu.memref_slice %arg10[%dma_start3A_55, %dma_start3A_56] : memref<128x128xf32, #tpu.memory_space<vmem>> -> memref<104x128xf32, #tpu.memory_space<vmem>>
      tpu.enqueue_dma source(%dma_start3A_57 : memref<104x128xf32, #tpu.memory_space<vmem>>) target(%dma_start3A_54 : memref<104x128xf32, #tpu.memory_space<vmem_shared>>) target_semaphore(%run_scoped3A : memref<!tpu.dma_semaphore, #tpu.memory_space<semaphore_mem>>)
      %dma_wait3A = arith.constant 0 : i32
      %dma_wait3A_58 = arith.constant 0 : i32
      %dma_wait3A_59 = tpu.memref_slice %arg10[%dma_wait3A, %dma_wait3A_58] : memref<128x128xf32, #tpu.memory_space<vmem>> -> memref<104x128xf32, #tpu.memory_space<vmem>>
      %dma_wait3A_60 = arith.constant 0 : i32
      %dma_wait3A_61 = tpu.memref_slice %arg11[%add3A_10, %dma_wait3A_60] : memref<10000x128xf32, #tpu.memory_space<vmem_shared>> -> memref<104x128xf32, #tpu.memory_space<vmem_shared>>
      %dma_wait3A_62 = arith.constant 0 : i32
      %dma_wait3A_63 = tpu.memref_slice %arg11[%add3A_10, %dma_wait3A_62] : memref<10000x128xf32, #tpu.memory_space<vmem_shared>> -> memref<104x128xf32, #tpu.memory_space<vmem_shared>>
      %dma_wait3A_64 = arith.constant 0 : i32
      %dma_wait3A_65 = arith.constant 0 : i32
      %dma_wait3A_66 = tpu.memref_slice %arg10[%dma_wait3A_64, %dma_wait3A_65] : memref<128x128xf32, #tpu.memory_space<vmem>> -> memref<104x128xf32, #tpu.memory_space<vmem>>
      tpu.wait_dma2 semaphore(%run_scoped3A : memref<!tpu.dma_semaphore, #tpu.memory_space<semaphore_mem>>) src(%dma_wait3A_66 : memref<104x128xf32, #tpu.memory_space<vmem>>) dst(%dma_wait3A_63 : memref<104x128xf32, #tpu.memory_space<vmem_shared>>)
      tpu.yield
    }) : () -> ()
    %mul3A_11 = arith.constant 624 : i32
    %mul3A_12 = arith.muli %arg1, %mul3A_11 : i32
    %add3A_13 = arith.constant 104 : i32
    %add3A_14 = arith.addi %mul3A_12, %add3A_13 : i32
    "tpu.region"() ({
      %run_scoped3A = tpu.sem_alloc : memref<!tpu.dma_semaphore, #tpu.memory_space<semaphore_mem>>
      %dma_start3A = arith.constant 0 : i32
      %dma_start3A_49 = arith.constant 0 : i32
      %dma_start3A_50 = tpu.memref_slice %arg10[%dma_start3A, %dma_start3A_49] : memref<128x128xf32, #tpu.memory_space<vmem>> -> memref<104x128xf32, #tpu.memory_space<vmem>>
      %dma_start3A_51 = arith.constant 0 : i32
      %dma_start3A_52 = tpu.memref_slice %arg11[%add3A_14, %dma_start3A_51] : memref<10000x128xf32, #tpu.memory_space<vmem_shared>> -> memref<104x128xf32, #tpu.memory_space<vmem_shared>>
      %dma_start3A_53 = arith.constant 0 : i32
      %dma_start3A_54 = tpu.memref_slice %arg11[%add3A_14, %dma_start3A_53] : memref<10000x128xf32, #tpu.memory_space<vmem_shared>> -> memref<104x128xf32, #tpu.memory_space<vmem_shared>>
      %dma_start3A_55 = arith.constant 0 : i32
      %dma_start3A_56 = arith.constant 0 : i32
      %dma_start3A_57 = tpu.memref_slice %arg10[%dma_start3A_55, %dma_start3A_56] : memref<128x128xf32, #tpu.memory_space<vmem>> -> memref<104x128xf32, #tpu.memory_space<vmem>>
      tpu.enqueue_dma source(%dma_start3A_57 : memref<104x128xf32, #tpu.memory_space<vmem>>) target(%dma_start3A_54 : memref<104x128xf32, #tpu.memory_space<vmem_shared>>) target_semaphore(%run_scoped3A : memref<!tpu.dma_semaphore, #tpu.memory_space<semaphore_mem>>)
      %dma_wait3A = arith.constant 0 : i32
      %dma_wait3A_58 = arith.constant 0 : i32
      %dma_wait3A_59 = tpu.memref_slice %arg10[%dma_wait3A, %dma_wait3A_58] : memref<128x128xf32, #tpu.memory_space<vmem>> -> memref<104x128xf32, #tpu.memory_space<vmem>>
      %dma_wait3A_60 = arith.constant 0 : i32
      %dma_wait3A_61 = tpu.memref_slice %arg11[%add3A_14, %dma_wait3A_60] : memref<10000x128xf32, #tpu.memory_space<vmem_shared>> -> memref<104x128xf32, #tpu.memory_space<vmem_shared>>
      %dma_wait3A_62 = arith.constant 0 : i32
      %dma_wait3A_63 = tpu.memref_slice %arg11[%add3A_14, %dma_wait3A_62] : memref<10000x128xf32, #tpu.memory_space<vmem_shared>> -> memref<104x128xf32, #tpu.memory_space<vmem_shared>>
      %dma_wait3A_64 = arith.constant 0 : i32
      %dma_wait3A_65 = arith.constant 0 : i32
      %dma_wait3A_66 = tpu.memref_slice %arg10[%dma_wait3A_64, %dma_wait3A_65] : memref<128x128xf32, #tpu.memory_space<vmem>> -> memref<104x128xf32, #tpu.memory_space<vmem>>
      tpu.wait_dma2 semaphore(%run_scoped3A : memref<!tpu.dma_semaphore, #tpu.memory_space<semaphore_mem>>) src(%dma_wait3A_66 : memref<104x128xf32, #tpu.memory_space<vmem>>) dst(%dma_wait3A_63 : memref<104x128xf32, #tpu.memory_space<vmem_shared>>)
      tpu.yield
    }) : () -> ()
    %mul3A_15 = arith.constant 624 : i32
    %mul3A_16 = arith.muli %arg1, %mul3A_15 : i32
    %add3A_17 = arith.constant 208 : i32
    %add3A_18 = arith.addi %mul3A_16, %add3A_17 : i32
    "tpu.region"() ({
      %run_scoped3A = tpu.sem_alloc : memref<!tpu.dma_semaphore, #tpu.memory_space<semaphore_mem>>
      %dma_start3A = arith.constant 0 : i32
      %dma_start3A_49 = arith.constant 0 : i32
      %dma_start3A_50 = tpu.memref_slice %arg10[%dma_start3A, %dma_start3A_49] : memref<128x128xf32, #tpu.memory_space<vmem>> -> memref<104x128xf32, #tpu.memory_space<vmem>>
      %dma_start3A_51 = arith.constant 0 : i32
      %dma_start3A_52 = tpu.memref_slice %arg11[%add3A_18, %dma_start3A_51] : memref<10000x128xf32, #tpu.memory_space<vmem_shared>> -> memref<104x128xf32, #tpu.memory_space<vmem_shared>>
      %dma_start3A_53 = arith.constant 0 : i32
      %dma_start3A_54 = tpu.memref_slice %arg11[%add3A_18, %dma_start3A_53] : memref<10000x128xf32, #tpu.memory_space<vmem_shared>> -> memref<104x128xf32, #tpu.memory_space<vmem_shared>>
      %dma_start3A_55 = arith.constant 0 : i32
      %dma_start3A_56 = arith.constant 0 : i32
      %dma_start3A_57 = tpu.memref_slice %arg10[%dma_start3A_55, %dma_start3A_56] : memref<128x128xf32, #tpu.memory_space<vmem>> -> memref<104x128xf32, #tpu.memory_space<vmem>>
      tpu.enqueue_dma source(%dma_start3A_57 : memref<104x128xf32, #tpu.memory_space<vmem>>) target(%dma_start3A_54 : memref<104x128xf32, #tpu.memory_space<vmem_shared>>) target_semaphore(%run_scoped3A : memref<!tpu.dma_semaphore, #tpu.memory_space<semaphore_mem>>)
      %dma_wait3A = arith.constant 0 : i32
      %dma_wait3A_58 = arith.constant 0 : i32
      %dma_wait3A_59 = tpu.memref_slice %arg10[%dma_wait3A, %dma_wait3A_58] : memref<128x128xf32, #tpu.memory_space<vmem>> -> memref<104x128xf32, #tpu.memory_space<vmem>>
      %dma_wait3A_60 = arith.constant 0 : i32
      %dma_wait3A_61 = tpu.memref_slice %arg11[%add3A_18, %dma_wait3A_60] : memref<10000x128xf32, #tpu.memory_space<vmem_shared>> -> memref<104x128xf32, #tpu.memory_space<vmem_shared>>
      %dma_wait3A_62 = arith.constant 0 : i32
      %dma_wait3A_63 = tpu.memref_slice %arg11[%add3A_18, %dma_wait3A_62] : memref<10000x128xf32, #tpu.memory_space<vmem_shared>> -> memref<104x128xf32, #tpu.memory_space<vmem_shared>>
      %dma_wait3A_64 = arith.constant 0 : i32
      %dma_wait3A_65 = arith.constant 0 : i32
      %dma_wait3A_66 = tpu.memref_slice %arg10[%dma_wait3A_64, %dma_wait3A_65] : memref<128x128xf32, #tpu.memory_space<vmem>> -> memref<104x128xf32, #tpu.memory_space<vmem>>
      tpu.wait_dma2 semaphore(%run_scoped3A : memref<!tpu.dma_semaphore, #tpu.memory_space<semaphore_mem>>) src(%dma_wait3A_66 : memref<104x128xf32, #tpu.memory_space<vmem>>) dst(%dma_wait3A_63 : memref<104x128xf32, #tpu.memory_space<vmem_shared>>)
      tpu.yield
    }) : () -> ()
    %mul3A_19 = arith.constant 624 : i32
    %mul3A_20 = arith.muli %arg1, %mul3A_19 : i32
    %add3A_21 = arith.constant 312 : i32
    %add3A_22 = arith.addi %mul3A_20, %add3A_21 : i32
    "tpu.region"() ({
      %run_scoped3A = tpu.sem_alloc : memref<!tpu.dma_semaphore, #tpu.memory_space<semaphore_mem>>
      %dma_start3A = arith.constant 0 : i32
      %dma_start3A_49 = arith.constant 0 : i32
      %dma_start3A_50 = tpu.memref_slice %arg10[%dma_start3A, %dma_start3A_49] : memref<128x128xf32, #tpu.memory_space<vmem>> -> memref<104x128xf32, #tpu.memory_space<vmem>>
      %dma_start3A_51 = arith.constant 0 : i32
      %dma_start3A_52 = tpu.memref_slice %arg11[%add3A_22, %dma_start3A_51] : memref<10000x128xf32, #tpu.memory_space<vmem_shared>> -> memref<104x128xf32, #tpu.memory_space<vmem_shared>>
      %dma_start3A_53 = arith.constant 0 : i32
      %dma_start3A_54 = tpu.memref_slice %arg11[%add3A_22, %dma_start3A_53] : memref<10000x128xf32, #tpu.memory_space<vmem_shared>> -> memref<104x128xf32, #tpu.memory_space<vmem_shared>>
      %dma_start3A_55 = arith.constant 0 : i32
      %dma_start3A_56 = arith.constant 0 : i32
      %dma_start3A_57 = tpu.memref_slice %arg10[%dma_start3A_55, %dma_start3A_56] : memref<128x128xf32, #tpu.memory_space<vmem>> -> memref<104x128xf32, #tpu.memory_space<vmem>>
      tpu.enqueue_dma source(%dma_start3A_57 : memref<104x128xf32, #tpu.memory_space<vmem>>) target(%dma_start3A_54 : memref<104x128xf32, #tpu.memory_space<vmem_shared>>) target_semaphore(%run_scoped3A : memref<!tpu.dma_semaphore, #tpu.memory_space<semaphore_mem>>)
      %dma_wait3A = arith.constant 0 : i32
      %dma_wait3A_58 = arith.constant 0 : i32
      %dma_wait3A_59 = tpu.memref_slice %arg10[%dma_wait3A, %dma_wait3A_58] : memref<128x128xf32, #tpu.memory_space<vmem>> -> memref<104x128xf32, #tpu.memory_space<vmem>>
      %dma_wait3A_60 = arith.constant 0 : i32
      %dma_wait3A_61 = tpu.memref_slice %arg11[%add3A_22, %dma_wait3A_60] : memref<10000x128xf32, #tpu.memory_space<vmem_shared>> -> memref<104x128xf32, #tpu.memory_space<vmem_shared>>
      %dma_wait3A_62 = arith.constant 0 : i32
      %dma_wait3A_63 = tpu.memref_slice %arg11[%add3A_22, %dma_wait3A_62] : memref<10000x128xf32, #tpu.memory_space<vmem_shared>> -> memref<104x128xf32, #tpu.memory_space<vmem_shared>>
      %dma_wait3A_64 = arith.constant 0 : i32
      %dma_wait3A_65 = arith.constant 0 : i32
      %dma_wait3A_66 = tpu.memref_slice %arg10[%dma_wait3A_64, %dma_wait3A_65] : memref<128x128xf32, #tpu.memory_space<vmem>> -> memref<104x128xf32, #tpu.memory_space<vmem>>
      tpu.wait_dma2 semaphore(%run_scoped3A : memref<!tpu.dma_semaphore, #tpu.memory_space<semaphore_mem>>) src(%dma_wait3A_66 : memref<104x128xf32, #tpu.memory_space<vmem>>) dst(%dma_wait3A_63 : memref<104x128xf32, #tpu.memory_space<vmem_shared>>)
      tpu.yield
    }) : () -> ()
    %mul3A_23 = arith.constant 624 : i32
    %mul3A_24 = arith.muli %arg1, %mul3A_23 : i32
    %add3A_25 = arith.constant 416 : i32
    %add3A_26 = arith.addi %mul3A_24, %add3A_25 : i32
    "tpu.region"() ({
      %run_scoped3A = tpu.sem_alloc : memref<!tpu.dma_semaphore, #tpu.memory_space<semaphore_mem>>
      %dma_start3A = arith.constant 0 : i32
      %dma_start3A_49 = arith.constant 0 : i32
      %dma_start3A_50 = tpu.memref_slice %arg10[%dma_start3A, %dma_start3A_49] : memref<128x128xf32, #tpu.memory_space<vmem>> -> memref<104x128xf32, #tpu.memory_space<vmem>>
      %dma_start3A_51 = arith.constant 0 : i32
      %dma_start3A_52 = tpu.memref_slice %arg11[%add3A_26, %dma_start3A_51] : memref<10000x128xf32, #tpu.memory_space<vmem_shared>> -> memref<104x128xf32, #tpu.memory_space<vmem_shared>>
      %dma_start3A_53 = arith.constant 0 : i32
      %dma_start3A_54 = tpu.memref_slice %arg11[%add3A_26, %dma_start3A_53] : memref<10000x128xf32, #tpu.memory_space<vmem_shared>> -> memref<104x128xf32, #tpu.memory_space<vmem_shared>>
      %dma_start3A_55 = arith.constant 0 : i32
      %dma_start3A_56 = arith.constant 0 : i32
      %dma_start3A_57 = tpu.memref_slice %arg10[%dma_start3A_55, %dma_start3A_56] : memref<128x128xf32, #tpu.memory_space<vmem>> -> memref<104x128xf32, #tpu.memory_space<vmem>>
      tpu.enqueue_dma source(%dma_start3A_57 : memref<104x128xf32, #tpu.memory_space<vmem>>) target(%dma_start3A_54 : memref<104x128xf32, #tpu.memory_space<vmem_shared>>) target_semaphore(%run_scoped3A : memref<!tpu.dma_semaphore, #tpu.memory_space<semaphore_mem>>)
      %dma_wait3A = arith.constant 0 : i32
      %dma_wait3A_58 = arith.constant 0 : i32
      %dma_wait3A_59 = tpu.memref_slice %arg10[%dma_wait3A, %dma_wait3A_58] : memref<128x128xf32, #tpu.memory_space<vmem>> -> memref<104x128xf32, #tpu.memory_space<vmem>>
      %dma_wait3A_60 = arith.constant 0 : i32
      %dma_wait3A_61 = tpu.memref_slice %arg11[%add3A_26, %dma_wait3A_60] : memref<10000x128xf32, #tpu.memory_space<vmem_shared>> -> memref<104x128xf32, #tpu.memory_space<vmem_shared>>
      %dma_wait3A_62 = arith.constant 0 : i32
      %dma_wait3A_63 = tpu.memref_slice %arg11[%add3A_26, %dma_wait3A_62] : memref<10000x128xf32, #tpu.memory_space<vmem_shared>> -> memref<104x128xf32, #tpu.memory_space<vmem_shared>>
      %dma_wait3A_64 = arith.constant 0 : i32
      %dma_wait3A_65 = arith.constant 0 : i32
      %dma_wait3A_66 = tpu.memref_slice %arg10[%dma_wait3A_64, %dma_wait3A_65] : memref<128x128xf32, #tpu.memory_space<vmem>> -> memref<104x128xf32, #tpu.memory_space<vmem>>
      tpu.wait_dma2 semaphore(%run_scoped3A : memref<!tpu.dma_semaphore, #tpu.memory_space<semaphore_mem>>) src(%dma_wait3A_66 : memref<104x128xf32, #tpu.memory_space<vmem>>) dst(%dma_wait3A_63 : memref<104x128xf32, #tpu.memory_space<vmem_shared>>)
      tpu.yield
    }) : () -> ()
    %mul3A_27 = arith.constant 624 : i32
    %mul3A_28 = arith.muli %arg1, %mul3A_27 : i32
    %add3A_29 = arith.constant 520 : i32
    %add3A_30 = arith.addi %mul3A_28, %add3A_29 : i32
    "tpu.region"() ({
      %run_scoped3A = tpu.sem_alloc : memref<!tpu.dma_semaphore, #tpu.memory_space<semaphore_mem>>
      %dma_start3A = arith.constant 0 : i32
      %dma_start3A_49 = arith.constant 0 : i32
      %dma_start3A_50 = tpu.memref_slice %arg10[%dma_start3A, %dma_start3A_49] : memref<128x128xf32, #tpu.memory_space<vmem>> -> memref<104x128xf32, #tpu.memory_space<vmem>>
      %dma_start3A_51 = arith.constant 0 : i32
      %dma_start3A_52 = tpu.memref_slice %arg11[%add3A_30, %dma_start3A_51] : memref<10000x128xf32, #tpu.memory_space<vmem_shared>> -> memref<104x128xf32, #tpu.memory_space<vmem_shared>>
      %dma_start3A_53 = arith.constant 0 : i32
      %dma_start3A_54 = tpu.memref_slice %arg11[%add3A_30, %dma_start3A_53] : memref<10000x128xf32, #tpu.memory_space<vmem_shared>> -> memref<104x128xf32, #tpu.memory_space<vmem_shared>>
      %dma_start3A_55 = arith.constant 0 : i32
      %dma_start3A_56 = arith.constant 0 : i32
      %dma_start3A_57 = tpu.memref_slice %arg10[%dma_start3A_55, %dma_start3A_56] : memref<128x128xf32, #tpu.memory_space<vmem>> -> memref<104x128xf32, #tpu.memory_space<vmem>>
      tpu.enqueue_dma source(%dma_start3A_57 : memref<104x128xf32, #tpu.memory_space<vmem>>) target(%dma_start3A_54 : memref<104x128xf32, #tpu.memory_space<vmem_shared>>) target_semaphore(%run_scoped3A : memref<!tpu.dma_semaphore, #tpu.memory_space<semaphore_mem>>)
      %dma_wait3A = arith.constant 0 : i32
      %dma_wait3A_58 = arith.constant 0 : i32
      %dma_wait3A_59 = tpu.memref_slice %arg10[%dma_wait3A, %dma_wait3A_58] : memref<128x128xf32, #tpu.memory_space<vmem>> -> memref<104x128xf32, #tpu.memory_space<vmem>>
      %dma_wait3A_60 = arith.constant 0 : i32
      %dma_wait3A_61 = tpu.memref_slice %arg11[%add3A_30, %dma_wait3A_60] : memref<10000x128xf32, #tpu.memory_space<vmem_shared>> -> memref<104x128xf32, #tpu.memory_space<vmem_shared>>
      %dma_wait3A_62 = arith.constant 0 : i32
      %dma_wait3A_63 = tpu.memref_slice %arg11[%add3A_30, %dma_wait3A_62] : memref<10000x128xf32, #tpu.memory_space<vmem_shared>> -> memref<104x128xf32, #tpu.memory_space<vmem_shared>>
      %dma_wait3A_64 = arith.constant 0 : i32
      %dma_wait3A_65 = arith.constant 0 : i32
      %dma_wait3A_66 = tpu.memref_slice %arg10[%dma_wait3A_64, %dma_wait3A_65] : memref<128x128xf32, #tpu.memory_space<vmem>> -> memref<104x128xf32, #tpu.memory_space<vmem>>
      tpu.wait_dma2 semaphore(%run_scoped3A : memref<!tpu.dma_semaphore, #tpu.memory_space<semaphore_mem>>) src(%dma_wait3A_66 : memref<104x128xf32, #tpu.memory_space<vmem>>) dst(%dma_wait3A_63 : memref<104x128xf32, #tpu.memory_space<vmem_shared>>)
      tpu.yield
    }) : () -> ()
    %eq3A = arith.constant 0 : i32
    %eq3A_31 = arith.cmpi eq, %arg1, %eq3A : i32
    %convert_element_type3A = arith.extui %eq3A_31 : i1 to i32
    %cond3A = arith.constant 0 : i32
    %cond3A_32 = arith.cmpi ne, %convert_element_type3A, %cond3A : i32
    scf.if %cond3A_32 {
      "tpu.region"() ({
        %run_scoped3A = tpu.sem_alloc : memref<!tpu.dma_semaphore, #tpu.memory_space<semaphore_mem>>
        %dma_start3A = arith.constant 0 : i32
        %dma_start3A_49 = arith.constant 0 : i32
        %dma_start3A_50 = tpu.memref_slice %arg10[%dma_start3A, %dma_start3A_49] : memref<128x128xf32, #tpu.memory_space<vmem>> -> memref<16x128xf32, #tpu.memory_space<vmem>>
        %dma_start3A_51 = arith.constant 9984 : i32
        %dma_start3A_52 = arith.constant 0 : i32
        %dma_start3A_53 = tpu.memref_slice %arg11[%dma_start3A_51, %dma_start3A_52] : memref<10000x128xf32, #tpu.memory_space<vmem_shared>> -> memref<16x128xf32, #tpu.memory_space<vmem_shared>>
        %dma_start3A_54 = arith.constant 9984 : i32
        %dma_start3A_55 = arith.constant 0 : i32
        %dma_start3A_56 = tpu.memref_slice %arg11[%dma_start3A_54, %dma_start3A_55] : memref<10000x128xf32, #tpu.memory_space<vmem_shared>> -> memref<16x128xf32, #tpu.memory_space<vmem_shared>>
        %dma_start3A_57 = arith.constant 0 : i32
        %dma_start3A_58 = arith.constant 0 : i32
        %dma_start3A_59 = tpu.memref_slice %arg10[%dma_start3A_57, %dma_start3A_58] : memref<128x128xf32, #tpu.memory_space<vmem>> -> memref<16x128xf32, #tpu.memory_space<vmem>>
        tpu.enqueue_dma source(%dma_start3A_59 : memref<16x128xf32, #tpu.memory_space<vmem>>) target(%dma_start3A_56 : memref<16x128xf32, #tpu.memory_space<vmem_shared>>) target_semaphore(%run_scoped3A : memref<!tpu.dma_semaphore, #tpu.memory_space<semaphore_mem>>)
        %dma_wait3A = arith.constant 0 : i32
        %dma_wait3A_60 = arith.constant 0 : i32
        %dma_wait3A_61 = tpu.memref_slice %arg10[%dma_wait3A, %dma_wait3A_60] : memref<128x128xf32, #tpu.memory_space<vmem>> -> memref<16x128xf32, #tpu.memory_space<vmem>>
        %dma_wait3A_62 = arith.constant 9984 : i32
        %dma_wait3A_63 = arith.constant 0 : i32
        %dma_wait3A_64 = tpu.memref_slice %arg11[%dma_wait3A_62, %dma_wait3A_63] : memref<10000x128xf32, #tpu.memory_space<vmem_shared>> -> memref<16x128xf32, #tpu.memory_space<vmem_shared>>
        %dma_wait3A_65 = arith.constant 9984 : i32
        %dma_wait3A_66 = arith.constant 0 : i32
        %dma_wait3A_67 = tpu.memref_slice %arg11[%dma_wait3A_65, %dma_wait3A_66] : memref<10000x128xf32, #tpu.memory_space<vmem_shared>> -> memref<16x128xf32, #tpu.memory_space<vmem_shared>>
        %dma_wait3A_68 = arith.constant 0 : i32
        %dma_wait3A_69 = arith.constant 0 : i32
        %dma_wait3A_70 = tpu.memref_slice %arg10[%dma_wait3A_68, %dma_wait3A_69] : memref<128x128xf32, #tpu.memory_space<vmem>> -> memref<16x128xf32, #tpu.memory_space<vmem>>
        tpu.wait_dma2 semaphore(%run_scoped3A : memref<!tpu.dma_semaphore, #tpu.memory_space<semaphore_mem>>) src(%dma_wait3A_70 : memref<16x128xf32, #tpu.memory_space<vmem>>) dst(%dma_wait3A_67 : memref<16x128xf32, #tpu.memory_space<vmem_shared>>)
        tpu.yield
      }) : () -> ()
    } else {
    }
    %barrier3A = arith.constant 0 : index
    tpu.barrier barrier_id(%barrier3A)
    %scan3A_33 = arith.constant 0 : i32
    %scan3A_34 = arith.constant 0 : i32
    %scan3A_35 = arith.constant 79 : i32
    %scan3A_36 = arith.addi %scan3A_34, %scan3A_35 : i32
    %scan3A_37 = arith.constant 1 : i32
    scf.for %scan3A_49 = %scan3A_34 to %scan3A_36 step %scan3A_37  : i32 {
      %mul3A_50 = arith.constant 32 : i32
      %mul3A_51 = arith.muli %scan3A_49, %mul3A_50 : i32
      %add3A_52 = arith.addi %mul3A_51, %add3A : i32
      %lt3A = arith.constant 2500 : i32
      %lt3A_53 = arith.cmpi slt, %add3A_52, %lt3A : i32
      %convert_element_type3A_54 = arith.extui %lt3A_53 : i1 to i32
      %cond3A_55 = arith.constant 0 : i32
      %cond3A_56 = arith.cmpi ne, %convert_element_type3A_54, %cond3A_55 : i32
      scf.if %cond3A_56 {
        %mul3A_57 = arith.constant 128 : i32
        %mul3A_58 = arith.muli %add3A_52, %mul3A_57 : i32
        "tpu.region"() ({
          %run_scoped3A = tpu.sem_alloc : memref<!tpu.dma_semaphore, #tpu.memory_space<semaphore_mem>>
          %dma_start3A_73 = tpu.memref_slice %arg4[%mul3A_58] : memref<320000xi32, #tpu.memory_space<hbm>> -> memref<128xi32, #tpu.memory_space<hbm>>
          %dma_start3A_74 = tpu.memref_slice %arg4[%mul3A_58] : memref<320000xi32, #tpu.memory_space<hbm>> -> memref<128xi32, #tpu.memory_space<hbm>>
          tpu.enqueue_dma source(%dma_start3A_74 : memref<128xi32, #tpu.memory_space<hbm>>) target(%arg7 : memref<128xi32, #tpu.memory_space<vmem>>) target_semaphore(%run_scoped3A : memref<!tpu.dma_semaphore, #tpu.memory_space<semaphore_mem>>)
          %dma_wait3A_75 = tpu.memref_slice %arg4[%mul3A_58] : memref<320000xi32, #tpu.memory_space<hbm>> -> memref<128xi32, #tpu.memory_space<hbm>>
          %dma_wait3A_76 = tpu.memref_slice %arg4[%mul3A_58] : memref<320000xi32, #tpu.memory_space<hbm>> -> memref<128xi32, #tpu.memory_space<hbm>>
          tpu.wait_dma2 semaphore(%run_scoped3A : memref<!tpu.dma_semaphore, #tpu.memory_space<semaphore_mem>>) src(%dma_wait3A_76 : memref<128xi32, #tpu.memory_space<hbm>>) dst(%arg7 : memref<128xi32, #tpu.memory_space<vmem>>)
          tpu.yield
        }) : () -> ()
        "tpu.region"() ({
          %run_scoped3A = tpu.sem_alloc : memref<!tpu.dma_semaphore, #tpu.memory_space<semaphore_mem>>
          %dma_start3A_73 = tpu.memref_slice %arg5[%mul3A_58] : memref<320000xi32, #tpu.memory_space<hbm>> -> memref<128xi32, #tpu.memory_space<hbm>>
          %dma_start3A_74 = tpu.memref_slice %arg5[%mul3A_58] : memref<320000xi32, #tpu.memory_space<hbm>> -> memref<128xi32, #tpu.memory_space<hbm>>
          tpu.enqueue_dma source(%dma_start3A_74 : memref<128xi32, #tpu.memory_space<hbm>>) target(%arg8 : memref<128xi32, #tpu.memory_space<vmem>>) target_semaphore(%run_scoped3A : memref<!tpu.dma_semaphore, #tpu.memory_space<semaphore_mem>>)
          %dma_wait3A_75 = tpu.memref_slice %arg5[%mul3A_58] : memref<320000xi32, #tpu.memory_space<hbm>> -> memref<128xi32, #tpu.memory_space<hbm>>
          %dma_wait3A_76 = tpu.memref_slice %arg5[%mul3A_58] : memref<320000xi32, #tpu.memory_space<hbm>> -> memref<128xi32, #tpu.memory_space<hbm>>
          tpu.wait_dma2 semaphore(%run_scoped3A : memref<!tpu.dma_semaphore, #tpu.memory_space<semaphore_mem>>) src(%dma_wait3A_76 : memref<128xi32, #tpu.memory_space<hbm>>) dst(%arg8 : memref<128xi32, #tpu.memory_space<vmem>>)
          tpu.yield
        }) : () -> ()
        %mul3A_59 = arith.constant 128 : i32
        %mul3A_60 = arith.muli %add3A_52, %mul3A_59 : i32
        %mul3A_61 = arith.constant 1 : i32
        %mul3A_62 = arith.muli %mul3A_60, %mul3A_61 : i32
        "tpu.region"() ({
          %run_scoped3A = tpu.sem_alloc : memref<!tpu.dma_semaphore, #tpu.memory_space<semaphore_mem>>
          %dma_start3A_73 = tpu.memref_slice %arg3[%mul3A_62] : memref<320000xf32, #tpu.memory_space<hbm>> -> memref<128xf32, #tpu.memory_space<hbm>>
          %dma_start3A_74 = tpu.memref_slice %arg3[%mul3A_62] : memref<320000xf32, #tpu.memory_space<hbm>> -> memref<128xf32, #tpu.memory_space<hbm>>
          tpu.enqueue_dma source(%dma_start3A_74 : memref<128xf32, #tpu.memory_space<hbm>>) target(%arg9 : memref<128xf32, #tpu.memory_space<vmem>>) target_semaphore(%run_scoped3A : memref<!tpu.dma_semaphore, #tpu.memory_space<semaphore_mem>>)
          %dma_wait3A_75 = tpu.memref_slice %arg3[%mul3A_62] : memref<320000xf32, #tpu.memory_space<hbm>> -> memref<128xf32, #tpu.memory_space<hbm>>
          %dma_wait3A_76 = tpu.memref_slice %arg3[%mul3A_62] : memref<320000xf32, #tpu.memory_space<hbm>> -> memref<128xf32, #tpu.memory_space<hbm>>
          tpu.wait_dma2 semaphore(%run_scoped3A : memref<!tpu.dma_semaphore, #tpu.memory_space<semaphore_mem>>) src(%dma_wait3A_76 : memref<128xf32, #tpu.memory_space<hbm>>) dst(%arg9 : memref<128xf32, #tpu.memory_space<vmem>>)
          tpu.yield
        }) : () -> ()
        %dma_start3A = arith.constant 0 : i32
        %dma_start3A_63 = arith.constant 0 : i32
        %dma_start3A_64 = tpu.memref_slice %arg2[%dma_start3A, %dma_start3A_63] : memref<10000x128xf32, #tpu.memory_space<hbm>> -> memref<10000x128xf32, #tpu.memory_space<hbm>>
        tpu.enqueue_indirect_dma source(%dma_start3A_64 : memref<10000x128xf32, #tpu.memory_space<hbm>>) target(%arg10 : memref<128x128xf32, #tpu.memory_space<vmem>>) offsets(%arg7 : memref<128xi32, #tpu.memory_space<vmem>>) semaphore(%arg12 : memref<!tpu.dma_semaphore, #tpu.memory_space<semaphore_mem>>)
        %dma_wait3A = arith.constant 0 : i32
        %dma_wait3A_65 = arith.constant 0 : i32
        %dma_wait3A_66 = tpu.memref_slice %arg2[%dma_wait3A, %dma_wait3A_65] : memref<10000x128xf32, #tpu.memory_space<hbm>> -> memref<10000x128xf32, #tpu.memory_space<hbm>>
        tpu.wait_indirect_dma semaphore(%arg12 : memref<!tpu.dma_semaphore, #tpu.memory_space<semaphore_mem>>) src(%dma_wait3A_66 : memref<10000x128xf32, #tpu.memory_space<hbm>>) dst(%arg10 : memref<128x128xf32, #tpu.memory_space<vmem>>)
        %scan3A_67 = arith.constant 0 : i32
        %scan3A_68 = arith.constant 0 : i32
        %scan3A_69 = arith.constant 8 : i32
        %scan3A_70 = arith.addi %scan3A_68, %scan3A_69 : i32
        %scan3A_71 = arith.constant 1 : i32
        scf.for %scan3A_73 = %scan3A_68 to %scan3A_70 step %scan3A_71  : i32 {
          %mul3A_74 = arith.constant 16 : i32
          %mul3A_75 = arith.muli %scan3A_73, %mul3A_74 : i32
          %add3A_76 = arith.constant 0 : i32
          %add3A_77 = arith.addi %add3A_76, %mul3A_75 : i32
          %get3A = arith.index_cast %add3A_77 : i32 to index
          %get3A_78 = tpu.vector_load %arg9[%get3A] {strides = array<i32>} : memref<128xf32, #tpu.memory_space<vmem>>, vector<16xf32>,
          %mul3A_79 = arith.constant 16 : i32
          %mul3A_80 = arith.muli %scan3A_73, %mul3A_79 : i32
          %add3A_81 = arith.constant 0 : i32
          %add3A_82 = arith.addi %mul3A_80, %add3A_81 : i32
          %slice3A = vector.extract_strided_slice %get3A_78 {offsets = [0], sizes = [1], strides = [1]} : vector<16xf32> to vector<1xf32>
          %squeeze3A = vector.extract %slice3A[0] : f32 from vector<1xf32>
          %broadcast_in_dim3A_83 = vector.broadcast %squeeze3A : f32 to vector<16xf32>
          %get3A_84 = arith.index_cast %add3A_82 : i32 to index
          %get3A_85 = arith.constant 0 : index
          %get3A_86 = tpu.vector_load %arg10[%get3A_84, %get3A_85] {strides = array<i32>} : memref<128x128xf32, #tpu.memory_space<vmem>>, vector<16xf32>,
          %mul3A_87 = arith.mulf %get3A_86, %broadcast_in_dim3A_83 : vector<16xf32>
          %swap3A = arith.index_cast %add3A_82 : i32 to index
          %swap3A_88 = arith.constant 0 : index
          %swap3A_89 = tpu.vector_load %arg10[%swap3A, %swap3A_88] {strides = array<i32>} : memref<128x128xf32, #tpu.memory_space<vmem>>, vector<16xf32>,
          tpu.vector_store %arg10[%swap3A, %swap3A_88], %mul3A_87 {strides = array<i32>} : memref<128x128xf32, #tpu.memory_space<vmem>>, vector<16xf32>,
          %get3A_90 = arith.index_cast %add3A_82 : i32 to index
          %get3A_91 = arith.constant 16 : index
          %get3A_92 = tpu.vector_load %arg10[%get3A_90, %get3A_91] {strides = array<i32>} : memref<128x128xf32, #tpu.memory_space<vmem>>, vector<16xf32>,
          %mul3A_93 = arith.mulf %get3A_92, %broadcast_in_dim3A_83 : vector<16xf32>
          %swap3A_94 = arith.index_cast %add3A_82 : i32 to index
          %swap3A_95 = arith.constant 16 : index
          %swap3A_96 = tpu.vector_load %arg10[%swap3A_94, %swap3A_95] {strides = array<i32>} : memref<128x128xf32, #tpu.memory_space<vmem>>, vector<16xf32>,
          tpu.vector_store %arg10[%swap3A_94, %swap3A_95], %mul3A_93 {strides = array<i32>} : memref<128x128xf32, #tpu.memory_space<vmem>>, vector<16xf32>,
          %get3A_97 = arith.index_cast %add3A_82 : i32 to index
          %get3A_98 = arith.constant 32 : index
          %get3A_99 = tpu.vector_load %arg10[%get3A_97, %get3A_98] {strides = array<i32>} : memref<128x128xf32, #tpu.memory_space<vmem>>, vector<16xf32>,
          %mul3A_100 = arith.mulf %get3A_99, %broadcast_in_dim3A_83 : vector<16xf32>
          %swap3A_101 = arith.index_cast %add3A_82 : i32 to index
          %swap3A_102 = arith.constant 32 : index
          %swap3A_103 = tpu.vector_load %arg10[%swap3A_101, %swap3A_102] {strides = array<i32>} : memref<128x128xf32, #tpu.memory_space<vmem>>, vector<16xf32>,
          tpu.vector_store %arg10[%swap3A_101, %swap3A_102], %mul3A_100 {strides = array<i32>} : memref<128x128xf32, #tpu.memory_space<vmem>>, vector<16xf32>,
          %get3A_104 = arith.index_cast %add3A_82 : i32 to index
          %get3A_105 = arith.constant 48 : index
          %get3A_106 = tpu.vector_load %arg10[%get3A_104, %get3A_105] {strides = array<i32>} : memref<128x128xf32, #tpu.memory_space<vmem>>, vector<16xf32>,
          %mul3A_107 = arith.mulf %get3A_106, %broadcast_in_dim3A_83 : vector<16xf32>
          %swap3A_108 = arith.index_cast %add3A_82 : i32 to index
          %swap3A_109 = arith.constant 48 : index
          %swap3A_110 = tpu.vector_load %arg10[%swap3A_108, %swap3A_109] {strides = array<i32>} : memref<128x128xf32, #tpu.memory_space<vmem>>, vector<16xf32>,
          tpu.vector_store %arg10[%swap3A_108, %swap3A_109], %mul3A_107 {strides = array<i32>} : memref<128x128xf32, #tpu.memory_space<vmem>>, vector<16xf32>,
          %get3A_111 = arith.index_cast %add3A_82 : i32 to index
          %get3A_112 = arith.constant 64 : index
          %get3A_113 = tpu.vector_load %arg10[%get3A_111, %get3A_112] {strides = array<i32>} : memref<128x128xf32, #tpu.memory_space<vmem>>, vector<16xf32>,
          %mul3A_114 = arith.mulf %get3A_113, %broadcast_in_dim3A_83 : vector<16xf32>
          %swap3A_115 = arith.index_cast %add3A_82 : i32 to index
          %swap3A_116 = arith.constant 64 : index
          %swap3A_117 = tpu.vector_load %arg10[%swap3A_115, %swap3A_116] {strides = array<i32>} : memref<128x128xf32, #tpu.memory_space<vmem>>, vector<16xf32>,
          tpu.vector_store %arg10[%swap3A_115, %swap3A_116], %mul3A_114 {strides = array<i32>} : memref<128x128xf32, #tpu.memory_space<vmem>>, vector<16xf32>,
          %get3A_118 = arith.index_cast %add3A_82 : i32 to index
          %get3A_119 = arith.constant 80 : index
          %get3A_120 = tpu.vector_load %arg10[%get3A_118, %get3A_119] {strides = array<i32>} : memref<128x128xf32, #tpu.memory_space<vmem>>, vector<16xf32>,
          %mul3A_121 = arith.mulf %get3A_120, %broadcast_in_dim3A_83 : vector<16xf32>
          %swap3A_122 = arith.index_cast %add3A_82 : i32 to index
          %swap3A_123 = arith.constant 80 : index
          %swap3A_124 = tpu.vector_load %arg10[%swap3A_122, %swap3A_123] {strides = array<i32>} : memref<128x128xf32, #tpu.memory_space<vmem>>, vector<16xf32>,
          tpu.vector_store %arg10[%swap3A_122, %swap3A_123], %mul3A_121 {strides = array<i32>} : memref<128x128xf32, #tpu.memory_space<vmem>>, vector<16xf32>,
          %get3A_125 = arith.index_cast %add3A_82 : i32 to index
          %get3A_126 = arith.constant 96 : index
          %get3A_127 = tpu.vector_load %arg10[%get3A_125, %get3A_126] {strides = array<i32>} : memref<128x128xf32, #tpu.memory_space<vmem>>, vector<16xf32>,
          %mul3A_128 = arith.mulf %get3A_127, %broadcast_in_dim3A_83 : vector<16xf32>
          %swap3A_129 = arith.index_cast %add3A_82 : i32 to index
          %swap3A_130 = arith.constant 96 : index
          %swap3A_131 = tpu.vector_load %arg10[%swap3A_129, %swap3A_130] {strides = array<i32>} : memref<128x128xf32, #tpu.memory_space<vmem>>, vector<16xf32>,
          tpu.vector_store %arg10[%swap3A_129, %swap3A_130], %mul3A_128 {strides = array<i32>} : memref<128x128xf32, #tpu.memory_space<vmem>>, vector<16xf32>,
          %get3A_132 = arith.index_cast %add3A_82 : i32 to index
          %get3A_133 = arith.constant 112 : index
          %get3A_134 = tpu.vector_load %arg10[%get3A_132, %get3A_133] {strides = array<i32>} : memref<128x128xf32, #tpu.memory_space<vmem>>, vector<16xf32>,
          %mul3A_135 = arith.mulf %get3A_134, %broadcast_in_dim3A_83 : vector<16xf32>
          %swap3A_136 = arith.index_cast %add3A_82 : i32 to index
          %swap3A_137 = arith.constant 112 : index
          %swap3A_138 = tpu.vector_load %arg10[%swap3A_136, %swap3A_137] {strides = array<i32>} : memref<128x128xf32, #tpu.memory_space<vmem>>, vector<16xf32>,
          tpu.vector_store %arg10[%swap3A_136, %swap3A_137], %mul3A_135 {strides = array<i32>} : memref<128x128xf32, #tpu.memory_space<vmem>>, vector<16xf32>,
          %mul3A_139 = arith.constant 16 : i32
          %mul3A_140 = arith.muli %scan3A_73, %mul3A_139 : i32
          %add3A_141 = arith.constant 1 : i32
          %add3A_142 = arith.addi %mul3A_140, %add3A_141 : i32
          %slice3A_143 = vector.extract_strided_slice %get3A_78 {offsets = [1], sizes = [1], strides = [1]} : vector<16xf32> to vector<1xf32>
          %squeeze3A_144 = vector.extract %slice3A_143[0] : f32 from vector<1xf32>
          %broadcast_in_dim3A_145 = vector.broadcast %squeeze3A_144 : f32 to vector<16xf32>
          %get3A_146 = arith.index_cast %add3A_142 : i32 to index
          %get3A_147 = arith.constant 0 : index
          %get3A_148 = tpu.vector_load %arg10[%get3A_146, %get3A_147] {strides = array<i32>} : memref<128x128xf32, #tpu.memory_space<vmem>>, vector<16xf32>,
          %mul3A_149 = arith.mulf %get3A_148, %broadcast_in_dim3A_145 : vector<16xf32>
          %swap3A_150 = arith.index_cast %add3A_142 : i32 to index
          %swap3A_151 = arith.constant 0 : index
          %swap3A_152 = tpu.vector_load %arg10[%swap3A_150, %swap3A_151] {strides = array<i32>} : memref<128x128xf32, #tpu.memory_space<vmem>>, vector<16xf32>,
          tpu.vector_store %arg10[%swap3A_150, %swap3A_151], %mul3A_149 {strides = array<i32>} : memref<128x128xf32, #tpu.memory_space<vmem>>, vector<16xf32>,
          %get3A_153 = arith.index_cast %add3A_142 : i32 to index
          %get3A_154 = arith.constant 16 : index
          %get3A_155 = tpu.vector_load %arg10[%get3A_153, %get3A_154] {strides = array<i32>} : memref<128x128xf32, #tpu.memory_space<vmem>>, vector<16xf32>,
          %mul3A_156 = arith.mulf %get3A_155, %broadcast_in_dim3A_145 : vector<16xf32>
          %swap3A_157 = arith.index_cast %add3A_142 : i32 to index
          %swap3A_158 = arith.constant 16 : index
          %swap3A_159 = tpu.vector_load %arg10[%swap3A_157, %swap3A_158] {strides = array<i32>} : memref<128x128xf32, #tpu.memory_space<vmem>>, vector<16xf32>,
          tpu.vector_store %arg10[%swap3A_157, %swap3A_158], %mul3A_156 {strides = array<i32>} : memref<128x128xf32, #tpu.memory_space<vmem>>, vector<16xf32>,
          %get3A_160 = arith.index_cast %add3A_142 : i32 to index
          %get3A_161 = arith.constant 32 : index
          %get3A_162 = tpu.vector_load %arg10[%get3A_160, %get3A_161] {strides = array<i32>} : memref<128x128xf32, #tpu.memory_space<vmem>>, vector<16xf32>,
          %mul3A_163 = arith.mulf %get3A_162, %broadcast_in_dim3A_145 : vector<16xf32>
          %swap3A_164 = arith.index_cast %add3A_142 : i32 to index
          %swap3A_165 = arith.constant 32 : index
          %swap3A_166 = tpu.vector_load %arg10[%swap3A_164, %swap3A_165] {strides = array<i32>} : memref<128x128xf32, #tpu.memory_space<vmem>>, vector<16xf32>,
          tpu.vector_store %arg10[%swap3A_164, %swap3A_165], %mul3A_163 {strides = array<i32>} : memref<128x128xf32, #tpu.memory_space<vmem>>, vector<16xf32>,
          %get3A_167 = arith.index_cast %add3A_142 : i32 to index
          %get3A_168 = arith.constant 48 : index
          %get3A_169 = tpu.vector_load %arg10[%get3A_167, %get3A_168] {strides = array<i32>} : memref<128x128xf32, #tpu.memory_space<vmem>>, vector<16xf32>,
          %mul3A_170 = arith.mulf %get3A_169, %broadcast_in_dim3A_145 : vector<16xf32>
          %swap3A_171 = arith.index_cast %add3A_142 : i32 to index
          %swap3A_172 = arith.constant 48 : index
          %swap3A_173 = tpu.vector_load %arg10[%swap3A_171, %swap3A_172] {strides = array<i32>} : memref<128x128xf32, #tpu.memory_space<vmem>>, vector<16xf32>,
          tpu.vector_store %arg10[%swap3A_171, %swap3A_172], %mul3A_170 {strides = array<i32>} : memref<128x128xf32, #tpu.memory_space<vmem>>, vector<16xf32>,
          %get3A_174 = arith.index_cast %add3A_142 : i32 to index
          %get3A_175 = arith.constant 64 : index
          %get3A_176 = tpu.vector_load %arg10[%get3A_174, %get3A_175] {strides = array<i32>} : memref<128x128xf32, #tpu.memory_space<vmem>>, vector<16xf32>,
          %mul3A_177 = arith.mulf %get3A_176, %broadcast_in_dim3A_145 : vector<16xf32>
          %swap3A_178 = arith.index_cast %add3A_142 : i32 to index
          %swap3A_179 = arith.constant 64 : index
          %swap3A_180 = tpu.vector_load %arg10[%swap3A_178, %swap3A_179] {strides = array<i32>} : memref<128x128xf32, #tpu.memory_space<vmem>>, vector<16xf32>,
          tpu.vector_store %arg10[%swap3A_178, %swap3A_179], %mul3A_177 {strides = array<i32>} : memref<128x128xf32, #tpu.memory_space<vmem>>, vector<16xf32>,
          %get3A_181 = arith.index_cast %add3A_142 : i32 to index
          %get3A_182 = arith.constant 80 : index
          %get3A_183 = tpu.vector_load %arg10[%get3A_181, %get3A_182] {strides = array<i32>} : memref<128x128xf32, #tpu.memory_space<vmem>>, vector<16xf32>,
          %mul3A_184 = arith.mulf %get3A_183, %broadcast_in_dim3A_145 : vector<16xf32>
          %swap3A_185 = arith.index_cast %add3A_142 : i32 to index
          %swap3A_186 = arith.constant 80 : index
          %swap3A_187 = tpu.vector_load %arg10[%swap3A_185, %swap3A_186] {strides = array<i32>} : memref<128x128xf32, #tpu.memory_space<vmem>>, vector<16xf32>,
          tpu.vector_store %arg10[%swap3A_185, %swap3A_186], %mul3A_184 {strides = array<i32>} : memref<128x128xf32, #tpu.memory_space<vmem>>, vector<16xf32>,
          %get3A_188 = arith.index_cast %add3A_142 : i32 to index
          %get3A_189 = arith.constant 96 : index
          %get3A_190 = tpu.vector_load %arg10[%get3A_188, %get3A_189] {strides = array<i32>} : memref<128x128xf32, #tpu.memory_space<vmem>>, vector<16xf32>,
          %mul3A_191 = arith.mulf %get3A_190, %broadcast_in_dim3A_145 : vector<16xf32>
          %swap3A_192 = arith.index_cast %add3A_142 : i32 to index
          %swap3A_193 = arith.constant 96 : index
          %swap3A_194 = tpu.vector_load %arg10[%swap3A_192, %swap3A_193] {strides = array<i32>} : memref<128x128xf32, #tpu.memory_space<vmem>>, vector<16xf32>,
          tpu.vector_store %arg10[%swap3A_192, %swap3A_193], %mul3A_191 {strides = array<i32>} : memref<128x128xf32, #tpu.memory_space<vmem>>, vector<16xf32>,
          %get3A_195 = arith.index_cast %add3A_142 : i32 to index
          %get3A_196 = arith.constant 112 : index
          %get3A_197 = tpu.vector_load %arg10[%get3A_195, %get3A_196] {strides = array<i32>} : memref<128x128xf32, #tpu.memory_space<vmem>>, vector<16xf32>,
          %mul3A_198 = arith.mulf %get3A_197, %broadcast_in_dim3A_145 : vector<16xf32>
          %swap3A_199 = arith.index_cast %add3A_142 : i32 to index
          %swap3A_200 = arith.constant 112 : index
          %swap3A_201 = tpu.vector_load %arg10[%swap3A_199, %swap3A_200] {strides = array<i32>} : memref<128x128xf32, #tpu.memory_space<vmem>>, vector<16xf32>,
          tpu.vector_store %arg10[%swap3A_199, %swap3A_200], %mul3A_198 {strides = array<i32>} : memref<128x128xf32, #tpu.memory_space<vmem>>, vector<16xf32>,
          %mul3A_202 = arith.constant 16 : i32
          %mul3A_203 = arith.muli %scan3A_73, %mul3A_202 : i32
          %add3A_204 = arith.constant 2 : i32
          %add3A_205 = arith.addi %mul3A_203, %add3A_204 : i32
          %slice3A_206 = vector.extract_strided_slice %get3A_78 {offsets = [2], sizes = [1], strides = [1]} : vector<16xf32> to vector<1xf32>
          %squeeze3A_207 = vector.extract %slice3A_206[0] : f32 from vector<1xf32>
          %broadcast_in_dim3A_208 = vector.broadcast %squeeze3A_207 : f32 to vector<16xf32>
          %get3A_209 = arith.index_cast %add3A_205 : i32 to index
          %get3A_210 = arith.constant 0 : index
          %get3A_211 = tpu.vector_load %arg10[%get3A_209, %get3A_210] {strides = array<i32>} : memref<128x128xf32, #tpu.memory_space<vmem>>, vector<16xf32>,
          %mul3A_212 = arith.mulf %get3A_211, %broadcast_in_dim3A_208 : vector<16xf32>
          %swap3A_213 = arith.index_cast %add3A_205 : i32 to index
          %swap3A_214 = arith.constant 0 : index
          %swap3A_215 = tpu.vector_load %arg10[%swap3A_213, %swap3A_214] {strides = array<i32>} : memref<128x128xf32, #tpu.memory_space<vmem>>, vector<16xf32>,
          tpu.vector_store %arg10[%swap3A_213, %swap3A_214], %mul3A_212 {strides = array<i32>} : memref<128x128xf32, #tpu.memory_space<vmem>>, vector<16xf32>,
          %get3A_216 = arith.index_cast %add3A_205 : i32 to index
          %get3A_217 = arith.constant 16 : index
          %get3A_218 = tpu.vector_load %arg10[%get3A_216, %get3A_217] {strides = array<i32>} : memref<128x128xf32, #tpu.memory_space<vmem>>, vector<16xf32>,
          %mul3A_219 = arith.mulf %get3A_218, %broadcast_in_dim3A_208 : vector<16xf32>
          %swap3A_220 = arith.index_cast %add3A_205 : i32 to index
          %swap3A_221 = arith.constant 16 : index
          %swap3A_222 = tpu.vector_load %arg10[%swap3A_220, %swap3A_221] {strides = array<i32>} : memref<128x128xf32, #tpu.memory_space<vmem>>, vector<16xf32>,
          tpu.vector_store %arg10[%swap3A_220, %swap3A_221], %mul3A_219 {strides = array<i32>} : memref<128x128xf32, #tpu.memory_space<vmem>>, vector<16xf32>,
          %get3A_223 = arith.index_cast %add3A_205 : i32 to index
          %get3A_224 = arith.constant 32 : index
          %get3A_225 = tpu.vector_load %arg10[%get3A_223, %get3A_224] {strides = array<i32>} : memref<128x128xf32, #tpu.memory_space<vmem>>, vector<16xf32>,
          %mul3A_226 = arith.mulf %get3A_225, %broadcast_in_dim3A_208 : vector<16xf32>
          %swap3A_227 = arith.index_cast %add3A_205 : i32 to index
          %swap3A_228 = arith.constant 32 : index
          %swap3A_229 = tpu.vector_load %arg10[%swap3A_227, %swap3A_228] {strides = array<i32>} : memref<128x128xf32, #tpu.memory_space<vmem>>, vector<16xf32>,
          tpu.vector_store %arg10[%swap3A_227, %swap3A_228], %mul3A_226 {strides = array<i32>} : memref<128x128xf32, #tpu.memory_space<vmem>>, vector<16xf32>,
          %get3A_230 = arith.index_cast %add3A_205 : i32 to index
          %get3A_231 = arith.constant 48 : index
          %get3A_232 = tpu.vector_load %arg10[%get3A_230, %get3A_231] {strides = array<i32>} : memref<128x128xf32, #tpu.memory_space<vmem>>, vector<16xf32>,
          %mul3A_233 = arith.mulf %get3A_232, %broadcast_in_dim3A_208 : vector<16xf32>
          %swap3A_234 = arith.index_cast %add3A_205 : i32 to index
          %swap3A_235 = arith.constant 48 : index
          %swap3A_236 = tpu.vector_load %arg10[%swap3A_234, %swap3A_235] {strides = array<i32>} : memref<128x128xf32, #tpu.memory_space<vmem>>, vector<16xf32>,
          tpu.vector_store %arg10[%swap3A_234, %swap3A_235], %mul3A_233 {strides = array<i32>} : memref<128x128xf32, #tpu.memory_space<vmem>>, vector<16xf32>,
          %get3A_237 = arith.index_cast %add3A_205 : i32 to index
          %get3A_238 = arith.constant 64 : index
          %get3A_239 = tpu.vector_load %arg10[%get3A_237, %get3A_238] {strides = array<i32>} : memref<128x128xf32, #tpu.memory_space<vmem>>, vector<16xf32>,
          %mul3A_240 = arith.mulf %get3A_239, %broadcast_in_dim3A_208 : vector<16xf32>
          %swap3A_241 = arith.index_cast %add3A_205 : i32 to index
          %swap3A_242 = arith.constant 64 : index
          %swap3A_243 = tpu.vector_load %arg10[%swap3A_241, %swap3A_242] {strides = array<i32>} : memref<128x128xf32, #tpu.memory_space<vmem>>, vector<16xf32>,
          tpu.vector_store %arg10[%swap3A_241, %swap3A_242], %mul3A_240 {strides = array<i32>} : memref<128x128xf32, #tpu.memory_space<vmem>>, vector<16xf32>,
          %get3A_244 = arith.index_cast %add3A_205 : i32 to index
          %get3A_245 = arith.constant 80 : index
          %get3A_246 = tpu.vector_load %arg10[%get3A_244, %get3A_245] {strides = array<i32>} : memref<128x128xf32, #tpu.memory_space<vmem>>, vector<16xf32>,
          %mul3A_247 = arith.mulf %get3A_246, %broadcast_in_dim3A_208 : vector<16xf32>
          %swap3A_248 = arith.index_cast %add3A_205 : i32 to index
          %swap3A_249 = arith.constant 80 : index
          %swap3A_250 = tpu.vector_load %arg10[%swap3A_248, %swap3A_249] {strides = array<i32>} : memref<128x128xf32, #tpu.memory_space<vmem>>, vector<16xf32>,
          tpu.vector_store %arg10[%swap3A_248, %swap3A_249], %mul3A_247 {strides = array<i32>} : memref<128x128xf32, #tpu.memory_space<vmem>>, vector<16xf32>,
          %get3A_251 = arith.index_cast %add3A_205 : i32 to index
          %get3A_252 = arith.constant 96 : index
          %get3A_253 = tpu.vector_load %arg10[%get3A_251, %get3A_252] {strides = array<i32>} : memref<128x128xf32, #tpu.memory_space<vmem>>, vector<16xf32>,
          %mul3A_254 = arith.mulf %get3A_253, %broadcast_in_dim3A_208 : vector<16xf32>
          %swap3A_255 = arith.index_cast %add3A_205 : i32 to index
          %swap3A_256 = arith.constant 96 : index
          %swap3A_257 = tpu.vector_load %arg10[%swap3A_255, %swap3A_256] {strides = array<i32>} : memref<128x128xf32, #tpu.memory_space<vmem>>, vector<16xf32>,
          tpu.vector_store %arg10[%swap3A_255, %swap3A_256], %mul3A_254 {strides = array<i32>} : memref<128x128xf32, #tpu.memory_space<vmem>>, vector<16xf32>,
          %get3A_258 = arith.index_cast %add3A_205 : i32 to index
          %get3A_259 = arith.constant 112 : index
          %get3A_260 = tpu.vector_load %arg10[%get3A_258, %get3A_259] {strides = array<i32>} : memref<128x128xf32, #tpu.memory_space<vmem>>, vector<16xf32>,
          %mul3A_261 = arith.mulf %get3A_260, %broadcast_in_dim3A_208 : vector<16xf32>
          %swap3A_262 = arith.index_cast %add3A_205 : i32 to index
          %swap3A_263 = arith.constant 112 : index
          %swap3A_264 = tpu.vector_load %arg10[%swap3A_262, %swap3A_263] {strides = array<i32>} : memref<128x128xf32, #tpu.memory_space<vmem>>, vector<16xf32>,
          tpu.vector_store %arg10[%swap3A_262, %swap3A_263], %mul3A_261 {strides = array<i32>} : memref<128x128xf32, #tpu.memory_space<vmem>>, vector<16xf32>,
          %mul3A_265 = arith.constant 16 : i32
          %mul3A_266 = arith.muli %scan3A_73, %mul3A_265 : i32
          %add3A_267 = arith.constant 3 : i32
          %add3A_268 = arith.addi %mul3A_266, %add3A_267 : i32
          %slice3A_269 = vector.extract_strided_slice %get3A_78 {offsets = [3], sizes = [1], strides = [1]} : vector<16xf32> to vector<1xf32>
          %squeeze3A_270 = vector.extract %slice3A_269[0] : f32 from vector<1xf32>
          %broadcast_in_dim3A_271 = vector.broadcast %squeeze3A_270 : f32 to vector<16xf32>
          %get3A_272 = arith.index_cast %add3A_268 : i32 to index
          %get3A_273 = arith.constant 0 : index
          %get3A_274 = tpu.vector_load %arg10[%get3A_272, %get3A_273] {strides = array<i32>} : memref<128x128xf32, #tpu.memory_space<vmem>>, vector<16xf32>,
          %mul3A_275 = arith.mulf %get3A_274, %broadcast_in_dim3A_271 : vector<16xf32>
          %swap3A_276 = arith.index_cast %add3A_268 : i32 to index
          %swap3A_277 = arith.constant 0 : index
          %swap3A_278 = tpu.vector_load %arg10[%swap3A_276, %swap3A_277] {strides = array<i32>} : memref<128x128xf32, #tpu.memory_space<vmem>>, vector<16xf32>,
          tpu.vector_store %arg10[%swap3A_276, %swap3A_277], %mul3A_275 {strides = array<i32>} : memref<128x128xf32, #tpu.memory_space<vmem>>, vector<16xf32>,
          %get3A_279 = arith.index_cast %add3A_268 : i32 to index
          %get3A_280 = arith.constant 16 : index
          %get3A_281 = tpu.vector_load %arg10[%get3A_279, %get3A_280] {strides = array<i32>} : memref<128x128xf32, #tpu.memory_space<vmem>>, vector<16xf32>,
          %mul3A_282 = arith.mulf %get3A_281, %broadcast_in_dim3A_271 : vector<16xf32>
          %swap3A_283 = arith.index_cast %add3A_268 : i32 to index
          %swap3A_284 = arith.constant 16 : index
          %swap3A_285 = tpu.vector_load %arg10[%swap3A_283, %swap3A_284] {strides = array<i32>} : memref<128x128xf32, #tpu.memory_space<vmem>>, vector<16xf32>,
          tpu.vector_store %arg10[%swap3A_283, %swap3A_284], %mul3A_282 {strides = array<i32>} : memref<128x128xf32, #tpu.memory_space<vmem>>, vector<16xf32>,
          %get3A_286 = arith.index_cast %add3A_268 : i32 to index
          %get3A_287 = arith.constant 32 : index
          %get3A_288 = tpu.vector_load %arg10[%get3A_286, %get3A_287] {strides = array<i32>} : memref<128x128xf32, #tpu.memory_space<vmem>>, vector<16xf32>,
          %mul3A_289 = arith.mulf %get3A_288, %broadcast_in_dim3A_271 : vector<16xf32>
          %swap3A_290 = arith.index_cast %add3A_268 : i32 to index
          %swap3A_291 = arith.constant 32 : index
          %swap3A_292 = tpu.vector_load %arg10[%swap3A_290, %swap3A_291] {strides = array<i32>} : memref<128x128xf32, #tpu.memory_space<vmem>>, vector<16xf32>,
          tpu.vector_store %arg10[%swap3A_290, %swap3A_291], %mul3A_289 {strides = array<i32>} : memref<128x128xf32, #tpu.memory_space<vmem>>, vector<16xf32>,
          %get3A_293 = arith.index_cast %add3A_268 : i32 to index
          %get3A_294 = arith.constant 48 : index
          %get3A_295 = tpu.vector_load %arg10[%get3A_293, %get3A_294] {strides = array<i32>} : memref<128x128xf32, #tpu.memory_space<vmem>>, vector<16xf32>,
          %mul3A_296 = arith.mulf %get3A_295, %broadcast_in_dim3A_271 : vector<16xf32>
          %swap3A_297 = arith.index_cast %add3A_268 : i32 to index
          %swap3A_298 = arith.constant 48 : index
          %swap3A_299 = tpu.vector_load %arg10[%swap3A_297, %swap3A_298] {strides = array<i32>} : memref<128x128xf32, #tpu.memory_space<vmem>>, vector<16xf32>,
          tpu.vector_store %arg10[%swap3A_297, %swap3A_298], %mul3A_296 {strides = array<i32>} : memref<128x128xf32, #tpu.memory_space<vmem>>, vector<16xf32>,
          %get3A_300 = arith.index_cast %add3A_268 : i32 to index
          %get3A_301 = arith.constant 64 : index
          %get3A_302 = tpu.vector_load %arg10[%get3A_300, %get3A_301] {strides = array<i32>} : memref<128x128xf32, #tpu.memory_space<vmem>>, vector<16xf32>,
          %mul3A_303 = arith.mulf %get3A_302, %broadcast_in_dim3A_271 : vector<16xf32>
          %swap3A_304 = arith.index_cast %add3A_268 : i32 to index
          %swap3A_305 = arith.constant 64 : index
          %swap3A_306 = tpu.vector_load %arg10[%swap3A_304, %swap3A_305] {strides = array<i32>} : memref<128x128xf32, #tpu.memory_space<vmem>>, vector<16xf32>,
          tpu.vector_store %arg10[%swap3A_304, %swap3A_305], %mul3A_303 {strides = array<i32>} : memref<128x128xf32, #tpu.memory_space<vmem>>, vector<16xf32>,
          %get3A_307 = arith.index_cast %add3A_268 : i32 to index
          %get3A_308 = arith.constant 80 : index
          %get3A_309 = tpu.vector_load %arg10[%get3A_307, %get3A_308] {strides = array<i32>} : memref<128x128xf32, #tpu.memory_space<vmem>>, vector<16xf32>,
          %mul3A_310 = arith.mulf %get3A_309, %broadcast_in_dim3A_271 : vector<16xf32>
          %swap3A_311 = arith.index_cast %add3A_268 : i32 to index
          %swap3A_312 = arith.constant 80 : index
          %swap3A_313 = tpu.vector_load %arg10[%swap3A_311, %swap3A_312] {strides = array<i32>} : memref<128x128xf32, #tpu.memory_space<vmem>>, vector<16xf32>,
          tpu.vector_store %arg10[%swap3A_311, %swap3A_312], %mul3A_310 {strides = array<i32>} : memref<128x128xf32, #tpu.memory_space<vmem>>, vector<16xf32>,
          %get3A_314 = arith.index_cast %add3A_268 : i32 to index
          %get3A_315 = arith.constant 96 : index
          %get3A_316 = tpu.vector_load %arg10[%get3A_314, %get3A_315] {strides = array<i32>} : memref<128x128xf32, #tpu.memory_space<vmem>>, vector<16xf32>,
          %mul3A_317 = arith.mulf %get3A_316, %broadcast_in_dim3A_271 : vector<16xf32>
          %swap3A_318 = arith.index_cast %add3A_268 : i32 to index
          %swap3A_319 = arith.constant 96 : index
          %swap3A_320 = tpu.vector_load %arg10[%swap3A_318, %swap3A_319] {strides = array<i32>} : memref<128x128xf32, #tpu.memory_space<vmem>>, vector<16xf32>,
          tpu.vector_store %arg10[%swap3A_318, %swap3A_319], %mul3A_317 {strides = array<i32>} : memref<128x128xf32, #tpu.memory_space<vmem>>, vector<16xf32>,
          %get3A_321 = arith.index_cast %add3A_268 : i32 to index
          %get3A_322 = arith.constant 112 : index
          %get3A_323 = tpu.vector_load %arg10[%get3A_321, %get3A_322] {strides = array<i32>} : memref<128x128xf32, #tpu.memory_space<vmem>>, vector<16xf32>,
          %mul3A_324 = arith.mulf %get3A_323, %broadcast_in_dim3A_271 : vector<16xf32>
          %swap3A_325 = arith.index_cast %add3A_268 : i32 to index
          %swap3A_326 = arith.constant 112 : index
          %swap3A_327 = tpu.vector_load %arg10[%swap3A_325, %swap3A_326] {strides = array<i32>} : memref<128x128xf32, #tpu.memory_space<vmem>>, vector<16xf32>,
          tpu.vector_store %arg10[%swap3A_325, %swap3A_326], %mul3A_324 {strides = array<i32>} : memref<128x128xf32, #tpu.memory_space<vmem>>, vector<16xf32>,
          %mul3A_328 = arith.constant 16 : i32
          %mul3A_329 = arith.muli %scan3A_73, %mul3A_328 : i32
          %add3A_330 = arith.constant 4 : i32
          %add3A_331 = arith.addi %mul3A_329, %add3A_330 : i32
          %slice3A_332 = vector.extract_strided_slice %get3A_78 {offsets = [4], sizes = [1], strides = [1]} : vector<16xf32> to vector<1xf32>
          %squeeze3A_333 = vector.extract %slice3A_332[0] : f32 from vector<1xf32>
          %broadcast_in_dim3A_334 = vector.broadcast %squeeze3A_333 : f32 to vector<16xf32>
          %get3A_335 = arith.index_cast %add3A_331 : i32 to index
          %get3A_336 = arith.constant 0 : index
          %get3A_337 = tpu.vector_load %arg10[%get3A_335, %get3A_336] {strides = array<i32>} : memref<128x128xf32, #tpu.memory_space<vmem>>, vector<16xf32>,
          %mul3A_338 = arith.mulf %get3A_337, %broadcast_in_dim3A_334 : vector<16xf32>
          %swap3A_339 = arith.index_cast %add3A_331 : i32 to index
          %swap3A_340 = arith.constant 0 : index
          %swap3A_341 = tpu.vector_load %arg10[%swap3A_339, %swap3A_340] {strides = array<i32>} : memref<128x128xf32, #tpu.memory_space<vmem>>, vector<16xf32>,
          tpu.vector_store %arg10[%swap3A_339, %swap3A_340], %mul3A_338 {strides = array<i32>} : memref<128x128xf32, #tpu.memory_space<vmem>>, vector<16xf32>,
          %get3A_342 = arith.index_cast %add3A_331 : i32 to index
          %get3A_343 = arith.constant 16 : index
          %get3A_344 = tpu.vector_load %arg10[%get3A_342, %get3A_343] {strides = array<i32>} : memref<128x128xf32, #tpu.memory_space<vmem>>, vector<16xf32>,
          %mul3A_345 = arith.mulf %get3A_344, %broadcast_in_dim3A_334 : vector<16xf32>
          %swap3A_346 = arith.index_cast %add3A_331 : i32 to index
          %swap3A_347 = arith.constant 16 : index
          %swap3A_348 = tpu.vector_load %arg10[%swap3A_346, %swap3A_347] {strides = array<i32>} : memref<128x128xf32, #tpu.memory_space<vmem>>, vector<16xf32>,
          tpu.vector_store %arg10[%swap3A_346, %swap3A_347], %mul3A_345 {strides = array<i32>} : memref<128x128xf32, #tpu.memory_space<vmem>>, vector<16xf32>,
          %get3A_349 = arith.index_cast %add3A_331 : i32 to index
          %get3A_350 = arith.constant 32 : index
          %get3A_351 = tpu.vector_load %arg10[%get3A_349, %get3A_350] {strides = array<i32>} : memref<128x128xf32, #tpu.memory_space<vmem>>, vector<16xf32>,
          %mul3A_352 = arith.mulf %get3A_351, %broadcast_in_dim3A_334 : vector<16xf32>
          %swap3A_353 = arith.index_cast %add3A_331 : i32 to index
          %swap3A_354 = arith.constant 32 : index
          %swap3A_355 = tpu.vector_load %arg10[%swap3A_353, %swap3A_354] {strides = array<i32>} : memref<128x128xf32, #tpu.memory_space<vmem>>, vector<16xf32>,
          tpu.vector_store %arg10[%swap3A_353, %swap3A_354], %mul3A_352 {strides = array<i32>} : memref<128x128xf32, #tpu.memory_space<vmem>>, vector<16xf32>,
          %get3A_356 = arith.index_cast %add3A_331 : i32 to index
          %get3A_357 = arith.constant 48 : index
          %get3A_358 = tpu.vector_load %arg10[%get3A_356, %get3A_357] {strides = array<i32>} : memref<128x128xf32, #tpu.memory_space<vmem>>, vector<16xf32>,
          %mul3A_359 = arith.mulf %get3A_358, %broadcast_in_dim3A_334 : vector<16xf32>
          %swap3A_360 = arith.index_cast %add3A_331 : i32 to index
          %swap3A_361 = arith.constant 48 : index
          %swap3A_362 = tpu.vector_load %arg10[%swap3A_360, %swap3A_361] {strides = array<i32>} : memref<128x128xf32, #tpu.memory_space<vmem>>, vector<16xf32>,
          tpu.vector_store %arg10[%swap3A_360, %swap3A_361], %mul3A_359 {strides = array<i32>} : memref<128x128xf32, #tpu.memory_space<vmem>>, vector<16xf32>,
          %get3A_363 = arith.index_cast %add3A_331 : i32 to index
          %get3A_364 = arith.constant 64 : index
          %get3A_365 = tpu.vector_load %arg10[%get3A_363, %get3A_364] {strides = array<i32>} : memref<128x128xf32, #tpu.memory_space<vmem>>, vector<16xf32>,
          %mul3A_366 = arith.mulf %get3A_365, %broadcast_in_dim3A_334 : vector<16xf32>
          %swap3A_367 = arith.index_cast %add3A_331 : i32 to index
          %swap3A_368 = arith.constant 64 : index
          %swap3A_369 = tpu.vector_load %arg10[%swap3A_367, %swap3A_368] {strides = array<i32>} : memref<128x128xf32, #tpu.memory_space<vmem>>, vector<16xf32>,
          tpu.vector_store %arg10[%swap3A_367, %swap3A_368], %mul3A_366 {strides = array<i32>} : memref<128x128xf32, #tpu.memory_space<vmem>>, vector<16xf32>,
          %get3A_370 = arith.index_cast %add3A_331 : i32 to index
          %get3A_371 = arith.constant 80 : index
          %get3A_372 = tpu.vector_load %arg10[%get3A_370, %get3A_371] {strides = array<i32>} : memref<128x128xf32, #tpu.memory_space<vmem>>, vector<16xf32>,
          %mul3A_373 = arith.mulf %get3A_372, %broadcast_in_dim3A_334 : vector<16xf32>
          %swap3A_374 = arith.index_cast %add3A_331 : i32 to index
          %swap3A_375 = arith.constant 80 : index
          %swap3A_376 = tpu.vector_load %arg10[%swap3A_374, %swap3A_375] {strides = array<i32>} : memref<128x128xf32, #tpu.memory_space<vmem>>, vector<16xf32>,
          tpu.vector_store %arg10[%swap3A_374, %swap3A_375], %mul3A_373 {strides = array<i32>} : memref<128x128xf32, #tpu.memory_space<vmem>>, vector<16xf32>,
          %get3A_377 = arith.index_cast %add3A_331 : i32 to index
          %get3A_378 = arith.constant 96 : index
          %get3A_379 = tpu.vector_load %arg10[%get3A_377, %get3A_378] {strides = array<i32>} : memref<128x128xf32, #tpu.memory_space<vmem>>, vector<16xf32>,
          %mul3A_380 = arith.mulf %get3A_379, %broadcast_in_dim3A_334 : vector<16xf32>
          %swap3A_381 = arith.index_cast %add3A_331 : i32 to index
          %swap3A_382 = arith.constant 96 : index
          %swap3A_383 = tpu.vector_load %arg10[%swap3A_381, %swap3A_382] {strides = array<i32>} : memref<128x128xf32, #tpu.memory_space<vmem>>, vector<16xf32>,
          tpu.vector_store %arg10[%swap3A_381, %swap3A_382], %mul3A_380 {strides = array<i32>} : memref<128x128xf32, #tpu.memory_space<vmem>>, vector<16xf32>,
          %get3A_384 = arith.index_cast %add3A_331 : i32 to index
          %get3A_385 = arith.constant 112 : index
          %get3A_386 = tpu.vector_load %arg10[%get3A_384, %get3A_385] {strides = array<i32>} : memref<128x128xf32, #tpu.memory_space<vmem>>, vector<16xf32>,
          %mul3A_387 = arith.mulf %get3A_386, %broadcast_in_dim3A_334 : vector<16xf32>
          %swap3A_388 = arith.index_cast %add3A_331 : i32 to index
          %swap3A_389 = arith.constant 112 : index
          %swap3A_390 = tpu.vector_load %arg10[%swap3A_388, %swap3A_389] {strides = array<i32>} : memref<128x128xf32, #tpu.memory_space<vmem>>, vector<16xf32>,
          tpu.vector_store %arg10[%swap3A_388, %swap3A_389], %mul3A_387 {strides = array<i32>} : memref<128x128xf32, #tpu.memory_space<vmem>>, vector<16xf32>,
          %mul3A_391 = arith.constant 16 : i32
          %mul3A_392 = arith.muli %scan3A_73, %mul3A_391 : i32
          %add3A_393 = arith.constant 5 : i32
          %add3A_394 = arith.addi %mul3A_392, %add3A_393 : i32
          %slice3A_395 = vector.extract_strided_slice %get3A_78 {offsets = [5], sizes = [1], strides = [1]} : vector<16xf32> to vector<1xf32>
          %squeeze3A_396 = vector.extract %slice3A_395[0] : f32 from vector<1xf32>
          %broadcast_in_dim3A_397 = vector.broadcast %squeeze3A_396 : f32 to vector<16xf32>
          %get3A_398 = arith.index_cast %add3A_394 : i32 to index
          %get3A_399 = arith.constant 0 : index
          %get3A_400 = tpu.vector_load %arg10[%get3A_398, %get3A_399] {strides = array<i32>} : memref<128x128xf32, #tpu.memory_space<vmem>>, vector<16xf32>,
          %mul3A_401 = arith.mulf %get3A_400, %broadcast_in_dim3A_397 : vector<16xf32>
          %swap3A_402 = arith.index_cast %add3A_394 : i32 to index
          %swap3A_403 = arith.constant 0 : index
          %swap3A_404 = tpu.vector_load %arg10[%swap3A_402, %swap3A_403] {strides = array<i32>} : memref<128x128xf32, #tpu.memory_space<vmem>>, vector<16xf32>,
          tpu.vector_store %arg10[%swap3A_402, %swap3A_403], %mul3A_401 {strides = array<i32>} : memref<128x128xf32, #tpu.memory_space<vmem>>, vector<16xf32>,
          %get3A_405 = arith.index_cast %add3A_394 : i32 to index
          %get3A_406 = arith.constant 16 : index
          %get3A_407 = tpu.vector_load %arg10[%get3A_405, %get3A_406] {strides = array<i32>} : memref<128x128xf32, #tpu.memory_space<vmem>>, vector<16xf32>,
          %mul3A_408 = arith.mulf %get3A_407, %broadcast_in_dim3A_397 : vector<16xf32>
          %swap3A_409 = arith.index_cast %add3A_394 : i32 to index
          %swap3A_410 = arith.constant 16 : index
          %swap3A_411 = tpu.vector_load %arg10[%swap3A_409, %swap3A_410] {strides = array<i32>} : memref<128x128xf32, #tpu.memory_space<vmem>>, vector<16xf32>,
          tpu.vector_store %arg10[%swap3A_409, %swap3A_410], %mul3A_408 {strides = array<i32>} : memref<128x128xf32, #tpu.memory_space<vmem>>, vector<16xf32>,
          %get3A_412 = arith.index_cast %add3A_394 : i32 to index
          %get3A_413 = arith.constant 32 : index
          %get3A_414 = tpu.vector_load %arg10[%get3A_412, %get3A_413] {strides = array<i32>} : memref<128x128xf32, #tpu.memory_space<vmem>>, vector<16xf32>,
          %mul3A_415 = arith.mulf %get3A_414, %broadcast_in_dim3A_397 : vector<16xf32>
          %swap3A_416 = arith.index_cast %add3A_394 : i32 to index
          %swap3A_417 = arith.constant 32 : index
          %swap3A_418 = tpu.vector_load %arg10[%swap3A_416, %swap3A_417] {strides = array<i32>} : memref<128x128xf32, #tpu.memory_space<vmem>>, vector<16xf32>,
          tpu.vector_store %arg10[%swap3A_416, %swap3A_417], %mul3A_415 {strides = array<i32>} : memref<128x128xf32, #tpu.memory_space<vmem>>, vector<16xf32>,
          %get3A_419 = arith.index_cast %add3A_394 : i32 to index
          %get3A_420 = arith.constant 48 : index
          %get3A_421 = tpu.vector_load %arg10[%get3A_419, %get3A_420] {strides = array<i32>} : memref<128x128xf32, #tpu.memory_space<vmem>>, vector<16xf32>,
          %mul3A_422 = arith.mulf %get3A_421, %broadcast_in_dim3A_397 : vector<16xf32>
          %swap3A_423 = arith.index_cast %add3A_394 : i32 to index
          %swap3A_424 = arith.constant 48 : index
          %swap3A_425 = tpu.vector_load %arg10[%swap3A_423, %swap3A_424] {strides = array<i32>} : memref<128x128xf32, #tpu.memory_space<vmem>>, vector<16xf32>,
          tpu.vector_store %arg10[%swap3A_423, %swap3A_424], %mul3A_422 {strides = array<i32>} : memref<128x128xf32, #tpu.memory_space<vmem>>, vector<16xf32>,
          %get3A_426 = arith.index_cast %add3A_394 : i32 to index
          %get3A_427 = arith.constant 64 : index
          %get3A_428 = tpu.vector_load %arg10[%get3A_426, %get3A_427] {strides = array<i32>} : memref<128x128xf32, #tpu.memory_space<vmem>>, vector<16xf32>,
          %mul3A_429 = arith.mulf %get3A_428, %broadcast_in_dim3A_397 : vector<16xf32>
          %swap3A_430 = arith.index_cast %add3A_394 : i32 to index
          %swap3A_431 = arith.constant 64 : index
          %swap3A_432 = tpu.vector_load %arg10[%swap3A_430, %swap3A_431] {strides = array<i32>} : memref<128x128xf32, #tpu.memory_space<vmem>>, vector<16xf32>,
          tpu.vector_store %arg10[%swap3A_430, %swap3A_431], %mul3A_429 {strides = array<i32>} : memref<128x128xf32, #tpu.memory_space<vmem>>, vector<16xf32>,
          %get3A_433 = arith.index_cast %add3A_394 : i32 to index
          %get3A_434 = arith.constant 80 : index
          %get3A_435 = tpu.vector_load %arg10[%get3A_433, %get3A_434] {strides = array<i32>} : memref<128x128xf32, #tpu.memory_space<vmem>>, vector<16xf32>,
          %mul3A_436 = arith.mulf %get3A_435, %broadcast_in_dim3A_397 : vector<16xf32>
          %swap3A_437 = arith.index_cast %add3A_394 : i32 to index
          %swap3A_438 = arith.constant 80 : index
          %swap3A_439 = tpu.vector_load %arg10[%swap3A_437, %swap3A_438] {strides = array<i32>} : memref<128x128xf32, #tpu.memory_space<vmem>>, vector<16xf32>,
          tpu.vector_store %arg10[%swap3A_437, %swap3A_438], %mul3A_436 {strides = array<i32>} : memref<128x128xf32, #tpu.memory_space<vmem>>, vector<16xf32>,
          %get3A_440 = arith.index_cast %add3A_394 : i32 to index
          %get3A_441 = arith.constant 96 : index
          %get3A_442 = tpu.vector_load %arg10[%get3A_440, %get3A_441] {strides = array<i32>} : memref<128x128xf32, #tpu.memory_space<vmem>>, vector<16xf32>,
          %mul3A_443 = arith.mulf %get3A_442, %broadcast_in_dim3A_397 : vector<16xf32>
          %swap3A_444 = arith.index_cast %add3A_394 : i32 to index
          %swap3A_445 = arith.constant 96 : index
          %swap3A_446 = tpu.vector_load %arg10[%swap3A_444, %swap3A_445] {strides = array<i32>} : memref<128x128xf32, #tpu.memory_space<vmem>>, vector<16xf32>,
          tpu.vector_store %arg10[%swap3A_444, %swap3A_445], %mul3A_443 {strides = array<i32>} : memref<128x128xf32, #tpu.memory_space<vmem>>, vector<16xf32>,
          %get3A_447 = arith.index_cast %add3A_394 : i32 to index
          %get3A_448 = arith.constant 112 : index
          %get3A_449 = tpu.vector_load %arg10[%get3A_447, %get3A_448] {strides = array<i32>} : memref<128x128xf32, #tpu.memory_space<vmem>>, vector<16xf32>,
          %mul3A_450 = arith.mulf %get3A_449, %broadcast_in_dim3A_397 : vector<16xf32>
          %swap3A_451 = arith.index_cast %add3A_394 : i32 to index
          %swap3A_452 = arith.constant 112 : index
          %swap3A_453 = tpu.vector_load %arg10[%swap3A_451, %swap3A_452] {strides = array<i32>} : memref<128x128xf32, #tpu.memory_space<vmem>>, vector<16xf32>,
          tpu.vector_store %arg10[%swap3A_451, %swap3A_452], %mul3A_450 {strides = array<i32>} : memref<128x128xf32, #tpu.memory_space<vmem>>, vector<16xf32>,
          %mul3A_454 = arith.constant 16 : i32
          %mul3A_455 = arith.muli %scan3A_73, %mul3A_454 : i32
          %add3A_456 = arith.constant 6 : i32
          %add3A_457 = arith.addi %mul3A_455, %add3A_456 : i32
          %slice3A_458 = vector.extract_strided_slice %get3A_78 {offsets = [6], sizes = [1], strides = [1]} : vector<16xf32> to vector<1xf32>
          %squeeze3A_459 = vector.extract %slice3A_458[0] : f32 from vector<1xf32>
          %broadcast_in_dim3A_460 = vector.broadcast %squeeze3A_459 : f32 to vector<16xf32>
          %get3A_461 = arith.index_cast %add3A_457 : i32 to index
          %get3A_462 = arith.constant 0 : index
          %get3A_463 = tpu.vector_load %arg10[%get3A_461, %get3A_462] {strides = array<i32>} : memref<128x128xf32, #tpu.memory_space<vmem>>, vector<16xf32>,
          %mul3A_464 = arith.mulf %get3A_463, %broadcast_in_dim3A_460 : vector<16xf32>
          %swap3A_465 = arith.index_cast %add3A_457 : i32 to index
          %swap3A_466 = arith.constant 0 : index
          %swap3A_467 = tpu.vector_load %arg10[%swap3A_465, %swap3A_466] {strides = array<i32>} : memref<128x128xf32, #tpu.memory_space<vmem>>, vector<16xf32>,
          tpu.vector_store %arg10[%swap3A_465, %swap3A_466], %mul3A_464 {strides = array<i32>} : memref<128x128xf32, #tpu.memory_space<vmem>>, vector<16xf32>,
          %get3A_468 = arith.index_cast %add3A_457 : i32 to index
          %get3A_469 = arith.constant 16 : index
          %get3A_470 = tpu.vector_load %arg10[%get3A_468, %get3A_469] {strides = array<i32>} : memref<128x128xf32, #tpu.memory_space<vmem>>, vector<16xf32>,
          %mul3A_471 = arith.mulf %get3A_470, %broadcast_in_dim3A_460 : vector<16xf32>
          %swap3A_472 = arith.index_cast %add3A_457 : i32 to index
          %swap3A_473 = arith.constant 16 : index
          %swap3A_474 = tpu.vector_load %arg10[%swap3A_472, %swap3A_473] {strides = array<i32>} : memref<128x128xf32, #tpu.memory_space<vmem>>, vector<16xf32>,
          tpu.vector_store %arg10[%swap3A_472, %swap3A_473], %mul3A_471 {strides = array<i32>} : memref<128x128xf32, #tpu.memory_space<vmem>>, vector<16xf32>,
          %get3A_475 = arith.index_cast %add3A_457 : i32 to index
          %get3A_476 = arith.constant 32 : index
          %get3A_477 = tpu.vector_load %arg10[%get3A_475, %get3A_476] {strides = array<i32>} : memref<128x128xf32, #tpu.memory_space<vmem>>, vector<16xf32>,
          %mul3A_478 = arith.mulf %get3A_477, %broadcast_in_dim3A_460 : vector<16xf32>
          %swap3A_479 = arith.index_cast %add3A_457 : i32 to index
          %swap3A_480 = arith.constant 32 : index
          %swap3A_481 = tpu.vector_load %arg10[%swap3A_479, %swap3A_480] {strides = array<i32>} : memref<128x128xf32, #tpu.memory_space<vmem>>, vector<16xf32>,
          tpu.vector_store %arg10[%swap3A_479, %swap3A_480], %mul3A_478 {strides = array<i32>} : memref<128x128xf32, #tpu.memory_space<vmem>>, vector<16xf32>,
          %get3A_482 = arith.index_cast %add3A_457 : i32 to index
          %get3A_483 = arith.constant 48 : index
          %get3A_484 = tpu.vector_load %arg10[%get3A_482, %get3A_483] {strides = array<i32>} : memref<128x128xf32, #tpu.memory_space<vmem>>, vector<16xf32>,
          %mul3A_485 = arith.mulf %get3A_484, %broadcast_in_dim3A_460 : vector<16xf32>
          %swap3A_486 = arith.index_cast %add3A_457 : i32 to index
          %swap3A_487 = arith.constant 48 : index
          %swap3A_488 = tpu.vector_load %arg10[%swap3A_486, %swap3A_487] {strides = array<i32>} : memref<128x128xf32, #tpu.memory_space<vmem>>, vector<16xf32>,
          tpu.vector_store %arg10[%swap3A_486, %swap3A_487], %mul3A_485 {strides = array<i32>} : memref<128x128xf32, #tpu.memory_space<vmem>>, vector<16xf32>,
          %get3A_489 = arith.index_cast %add3A_457 : i32 to index
          %get3A_490 = arith.constant 64 : index
          %get3A_491 = tpu.vector_load %arg10[%get3A_489, %get3A_490] {strides = array<i32>} : memref<128x128xf32, #tpu.memory_space<vmem>>, vector<16xf32>,
          %mul3A_492 = arith.mulf %get3A_491, %broadcast_in_dim3A_460 : vector<16xf32>
          %swap3A_493 = arith.index_cast %add3A_457 : i32 to index
          %swap3A_494 = arith.constant 64 : index
          %swap3A_495 = tpu.vector_load %arg10[%swap3A_493, %swap3A_494] {strides = array<i32>} : memref<128x128xf32, #tpu.memory_space<vmem>>, vector<16xf32>,
          tpu.vector_store %arg10[%swap3A_493, %swap3A_494], %mul3A_492 {strides = array<i32>} : memref<128x128xf32, #tpu.memory_space<vmem>>, vector<16xf32>,
          %get3A_496 = arith.index_cast %add3A_457 : i32 to index
          %get3A_497 = arith.constant 80 : index
          %get3A_498 = tpu.vector_load %arg10[%get3A_496, %get3A_497] {strides = array<i32>} : memref<128x128xf32, #tpu.memory_space<vmem>>, vector<16xf32>,
          %mul3A_499 = arith.mulf %get3A_498, %broadcast_in_dim3A_460 : vector<16xf32>
          %swap3A_500 = arith.index_cast %add3A_457 : i32 to index
          %swap3A_501 = arith.constant 80 : index
          %swap3A_502 = tpu.vector_load %arg10[%swap3A_500, %swap3A_501] {strides = array<i32>} : memref<128x128xf32, #tpu.memory_space<vmem>>, vector<16xf32>,
          tpu.vector_store %arg10[%swap3A_500, %swap3A_501], %mul3A_499 {strides = array<i32>} : memref<128x128xf32, #tpu.memory_space<vmem>>, vector<16xf32>,
          %get3A_503 = arith.index_cast %add3A_457 : i32 to index
          %get3A_504 = arith.constant 96 : index
          %get3A_505 = tpu.vector_load %arg10[%get3A_503, %get3A_504] {strides = array<i32>} : memref<128x128xf32, #tpu.memory_space<vmem>>, vector<16xf32>,
          %mul3A_506 = arith.mulf %get3A_505, %broadcast_in_dim3A_460 : vector<16xf32>
          %swap3A_507 = arith.index_cast %add3A_457 : i32 to index
          %swap3A_508 = arith.constant 96 : index
          %swap3A_509 = tpu.vector_load %arg10[%swap3A_507, %swap3A_508] {strides = array<i32>} : memref<128x128xf32, #tpu.memory_space<vmem>>, vector<16xf32>,
          tpu.vector_store %arg10[%swap3A_507, %swap3A_508], %mul3A_506 {strides = array<i32>} : memref<128x128xf32, #tpu.memory_space<vmem>>, vector<16xf32>,
          %get3A_510 = arith.index_cast %add3A_457 : i32 to index
          %get3A_511 = arith.constant 112 : index
          %get3A_512 = tpu.vector_load %arg10[%get3A_510, %get3A_511] {strides = array<i32>} : memref<128x128xf32, #tpu.memory_space<vmem>>, vector<16xf32>,
          %mul3A_513 = arith.mulf %get3A_512, %broadcast_in_dim3A_460 : vector<16xf32>
          %swap3A_514 = arith.index_cast %add3A_457 : i32 to index
          %swap3A_515 = arith.constant 112 : index
          %swap3A_516 = tpu.vector_load %arg10[%swap3A_514, %swap3A_515] {strides = array<i32>} : memref<128x128xf32, #tpu.memory_space<vmem>>, vector<16xf32>,
          tpu.vector_store %arg10[%swap3A_514, %swap3A_515], %mul3A_513 {strides = array<i32>} : memref<128x128xf32, #tpu.memory_space<vmem>>, vector<16xf32>,
          %mul3A_517 = arith.constant 16 : i32
          %mul3A_518 = arith.muli %scan3A_73, %mul3A_517 : i32
          %add3A_519 = arith.constant 7 : i32
          %add3A_520 = arith.addi %mul3A_518, %add3A_519 : i32
          %slice3A_521 = vector.extract_strided_slice %get3A_78 {offsets = [7], sizes = [1], strides = [1]} : vector<16xf32> to vector<1xf32>
          %squeeze3A_522 = vector.extract %slice3A_521[0] : f32 from vector<1xf32>
          %broadcast_in_dim3A_523 = vector.broadcast %squeeze3A_522 : f32 to vector<16xf32>
          %get3A_524 = arith.index_cast %add3A_520 : i32 to index
          %get3A_525 = arith.constant 0 : index
          %get3A_526 = tpu.vector_load %arg10[%get3A_524, %get3A_525] {strides = array<i32>} : memref<128x128xf32, #tpu.memory_space<vmem>>, vector<16xf32>,
          %mul3A_527 = arith.mulf %get3A_526, %broadcast_in_dim3A_523 : vector<16xf32>
          %swap3A_528 = arith.index_cast %add3A_520 : i32 to index
          %swap3A_529 = arith.constant 0 : index
          %swap3A_530 = tpu.vector_load %arg10[%swap3A_528, %swap3A_529] {strides = array<i32>} : memref<128x128xf32, #tpu.memory_space<vmem>>, vector<16xf32>,
          tpu.vector_store %arg10[%swap3A_528, %swap3A_529], %mul3A_527 {strides = array<i32>} : memref<128x128xf32, #tpu.memory_space<vmem>>, vector<16xf32>,
          %get3A_531 = arith.index_cast %add3A_520 : i32 to index
          %get3A_532 = arith.constant 16 : index
          %get3A_533 = tpu.vector_load %arg10[%get3A_531, %get3A_532] {strides = array<i32>} : memref<128x128xf32, #tpu.memory_space<vmem>>, vector<16xf32>,
          %mul3A_534 = arith.mulf %get3A_533, %broadcast_in_dim3A_523 : vector<16xf32>
          %swap3A_535 = arith.index_cast %add3A_520 : i32 to index
          %swap3A_536 = arith.constant 16 : index
          %swap3A_537 = tpu.vector_load %arg10[%swap3A_535, %swap3A_536] {strides = array<i32>} : memref<128x128xf32, #tpu.memory_space<vmem>>, vector<16xf32>,
          tpu.vector_store %arg10[%swap3A_535, %swap3A_536], %mul3A_534 {strides = array<i32>} : memref<128x128xf32, #tpu.memory_space<vmem>>, vector<16xf32>,
          %get3A_538 = arith.index_cast %add3A_520 : i32 to index
          %get3A_539 = arith.constant 32 : index
          %get3A_540 = tpu.vector_load %arg10[%get3A_538, %get3A_539] {strides = array<i32>} : memref<128x128xf32, #tpu.memory_space<vmem>>, vector<16xf32>,
          %mul3A_541 = arith.mulf %get3A_540, %broadcast_in_dim3A_523 : vector<16xf32>
          %swap3A_542 = arith.index_cast %add3A_520 : i32 to index
          %swap3A_543 = arith.constant 32 : index
          %swap3A_544 = tpu.vector_load %arg10[%swap3A_542, %swap3A_543] {strides = array<i32>} : memref<128x128xf32, #tpu.memory_space<vmem>>, vector<16xf32>,
          tpu.vector_store %arg10[%swap3A_542, %swap3A_543], %mul3A_541 {strides = array<i32>} : memref<128x128xf32, #tpu.memory_space<vmem>>, vector<16xf32>,
          %get3A_545 = arith.index_cast %add3A_520 : i32 to index
          %get3A_546 = arith.constant 48 : index
          %get3A_547 = tpu.vector_load %arg10[%get3A_545, %get3A_546] {strides = array<i32>} : memref<128x128xf32, #tpu.memory_space<vmem>>, vector<16xf32>,
          %mul3A_548 = arith.mulf %get3A_547, %broadcast_in_dim3A_523 : vector<16xf32>
          %swap3A_549 = arith.index_cast %add3A_520 : i32 to index
          %swap3A_550 = arith.constant 48 : index
          %swap3A_551 = tpu.vector_load %arg10[%swap3A_549, %swap3A_550] {strides = array<i32>} : memref<128x128xf32, #tpu.memory_space<vmem>>, vector<16xf32>,
          tpu.vector_store %arg10[%swap3A_549, %swap3A_550], %mul3A_548 {strides = array<i32>} : memref<128x128xf32, #tpu.memory_space<vmem>>, vector<16xf32>,
          %get3A_552 = arith.index_cast %add3A_520 : i32 to index
          %get3A_553 = arith.constant 64 : index
          %get3A_554 = tpu.vector_load %arg10[%get3A_552, %get3A_553] {strides = array<i32>} : memref<128x128xf32, #tpu.memory_space<vmem>>, vector<16xf32>,
          %mul3A_555 = arith.mulf %get3A_554, %broadcast_in_dim3A_523 : vector<16xf32>
          %swap3A_556 = arith.index_cast %add3A_520 : i32 to index
          %swap3A_557 = arith.constant 64 : index
          %swap3A_558 = tpu.vector_load %arg10[%swap3A_556, %swap3A_557] {strides = array<i32>} : memref<128x128xf32, #tpu.memory_space<vmem>>, vector<16xf32>,
          tpu.vector_store %arg10[%swap3A_556, %swap3A_557], %mul3A_555 {strides = array<i32>} : memref<128x128xf32, #tpu.memory_space<vmem>>, vector<16xf32>,
          %get3A_559 = arith.index_cast %add3A_520 : i32 to index
          %get3A_560 = arith.constant 80 : index
          %get3A_561 = tpu.vector_load %arg10[%get3A_559, %get3A_560] {strides = array<i32>} : memref<128x128xf32, #tpu.memory_space<vmem>>, vector<16xf32>,
          %mul3A_562 = arith.mulf %get3A_561, %broadcast_in_dim3A_523 : vector<16xf32>
          %swap3A_563 = arith.index_cast %add3A_520 : i32 to index
          %swap3A_564 = arith.constant 80 : index
          %swap3A_565 = tpu.vector_load %arg10[%swap3A_563, %swap3A_564] {strides = array<i32>} : memref<128x128xf32, #tpu.memory_space<vmem>>, vector<16xf32>,
          tpu.vector_store %arg10[%swap3A_563, %swap3A_564], %mul3A_562 {strides = array<i32>} : memref<128x128xf32, #tpu.memory_space<vmem>>, vector<16xf32>,
          %get3A_566 = arith.index_cast %add3A_520 : i32 to index
          %get3A_567 = arith.constant 96 : index
          %get3A_568 = tpu.vector_load %arg10[%get3A_566, %get3A_567] {strides = array<i32>} : memref<128x128xf32, #tpu.memory_space<vmem>>, vector<16xf32>,
          %mul3A_569 = arith.mulf %get3A_568, %broadcast_in_dim3A_523 : vector<16xf32>
          %swap3A_570 = arith.index_cast %add3A_520 : i32 to index
          %swap3A_571 = arith.constant 96 : index
          %swap3A_572 = tpu.vector_load %arg10[%swap3A_570, %swap3A_571] {strides = array<i32>} : memref<128x128xf32, #tpu.memory_space<vmem>>, vector<16xf32>,
          tpu.vector_store %arg10[%swap3A_570, %swap3A_571], %mul3A_569 {strides = array<i32>} : memref<128x128xf32, #tpu.memory_space<vmem>>, vector<16xf32>,
          %get3A_573 = arith.index_cast %add3A_520 : i32 to index
          %get3A_574 = arith.constant 112 : index
          %get3A_575 = tpu.vector_load %arg10[%get3A_573, %get3A_574] {strides = array<i32>} : memref<128x128xf32, #tpu.memory_space<vmem>>, vector<16xf32>,
          %mul3A_576 = arith.mulf %get3A_575, %broadcast_in_dim3A_523 : vector<16xf32>
          %swap3A_577 = arith.index_cast %add3A_520 : i32 to index
          %swap3A_578 = arith.constant 112 : index
          %swap3A_579 = tpu.vector_load %arg10[%swap3A_577, %swap3A_578] {strides = array<i32>} : memref<128x128xf32, #tpu.memory_space<vmem>>, vector<16xf32>,
          tpu.vector_store %arg10[%swap3A_577, %swap3A_578], %mul3A_576 {strides = array<i32>} : memref<128x128xf32, #tpu.memory_space<vmem>>, vector<16xf32>,
          %mul3A_580 = arith.constant 16 : i32
          %mul3A_581 = arith.muli %scan3A_73, %mul3A_580 : i32
          %add3A_582 = arith.constant 8 : i32
          %add3A_583 = arith.addi %mul3A_581, %add3A_582 : i32
          %slice3A_584 = vector.extract_strided_slice %get3A_78 {offsets = [8], sizes = [1], strides = [1]} : vector<16xf32> to vector<1xf32>
          %squeeze3A_585 = vector.extract %slice3A_584[0] : f32 from vector<1xf32>
          %broadcast_in_dim3A_586 = vector.broadcast %squeeze3A_585 : f32 to vector<16xf32>
          %get3A_587 = arith.index_cast %add3A_583 : i32 to index
          %get3A_588 = arith.constant 0 : index
          %get3A_589 = tpu.vector_load %arg10[%get3A_587, %get3A_588] {strides = array<i32>} : memref<128x128xf32, #tpu.memory_space<vmem>>, vector<16xf32>,
          %mul3A_590 = arith.mulf %get3A_589, %broadcast_in_dim3A_586 : vector<16xf32>
          %swap3A_591 = arith.index_cast %add3A_583 : i32 to index
          %swap3A_592 = arith.constant 0 : index
          %swap3A_593 = tpu.vector_load %arg10[%swap3A_591, %swap3A_592] {strides = array<i32>} : memref<128x128xf32, #tpu.memory_space<vmem>>, vector<16xf32>,
          tpu.vector_store %arg10[%swap3A_591, %swap3A_592], %mul3A_590 {strides = array<i32>} : memref<128x128xf32, #tpu.memory_space<vmem>>, vector<16xf32>,
          %get3A_594 = arith.index_cast %add3A_583 : i32 to index
          %get3A_595 = arith.constant 16 : index
          %get3A_596 = tpu.vector_load %arg10[%get3A_594, %get3A_595] {strides = array<i32>} : memref<128x128xf32, #tpu.memory_space<vmem>>, vector<16xf32>,
          %mul3A_597 = arith.mulf %get3A_596, %broadcast_in_dim3A_586 : vector<16xf32>
          %swap3A_598 = arith.index_cast %add3A_583 : i32 to index
          %swap3A_599 = arith.constant 16 : index
          %swap3A_600 = tpu.vector_load %arg10[%swap3A_598, %swap3A_599] {strides = array<i32>} : memref<128x128xf32, #tpu.memory_space<vmem>>, vector<16xf32>,
          tpu.vector_store %arg10[%swap3A_598, %swap3A_599], %mul3A_597 {strides = array<i32>} : memref<128x128xf32, #tpu.memory_space<vmem>>, vector<16xf32>,
          %get3A_601 = arith.index_cast %add3A_583 : i32 to index
          %get3A_602 = arith.constant 32 : index
          %get3A_603 = tpu.vector_load %arg10[%get3A_601, %get3A_602] {strides = array<i32>} : memref<128x128xf32, #tpu.memory_space<vmem>>, vector<16xf32>,
          %mul3A_604 = arith.mulf %get3A_603, %broadcast_in_dim3A_586 : vector<16xf32>
          %swap3A_605 = arith.index_cast %add3A_583 : i32 to index
          %swap3A_606 = arith.constant 32 : index
          %swap3A_607 = tpu.vector_load %arg10[%swap3A_605, %swap3A_606] {strides = array<i32>} : memref<128x128xf32, #tpu.memory_space<vmem>>, vector<16xf32>,
          tpu.vector_store %arg10[%swap3A_605, %swap3A_606], %mul3A_604 {strides = array<i32>} : memref<128x128xf32, #tpu.memory_space<vmem>>, vector<16xf32>,
          %get3A_608 = arith.index_cast %add3A_583 : i32 to index
          %get3A_609 = arith.constant 48 : index
          %get3A_610 = tpu.vector_load %arg10[%get3A_608, %get3A_609] {strides = array<i32>} : memref<128x128xf32, #tpu.memory_space<vmem>>, vector<16xf32>,
          %mul3A_611 = arith.mulf %get3A_610, %broadcast_in_dim3A_586 : vector<16xf32>
          %swap3A_612 = arith.index_cast %add3A_583 : i32 to index
          %swap3A_613 = arith.constant 48 : index
          %swap3A_614 = tpu.vector_load %arg10[%swap3A_612, %swap3A_613] {strides = array<i32>} : memref<128x128xf32, #tpu.memory_space<vmem>>, vector<16xf32>,
          tpu.vector_store %arg10[%swap3A_612, %swap3A_613], %mul3A_611 {strides = array<i32>} : memref<128x128xf32, #tpu.memory_space<vmem>>, vector<16xf32>,
          %get3A_615 = arith.index_cast %add3A_583 : i32 to index
          %get3A_616 = arith.constant 64 : index
          %get3A_617 = tpu.vector_load %arg10[%get3A_615, %get3A_616] {strides = array<i32>} : memref<128x128xf32, #tpu.memory_space<vmem>>, vector<16xf32>,
          %mul3A_618 = arith.mulf %get3A_617, %broadcast_in_dim3A_586 : vector<16xf32>
          %swap3A_619 = arith.index_cast %add3A_583 : i32 to index
          %swap3A_620 = arith.constant 64 : index
          %swap3A_621 = tpu.vector_load %arg10[%swap3A_619, %swap3A_620] {strides = array<i32>} : memref<128x128xf32, #tpu.memory_space<vmem>>, vector<16xf32>,
          tpu.vector_store %arg10[%swap3A_619, %swap3A_620], %mul3A_618 {strides = array<i32>} : memref<128x128xf32, #tpu.memory_space<vmem>>, vector<16xf32>,
          %get3A_622 = arith.index_cast %add3A_583 : i32 to index
          %get3A_623 = arith.constant 80 : index
          %get3A_624 = tpu.vector_load %arg10[%get3A_622, %get3A_623] {strides = array<i32>} : memref<128x128xf32, #tpu.memory_space<vmem>>, vector<16xf32>,
          %mul3A_625 = arith.mulf %get3A_624, %broadcast_in_dim3A_586 : vector<16xf32>
          %swap3A_626 = arith.index_cast %add3A_583 : i32 to index
          %swap3A_627 = arith.constant 80 : index
          %swap3A_628 = tpu.vector_load %arg10[%swap3A_626, %swap3A_627] {strides = array<i32>} : memref<128x128xf32, #tpu.memory_space<vmem>>, vector<16xf32>,
          tpu.vector_store %arg10[%swap3A_626, %swap3A_627], %mul3A_625 {strides = array<i32>} : memref<128x128xf32, #tpu.memory_space<vmem>>, vector<16xf32>,
          %get3A_629 = arith.index_cast %add3A_583 : i32 to index
          %get3A_630 = arith.constant 96 : index
          %get3A_631 = tpu.vector_load %arg10[%get3A_629, %get3A_630] {strides = array<i32>} : memref<128x128xf32, #tpu.memory_space<vmem>>, vector<16xf32>,
          %mul3A_632 = arith.mulf %get3A_631, %broadcast_in_dim3A_586 : vector<16xf32>
          %swap3A_633 = arith.index_cast %add3A_583 : i32 to index
          %swap3A_634 = arith.constant 96 : index
          %swap3A_635 = tpu.vector_load %arg10[%swap3A_633, %swap3A_634] {strides = array<i32>} : memref<128x128xf32, #tpu.memory_space<vmem>>, vector<16xf32>,
          tpu.vector_store %arg10[%swap3A_633, %swap3A_634], %mul3A_632 {strides = array<i32>} : memref<128x128xf32, #tpu.memory_space<vmem>>, vector<16xf32>,
          %get3A_636 = arith.index_cast %add3A_583 : i32 to index
          %get3A_637 = arith.constant 112 : index
          %get3A_638 = tpu.vector_load %arg10[%get3A_636, %get3A_637] {strides = array<i32>} : memref<128x128xf32, #tpu.memory_space<vmem>>, vector<16xf32>,
          %mul3A_639 = arith.mulf %get3A_638, %broadcast_in_dim3A_586 : vector<16xf32>
          %swap3A_640 = arith.index_cast %add3A_583 : i32 to index
          %swap3A_641 = arith.constant 112 : index
          %swap3A_642 = tpu.vector_load %arg10[%swap3A_640, %swap3A_641] {strides = array<i32>} : memref<128x128xf32, #tpu.memory_space<vmem>>, vector<16xf32>,
          tpu.vector_store %arg10[%swap3A_640, %swap3A_641], %mul3A_639 {strides = array<i32>} : memref<128x128xf32, #tpu.memory_space<vmem>>, vector<16xf32>,
          %mul3A_643 = arith.constant 16 : i32
          %mul3A_644 = arith.muli %scan3A_73, %mul3A_643 : i32
          %add3A_645 = arith.constant 9 : i32
          %add3A_646 = arith.addi %mul3A_644, %add3A_645 : i32
          %slice3A_647 = vector.extract_strided_slice %get3A_78 {offsets = [9], sizes = [1], strides = [1]} : vector<16xf32> to vector<1xf32>
          %squeeze3A_648 = vector.extract %slice3A_647[0] : f32 from vector<1xf32>
          %broadcast_in_dim3A_649 = vector.broadcast %squeeze3A_648 : f32 to vector<16xf32>
          %get3A_650 = arith.index_cast %add3A_646 : i32 to index
          %get3A_651 = arith.constant 0 : index
          %get3A_652 = tpu.vector_load %arg10[%get3A_650, %get3A_651] {strides = array<i32>} : memref<128x128xf32, #tpu.memory_space<vmem>>, vector<16xf32>,
          %mul3A_653 = arith.mulf %get3A_652, %broadcast_in_dim3A_649 : vector<16xf32>
          %swap3A_654 = arith.index_cast %add3A_646 : i32 to index
          %swap3A_655 = arith.constant 0 : index
          %swap3A_656 = tpu.vector_load %arg10[%swap3A_654, %swap3A_655] {strides = array<i32>} : memref<128x128xf32, #tpu.memory_space<vmem>>, vector<16xf32>,
          tpu.vector_store %arg10[%swap3A_654, %swap3A_655], %mul3A_653 {strides = array<i32>} : memref<128x128xf32, #tpu.memory_space<vmem>>, vector<16xf32>,
          %get3A_657 = arith.index_cast %add3A_646 : i32 to index
          %get3A_658 = arith.constant 16 : index
          %get3A_659 = tpu.vector_load %arg10[%get3A_657, %get3A_658] {strides = array<i32>} : memref<128x128xf32, #tpu.memory_space<vmem>>, vector<16xf32>,
          %mul3A_660 = arith.mulf %get3A_659, %broadcast_in_dim3A_649 : vector<16xf32>
          %swap3A_661 = arith.index_cast %add3A_646 : i32 to index
          %swap3A_662 = arith.constant 16 : index
          %swap3A_663 = tpu.vector_load %arg10[%swap3A_661, %swap3A_662] {strides = array<i32>} : memref<128x128xf32, #tpu.memory_space<vmem>>, vector<16xf32>,
          tpu.vector_store %arg10[%swap3A_661, %swap3A_662], %mul3A_660 {strides = array<i32>} : memref<128x128xf32, #tpu.memory_space<vmem>>, vector<16xf32>,
          %get3A_664 = arith.index_cast %add3A_646 : i32 to index
          %get3A_665 = arith.constant 32 : index
          %get3A_666 = tpu.vector_load %arg10[%get3A_664, %get3A_665] {strides = array<i32>} : memref<128x128xf32, #tpu.memory_space<vmem>>, vector<16xf32>,
          %mul3A_667 = arith.mulf %get3A_666, %broadcast_in_dim3A_649 : vector<16xf32>
          %swap3A_668 = arith.index_cast %add3A_646 : i32 to index
          %swap3A_669 = arith.constant 32 : index
          %swap3A_670 = tpu.vector_load %arg10[%swap3A_668, %swap3A_669] {strides = array<i32>} : memref<128x128xf32, #tpu.memory_space<vmem>>, vector<16xf32>,
          tpu.vector_store %arg10[%swap3A_668, %swap3A_669], %mul3A_667 {strides = array<i32>} : memref<128x128xf32, #tpu.memory_space<vmem>>, vector<16xf32>,
          %get3A_671 = arith.index_cast %add3A_646 : i32 to index
          %get3A_672 = arith.constant 48 : index
          %get3A_673 = tpu.vector_load %arg10[%get3A_671, %get3A_672] {strides = array<i32>} : memref<128x128xf32, #tpu.memory_space<vmem>>, vector<16xf32>,
          %mul3A_674 = arith.mulf %get3A_673, %broadcast_in_dim3A_649 : vector<16xf32>
          %swap3A_675 = arith.index_cast %add3A_646 : i32 to index
          %swap3A_676 = arith.constant 48 : index
          %swap3A_677 = tpu.vector_load %arg10[%swap3A_675, %swap3A_676] {strides = array<i32>} : memref<128x128xf32, #tpu.memory_space<vmem>>, vector<16xf32>,
          tpu.vector_store %arg10[%swap3A_675, %swap3A_676], %mul3A_674 {strides = array<i32>} : memref<128x128xf32, #tpu.memory_space<vmem>>, vector<16xf32>,
          %get3A_678 = arith.index_cast %add3A_646 : i32 to index
          %get3A_679 = arith.constant 64 : index
          %get3A_680 = tpu.vector_load %arg10[%get3A_678, %get3A_679] {strides = array<i32>} : memref<128x128xf32, #tpu.memory_space<vmem>>, vector<16xf32>,
          %mul3A_681 = arith.mulf %get3A_680, %broadcast_in_dim3A_649 : vector<16xf32>
          %swap3A_682 = arith.index_cast %add3A_646 : i32 to index
          %swap3A_683 = arith.constant 64 : index
          %swap3A_684 = tpu.vector_load %arg10[%swap3A_682, %swap3A_683] {strides = array<i32>} : memref<128x128xf32, #tpu.memory_space<vmem>>, vector<16xf32>,
          tpu.vector_store %arg10[%swap3A_682, %swap3A_683], %mul3A_681 {strides = array<i32>} : memref<128x128xf32, #tpu.memory_space<vmem>>, vector<16xf32>,
          %get3A_685 = arith.index_cast %add3A_646 : i32 to index
          %get3A_686 = arith.constant 80 : index
          %get3A_687 = tpu.vector_load %arg10[%get3A_685, %get3A_686] {strides = array<i32>} : memref<128x128xf32, #tpu.memory_space<vmem>>, vector<16xf32>,
          %mul3A_688 = arith.mulf %get3A_687, %broadcast_in_dim3A_649 : vector<16xf32>
          %swap3A_689 = arith.index_cast %add3A_646 : i32 to index
          %swap3A_690 = arith.constant 80 : index
          %swap3A_691 = tpu.vector_load %arg10[%swap3A_689, %swap3A_690] {strides = array<i32>} : memref<128x128xf32, #tpu.memory_space<vmem>>, vector<16xf32>,
          tpu.vector_store %arg10[%swap3A_689, %swap3A_690], %mul3A_688 {strides = array<i32>} : memref<128x128xf32, #tpu.memory_space<vmem>>, vector<16xf32>,
          %get3A_692 = arith.index_cast %add3A_646 : i32 to index
          %get3A_693 = arith.constant 96 : index
          %get3A_694 = tpu.vector_load %arg10[%get3A_692, %get3A_693] {strides = array<i32>} : memref<128x128xf32, #tpu.memory_space<vmem>>, vector<16xf32>,
          %mul3A_695 = arith.mulf %get3A_694, %broadcast_in_dim3A_649 : vector<16xf32>
          %swap3A_696 = arith.index_cast %add3A_646 : i32 to index
          %swap3A_697 = arith.constant 96 : index
          %swap3A_698 = tpu.vector_load %arg10[%swap3A_696, %swap3A_697] {strides = array<i32>} : memref<128x128xf32, #tpu.memory_space<vmem>>, vector<16xf32>,
          tpu.vector_store %arg10[%swap3A_696, %swap3A_697], %mul3A_695 {strides = array<i32>} : memref<128x128xf32, #tpu.memory_space<vmem>>, vector<16xf32>,
          %get3A_699 = arith.index_cast %add3A_646 : i32 to index
          %get3A_700 = arith.constant 112 : index
          %get3A_701 = tpu.vector_load %arg10[%get3A_699, %get3A_700] {strides = array<i32>} : memref<128x128xf32, #tpu.memory_space<vmem>>, vector<16xf32>,
          %mul3A_702 = arith.mulf %get3A_701, %broadcast_in_dim3A_649 : vector<16xf32>
          %swap3A_703 = arith.index_cast %add3A_646 : i32 to index
          %swap3A_704 = arith.constant 112 : index
          %swap3A_705 = tpu.vector_load %arg10[%swap3A_703, %swap3A_704] {strides = array<i32>} : memref<128x128xf32, #tpu.memory_space<vmem>>, vector<16xf32>,
          tpu.vector_store %arg10[%swap3A_703, %swap3A_704], %mul3A_702 {strides = array<i32>} : memref<128x128xf32, #tpu.memory_space<vmem>>, vector<16xf32>,
          %mul3A_706 = arith.constant 16 : i32
          %mul3A_707 = arith.muli %scan3A_73, %mul3A_706 : i32
          %add3A_708 = arith.constant 10 : i32
          %add3A_709 = arith.addi %mul3A_707, %add3A_708 : i32
          %slice3A_710 = vector.extract_strided_slice %get3A_78 {offsets = [10], sizes = [1], strides = [1]} : vector<16xf32> to vector<1xf32>
          %squeeze3A_711 = vector.extract %slice3A_710[0] : f32 from vector<1xf32>
          %broadcast_in_dim3A_712 = vector.broadcast %squeeze3A_711 : f32 to vector<16xf32>
          %get3A_713 = arith.index_cast %add3A_709 : i32 to index
          %get3A_714 = arith.constant 0 : index
          %get3A_715 = tpu.vector_load %arg10[%get3A_713, %get3A_714] {strides = array<i32>} : memref<128x128xf32, #tpu.memory_space<vmem>>, vector<16xf32>,
          %mul3A_716 = arith.mulf %get3A_715, %broadcast_in_dim3A_712 : vector<16xf32>
          %swap3A_717 = arith.index_cast %add3A_709 : i32 to index
          %swap3A_718 = arith.constant 0 : index
          %swap3A_719 = tpu.vector_load %arg10[%swap3A_717, %swap3A_718] {strides = array<i32>} : memref<128x128xf32, #tpu.memory_space<vmem>>, vector<16xf32>,
          tpu.vector_store %arg10[%swap3A_717, %swap3A_718], %mul3A_716 {strides = array<i32>} : memref<128x128xf32, #tpu.memory_space<vmem>>, vector<16xf32>,
          %get3A_720 = arith.index_cast %add3A_709 : i32 to index
          %get3A_721 = arith.constant 16 : index
          %get3A_722 = tpu.vector_load %arg10[%get3A_720, %get3A_721] {strides = array<i32>} : memref<128x128xf32, #tpu.memory_space<vmem>>, vector<16xf32>,
          %mul3A_723 = arith.mulf %get3A_722, %broadcast_in_dim3A_712 : vector<16xf32>
          %swap3A_724 = arith.index_cast %add3A_709 : i32 to index
          %swap3A_725 = arith.constant 16 : index
          %swap3A_726 = tpu.vector_load %arg10[%swap3A_724, %swap3A_725] {strides = array<i32>} : memref<128x128xf32, #tpu.memory_space<vmem>>, vector<16xf32>,
          tpu.vector_store %arg10[%swap3A_724, %swap3A_725], %mul3A_723 {strides = array<i32>} : memref<128x128xf32, #tpu.memory_space<vmem>>, vector<16xf32>,
          %get3A_727 = arith.index_cast %add3A_709 : i32 to index
          %get3A_728 = arith.constant 32 : index
          %get3A_729 = tpu.vector_load %arg10[%get3A_727, %get3A_728] {strides = array<i32>} : memref<128x128xf32, #tpu.memory_space<vmem>>, vector<16xf32>,
          %mul3A_730 = arith.mulf %get3A_729, %broadcast_in_dim3A_712 : vector<16xf32>
          %swap3A_731 = arith.index_cast %add3A_709 : i32 to index
          %swap3A_732 = arith.constant 32 : index
          %swap3A_733 = tpu.vector_load %arg10[%swap3A_731, %swap3A_732] {strides = array<i32>} : memref<128x128xf32, #tpu.memory_space<vmem>>, vector<16xf32>,
          tpu.vector_store %arg10[%swap3A_731, %swap3A_732], %mul3A_730 {strides = array<i32>} : memref<128x128xf32, #tpu.memory_space<vmem>>, vector<16xf32>,
          %get3A_734 = arith.index_cast %add3A_709 : i32 to index
          %get3A_735 = arith.constant 48 : index
          %get3A_736 = tpu.vector_load %arg10[%get3A_734, %get3A_735] {strides = array<i32>} : memref<128x128xf32, #tpu.memory_space<vmem>>, vector<16xf32>,
          %mul3A_737 = arith.mulf %get3A_736, %broadcast_in_dim3A_712 : vector<16xf32>
          %swap3A_738 = arith.index_cast %add3A_709 : i32 to index
          %swap3A_739 = arith.constant 48 : index
          %swap3A_740 = tpu.vector_load %arg10[%swap3A_738, %swap3A_739] {strides = array<i32>} : memref<128x128xf32, #tpu.memory_space<vmem>>, vector<16xf32>,
          tpu.vector_store %arg10[%swap3A_738, %swap3A_739], %mul3A_737 {strides = array<i32>} : memref<128x128xf32, #tpu.memory_space<vmem>>, vector<16xf32>,
          %get3A_741 = arith.index_cast %add3A_709 : i32 to index
          %get3A_742 = arith.constant 64 : index
          %get3A_743 = tpu.vector_load %arg10[%get3A_741, %get3A_742] {strides = array<i32>} : memref<128x128xf32, #tpu.memory_space<vmem>>, vector<16xf32>,
          %mul3A_744 = arith.mulf %get3A_743, %broadcast_in_dim3A_712 : vector<16xf32>
          %swap3A_745 = arith.index_cast %add3A_709 : i32 to index
          %swap3A_746 = arith.constant 64 : index
          %swap3A_747 = tpu.vector_load %arg10[%swap3A_745, %swap3A_746] {strides = array<i32>} : memref<128x128xf32, #tpu.memory_space<vmem>>, vector<16xf32>,
          tpu.vector_store %arg10[%swap3A_745, %swap3A_746], %mul3A_744 {strides = array<i32>} : memref<128x128xf32, #tpu.memory_space<vmem>>, vector<16xf32>,
          %get3A_748 = arith.index_cast %add3A_709 : i32 to index
          %get3A_749 = arith.constant 80 : index
          %get3A_750 = tpu.vector_load %arg10[%get3A_748, %get3A_749] {strides = array<i32>} : memref<128x128xf32, #tpu.memory_space<vmem>>, vector<16xf32>,
          %mul3A_751 = arith.mulf %get3A_750, %broadcast_in_dim3A_712 : vector<16xf32>
          %swap3A_752 = arith.index_cast %add3A_709 : i32 to index
          %swap3A_753 = arith.constant 80 : index
          %swap3A_754 = tpu.vector_load %arg10[%swap3A_752, %swap3A_753] {strides = array<i32>} : memref<128x128xf32, #tpu.memory_space<vmem>>, vector<16xf32>,
          tpu.vector_store %arg10[%swap3A_752, %swap3A_753], %mul3A_751 {strides = array<i32>} : memref<128x128xf32, #tpu.memory_space<vmem>>, vector<16xf32>,
          %get3A_755 = arith.index_cast %add3A_709 : i32 to index
          %get3A_756 = arith.constant 96 : index
          %get3A_757 = tpu.vector_load %arg10[%get3A_755, %get3A_756] {strides = array<i32>} : memref<128x128xf32, #tpu.memory_space<vmem>>, vector<16xf32>,
          %mul3A_758 = arith.mulf %get3A_757, %broadcast_in_dim3A_712 : vector<16xf32>
          %swap3A_759 = arith.index_cast %add3A_709 : i32 to index
          %swap3A_760 = arith.constant 96 : index
          %swap3A_761 = tpu.vector_load %arg10[%swap3A_759, %swap3A_760] {strides = array<i32>} : memref<128x128xf32, #tpu.memory_space<vmem>>, vector<16xf32>,
          tpu.vector_store %arg10[%swap3A_759, %swap3A_760], %mul3A_758 {strides = array<i32>} : memref<128x128xf32, #tpu.memory_space<vmem>>, vector<16xf32>,
          %get3A_762 = arith.index_cast %add3A_709 : i32 to index
          %get3A_763 = arith.constant 112 : index
          %get3A_764 = tpu.vector_load %arg10[%get3A_762, %get3A_763] {strides = array<i32>} : memref<128x128xf32, #tpu.memory_space<vmem>>, vector<16xf32>,
          %mul3A_765 = arith.mulf %get3A_764, %broadcast_in_dim3A_712 : vector<16xf32>
          %swap3A_766 = arith.index_cast %add3A_709 : i32 to index
          %swap3A_767 = arith.constant 112 : index
          %swap3A_768 = tpu.vector_load %arg10[%swap3A_766, %swap3A_767] {strides = array<i32>} : memref<128x128xf32, #tpu.memory_space<vmem>>, vector<16xf32>,
          tpu.vector_store %arg10[%swap3A_766, %swap3A_767], %mul3A_765 {strides = array<i32>} : memref<128x128xf32, #tpu.memory_space<vmem>>, vector<16xf32>,
          %mul3A_769 = arith.constant 16 : i32
          %mul3A_770 = arith.muli %scan3A_73, %mul3A_769 : i32
          %add3A_771 = arith.constant 11 : i32
          %add3A_772 = arith.addi %mul3A_770, %add3A_771 : i32
          %slice3A_773 = vector.extract_strided_slice %get3A_78 {offsets = [11], sizes = [1], strides = [1]} : vector<16xf32> to vector<1xf32>
          %squeeze3A_774 = vector.extract %slice3A_773[0] : f32 from vector<1xf32>
          %broadcast_in_dim3A_775 = vector.broadcast %squeeze3A_774 : f32 to vector<16xf32>
          %get3A_776 = arith.index_cast %add3A_772 : i32 to index
          %get3A_777 = arith.constant 0 : index
          %get3A_778 = tpu.vector_load %arg10[%get3A_776, %get3A_777] {strides = array<i32>} : memref<128x128xf32, #tpu.memory_space<vmem>>, vector<16xf32>,
          %mul3A_779 = arith.mulf %get3A_778, %broadcast_in_dim3A_775 : vector<16xf32>
          %swap3A_780 = arith.index_cast %add3A_772 : i32 to index
          %swap3A_781 = arith.constant 0 : index
          %swap3A_782 = tpu.vector_load %arg10[%swap3A_780, %swap3A_781] {strides = array<i32>} : memref<128x128xf32, #tpu.memory_space<vmem>>, vector<16xf32>,
          tpu.vector_store %arg10[%swap3A_780, %swap3A_781], %mul3A_779 {strides = array<i32>} : memref<128x128xf32, #tpu.memory_space<vmem>>, vector<16xf32>,
          %get3A_783 = arith.index_cast %add3A_772 : i32 to index
          %get3A_784 = arith.constant 16 : index
          %get3A_785 = tpu.vector_load %arg10[%get3A_783, %get3A_784] {strides = array<i32>} : memref<128x128xf32, #tpu.memory_space<vmem>>, vector<16xf32>,
          %mul3A_786 = arith.mulf %get3A_785, %broadcast_in_dim3A_775 : vector<16xf32>
          %swap3A_787 = arith.index_cast %add3A_772 : i32 to index
          %swap3A_788 = arith.constant 16 : index
          %swap3A_789 = tpu.vector_load %arg10[%swap3A_787, %swap3A_788] {strides = array<i32>} : memref<128x128xf32, #tpu.memory_space<vmem>>, vector<16xf32>,
          tpu.vector_store %arg10[%swap3A_787, %swap3A_788], %mul3A_786 {strides = array<i32>} : memref<128x128xf32, #tpu.memory_space<vmem>>, vector<16xf32>,
          %get3A_790 = arith.index_cast %add3A_772 : i32 to index
          %get3A_791 = arith.constant 32 : index
          %get3A_792 = tpu.vector_load %arg10[%get3A_790, %get3A_791] {strides = array<i32>} : memref<128x128xf32, #tpu.memory_space<vmem>>, vector<16xf32>,
          %mul3A_793 = arith.mulf %get3A_792, %broadcast_in_dim3A_775 : vector<16xf32>
          %swap3A_794 = arith.index_cast %add3A_772 : i32 to index
          %swap3A_795 = arith.constant 32 : index
          %swap3A_796 = tpu.vector_load %arg10[%swap3A_794, %swap3A_795] {strides = array<i32>} : memref<128x128xf32, #tpu.memory_space<vmem>>, vector<16xf32>,
          tpu.vector_store %arg10[%swap3A_794, %swap3A_795], %mul3A_793 {strides = array<i32>} : memref<128x128xf32, #tpu.memory_space<vmem>>, vector<16xf32>,
          %get3A_797 = arith.index_cast %add3A_772 : i32 to index
          %get3A_798 = arith.constant 48 : index
          %get3A_799 = tpu.vector_load %arg10[%get3A_797, %get3A_798] {strides = array<i32>} : memref<128x128xf32, #tpu.memory_space<vmem>>, vector<16xf32>,
          %mul3A_800 = arith.mulf %get3A_799, %broadcast_in_dim3A_775 : vector<16xf32>
          %swap3A_801 = arith.index_cast %add3A_772 : i32 to index
          %swap3A_802 = arith.constant 48 : index
          %swap3A_803 = tpu.vector_load %arg10[%swap3A_801, %swap3A_802] {strides = array<i32>} : memref<128x128xf32, #tpu.memory_space<vmem>>, vector<16xf32>,
          tpu.vector_store %arg10[%swap3A_801, %swap3A_802], %mul3A_800 {strides = array<i32>} : memref<128x128xf32, #tpu.memory_space<vmem>>, vector<16xf32>,
          %get3A_804 = arith.index_cast %add3A_772 : i32 to index
          %get3A_805 = arith.constant 64 : index
          %get3A_806 = tpu.vector_load %arg10[%get3A_804, %get3A_805] {strides = array<i32>} : memref<128x128xf32, #tpu.memory_space<vmem>>, vector<16xf32>,
          %mul3A_807 = arith.mulf %get3A_806, %broadcast_in_dim3A_775 : vector<16xf32>
          %swap3A_808 = arith.index_cast %add3A_772 : i32 to index
          %swap3A_809 = arith.constant 64 : index
          %swap3A_810 = tpu.vector_load %arg10[%swap3A_808, %swap3A_809] {strides = array<i32>} : memref<128x128xf32, #tpu.memory_space<vmem>>, vector<16xf32>,
          tpu.vector_store %arg10[%swap3A_808, %swap3A_809], %mul3A_807 {strides = array<i32>} : memref<128x128xf32, #tpu.memory_space<vmem>>, vector<16xf32>,
          %get3A_811 = arith.index_cast %add3A_772 : i32 to index
          %get3A_812 = arith.constant 80 : index
          %get3A_813 = tpu.vector_load %arg10[%get3A_811, %get3A_812] {strides = array<i32>} : memref<128x128xf32, #tpu.memory_space<vmem>>, vector<16xf32>,
          %mul3A_814 = arith.mulf %get3A_813, %broadcast_in_dim3A_775 : vector<16xf32>
          %swap3A_815 = arith.index_cast %add3A_772 : i32 to index
          %swap3A_816 = arith.constant 80 : index
          %swap3A_817 = tpu.vector_load %arg10[%swap3A_815, %swap3A_816] {strides = array<i32>} : memref<128x128xf32, #tpu.memory_space<vmem>>, vector<16xf32>,
          tpu.vector_store %arg10[%swap3A_815, %swap3A_816], %mul3A_814 {strides = array<i32>} : memref<128x128xf32, #tpu.memory_space<vmem>>, vector<16xf32>,
          %get3A_818 = arith.index_cast %add3A_772 : i32 to index
          %get3A_819 = arith.constant 96 : index
          %get3A_820 = tpu.vector_load %arg10[%get3A_818, %get3A_819] {strides = array<i32>} : memref<128x128xf32, #tpu.memory_space<vmem>>, vector<16xf32>,
          %mul3A_821 = arith.mulf %get3A_820, %broadcast_in_dim3A_775 : vector<16xf32>
          %swap3A_822 = arith.index_cast %add3A_772 : i32 to index
          %swap3A_823 = arith.constant 96 : index
          %swap3A_824 = tpu.vector_load %arg10[%swap3A_822, %swap3A_823] {strides = array<i32>} : memref<128x128xf32, #tpu.memory_space<vmem>>, vector<16xf32>,
          tpu.vector_store %arg10[%swap3A_822, %swap3A_823], %mul3A_821 {strides = array<i32>} : memref<128x128xf32, #tpu.memory_space<vmem>>, vector<16xf32>,
          %get3A_825 = arith.index_cast %add3A_772 : i32 to index
          %get3A_826 = arith.constant 112 : index
          %get3A_827 = tpu.vector_load %arg10[%get3A_825, %get3A_826] {strides = array<i32>} : memref<128x128xf32, #tpu.memory_space<vmem>>, vector<16xf32>,
          %mul3A_828 = arith.mulf %get3A_827, %broadcast_in_dim3A_775 : vector<16xf32>
          %swap3A_829 = arith.index_cast %add3A_772 : i32 to index
          %swap3A_830 = arith.constant 112 : index
          %swap3A_831 = tpu.vector_load %arg10[%swap3A_829, %swap3A_830] {strides = array<i32>} : memref<128x128xf32, #tpu.memory_space<vmem>>, vector<16xf32>,
          tpu.vector_store %arg10[%swap3A_829, %swap3A_830], %mul3A_828 {strides = array<i32>} : memref<128x128xf32, #tpu.memory_space<vmem>>, vector<16xf32>,
          %mul3A_832 = arith.constant 16 : i32
          %mul3A_833 = arith.muli %scan3A_73, %mul3A_832 : i32
          %add3A_834 = arith.constant 12 : i32
          %add3A_835 = arith.addi %mul3A_833, %add3A_834 : i32
          %slice3A_836 = vector.extract_strided_slice %get3A_78 {offsets = [12], sizes = [1], strides = [1]} : vector<16xf32> to vector<1xf32>
          %squeeze3A_837 = vector.extract %slice3A_836[0] : f32 from vector<1xf32>
          %broadcast_in_dim3A_838 = vector.broadcast %squeeze3A_837 : f32 to vector<16xf32>
          %get3A_839 = arith.index_cast %add3A_835 : i32 to index
          %get3A_840 = arith.constant 0 : index
          %get3A_841 = tpu.vector_load %arg10[%get3A_839, %get3A_840] {strides = array<i32>} : memref<128x128xf32, #tpu.memory_space<vmem>>, vector<16xf32>,
          %mul3A_842 = arith.mulf %get3A_841, %broadcast_in_dim3A_838 : vector<16xf32>
          %swap3A_843 = arith.index_cast %add3A_835 : i32 to index
          %swap3A_844 = arith.constant 0 : index
          %swap3A_845 = tpu.vector_load %arg10[%swap3A_843, %swap3A_844] {strides = array<i32>} : memref<128x128xf32, #tpu.memory_space<vmem>>, vector<16xf32>,
          tpu.vector_store %arg10[%swap3A_843, %swap3A_844], %mul3A_842 {strides = array<i32>} : memref<128x128xf32, #tpu.memory_space<vmem>>, vector<16xf32>,
          %get3A_846 = arith.index_cast %add3A_835 : i32 to index
          %get3A_847 = arith.constant 16 : index
          %get3A_848 = tpu.vector_load %arg10[%get3A_846, %get3A_847] {strides = array<i32>} : memref<128x128xf32, #tpu.memory_space<vmem>>, vector<16xf32>,
          %mul3A_849 = arith.mulf %get3A_848, %broadcast_in_dim3A_838 : vector<16xf32>
          %swap3A_850 = arith.index_cast %add3A_835 : i32 to index
          %swap3A_851 = arith.constant 16 : index
          %swap3A_852 = tpu.vector_load %arg10[%swap3A_850, %swap3A_851] {strides = array<i32>} : memref<128x128xf32, #tpu.memory_space<vmem>>, vector<16xf32>,
          tpu.vector_store %arg10[%swap3A_850, %swap3A_851], %mul3A_849 {strides = array<i32>} : memref<128x128xf32, #tpu.memory_space<vmem>>, vector<16xf32>,
          %get3A_853 = arith.index_cast %add3A_835 : i32 to index
          %get3A_854 = arith.constant 32 : index
          %get3A_855 = tpu.vector_load %arg10[%get3A_853, %get3A_854] {strides = array<i32>} : memref<128x128xf32, #tpu.memory_space<vmem>>, vector<16xf32>,
          %mul3A_856 = arith.mulf %get3A_855, %broadcast_in_dim3A_838 : vector<16xf32>
          %swap3A_857 = arith.index_cast %add3A_835 : i32 to index
          %swap3A_858 = arith.constant 32 : index
          %swap3A_859 = tpu.vector_load %arg10[%swap3A_857, %swap3A_858] {strides = array<i32>} : memref<128x128xf32, #tpu.memory_space<vmem>>, vector<16xf32>,
          tpu.vector_store %arg10[%swap3A_857, %swap3A_858], %mul3A_856 {strides = array<i32>} : memref<128x128xf32, #tpu.memory_space<vmem>>, vector<16xf32>,
          %get3A_860 = arith.index_cast %add3A_835 : i32 to index
          %get3A_861 = arith.constant 48 : index
          %get3A_862 = tpu.vector_load %arg10[%get3A_860, %get3A_861] {strides = array<i32>} : memref<128x128xf32, #tpu.memory_space<vmem>>, vector<16xf32>,
          %mul3A_863 = arith.mulf %get3A_862, %broadcast_in_dim3A_838 : vector<16xf32>
          %swap3A_864 = arith.index_cast %add3A_835 : i32 to index
          %swap3A_865 = arith.constant 48 : index
          %swap3A_866 = tpu.vector_load %arg10[%swap3A_864, %swap3A_865] {strides = array<i32>} : memref<128x128xf32, #tpu.memory_space<vmem>>, vector<16xf32>,
          tpu.vector_store %arg10[%swap3A_864, %swap3A_865], %mul3A_863 {strides = array<i32>} : memref<128x128xf32, #tpu.memory_space<vmem>>, vector<16xf32>,
          %get3A_867 = arith.index_cast %add3A_835 : i32 to index
          %get3A_868 = arith.constant 64 : index
          %get3A_869 = tpu.vector_load %arg10[%get3A_867, %get3A_868] {strides = array<i32>} : memref<128x128xf32, #tpu.memory_space<vmem>>, vector<16xf32>,
          %mul3A_870 = arith.mulf %get3A_869, %broadcast_in_dim3A_838 : vector<16xf32>
          %swap3A_871 = arith.index_cast %add3A_835 : i32 to index
          %swap3A_872 = arith.constant 64 : index
          %swap3A_873 = tpu.vector_load %arg10[%swap3A_871, %swap3A_872] {strides = array<i32>} : memref<128x128xf32, #tpu.memory_space<vmem>>, vector<16xf32>,
          tpu.vector_store %arg10[%swap3A_871, %swap3A_872], %mul3A_870 {strides = array<i32>} : memref<128x128xf32, #tpu.memory_space<vmem>>, vector<16xf32>,
          %get3A_874 = arith.index_cast %add3A_835 : i32 to index
          %get3A_875 = arith.constant 80 : index
          %get3A_876 = tpu.vector_load %arg10[%get3A_874, %get3A_875] {strides = array<i32>} : memref<128x128xf32, #tpu.memory_space<vmem>>, vector<16xf32>,
          %mul3A_877 = arith.mulf %get3A_876, %broadcast_in_dim3A_838 : vector<16xf32>
          %swap3A_878 = arith.index_cast %add3A_835 : i32 to index
          %swap3A_879 = arith.constant 80 : index
          %swap3A_880 = tpu.vector_load %arg10[%swap3A_878, %swap3A_879] {strides = array<i32>} : memref<128x128xf32, #tpu.memory_space<vmem>>, vector<16xf32>,
          tpu.vector_store %arg10[%swap3A_878, %swap3A_879], %mul3A_877 {strides = array<i32>} : memref<128x128xf32, #tpu.memory_space<vmem>>, vector<16xf32>,
          %get3A_881 = arith.index_cast %add3A_835 : i32 to index
          %get3A_882 = arith.constant 96 : index
          %get3A_883 = tpu.vector_load %arg10[%get3A_881, %get3A_882] {strides = array<i32>} : memref<128x128xf32, #tpu.memory_space<vmem>>, vector<16xf32>,
          %mul3A_884 = arith.mulf %get3A_883, %broadcast_in_dim3A_838 : vector<16xf32>
          %swap3A_885 = arith.index_cast %add3A_835 : i32 to index
          %swap3A_886 = arith.constant 96 : index
          %swap3A_887 = tpu.vector_load %arg10[%swap3A_885, %swap3A_886] {strides = array<i32>} : memref<128x128xf32, #tpu.memory_space<vmem>>, vector<16xf32>,
          tpu.vector_store %arg10[%swap3A_885, %swap3A_886], %mul3A_884 {strides = array<i32>} : memref<128x128xf32, #tpu.memory_space<vmem>>, vector<16xf32>,
          %get3A_888 = arith.index_cast %add3A_835 : i32 to index
          %get3A_889 = arith.constant 112 : index
          %get3A_890 = tpu.vector_load %arg10[%get3A_888, %get3A_889] {strides = array<i32>} : memref<128x128xf32, #tpu.memory_space<vmem>>, vector<16xf32>,
          %mul3A_891 = arith.mulf %get3A_890, %broadcast_in_dim3A_838 : vector<16xf32>
          %swap3A_892 = arith.index_cast %add3A_835 : i32 to index
          %swap3A_893 = arith.constant 112 : index
          %swap3A_894 = tpu.vector_load %arg10[%swap3A_892, %swap3A_893] {strides = array<i32>} : memref<128x128xf32, #tpu.memory_space<vmem>>, vector<16xf32>,
          tpu.vector_store %arg10[%swap3A_892, %swap3A_893], %mul3A_891 {strides = array<i32>} : memref<128x128xf32, #tpu.memory_space<vmem>>, vector<16xf32>,
          %mul3A_895 = arith.constant 16 : i32
          %mul3A_896 = arith.muli %scan3A_73, %mul3A_895 : i32
          %add3A_897 = arith.constant 13 : i32
          %add3A_898 = arith.addi %mul3A_896, %add3A_897 : i32
          %slice3A_899 = vector.extract_strided_slice %get3A_78 {offsets = [13], sizes = [1], strides = [1]} : vector<16xf32> to vector<1xf32>
          %squeeze3A_900 = vector.extract %slice3A_899[0] : f32 from vector<1xf32>
          %broadcast_in_dim3A_901 = vector.broadcast %squeeze3A_900 : f32 to vector<16xf32>
          %get3A_902 = arith.index_cast %add3A_898 : i32 to index
          %get3A_903 = arith.constant 0 : index
          %get3A_904 = tpu.vector_load %arg10[%get3A_902, %get3A_903] {strides = array<i32>} : memref<128x128xf32, #tpu.memory_space<vmem>>, vector<16xf32>,
          %mul3A_905 = arith.mulf %get3A_904, %broadcast_in_dim3A_901 : vector<16xf32>
          %swap3A_906 = arith.index_cast %add3A_898 : i32 to index
          %swap3A_907 = arith.constant 0 : index
          %swap3A_908 = tpu.vector_load %arg10[%swap3A_906, %swap3A_907] {strides = array<i32>} : memref<128x128xf32, #tpu.memory_space<vmem>>, vector<16xf32>,
          tpu.vector_store %arg10[%swap3A_906, %swap3A_907], %mul3A_905 {strides = array<i32>} : memref<128x128xf32, #tpu.memory_space<vmem>>, vector<16xf32>,
          %get3A_909 = arith.index_cast %add3A_898 : i32 to index
          %get3A_910 = arith.constant 16 : index
          %get3A_911 = tpu.vector_load %arg10[%get3A_909, %get3A_910] {strides = array<i32>} : memref<128x128xf32, #tpu.memory_space<vmem>>, vector<16xf32>,
          %mul3A_912 = arith.mulf %get3A_911, %broadcast_in_dim3A_901 : vector<16xf32>
          %swap3A_913 = arith.index_cast %add3A_898 : i32 to index
          %swap3A_914 = arith.constant 16 : index
          %swap3A_915 = tpu.vector_load %arg10[%swap3A_913, %swap3A_914] {strides = array<i32>} : memref<128x128xf32, #tpu.memory_space<vmem>>, vector<16xf32>,
          tpu.vector_store %arg10[%swap3A_913, %swap3A_914], %mul3A_912 {strides = array<i32>} : memref<128x128xf32, #tpu.memory_space<vmem>>, vector<16xf32>,
          %get3A_916 = arith.index_cast %add3A_898 : i32 to index
          %get3A_917 = arith.constant 32 : index
          %get3A_918 = tpu.vector_load %arg10[%get3A_916, %get3A_917] {strides = array<i32>} : memref<128x128xf32, #tpu.memory_space<vmem>>, vector<16xf32>,
          %mul3A_919 = arith.mulf %get3A_918, %broadcast_in_dim3A_901 : vector<16xf32>
          %swap3A_920 = arith.index_cast %add3A_898 : i32 to index
          %swap3A_921 = arith.constant 32 : index
          %swap3A_922 = tpu.vector_load %arg10[%swap3A_920, %swap3A_921] {strides = array<i32>} : memref<128x128xf32, #tpu.memory_space<vmem>>, vector<16xf32>,
          tpu.vector_store %arg10[%swap3A_920, %swap3A_921], %mul3A_919 {strides = array<i32>} : memref<128x128xf32, #tpu.memory_space<vmem>>, vector<16xf32>,
          %get3A_923 = arith.index_cast %add3A_898 : i32 to index
          %get3A_924 = arith.constant 48 : index
          %get3A_925 = tpu.vector_load %arg10[%get3A_923, %get3A_924] {strides = array<i32>} : memref<128x128xf32, #tpu.memory_space<vmem>>, vector<16xf32>,
          %mul3A_926 = arith.mulf %get3A_925, %broadcast_in_dim3A_901 : vector<16xf32>
          %swap3A_927 = arith.index_cast %add3A_898 : i32 to index
          %swap3A_928 = arith.constant 48 : index
          %swap3A_929 = tpu.vector_load %arg10[%swap3A_927, %swap3A_928] {strides = array<i32>} : memref<128x128xf32, #tpu.memory_space<vmem>>, vector<16xf32>,
          tpu.vector_store %arg10[%swap3A_927, %swap3A_928], %mul3A_926 {strides = array<i32>} : memref<128x128xf32, #tpu.memory_space<vmem>>, vector<16xf32>,
          %get3A_930 = arith.index_cast %add3A_898 : i32 to index
          %get3A_931 = arith.constant 64 : index
          %get3A_932 = tpu.vector_load %arg10[%get3A_930, %get3A_931] {strides = array<i32>} : memref<128x128xf32, #tpu.memory_space<vmem>>, vector<16xf32>,
          %mul3A_933 = arith.mulf %get3A_932, %broadcast_in_dim3A_901 : vector<16xf32>
          %swap3A_934 = arith.index_cast %add3A_898 : i32 to index
          %swap3A_935 = arith.constant 64 : index
          %swap3A_936 = tpu.vector_load %arg10[%swap3A_934, %swap3A_935] {strides = array<i32>} : memref<128x128xf32, #tpu.memory_space<vmem>>, vector<16xf32>,
          tpu.vector_store %arg10[%swap3A_934, %swap3A_935], %mul3A_933 {strides = array<i32>} : memref<128x128xf32, #tpu.memory_space<vmem>>, vector<16xf32>,
          %get3A_937 = arith.index_cast %add3A_898 : i32 to index
          %get3A_938 = arith.constant 80 : index
          %get3A_939 = tpu.vector_load %arg10[%get3A_937, %get3A_938] {strides = array<i32>} : memref<128x128xf32, #tpu.memory_space<vmem>>, vector<16xf32>,
          %mul3A_940 = arith.mulf %get3A_939, %broadcast_in_dim3A_901 : vector<16xf32>
          %swap3A_941 = arith.index_cast %add3A_898 : i32 to index
          %swap3A_942 = arith.constant 80 : index
          %swap3A_943 = tpu.vector_load %arg10[%swap3A_941, %swap3A_942] {strides = array<i32>} : memref<128x128xf32, #tpu.memory_space<vmem>>, vector<16xf32>,
          tpu.vector_store %arg10[%swap3A_941, %swap3A_942], %mul3A_940 {strides = array<i32>} : memref<128x128xf32, #tpu.memory_space<vmem>>, vector<16xf32>,
          %get3A_944 = arith.index_cast %add3A_898 : i32 to index
          %get3A_945 = arith.constant 96 : index
          %get3A_946 = tpu.vector_load %arg10[%get3A_944, %get3A_945] {strides = array<i32>} : memref<128x128xf32, #tpu.memory_space<vmem>>, vector<16xf32>,
          %mul3A_947 = arith.mulf %get3A_946, %broadcast_in_dim3A_901 : vector<16xf32>
          %swap3A_948 = arith.index_cast %add3A_898 : i32 to index
          %swap3A_949 = arith.constant 96 : index
          %swap3A_950 = tpu.vector_load %arg10[%swap3A_948, %swap3A_949] {strides = array<i32>} : memref<128x128xf32, #tpu.memory_space<vmem>>, vector<16xf32>,
          tpu.vector_store %arg10[%swap3A_948, %swap3A_949], %mul3A_947 {strides = array<i32>} : memref<128x128xf32, #tpu.memory_space<vmem>>, vector<16xf32>,
          %get3A_951 = arith.index_cast %add3A_898 : i32 to index
          %get3A_952 = arith.constant 112 : index
          %get3A_953 = tpu.vector_load %arg10[%get3A_951, %get3A_952] {strides = array<i32>} : memref<128x128xf32, #tpu.memory_space<vmem>>, vector<16xf32>,
          %mul3A_954 = arith.mulf %get3A_953, %broadcast_in_dim3A_901 : vector<16xf32>
          %swap3A_955 = arith.index_cast %add3A_898 : i32 to index
          %swap3A_956 = arith.constant 112 : index
          %swap3A_957 = tpu.vector_load %arg10[%swap3A_955, %swap3A_956] {strides = array<i32>} : memref<128x128xf32, #tpu.memory_space<vmem>>, vector<16xf32>,
          tpu.vector_store %arg10[%swap3A_955, %swap3A_956], %mul3A_954 {strides = array<i32>} : memref<128x128xf32, #tpu.memory_space<vmem>>, vector<16xf32>,
          %mul3A_958 = arith.constant 16 : i32
          %mul3A_959 = arith.muli %scan3A_73, %mul3A_958 : i32
          %add3A_960 = arith.constant 14 : i32
          %add3A_961 = arith.addi %mul3A_959, %add3A_960 : i32
          %slice3A_962 = vector.extract_strided_slice %get3A_78 {offsets = [14], sizes = [1], strides = [1]} : vector<16xf32> to vector<1xf32>
          %squeeze3A_963 = vector.extract %slice3A_962[0] : f32 from vector<1xf32>
          %broadcast_in_dim3A_964 = vector.broadcast %squeeze3A_963 : f32 to vector<16xf32>
          %get3A_965 = arith.index_cast %add3A_961 : i32 to index
          %get3A_966 = arith.constant 0 : index
          %get3A_967 = tpu.vector_load %arg10[%get3A_965, %get3A_966] {strides = array<i32>} : memref<128x128xf32, #tpu.memory_space<vmem>>, vector<16xf32>,
          %mul3A_968 = arith.mulf %get3A_967, %broadcast_in_dim3A_964 : vector<16xf32>
          %swap3A_969 = arith.index_cast %add3A_961 : i32 to index
          %swap3A_970 = arith.constant 0 : index
          %swap3A_971 = tpu.vector_load %arg10[%swap3A_969, %swap3A_970] {strides = array<i32>} : memref<128x128xf32, #tpu.memory_space<vmem>>, vector<16xf32>,
          tpu.vector_store %arg10[%swap3A_969, %swap3A_970], %mul3A_968 {strides = array<i32>} : memref<128x128xf32, #tpu.memory_space<vmem>>, vector<16xf32>,
          %get3A_972 = arith.index_cast %add3A_961 : i32 to index
          %get3A_973 = arith.constant 16 : index
          %get3A_974 = tpu.vector_load %arg10[%get3A_972, %get3A_973] {strides = array<i32>} : memref<128x128xf32, #tpu.memory_space<vmem>>, vector<16xf32>,
          %mul3A_975 = arith.mulf %get3A_974, %broadcast_in_dim3A_964 : vector<16xf32>
          %swap3A_976 = arith.index_cast %add3A_961 : i32 to index
          %swap3A_977 = arith.constant 16 : index
          %swap3A_978 = tpu.vector_load %arg10[%swap3A_976, %swap3A_977] {strides = array<i32>} : memref<128x128xf32, #tpu.memory_space<vmem>>, vector<16xf32>,
          tpu.vector_store %arg10[%swap3A_976, %swap3A_977], %mul3A_975 {strides = array<i32>} : memref<128x128xf32, #tpu.memory_space<vmem>>, vector<16xf32>,
          %get3A_979 = arith.index_cast %add3A_961 : i32 to index
          %get3A_980 = arith.constant 32 : index
          %get3A_981 = tpu.vector_load %arg10[%get3A_979, %get3A_980] {strides = array<i32>} : memref<128x128xf32, #tpu.memory_space<vmem>>, vector<16xf32>,
          %mul3A_982 = arith.mulf %get3A_981, %broadcast_in_dim3A_964 : vector<16xf32>
          %swap3A_983 = arith.index_cast %add3A_961 : i32 to index
          %swap3A_984 = arith.constant 32 : index
          %swap3A_985 = tpu.vector_load %arg10[%swap3A_983, %swap3A_984] {strides = array<i32>} : memref<128x128xf32, #tpu.memory_space<vmem>>, vector<16xf32>,
          tpu.vector_store %arg10[%swap3A_983, %swap3A_984], %mul3A_982 {strides = array<i32>} : memref<128x128xf32, #tpu.memory_space<vmem>>, vector<16xf32>,
          %get3A_986 = arith.index_cast %add3A_961 : i32 to index
          %get3A_987 = arith.constant 48 : index
          %get3A_988 = tpu.vector_load %arg10[%get3A_986, %get3A_987] {strides = array<i32>} : memref<128x128xf32, #tpu.memory_space<vmem>>, vector<16xf32>,
          %mul3A_989 = arith.mulf %get3A_988, %broadcast_in_dim3A_964 : vector<16xf32>
          %swap3A_990 = arith.index_cast %add3A_961 : i32 to index
          %swap3A_991 = arith.constant 48 : index
          %swap3A_992 = tpu.vector_load %arg10[%swap3A_990, %swap3A_991] {strides = array<i32>} : memref<128x128xf32, #tpu.memory_space<vmem>>, vector<16xf32>,
          tpu.vector_store %arg10[%swap3A_990, %swap3A_991], %mul3A_989 {strides = array<i32>} : memref<128x128xf32, #tpu.memory_space<vmem>>, vector<16xf32>,
          %get3A_993 = arith.index_cast %add3A_961 : i32 to index
          %get3A_994 = arith.constant 64 : index
          %get3A_995 = tpu.vector_load %arg10[%get3A_993, %get3A_994] {strides = array<i32>} : memref<128x128xf32, #tpu.memory_space<vmem>>, vector<16xf32>,
          %mul3A_996 = arith.mulf %get3A_995, %broadcast_in_dim3A_964 : vector<16xf32>
          %swap3A_997 = arith.index_cast %add3A_961 : i32 to index
          %swap3A_998 = arith.constant 64 : index
          %swap3A_999 = tpu.vector_load %arg10[%swap3A_997, %swap3A_998] {strides = array<i32>} : memref<128x128xf32, #tpu.memory_space<vmem>>, vector<16xf32>,
          tpu.vector_store %arg10[%swap3A_997, %swap3A_998], %mul3A_996 {strides = array<i32>} : memref<128x128xf32, #tpu.memory_space<vmem>>, vector<16xf32>,
          %get3A_1000 = arith.index_cast %add3A_961 : i32 to index
          %get3A_1001 = arith.constant 80 : index
          %get3A_1002 = tpu.vector_load %arg10[%get3A_1000, %get3A_1001] {strides = array<i32>} : memref<128x128xf32, #tpu.memory_space<vmem>>, vector<16xf32>,
          %mul3A_1003 = arith.mulf %get3A_1002, %broadcast_in_dim3A_964 : vector<16xf32>
          %swap3A_1004 = arith.index_cast %add3A_961 : i32 to index
          %swap3A_1005 = arith.constant 80 : index
          %swap3A_1006 = tpu.vector_load %arg10[%swap3A_1004, %swap3A_1005] {strides = array<i32>} : memref<128x128xf32, #tpu.memory_space<vmem>>, vector<16xf32>,
          tpu.vector_store %arg10[%swap3A_1004, %swap3A_1005], %mul3A_1003 {strides = array<i32>} : memref<128x128xf32, #tpu.memory_space<vmem>>, vector<16xf32>,
          %get3A_1007 = arith.index_cast %add3A_961 : i32 to index
          %get3A_1008 = arith.constant 96 : index
          %get3A_1009 = tpu.vector_load %arg10[%get3A_1007, %get3A_1008] {strides = array<i32>} : memref<128x128xf32, #tpu.memory_space<vmem>>, vector<16xf32>,
          %mul3A_1010 = arith.mulf %get3A_1009, %broadcast_in_dim3A_964 : vector<16xf32>
          %swap3A_1011 = arith.index_cast %add3A_961 : i32 to index
          %swap3A_1012 = arith.constant 96 : index
          %swap3A_1013 = tpu.vector_load %arg10[%swap3A_1011, %swap3A_1012] {strides = array<i32>} : memref<128x128xf32, #tpu.memory_space<vmem>>, vector<16xf32>,
          tpu.vector_store %arg10[%swap3A_1011, %swap3A_1012], %mul3A_1010 {strides = array<i32>} : memref<128x128xf32, #tpu.memory_space<vmem>>, vector<16xf32>,
          %get3A_1014 = arith.index_cast %add3A_961 : i32 to index
          %get3A_1015 = arith.constant 112 : index
          %get3A_1016 = tpu.vector_load %arg10[%get3A_1014, %get3A_1015] {strides = array<i32>} : memref<128x128xf32, #tpu.memory_space<vmem>>, vector<16xf32>,
          %mul3A_1017 = arith.mulf %get3A_1016, %broadcast_in_dim3A_964 : vector<16xf32>
          %swap3A_1018 = arith.index_cast %add3A_961 : i32 to index
          %swap3A_1019 = arith.constant 112 : index
          %swap3A_1020 = tpu.vector_load %arg10[%swap3A_1018, %swap3A_1019] {strides = array<i32>} : memref<128x128xf32, #tpu.memory_space<vmem>>, vector<16xf32>,
          tpu.vector_store %arg10[%swap3A_1018, %swap3A_1019], %mul3A_1017 {strides = array<i32>} : memref<128x128xf32, #tpu.memory_space<vmem>>, vector<16xf32>,
          %mul3A_1021 = arith.constant 16 : i32
          %mul3A_1022 = arith.muli %scan3A_73, %mul3A_1021 : i32
          %add3A_1023 = arith.constant 15 : i32
          %add3A_1024 = arith.addi %mul3A_1022, %add3A_1023 : i32
          %slice3A_1025 = vector.extract_strided_slice %get3A_78 {offsets = [15], sizes = [1], strides = [1]} : vector<16xf32> to vector<1xf32>
          %squeeze3A_1026 = vector.extract %slice3A_1025[0] : f32 from vector<1xf32>
          %broadcast_in_dim3A_1027 = vector.broadcast %squeeze3A_1026 : f32 to vector<16xf32>
          %get3A_1028 = arith.index_cast %add3A_1024 : i32 to index
          %get3A_1029 = arith.constant 0 : index
          %get3A_1030 = tpu.vector_load %arg10[%get3A_1028, %get3A_1029] {strides = array<i32>} : memref<128x128xf32, #tpu.memory_space<vmem>>, vector<16xf32>,
          %mul3A_1031 = arith.mulf %get3A_1030, %broadcast_in_dim3A_1027 : vector<16xf32>
          %swap3A_1032 = arith.index_cast %add3A_1024 : i32 to index
          %swap3A_1033 = arith.constant 0 : index
          %swap3A_1034 = tpu.vector_load %arg10[%swap3A_1032, %swap3A_1033] {strides = array<i32>} : memref<128x128xf32, #tpu.memory_space<vmem>>, vector<16xf32>,
          tpu.vector_store %arg10[%swap3A_1032, %swap3A_1033], %mul3A_1031 {strides = array<i32>} : memref<128x128xf32, #tpu.memory_space<vmem>>, vector<16xf32>,
          %get3A_1035 = arith.index_cast %add3A_1024 : i32 to index
          %get3A_1036 = arith.constant 16 : index
          %get3A_1037 = tpu.vector_load %arg10[%get3A_1035, %get3A_1036] {strides = array<i32>} : memref<128x128xf32, #tpu.memory_space<vmem>>, vector<16xf32>,
          %mul3A_1038 = arith.mulf %get3A_1037, %broadcast_in_dim3A_1027 : vector<16xf32>
          %swap3A_1039 = arith.index_cast %add3A_1024 : i32 to index
          %swap3A_1040 = arith.constant 16 : index
          %swap3A_1041 = tpu.vector_load %arg10[%swap3A_1039, %swap3A_1040] {strides = array<i32>} : memref<128x128xf32, #tpu.memory_space<vmem>>, vector<16xf32>,
          tpu.vector_store %arg10[%swap3A_1039, %swap3A_1040], %mul3A_1038 {strides = array<i32>} : memref<128x128xf32, #tpu.memory_space<vmem>>, vector<16xf32>,
          %get3A_1042 = arith.index_cast %add3A_1024 : i32 to index
          %get3A_1043 = arith.constant 32 : index
          %get3A_1044 = tpu.vector_load %arg10[%get3A_1042, %get3A_1043] {strides = array<i32>} : memref<128x128xf32, #tpu.memory_space<vmem>>, vector<16xf32>,
          %mul3A_1045 = arith.mulf %get3A_1044, %broadcast_in_dim3A_1027 : vector<16xf32>
          %swap3A_1046 = arith.index_cast %add3A_1024 : i32 to index
          %swap3A_1047 = arith.constant 32 : index
          %swap3A_1048 = tpu.vector_load %arg10[%swap3A_1046, %swap3A_1047] {strides = array<i32>} : memref<128x128xf32, #tpu.memory_space<vmem>>, vector<16xf32>,
          tpu.vector_store %arg10[%swap3A_1046, %swap3A_1047], %mul3A_1045 {strides = array<i32>} : memref<128x128xf32, #tpu.memory_space<vmem>>, vector<16xf32>,
          %get3A_1049 = arith.index_cast %add3A_1024 : i32 to index
          %get3A_1050 = arith.constant 48 : index
          %get3A_1051 = tpu.vector_load %arg10[%get3A_1049, %get3A_1050] {strides = array<i32>} : memref<128x128xf32, #tpu.memory_space<vmem>>, vector<16xf32>,
          %mul3A_1052 = arith.mulf %get3A_1051, %broadcast_in_dim3A_1027 : vector<16xf32>
          %swap3A_1053 = arith.index_cast %add3A_1024 : i32 to index
          %swap3A_1054 = arith.constant 48 : index
          %swap3A_1055 = tpu.vector_load %arg10[%swap3A_1053, %swap3A_1054] {strides = array<i32>} : memref<128x128xf32, #tpu.memory_space<vmem>>, vector<16xf32>,
          tpu.vector_store %arg10[%swap3A_1053, %swap3A_1054], %mul3A_1052 {strides = array<i32>} : memref<128x128xf32, #tpu.memory_space<vmem>>, vector<16xf32>,
          %get3A_1056 = arith.index_cast %add3A_1024 : i32 to index
          %get3A_1057 = arith.constant 64 : index
          %get3A_1058 = tpu.vector_load %arg10[%get3A_1056, %get3A_1057] {strides = array<i32>} : memref<128x128xf32, #tpu.memory_space<vmem>>, vector<16xf32>,
          %mul3A_1059 = arith.mulf %get3A_1058, %broadcast_in_dim3A_1027 : vector<16xf32>
          %swap3A_1060 = arith.index_cast %add3A_1024 : i32 to index
          %swap3A_1061 = arith.constant 64 : index
          %swap3A_1062 = tpu.vector_load %arg10[%swap3A_1060, %swap3A_1061] {strides = array<i32>} : memref<128x128xf32, #tpu.memory_space<vmem>>, vector<16xf32>,
          tpu.vector_store %arg10[%swap3A_1060, %swap3A_1061], %mul3A_1059 {strides = array<i32>} : memref<128x128xf32, #tpu.memory_space<vmem>>, vector<16xf32>,
          %get3A_1063 = arith.index_cast %add3A_1024 : i32 to index
          %get3A_1064 = arith.constant 80 : index
          %get3A_1065 = tpu.vector_load %arg10[%get3A_1063, %get3A_1064] {strides = array<i32>} : memref<128x128xf32, #tpu.memory_space<vmem>>, vector<16xf32>,
          %mul3A_1066 = arith.mulf %get3A_1065, %broadcast_in_dim3A_1027 : vector<16xf32>
          %swap3A_1067 = arith.index_cast %add3A_1024 : i32 to index
          %swap3A_1068 = arith.constant 80 : index
          %swap3A_1069 = tpu.vector_load %arg10[%swap3A_1067, %swap3A_1068] {strides = array<i32>} : memref<128x128xf32, #tpu.memory_space<vmem>>, vector<16xf32>,
          tpu.vector_store %arg10[%swap3A_1067, %swap3A_1068], %mul3A_1066 {strides = array<i32>} : memref<128x128xf32, #tpu.memory_space<vmem>>, vector<16xf32>,
          %get3A_1070 = arith.index_cast %add3A_1024 : i32 to index
          %get3A_1071 = arith.constant 96 : index
          %get3A_1072 = tpu.vector_load %arg10[%get3A_1070, %get3A_1071] {strides = array<i32>} : memref<128x128xf32, #tpu.memory_space<vmem>>, vector<16xf32>,
          %mul3A_1073 = arith.mulf %get3A_1072, %broadcast_in_dim3A_1027 : vector<16xf32>
          %swap3A_1074 = arith.index_cast %add3A_1024 : i32 to index
          %swap3A_1075 = arith.constant 96 : index
          %swap3A_1076 = tpu.vector_load %arg10[%swap3A_1074, %swap3A_1075] {strides = array<i32>} : memref<128x128xf32, #tpu.memory_space<vmem>>, vector<16xf32>,
          tpu.vector_store %arg10[%swap3A_1074, %swap3A_1075], %mul3A_1073 {strides = array<i32>} : memref<128x128xf32, #tpu.memory_space<vmem>>, vector<16xf32>,
          %get3A_1077 = arith.index_cast %add3A_1024 : i32 to index
          %get3A_1078 = arith.constant 112 : index
          %get3A_1079 = tpu.vector_load %arg10[%get3A_1077, %get3A_1078] {strides = array<i32>} : memref<128x128xf32, #tpu.memory_space<vmem>>, vector<16xf32>,
          %mul3A_1080 = arith.mulf %get3A_1079, %broadcast_in_dim3A_1027 : vector<16xf32>
          %swap3A_1081 = arith.index_cast %add3A_1024 : i32 to index
          %swap3A_1082 = arith.constant 112 : index
          %swap3A_1083 = tpu.vector_load %arg10[%swap3A_1081, %swap3A_1082] {strides = array<i32>} : memref<128x128xf32, #tpu.memory_space<vmem>>, vector<16xf32>,
          tpu.vector_store %arg10[%swap3A_1081, %swap3A_1082], %mul3A_1080 {strides = array<i32>} : memref<128x128xf32, #tpu.memory_space<vmem>>, vector<16xf32>,
        }
        %scan3A_72 = arith.constant 8 : i32
        "tpu.region"() ({
          %run_scoped3A = tpu.sem_alloc : memref<!tpu.dma_semaphore, #tpu.memory_space<semaphore_mem>>
          %dma_start3A_73 = arith.constant 0 : i32
          %dma_start3A_74 = arith.constant 0 : i32
          %dma_start3A_75 = tpu.memref_slice %arg11[%dma_start3A_73, %dma_start3A_74] : memref<10000x128xf32, #tpu.memory_space<vmem_shared>> -> memref<10000x128xf32, #tpu.memory_space<vmem_shared>>
          tpu.enqueue_indirect_dma source(%arg10 : memref<128x128xf32, #tpu.memory_space<vmem>>) target(%dma_start3A_75 : memref<10000x128xf32, #tpu.memory_space<vmem_shared>>) offsets(%arg8 : memref<128xi32, #tpu.memory_space<vmem>>) semaphore(%run_scoped3A : memref<!tpu.dma_semaphore, #tpu.memory_space<semaphore_mem>>) {add = true}
          %dma_wait3A_76 = arith.constant 0 : i32
          %dma_wait3A_77 = arith.constant 0 : i32
          %dma_wait3A_78 = tpu.memref_slice %arg11[%dma_wait3A_76, %dma_wait3A_77] : memref<10000x128xf32, #tpu.memory_space<vmem_shared>> -> memref<10000x128xf32, #tpu.memory_space<vmem_shared>>
          tpu.wait_indirect_dma semaphore(%run_scoped3A : memref<!tpu.dma_semaphore, #tpu.memory_space<semaphore_mem>>) src(%arg10 : memref<128x128xf32, #tpu.memory_space<vmem>>) dst(%dma_wait3A_78 : memref<10000x128xf32, #tpu.memory_space<vmem_shared>>)
          tpu.yield
        }) : () -> ()
      } else {
      }
    }
    %scan3A_38 = arith.constant 79 : i32
    %barrier3A_39 = arith.constant 0 : index
    tpu.barrier barrier_id(%barrier3A_39)
    %mul3A_40 = arith.constant 624 : i32
    %mul3A_41 = arith.muli %arg1, %mul3A_40 : i32
    %mul3A_42 = arith.constant 624 : i32
    %mul3A_43 = arith.muli %arg1, %mul3A_42 : i32
    "tpu.region"() ({
      %run_scoped3A = tpu.sem_alloc : memref<!tpu.dma_semaphore, #tpu.memory_space<semaphore_mem>>
      %dma_start3A = arith.constant 0 : i32
      %dma_start3A_49 = tpu.memref_slice %arg6[%arg0, %mul3A_43, %dma_start3A] : memref<2x10000x128xf32, #tpu.memory_space<hbm>> -> memref<1x624x128xf32, #tpu.memory_space<hbm>>
      %dma_start3A_50 = tpu.memref_squeeze %dma_start3A_49 : memref<1x624x128xf32, #tpu.memory_space<hbm>> -> memref<624x128xf32, #tpu.memory_space<hbm>>
      %dma_start3A_51 = arith.constant 0 : i32
      %dma_start3A_52 = tpu.memref_slice %arg11[%mul3A_41, %dma_start3A_51] : memref<10000x128xf32, #tpu.memory_space<vmem_shared>> -> memref<624x128xf32, #tpu.memory_space<vmem_shared>>
      tpu.enqueue_dma source(%dma_start3A_52 : memref<624x128xf32, #tpu.memory_space<vmem_shared>>) target(%dma_start3A_50 : memref<624x128xf32, #tpu.memory_space<hbm>>) target_semaphore(%run_scoped3A : memref<!tpu.dma_semaphore, #tpu.memory_space<semaphore_mem>>)
      %dma_wait3A = arith.constant 0 : i32
      %dma_wait3A_53 = tpu.memref_slice %arg6[%arg0, %mul3A_43, %dma_wait3A] : memref<2x10000x128xf32, #tpu.memory_space<hbm>> -> memref<1x624x128xf32, #tpu.memory_space<hbm>>
      %dma_wait3A_54 = tpu.memref_squeeze %dma_wait3A_53 : memref<1x624x128xf32, #tpu.memory_space<hbm>> -> memref<624x128xf32, #tpu.memory_space<hbm>>
      %dma_wait3A_55 = arith.constant 0 : i32
      %dma_wait3A_56 = tpu.memref_slice %arg11[%mul3A_41, %dma_wait3A_55] : memref<10000x128xf32, #tpu.memory_space<vmem_shared>> -> memref<624x128xf32, #tpu.memory_space<vmem_shared>>
      tpu.wait_dma2 semaphore(%run_scoped3A : memref<!tpu.dma_semaphore, #tpu.memory_space<semaphore_mem>>) src(%dma_wait3A_56 : memref<624x128xf32, #tpu.memory_space<vmem_shared>>) dst(%dma_wait3A_54 : memref<624x128xf32, #tpu.memory_space<hbm>>)
      tpu.yield
    }) : () -> ()
    %eq3A_44 = arith.constant 0 : i32
    %eq3A_45 = arith.cmpi eq, %arg1, %eq3A_44 : i32
    %convert_element_type3A_46 = arith.extui %eq3A_45 : i1 to i32
    %cond3A_47 = arith.constant 0 : i32
    %cond3A_48 = arith.cmpi ne, %convert_element_type3A_46, %cond3A_47 : i32
    scf.if %cond3A_48 {
      "tpu.region"() ({
        %run_scoped3A = tpu.sem_alloc : memref<!tpu.dma_semaphore, #tpu.memory_space<semaphore_mem>>
        %dma_start3A = arith.constant 9984 : i32
        %dma_start3A_49 = arith.constant 0 : i32
        %dma_start3A_50 = tpu.memref_slice %arg6[%arg0, %dma_start3A, %dma_start3A_49] : memref<2x10000x128xf32, #tpu.memory_space<hbm>> -> memref<1x16x128xf32, #tpu.memory_space<hbm>>
        %dma_start3A_51 = tpu.memref_squeeze %dma_start3A_50 : memref<1x16x128xf32, #tpu.memory_space<hbm>> -> memref<16x128xf32, #tpu.memory_space<hbm>>
        %dma_start3A_52 = arith.constant 9984 : i32
        %dma_start3A_53 = arith.constant 0 : i32
        %dma_start3A_54 = tpu.memref_slice %arg11[%dma_start3A_52, %dma_start3A_53] : memref<10000x128xf32, #tpu.memory_space<vmem_shared>> -> memref<16x128xf32, #tpu.memory_space<vmem_shared>>
        tpu.enqueue_dma source(%dma_start3A_54 : memref<16x128xf32, #tpu.memory_space<vmem_shared>>) target(%dma_start3A_51 : memref<16x128xf32, #tpu.memory_space<hbm>>) target_semaphore(%run_scoped3A : memref<!tpu.dma_semaphore, #tpu.memory_space<semaphore_mem>>)
        %dma_wait3A = arith.constant 9984 : i32
        %dma_wait3A_55 = arith.constant 0 : i32
        %dma_wait3A_56 = tpu.memref_slice %arg6[%arg0, %dma_wait3A, %dma_wait3A_55] : memref<2x10000x128xf32, #tpu.memory_space<hbm>> -> memref<1x16x128xf32, #tpu.memory_space<hbm>>
        %dma_wait3A_57 = tpu.memref_squeeze %dma_wait3A_56 : memref<1x16x128xf32, #tpu.memory_space<hbm>> -> memref<16x128xf32, #tpu.memory_space<hbm>>
        %dma_wait3A_58 = arith.constant 9984 : i32
        %dma_wait3A_59 = arith.constant 0 : i32
        %dma_wait3A_60 = tpu.memref_slice %arg11[%dma_wait3A_58, %dma_wait3A_59] : memref<10000x128xf32, #tpu.memory_space<vmem_shared>> -> memref<16x128xf32, #tpu.memory_space<vmem_shared>>
        tpu.wait_dma2 semaphore(%run_scoped3A : memref<!tpu.dma_semaphore, #tpu.memory_space<semaphore_mem>>) src(%dma_wait3A_60 : memref<16x128xf32, #tpu.memory_space<vmem_shared>>) dst(%dma_wait3A_57 : memref<16x128xf32, #tpu.memory_space<hbm>>)
        tpu.yield
      }) : () -> ()
    } else {
    }
    return
  }
}

module attributes {stable_mosaic.version = 14 : i64} {
  func.func @_dense1_body(%arg0: i32, %arg1: memref<1000x128xf32, #tpu.memory_space<vmem>>, %arg2: memref<128x128xf32, #tpu.memory_space<vmem>>, %arg3: memref<128x8xf32, #tpu.memory_space<vmem>>, %arg4: memref<128x8xf32, #tpu.memory_space<vmem>>, %arg5: memref<1000x128xf32, #tpu.memory_space<vmem>>, %arg6: memref<1000x16xf32, #tpu.memory_space<vmem>>) attributes {dimension_semantics = [#tpu.dimension_semantics<arbitrary>], iteration_bounds = array<i64: 10>, scalar_prefetch = 0 : i64, scratch_operands = 0 : i64, tpu.core_type = #tpu.core_type<tc>, window_params = [{transform_indices = @transform_0, window_bounds = array<i64: 1000, 128>}, {pipeline_mode = #tpu.pipeline_mode<synchronous>, transform_indices = @transform_1, window_bounds = array<i64: 128, 128>}, {pipeline_mode = #tpu.pipeline_mode<synchronous>, transform_indices = @transform_2, window_bounds = array<i64: 128, 8>}, {pipeline_mode = #tpu.pipeline_mode<synchronous>, transform_indices = @transform_3, window_bounds = array<i64: 128, 8>}, {transform_indices = @transform_4, window_bounds = array<i64: 1000, 128>}, {transform_indices = @transform_5, window_bounds = array<i64: 1000, 16>}]} {
    %get3A = arith.constant 0 : index
    %get3A_0 = arith.constant 0 : index
    %get3A_1 = vector.load %arg1[%get3A, %get3A_0] : memref<1000x128xf32, #tpu.memory_space<vmem>>, vector<1000x128xf32>
    %get3A_2 = arith.constant 0 : index
    %get3A_3 = arith.constant 0 : index
    %get3A_4 = vector.load %arg2[%get3A_2, %get3A_3] : memref<128x128xf32, #tpu.memory_space<vmem>>, vector<128x128xf32>
    %dot_general3A = arith.constant dense<0.000000e+00> : vector<1000x128xf32>
    %dot_general3A_5 = tpu.matmul %get3A_1, %get3A_4, %dot_general3A {dimension_numbers = #tpu.dot_dimension_numbers<[1], [0], [0], [1], [0, 0, 1, 1], [], []>, transpose_lhs_hint = false} : vector<1000x128xf32>, vector<128x128xf32>, vector<1000x128xf32> -> vector<1000x128xf32>
    %swap3A = arith.constant 0 : index
    %swap3A_6 = arith.constant 0 : index
    %swap3A_7 = vector.load %arg5[%swap3A, %swap3A_6] : memref<1000x128xf32, #tpu.memory_space<vmem>>, vector<1000x128xf32>
    tpu.vector_store %arg5[%swap3A, %swap3A_6], %dot_general3A_5 {strides = array<i32>} : memref<1000x128xf32, #tpu.memory_space<vmem>>, vector<1000x128xf32>,
    %get3A_8 = arith.constant 0 : index
    %get3A_9 = arith.constant 0 : index
    %get3A_10 = vector.load %arg3[%get3A_8, %get3A_9] : memref<128x8xf32, #tpu.memory_space<vmem>>, vector<128x8xf32>
    %dot_general3A_11 = arith.constant dense<0.000000e+00> : vector<1000x8xf32>
    %dot_general3A_12 = tpu.matmul %dot_general3A_5, %get3A_10, %dot_general3A_11 {dimension_numbers = #tpu.dot_dimension_numbers<[1], [0], [0], [1], [0, 0, 1, 1], [], []>, transpose_lhs_hint = false} : vector<1000x128xf32>, vector<128x8xf32>, vector<1000x8xf32> -> vector<1000x8xf32>
    %get3A_13 = arith.constant 0 : index
    %get3A_14 = arith.constant 0 : index
    %get3A_15 = vector.load %arg4[%get3A_13, %get3A_14] : memref<128x8xf32, #tpu.memory_space<vmem>>, vector<128x8xf32>
    %dot_general3A_16 = arith.constant dense<0.000000e+00> : vector<1000x8xf32>
    %dot_general3A_17 = tpu.matmul %dot_general3A_5, %get3A_15, %dot_general3A_16 {dimension_numbers = #tpu.dot_dimension_numbers<[1], [0], [0], [1], [0, 0, 1, 1], [], []>, transpose_lhs_hint = false} : vector<1000x128xf32>, vector<128x8xf32>, vector<1000x8xf32> -> vector<1000x8xf32>
    %concatenate3A = tpu.concatenate %dot_general3A_12, %dot_general3A_17 in 1 : vector<1000x8xf32>, vector<1000x8xf32> -> vector<1000x16xf32>
    %swap3A_18 = arith.constant 0 : index
    %swap3A_19 = arith.constant 0 : index
    %swap3A_20 = vector.load %arg6[%swap3A_18, %swap3A_19] : memref<1000x16xf32, #tpu.memory_space<vmem>>, vector<1000x16xf32>
    tpu.vector_store %arg6[%swap3A_18, %swap3A_19], %concatenate3A {strides = array<i32>} : memref<1000x16xf32, #tpu.memory_space<vmem>>, vector<1000x16xf32>,
    return
  }
  func.func @transform_0(%arg0: i32) -> (i32, i32) {
    %c0_i32 = arith.constant 0 : i32
    %c0_i32_0 = arith.constant 0 : i32
    return %arg0, %c0_i32 : i32, i32
  }
  func.func @transform_1(%arg0: i32) -> (i32, i32) {
    %c0_i32 = arith.constant 0 : i32
    %c0_i32_0 = arith.constant 0 : i32
    %c0_i32_1 = arith.constant 0 : i32
    return %c0_i32, %c0_i32_0 : i32, i32
  }
  func.func @transform_2(%arg0: i32) -> (i32, i32) {
    %c0_i32 = arith.constant 0 : i32
    %c0_i32_0 = arith.constant 0 : i32
    %c0_i32_1 = arith.constant 0 : i32
    return %c0_i32, %c0_i32_0 : i32, i32
  }
  func.func @transform_3(%arg0: i32) -> (i32, i32) {
    %c0_i32 = arith.constant 0 : i32
    %c0_i32_0 = arith.constant 0 : i32
    %c0_i32_1 = arith.constant 0 : i32
    return %c0_i32, %c0_i32_0 : i32, i32
  }
  func.func @transform_4(%arg0: i32) -> (i32, i32) {
    %c0_i32 = arith.constant 0 : i32
    %c0_i32_0 = arith.constant 0 : i32
    return %arg0, %c0_i32 : i32, i32
  }
  func.func @transform_5(%arg0: i32) -> (i32, i32) {
    %c0_i32 = arith.constant 0 : i32
    %c0_i32_0 = arith.constant 0 : i32
    return %arg0, %c0_i32 : i32, i32
  }
}

module attributes {stable_mosaic.version = 14 : i64} {
  func.func @_finish1_body(%arg0: i32, %arg1: memref<1000x128xf32, #tpu.memory_space<vmem>>, %arg2: memref<1000x128xf32, #tpu.memory_space<vmem>>, %arg3: memref<32x1000x2xf32, #tpu.memory_space<vmem>>, %arg4: memref<1x128xf32, #tpu.memory_space<vmem>>, %arg5: memref<128x64xf32, #tpu.memory_space<vmem>>, %arg6: memref<64x8xf32, #tpu.memory_space<vmem>>, %arg7: memref<64x8xf32, #tpu.memory_space<vmem>>, %arg8: memref<1000x64xf32, #tpu.memory_space<vmem>>, %arg9: memref<1000x16xf32, #tpu.memory_space<vmem>>) attributes {dimension_semantics = [#tpu.dimension_semantics<arbitrary>], iteration_bounds = array<i64: 10>, scalar_prefetch = 0 : i64, scratch_operands = 0 : i64, tpu.core_type = #tpu.core_type<tc>, window_params = [{transform_indices = @transform_0, window_bounds = array<i64: 1000, 128>}, {transform_indices = @transform_1, window_bounds = array<i64: 1000, 128>}, {transform_indices = @transform_2, window_bounds = array<i64: 32, 1000, 2>}, {pipeline_mode = #tpu.pipeline_mode<synchronous>, transform_indices = @transform_3, window_bounds = array<i64: 1, 128>}, {pipeline_mode = #tpu.pipeline_mode<synchronous>, transform_indices = @transform_4, window_bounds = array<i64: 128, 64>}, {pipeline_mode = #tpu.pipeline_mode<synchronous>, transform_indices = @transform_5, window_bounds = array<i64: 64, 8>}, {pipeline_mode = #tpu.pipeline_mode<synchronous>, transform_indices = @transform_6, window_bounds = array<i64: 64, 8>}, {transform_indices = @transform_7, window_bounds = array<i64: 1000, 64>}, {transform_indices = @transform_8, window_bounds = array<i64: 1000, 16>}]} {
    %get3A = arith.constant 0 : index
    %get3A_0 = arith.constant 0 : index
    %get3A_1 = vector.load %arg1[%get3A, %get3A_0] : memref<1000x128xf32, #tpu.memory_space<vmem>>, vector<1000x128xf32>
    %get3A_2 = arith.constant 0 : index
    %get3A_3 = arith.constant 0 : index
    %get3A_4 = vector.load %arg2[%get3A_2, %get3A_3] : memref<1000x128xf32, #tpu.memory_space<vmem>>, vector<1000x128xf32>
    %add3A = arith.addf %get3A_1, %get3A_4 : vector<1000x128xf32>
    %get3A_5 = arith.constant 0 : index
    %get3A_6 = arith.constant 0 : index
    %get3A_7 = arith.constant 0 : index
    %get3A_8 = vector.load %arg3[%get3A_5, %get3A_6, %get3A_7] : memref<32x1000x2xf32, #tpu.memory_space<vmem>>, vector<32x1000x2xf32>
    %reduce_sum3A = arith.constant dense<0.000000e+00> : vector<1000x2xf32>
    %reduce_sum3A_9 = vector.multi_reduction <add>, %get3A_8, %reduce_sum3A [0] : vector<32x1000x2xf32> to vector<1000x2xf32>
    %slice3A = vector.extract_strided_slice %add3A {offsets = [0, 0], sizes = [1000, 64], strides = [1, 1]} : vector<1000x128xf32> to vector<1000x64xf32>
    %slice3A_10 = vector.extract_strided_slice %reduce_sum3A_9 {offsets = [0, 0], sizes = [1000, 1], strides = [1, 1]} : vector<1000x2xf32> to vector<1000x1xf32>
    %add3A_11 = arith.constant 1.000000e-16 : f32
    %add3A_12 = vector.broadcast %add3A_11 : f32 to vector<1000x1xf32>
    %add3A_13 = arith.addf %slice3A_10, %add3A_12 : vector<1000x1xf32>
    %div3A = vector.broadcast %add3A_13 : vector<1000x1xf32> to vector<1000x64xf32>
    %div3A_14 = arith.divf %slice3A, %div3A : vector<1000x64xf32>
    %slice3A_15 = vector.extract_strided_slice %add3A {offsets = [0, 64], sizes = [1000, 64], strides = [1, 1]} : vector<1000x128xf32> to vector<1000x64xf32>
    %slice3A_16 = vector.extract_strided_slice %reduce_sum3A_9 {offsets = [0, 1], sizes = [1000, 1], strides = [1, 1]} : vector<1000x2xf32> to vector<1000x1xf32>
    %add3A_17 = arith.constant 1.000000e-16 : f32
    %add3A_18 = vector.broadcast %add3A_17 : f32 to vector<1000x1xf32>
    %add3A_19 = arith.addf %slice3A_16, %add3A_18 : vector<1000x1xf32>
    %div3A_20 = vector.broadcast %add3A_19 : vector<1000x1xf32> to vector<1000x64xf32>
    %div3A_21 = arith.divf %slice3A_15, %div3A_20 : vector<1000x64xf32>
    %concatenate3A = tpu.concatenate %div3A_14, %div3A_21 in 1 : vector<1000x64xf32>, vector<1000x64xf32> -> vector<1000x128xf32>
    %get3A_22 = arith.constant 0 : index
    %get3A_23 = arith.constant 0 : index
    %get3A_24 = vector.load %arg4[%get3A_22, %get3A_23] : memref<1x128xf32, #tpu.memory_space<vmem>>, vector<1x128xf32>
    %add3A_25 = vector.broadcast %get3A_24 : vector<1x128xf32> to vector<1000x128xf32>
    %add3A_26 = arith.addf %concatenate3A, %add3A_25 : vector<1000x128xf32>
    %max3A = arith.constant 0.000000e+00 : f32
    %max3A_27 = vector.broadcast %max3A : f32 to vector<1000x128xf32>
    %max3A_28 = arith.maximumf %add3A_26, %max3A_27 : vector<1000x128xf32>
    %get3A_29 = arith.constant 0 : index
    %get3A_30 = arith.constant 0 : index
    %get3A_31 = vector.load %arg5[%get3A_29, %get3A_30] : memref<128x64xf32, #tpu.memory_space<vmem>>, vector<128x64xf32>
    %dot_general3A = arith.constant dense<0.000000e+00> : vector<1000x64xf32>
    %dot_general3A_32 = tpu.matmul %max3A_28, %get3A_31, %dot_general3A {dimension_numbers = #tpu.dot_dimension_numbers<[1], [0], [0], [1], [0, 0, 1, 1], [], []>, transpose_lhs_hint = false} : vector<1000x128xf32>, vector<128x64xf32>, vector<1000x64xf32> -> vector<1000x64xf32>
    %swap3A = arith.constant 0 : index
    %swap3A_33 = arith.constant 0 : index
    %swap3A_34 = vector.load %arg8[%swap3A, %swap3A_33] : memref<1000x64xf32, #tpu.memory_space<vmem>>, vector<1000x64xf32>
    tpu.vector_store %arg8[%swap3A, %swap3A_33], %dot_general3A_32 {strides = array<i32>} : memref<1000x64xf32, #tpu.memory_space<vmem>>, vector<1000x64xf32>,
    %get3A_35 = arith.constant 0 : index
    %get3A_36 = arith.constant 0 : index
    %get3A_37 = vector.load %arg6[%get3A_35, %get3A_36] : memref<64x8xf32, #tpu.memory_space<vmem>>, vector<64x8xf32>
    %dot_general3A_38 = arith.constant dense<0.000000e+00> : vector<1000x8xf32>
    %dot_general3A_39 = tpu.matmul %dot_general3A_32, %get3A_37, %dot_general3A_38 {dimension_numbers = #tpu.dot_dimension_numbers<[1], [0], [0], [1], [0, 0, 1, 1], [], []>, transpose_lhs_hint = false} : vector<1000x64xf32>, vector<64x8xf32>, vector<1000x8xf32> -> vector<1000x8xf32>
    %get3A_40 = arith.constant 0 : index
    %get3A_41 = arith.constant 0 : index
    %get3A_42 = vector.load %arg7[%get3A_40, %get3A_41] : memref<64x8xf32, #tpu.memory_space<vmem>>, vector<64x8xf32>
    %dot_general3A_43 = arith.constant dense<0.000000e+00> : vector<1000x8xf32>
    %dot_general3A_44 = tpu.matmul %dot_general3A_32, %get3A_42, %dot_general3A_43 {dimension_numbers = #tpu.dot_dimension_numbers<[1], [0], [0], [1], [0, 0, 1, 1], [], []>, transpose_lhs_hint = false} : vector<1000x64xf32>, vector<64x8xf32>, vector<1000x8xf32> -> vector<1000x8xf32>
    %concatenate3A_45 = tpu.concatenate %dot_general3A_39, %dot_general3A_44 in 1 : vector<1000x8xf32>, vector<1000x8xf32> -> vector<1000x16xf32>
    %swap3A_46 = arith.constant 0 : index
    %swap3A_47 = arith.constant 0 : index
    %swap3A_48 = vector.load %arg9[%swap3A_46, %swap3A_47] : memref<1000x16xf32, #tpu.memory_space<vmem>>, vector<1000x16xf32>
    tpu.vector_store %arg9[%swap3A_46, %swap3A_47], %concatenate3A_45 {strides = array<i32>} : memref<1000x16xf32, #tpu.memory_space<vmem>>, vector<1000x16xf32>,
    return
  }
  func.func @transform_0(%arg0: i32) -> (i32, i32) {
    %c0_i32 = arith.constant 0 : i32
    %c0_i32_0 = arith.constant 0 : i32
    return %arg0, %c0_i32 : i32, i32
  }
  func.func @transform_1(%arg0: i32) -> (i32, i32) {
    %add3A = arith.constant 10 : i32
    %add3A_0 = arith.addi %add3A, %arg0 : i32
    %c0_i32 = arith.constant 0 : i32
    %c0_i32_1 = arith.constant 0 : i32
    return %add3A_0, %c0_i32 : i32, i32
  }
  func.func @transform_2(%arg0: i32) -> (i32, i32, i32) {
    %c0_i32 = arith.constant 0 : i32
    %c0_i32_0 = arith.constant 0 : i32
    %c0_i32_1 = arith.constant 0 : i32
    return %c0_i32, %arg0, %c0_i32_0 : i32, i32, i32
  }
  func.func @transform_3(%arg0: i32) -> (i32, i32) {
    %c0_i32 = arith.constant 0 : i32
    %c0_i32_0 = arith.constant 0 : i32
    %c0_i32_1 = arith.constant 0 : i32
    return %c0_i32, %c0_i32_0 : i32, i32
  }
  func.func @transform_4(%arg0: i32) -> (i32, i32) {
    %c0_i32 = arith.constant 0 : i32
    %c0_i32_0 = arith.constant 0 : i32
    %c0_i32_1 = arith.constant 0 : i32
    return %c0_i32, %c0_i32_0 : i32, i32
  }
  func.func @transform_5(%arg0: i32) -> (i32, i32) {
    %c0_i32 = arith.constant 0 : i32
    %c0_i32_0 = arith.constant 0 : i32
    %c0_i32_1 = arith.constant 0 : i32
    return %c0_i32, %c0_i32_0 : i32, i32
  }
  func.func @transform_6(%arg0: i32) -> (i32, i32) {
    %c0_i32 = arith.constant 0 : i32
    %c0_i32_0 = arith.constant 0 : i32
    %c0_i32_1 = arith.constant 0 : i32
    return %c0_i32, %c0_i32_0 : i32, i32
  }
  func.func @transform_7(%arg0: i32) -> (i32, i32) {
    %c0_i32 = arith.constant 0 : i32
    %c0_i32_0 = arith.constant 0 : i32
    return %arg0, %c0_i32 : i32, i32
  }
  func.func @transform_8(%arg0: i32) -> (i32, i32) {
    %c0_i32 = arith.constant 0 : i32
    %c0_i32_0 = arith.constant 0 : i32
    return %arg0, %c0_i32 : i32, i32
  }
}

module attributes {stable_mosaic.version = 14 : i64} {
  func.func @_finish2_body(%arg0: i32, %arg1: memref<1000x128xf32, #tpu.memory_space<vmem>>, %arg2: memref<1000x128xf32, #tpu.memory_space<vmem>>, %arg3: memref<32x1000x1xf32, #tpu.memory_space<vmem>>, %arg4: memref<1x64xf32, #tpu.memory_space<vmem>>, %arg5: memref<1000x64xf32, #tpu.memory_space<vmem>>) attributes {dimension_semantics = [#tpu.dimension_semantics<arbitrary>], iteration_bounds = array<i64: 10>, scalar_prefetch = 0 : i64, scratch_operands = 0 : i64, tpu.core_type = #tpu.core_type<tc>, window_params = [{transform_indices = @transform_0, window_bounds = array<i64: 1000, 128>}, {transform_indices = @transform_1, window_bounds = array<i64: 1000, 128>}, {transform_indices = @transform_2, window_bounds = array<i64: 32, 1000, 1>}, {pipeline_mode = #tpu.pipeline_mode<synchronous>, transform_indices = @transform_3, window_bounds = array<i64: 1, 64>}, {transform_indices = @transform_4, window_bounds = array<i64: 1000, 64>}]} {
    %get3A = arith.constant 0 : index
    %get3A_0 = arith.constant 0 : index
    %get3A_1 = vector.load %arg1[%get3A, %get3A_0] : memref<1000x128xf32, #tpu.memory_space<vmem>>, vector<1000x128xf32>
    %get3A_2 = arith.constant 0 : index
    %get3A_3 = arith.constant 0 : index
    %get3A_4 = vector.load %arg2[%get3A_2, %get3A_3] : memref<1000x128xf32, #tpu.memory_space<vmem>>, vector<1000x128xf32>
    %add3A = arith.addf %get3A_1, %get3A_4 : vector<1000x128xf32>
    %get3A_5 = arith.constant 0 : index
    %get3A_6 = arith.constant 0 : index
    %get3A_7 = arith.constant 0 : index
    %get3A_8 = vector.load %arg3[%get3A_5, %get3A_6, %get3A_7] : memref<32x1000x1xf32, #tpu.memory_space<vmem>>, vector<32x1000x1xf32>
    %reduce_sum3A = arith.constant dense<0.000000e+00> : vector<1000x1xf32>
    %reduce_sum3A_9 = vector.multi_reduction <add>, %get3A_8, %reduce_sum3A [0] : vector<32x1000x1xf32> to vector<1000x1xf32>
    %slice3A = vector.extract_strided_slice %add3A {offsets = [0, 0], sizes = [1000, 64], strides = [1, 1]} : vector<1000x128xf32> to vector<1000x64xf32>
    %add3A_10 = arith.constant 1.000000e-16 : f32
    %add3A_11 = vector.broadcast %add3A_10 : f32 to vector<1000x1xf32>
    %add3A_12 = arith.addf %reduce_sum3A_9, %add3A_11 : vector<1000x1xf32>
    %div3A = vector.broadcast %add3A_12 : vector<1000x1xf32> to vector<1000x64xf32>
    %div3A_13 = arith.divf %slice3A, %div3A : vector<1000x64xf32>
    %get3A_14 = arith.constant 0 : index
    %get3A_15 = arith.constant 0 : index
    %get3A_16 = vector.load %arg4[%get3A_14, %get3A_15] : memref<1x64xf32, #tpu.memory_space<vmem>>, vector<1x64xf32>
    %add3A_17 = vector.broadcast %get3A_16 : vector<1x64xf32> to vector<1000x64xf32>
    %add3A_18 = arith.addf %div3A_13, %add3A_17 : vector<1000x64xf32>
    %neg3A = arith.constant 0.000000e+00 : f32
    %neg3A_19 = vector.broadcast %neg3A : f32 to vector<1000x64xf32>
    %neg3A_20 = arith.subf %neg3A_19, %add3A_18 : vector<1000x64xf32>
    %exp3A = math.exp %neg3A_20 : vector<1000x64xf32>
    %add3A_21 = arith.constant 1.000000e+00 : f32
    %add3A_22 = vector.broadcast %add3A_21 : f32 to vector<1000x64xf32>
    %add3A_23 = arith.addf %add3A_22, %exp3A : vector<1000x64xf32>
    %div3A_24 = arith.constant 1.000000e+00 : f32
    %div3A_25 = vector.broadcast %div3A_24 : f32 to vector<1000x64xf32>
    %div3A_26 = arith.divf %div3A_25, %add3A_23 : vector<1000x64xf32>
    %swap3A = arith.constant 0 : index
    %swap3A_27 = arith.constant 0 : index
    %swap3A_28 = vector.load %arg5[%swap3A, %swap3A_27] : memref<1000x64xf32, #tpu.memory_space<vmem>>, vector<1000x64xf32>
    tpu.vector_store %arg5[%swap3A, %swap3A_27], %div3A_26 {strides = array<i32>} : memref<1000x64xf32, #tpu.memory_space<vmem>>, vector<1000x64xf32>,
    return
  }
  func.func @transform_0(%arg0: i32) -> (i32, i32) {
    %c0_i32 = arith.constant 0 : i32
    %c0_i32_0 = arith.constant 0 : i32
    return %arg0, %c0_i32 : i32, i32
  }
  func.func @transform_1(%arg0: i32) -> (i32, i32) {
    %add3A = arith.constant 10 : i32
    %add3A_0 = arith.addi %add3A, %arg0 : i32
    %c0_i32 = arith.constant 0 : i32
    %c0_i32_1 = arith.constant 0 : i32
    return %add3A_0, %c0_i32 : i32, i32
  }
  func.func @transform_2(%arg0: i32) -> (i32, i32, i32) {
    %c0_i32 = arith.constant 0 : i32
    %c0_i32_0 = arith.constant 0 : i32
    %c0_i32_1 = arith.constant 0 : i32
    return %c0_i32, %arg0, %c0_i32_0 : i32, i32, i32
  }
  func.func @transform_3(%arg0: i32) -> (i32, i32) {
    %c0_i32 = arith.constant 0 : i32
    %c0_i32_0 = arith.constant 0 : i32
    %c0_i32_1 = arith.constant 0 : i32
    return %c0_i32, %c0_i32_0 : i32, i32
  }
  func.func @transform_4(%arg0: i32) -> (i32, i32) {
    %c0_i32 = arith.constant 0 : i32
    %c0_i32_0 = arith.constant 0 : i32
    return %arg0, %c0_i32 : i32, i32
  }
}

</mosaic_0001>

<sc_bundles>
// kernel: kernel.12.cloned.1.call-start
scs
__scs_entry_jumppad:
0x0: {  	(pc) =	sbr.rel $0x88, $3  }
0x1: {  	(tag) =	ssettag $0x0;
	lr =	simm.s32 $0x1  }
0x2: {  	[smem:$0x3F97] =	sst lr;
	_ =	strace $0xD0000000  }
0x3: {  	_ = 	snop  }
0x4: {  	_ = 	snop  }
0x5: {  	_ = 	snop  }
0x6: {  	_ = 	snop  }
0x7: {  	_ = 	snop  }
__scs_overlays_trampoline_lowered:
0x8: {  	[smem:$0x3FA6] =	sst s0  }
0x9: {  	[smem:$0x3FA7] =	sst s1  }
0xa: {  	[smem:$0x3FA8] =	sst s2  }
0xb: {  	[smem:$0x3FA9] =	sst s3  }
0xc: {  	[smem:$0x3FAA] =	sst s4  }
0xd: {  	[smem:$0x3FAB] =	sst s5  }
0xe: {  	[smem:$0x3FAC] =	sst s6  }
0xf: {  	[smem:$0x3FAD] =	sst s7  }
0x10: {  	[smem:$0x3FAE] =	sst s8  }
0x11: {  	[smem:$0x3FAF] =	sst s9;
	s0 =	simm.s32 @!p0 $0x0  }
0x12: {  	s1 =	sld [smem:$0x3F95];
	s0 =	simm.s32 @p0 $0x1  }
0x13: {  	[smem:$0x3FB0] =	sst s0;
	s0 =	simm.s32 @!p1 $0x0  }
0x14: {  	s2 =	sld [smem:$0x3F94];
	s0 =	simm.s32 @p1 $0x1  }
0x15: {  	[smem:$0x3FB1] =	sst s0;
	s0 =	simm.s32 @!p2 $0x0  }
0x16: {  	s3 =	sld [smem:$0x3FDB];
	s0 =	simm.s32 @p2 $0x1  }
0x17: {  	s4 =	simm.s32 $0x1BF5;
	[smem:$0x3FB3] =	sst s0  }
0x18: {  	s0 =	sld [smem:$0x3F96];
	_ =	swait.ge [sflag:s4], $0x0  }
0x19: {  	s7 =	sld [smem:$0x3F97]  }
0x1a: {  	s8 =	sadd.s32 $0xFFFFE003, lr  }
0x1b: {  	s9 =	sadd.s32 $0xFFFFFEF7, lr;
	s5 =	simm.s32 $0xFFFFFFFF;
	p2 =	slt.u32 s8, $0xFFFFF086  }
0x1c: {  	p1 =	slt.u32 s9, $0xF7A;
	s5 =	simm.s32 @!p2 $0x0  }
0x1d: {  	s5 =	simm.s32 @p1 $0x1;
	p0 =	seq.s32 s7, s2  }
0x1e: {  	s7 =	smul.u32 @!p0 $0xF7A, s2;
	p2 =	seq.s32 @!p0 s5, $0x0  }
0x1f: {  	s9 =	smul.u32 $0xF7A, s1;
	s8 =	simm.s32 @!p0 $0x1BF5;
	p2 =	por !p2, p0  }
0x20: {  	[sflag:s8] =	ssyncset.s32 @!p0 $0xFFFFF086;
	s6 =	sadd.s32 @!p0 s3, s7;
	s7 =	simm.s32 @!p0 $0x108  }
0x21: {  	s3 =	sadd.s32 s3, s9;
	s6 =	sadd.s32 @!p0 $0x88, s6;
	s7 =	simm.s32 @p2 $0x1082  }
0x22: {  	[simem:s7], [sflag:s8] =	dma.local @!p0 [hbm:s6], $0xF7A  }
0x23: {  	s9 =	sor.u32 $0xD0000000, s2;
	s6 =	simm.s32 $0x108;
	_ =	swait.ge @!p0 [sflag:s8], $0x0  }
0x24: {  	s3 =	sadd.s32 $0x88, s3;
	s6 =	simm.s32 @!p1 $0x1082;
	[sflag:s4] =	ssyncset.s32 $0xFFFFF086  }
0x25: {  	[simem:s6], [sflag:s4] =	dma.local [hbm:s3], $0xF7A  }
0x26: {  	[smem:$0x3F97] =	sst s1;
	(tag) =	ssettag s2;
	_ =	strace s9  }
0x27: {  	s1 =	sld [smem:$0x3FA7]  }
0x28: {  	s2 =	sld [smem:$0x3FA8]  }
0x29: {  	s4 =	sld [smem:$0x3FAA]  }
0x2a: {  	p0 =	seq.s32 s5, $0x0;
	s5 =	sld [smem:$0x3FAB]  }
0x2b: {  	s6 =	sld [smem:$0x3FAC]  }
0x2c: {  	s7 =	sld [smem:$0x3FAD]  }
0x2d: {  	s3 =	simm.s32 $0x108;
	s8 =	sld [smem:$0x3FAE]  }
0x2e: {  	s3 =	simm.s32 @!p0 $0x1082;
	s9 =	sld [smem:$0x3FAF]  }
0x2f: {  	lr =	sadd.s32 s0, s3;
	s0 =	sld [smem:$0x3FA6]  }
0x30: {  	s3 =	sld [smem:$0x3FA9]  }
0x31: {  	[smem:$0x3FB2] =	sst s10  }
0x32: {  	s10 =	sld [smem:$0x3FB0];
	_ =	sdelay $0x3  }
0x33: {  	p0 =	seq.s32 s10, $0x1;
	s10 =	sld [smem:$0x3FB2];
	_ =	sdelay $0x3  }
0x34: {  	[smem:$0x3FB2] =	sst s10  }
0x35: {  	s10 =	sld [smem:$0x3FB1];
	_ =	sdelay $0x3  }
0x36: {  	p1 =	seq.s32 s10, $0x1;
	s10 =	sld [smem:$0x3FB2];
	_ =	sdelay $0x3  }
0x37: {  	[smem:$0x3FB2] =	sst s10  }
0x38: {  	s10 =	sld [smem:$0x3FB3]  }
0x39: {  	_ = 	snop;
	(pc) =	sbr.ind lr, $3  }
0x3a: {  	_ = 	snop  }
0x3b: {  	_ = 	snop  }
0x3c: {  	p2 =	seq.s32 s10, $0x1;
	s10 =	sld [smem:$0x3FB2]  }
0x3d: {  	_ =	shalt  }
0x3e: {  	_ =	shalt  }
0x3f: {  	_ =	shalt  }
0x40: {  	_ =	shalt  }
0x41: {  	_ =	shalt  }
0x42: {  	_ =	shalt  }
0x43: {  	_ =	shalt  }
0x44: {  	_ =	shalt  }
0x45: {  	_ =	shalt  }
0x46: {  	_ =	shalt  }
0x47: {  	_ =	shalt  }
0x48: {  	_ =	shalt  }
0x49: {  	_ =	shalt  }
0x4a: {  	_ =	shalt  }
0x4b: {  	_ =	shalt  }
0x4c: {  	_ =	shalt  }
0x4d: {  	_ =	shalt  }
0x4e: {  	_ =	shalt  }
0x4f: {  	_ =	shalt  }
0x50: {  	_ =	shalt  }
0x51: {  	_ =	shalt  }
0x52: {  	_ =	shalt  }
0x53: {  	_ =	shalt  }
0x54: {  	_ =	shalt  }
0x55: {  	_ =	shalt  }
0x56: {  	_ =	shalt  }
0x57: {  	_ =	shalt  }
0x58: {  	_ =	shalt  }
0x59: {  	_ =	shalt  }
0x5a: {  	_ =	shalt  }
0x5b: {  	_ =	shalt  }
0x5c: {  	_ =	shalt  }
0x5d: {  	_ =	shalt  }
0x5e: {  	_ =	shalt  }
0x5f: {  	_ =	shalt  }
0x60: {  	_ =	shalt  }
0x61: {  	_ =	shalt  }
0x62: {  	_ =	shalt  }
0x63: {  	_ =	shalt  }
0x64: {  	_ =	shalt  }
0x65: {  	_ =	shalt  }
0x66: {  	_ =	shalt  }
0x67: {  	_ =	shalt  }
0x68: {  	_ =	shalt  }
0x69: {  	_ =	shalt  }
0x6a: {  	_ =	shalt  }
0x6b: {  	_ =	shalt  }
0x6c: {  	_ =	shalt  }
0x6d: {  	_ =	shalt  }
0x6e: {  	_ =	shalt  }
0x6f: {  	_ =	shalt  }
0x70: {  	_ =	shalt  }
0x71: {  	_ =	shalt  }
0x72: {  	_ =	shalt  }
0x73: {  	_ =	shalt  }
0x74: {  	_ =	shalt  }
0x75: {  	_ =	shalt  }
0x76: {  	_ =	shalt  }
0x77: {  	_ =	shalt  }
0x78: {  	_ =	shalt  }
0x79: {  	_ =	shalt  }
0x7a: {  	_ =	shalt  }
0x7b: {  	_ =	shalt  }
0x7c: {  	_ =	shalt  }
0x7d: {  	_ =	shalt  }
0x7e: {  	_ =	shalt  }
0x7f: {  	_ =	shalt  }
0x80: {  	_ =	shalt  }
0x81: {  	_ =	shalt  }
0x82: {  	_ =	shalt  }
0x83: {  	_ =	shalt  }
0x84: {  	_ =	shalt  }
0x85: {  	_ =	shalt  }
0x86: {  	_ =	shalt  }
0x87: {  	_ =	shalt  }
.Lfunc_end0:
.L_simem_size_0:
called_computation.1_lowered:
.L_overlay_start_0:
0x88: {  	s2 =	sld [smem:$0x3FD9]  }
0x89: {  	s3 =	sld [smem:$0x3FFE];
	_ =	sdelay $0x1  }
0x8a: {  	s1 =	srdreg.scid  }
0x8b: {  	s0 =	sand.u32 $0x1, s1  }
0x8c: {  	s16 =	sshll.u32 s0, $0xA;
	s2 =	sadd.s32 s3, s2  }
0x8d: {  	s2 =	sadd.s32 s2, s16  }
0x8e: {  	[smem:$0x3FBE] =	sst s2  }
0x8f: {  	_ = 	snop  }
0x90: {  	(tm) =	ssettm $0x1  }
0x91: {  	s17 =	sld [smem:$0x3FFB];
	_ =	sdelay $0x3  }
0x92: {  	_ =	strace s17  }
0x93: {  	s2 =	sld [smem:$0x3FFC];
	_ =	sdelay $0x3  }
0x94: {  	_ =	strace s2  }
0x95: {  	s2 =	sld [smem:$0x3FFD];
	_ =	sdelay $0x3  }
0x96: {  	_ =	strace s2  }
0x97: {  	_ =	strace $0x8FFFFFFF  }
0x98: {  	s18 =	sld [smem:$0x3FDB];
	_ =	sdelay $0x1  }
0x99: {  	s19 =	simm.s32 $_scs_section_size  }
0x9a: {  	s4 =	simm.s32 $_size__tile_overlayer_lowered;
	s5 =	simm.s32 $_tile_overlayer_lowered  }
0x9b: {  	s22 =	simm.s32 $0x1BFF;
	s21 =	sshll.u32 s5, $0x1;
	s2 =	sadd.s32 s19, s18  }
0x9c: {  	s6 =	simm.s32 $0x0;
	s20 =	sshll.u32 s4, $0x1;
	s4 =	sadd.s32 s21, s2  }
0x9d: {  	[timem:s6], [sflag:s22] =	dma.local [hbm:s4], s20  }
0x9e: {  	_ =	swait.ge [sflag:s22], s20  }
0x9f: {  	s3 =	ssub.s32 $0x0, s20;
	[sflag:s22] =	ssyncset.done $0x0  }
0xa0: {  	[sflag:s22] =	ssyncadd.s32 s3;
	_ =	sdelay $0x1  }
0xa1: {  	s23 =	simm.s32 $0x1B8B  }
0xa2: {  	_ =	swait.ge [sflag:s23], $0x1  }
0xa3: {  	[sflag:s23] =	ssyncset.done $0x0  }
0xa4: {  	s25 =	simm.s32 $0x1B8E;
	s24 =	sld [smem:$0x3FFE];
	[sflag:s23] =	ssyncadd.s32 $0xFFFFFFFF  }
0xa5: {  	s26 =	simm.s32 $execute0_lowered;
	[smem:$0x3FD2] =	sst s25  }
0xa6: {  	s4 =	sshll.u32 s26, $0x1;
	_ =	strace $0x80000049;
	[dreg:$0x1] =	wrdreg $0xFFFFFFFF  }
0xa7: {  	s28 =	simm.s32 $_size_execute0_lowered;
	s2 =	sadd.s32 s2, s4;
	[dreg:$0x0] =	wrdreg $0x0  }
0xa8: {  	s4 =	sshll.u32 s28, $0x1;
	[dreg:$0x2] =	wrdreg s2  }
0xa9: {  	[dreg:$0x3] =	wrdreg s4  }
0xaa: {  	[dreg:$0x4] =	wrdreg $0xC0  }
0xab: {  	_ =	task [dreg:s6], $0x5FFFF  }
0xac: {  	[dreg:$0x1] =	wrdreg $0xFFFFFFFF  }
0xad: {  	[dreg:$0x0] =	wrdreg $0x60  }
0xae: {  	[dreg:$0x2] =	wrdreg s24  }
0xaf: {  	[dreg:$0x3] =	wrdreg $0x42000  }
0xb0: {  	[dreg:$0x4] =	wrdreg $0x9  }
0xb1: {  	_ =	task.clear_ibuf [dreg:s6], $0x5FFFF;
	_ =	strace $0x90000049  }
0xb2: {  	s29 =	simm.s32 $0x9;
	_ =	strace $0x8000004B  }
0xb3: {  	_ =	swait.ge [sflag:s29], $0x1  }
0xb4: {  	[sflag:s29] =	ssyncadd.s32 $0xFFFFFFFF  }
0xb5: {  	_ =	strace $0x9000004B  }
0xb6: {  	_ =	sfence  }
0xb7: {  	s30 =	sld [smem:$0x0];
	_ =	sdelay $0x2  }
0xb8: {  	s31 =	sshll.u32 s1, $0xD;
	s1 =	sshrl.u32 s1, $0x2  }
0xb9: {  	s3 =	sand.u32 $0x4000, s31;
	s1 =	sadd.s32 s1, s30  }
0xba: {  	s0 =	sor.u32 s3, s0;
	s1 =	sshll.u32 s1, $0x11  }
0xbb: {  	s0 =	sor.u32 s1, s0  }
0xbc: {  	s0 =	sadd.s32 $0x8F2B, s0  }
0xbd: {  	[sflag:s0] =	ssyncadd.remote.s32 $0x1  }
0xbe: {  	_ =	sfence.sel $0xFFFF  }
0xbf: {  	[dreg:$0x0] =	wrdreg $0xFFFFFFFF;
	(pc) =	sbr.abs _section_cstart, $3  }
0xc0: {  	[dreg:$0x1] =	wrdreg $0xFFFFFFFF  }
0xc1: {  	_ =	task.clear_ibuf [dreg:s6], $0x2FFFF;
	_ =	strace $0x9FFFFFFF  }
0xc2: {  	(tm) =	ssettm $0x7FFFFFFF  }
0xc3: {  	_ =	shalt  }
tec
execute0_lowered:
.L_overlay_start_1:
0x0: {  	(tag) =	ssettag $0x1  }
0x1: {  	s9 =	rddreg [dreg:$0x0]  }
0x2: {  	s1 =	rddreg [dreg:$0x1]  }
0x3: {  	s0 =	rddreg [dreg:$0x2];
	s2 =	simm.s32 $0x0;
	s7 =	srdreg.scid  }
0x4: {  	s5 =	stileid.u32;
	s21 =	simm.s32 $0x2;
	s22 =	simm.s32 $0x3  }
0x5: {  	s23 =	simm.s32 $0x80;
	s24 =	simm.s32 $0x100;
	s25 =	simm.s32 $0x1  }
0x6: {  	[smem:$0x7FF] =	sst s2;
	s3 =	sadd.s32 $0x16C00, s9;
	s4 =	sadd.s32 $0x3F200, s9  }
0x7: {  	s6 =	sadd.s32 $0xCE00, s9;
	s7 =	sand.u32 $0x1, s7;
	s10 =	smul.u32 $0x4E000, s5  }
0x8: {  	s8 =	sadd.s32 $0x3000, s9;
	s18 =	sadd.s32 $0x52C00, s9;
	s15 =	smul.u32 $0x13800, s5  }
0x9: {  	p0 =	sne.s32 s5, $0x0;
	_ =	strace $0x8000004A;
	s31 =	ssub.s32 $0x2, s7  }
0xa: {  	s16 =	smul.u32 $0x138800, s7;
	s11 =	sshrl.u32 s31, $0x1;
	s10 =	sshrl.u32 s10, $0x2  }
0xb: {  	s19 =	ssub.s32 s31, s11;
	s9 =	sadd.s32 s10, s1;
	s10 =	sshll.u32 s5, $0x1  }
.Ltmp0:
0xc: {  	s17 =	sadd.s32 s15, s16;
	s20 =	sshrl.u32 s16, $0x3;
	(pc) =	sbr.rel .LBB2_1-.Ltmp0, $4  }
0xd: {  	s16 =	sadd.s32 $0x138000, s1;
	s11 =	sadd.s32 $0x3400, s9;
	s12 =	sadd.s32 $0x6800, s9  }
0xe: {  	s13 =	sadd.s32 $0x9C00, s9;
	s14 =	sadd.s32 $0xD000, s9;
	s17 =	sshrl.u32 s17, $0x3  }
0xf: {  	s15 =	sadd.s32 $0x10400, s9;
	s17 =	sadd.s32 s18, s17;
	s18 =	sadd.s32 s18, s20  }
0x10: {  	v0 =	vimm.f32 $0.0e+00;
	s19 =	smax.u32 s19, $0x1;
	s20 =	simm.s32 $0x200;
	s18 =	sadd.s32 $0x27000, s18  }
.LBB2_9:
0x11: {  	s26 =	sshll.u32 s5, $0x6  }
0x12: {  	[bflag:$0x0] =	sbarrier.arrive $0xFFFF;
	s28 =	sshrl.u32 s9, $0x3;
	s26 =	sor.u32 $0x1C02, s26  }
0x13: {  	[hbm:s17], [sflag:s26] =	dma.local [spmem:s28], $0x2700  }
0x14: {  	_ =	swait.ge [sflag:s21], $0x2700  }
0x15: {  	s2 =	sadd.s32 $0x1, s2;
	[sflag:s21] =	ssyncset.done $0x0  }
0x16: {  	p1 =	sne.s32 s2, s19;
	s28 =	sshrl.u32 @!p0 s16, $0x3;
	[sflag:s21] =	ssyncadd.s32 $0xFFFFD900  }
0x17: {  	[hbm:s18], [sflag:s26] =	dma.local @!p0 [spmem:s28], $0x100  }
.Ltmp1:
0x18: {  	_ = 	snop;
	(pc) =	sbr.rel @!p1 .LBB2_10-.Ltmp1, $4  }
0x19: {  	s26 =	simm.s32 @!p0 $0x2  }
0x1a: {  	_ =	swait.ge @!p0 [sflag:s26], $0x100  }
0x1b: {  	[sflag:s26] =	ssyncset.done @!p0 $0x0  }
0x1c: {  	[sflag:s26] =	ssyncadd.s32 @!p0 $0xFFFFFF00  }
.LBB2_1:
0x1d: {  	s26 =	simm.s32 $0x0;
	s28 =	simm.s32 $0x200  }
.LBB2_2:
0x1e: {  	p1 =	sne.s32 s28, $0xFE00;
	[tilespmem:s26+$0x270] =	vst v0  }
0x1f: {  	[tilespmem:s26+$0x200] =	vst v0  }
0x20: {  	[tilespmem:s26+$0x210] =	vst v0  }
.Ltmp2:
0x21: {  	[tilespmem:s26+$0x220] =	vst v0;
	(pc) =	sbr.rel @p1 .LBB2_2-.Ltmp2, $4  }
0x22: {  	[tilespmem:s26+$0x230] =	vst v0  }
0x23: {  	[tilespmem:s26+$0x240] =	vst v0  }
0x24: {  	[tilespmem:s26+$0x250] =	vst v0  }
0x25: {  	[tilespmem:s26+$0x260] =	vst v0;
	s26 =	sshra.s32 s28, $0x2;
	s28 =	sadd.s32 $0x200, s28  }
0x26: {  	[tilespmem:s26+$0x270] =	vst v0  }
0x27: {  	[tilespmem:s26+$0x200] =	vst v0  }
0x28: {  	[tilespmem:s26+$0x210] =	vst v0  }
0x29: {  	[tilespmem:s26+$0x220] =	vst v0  }
0x2a: {  	[tilespmem:s26+$0x230] =	vst v0  }
0x2b: {  	[tilespmem:s26+$0x240] =	vst v0  }
0x2c: {  	[tilespmem:s26+$0x250] =	vst v0  }
0x2d: {  	[tilespmem:s26+$0x260] =	vst v0  }
0x2e: {  	[spmem:s9] =	stream.linear.scatter [tilespmem:s20], [sflag:$0x2], $0x3400, $0x38;
	[tilespmem:$0x17A80] =	vst v63  }
0x2f: {  	_ =	swait.ge [sflag:s21], $0x3400  }
0x30: {  	[sflag:s21] =	ssyncset.done $0x0  }
0x31: {  	[sflag:s21] =	ssyncadd.s32 $0xFFFFCC00  }
0x32: {  	[spmem:s11] =	stream.linear.scatter [tilespmem:s20], [sflag:$0x2], $0x3400, $0x38;
	[tilespmem:$0x17A80] =	vst v63  }
0x33: {  	_ =	swait.ge [sflag:s21], $0x3400  }
0x34: {  	[sflag:s21] =	ssyncset.done $0x0  }
0x35: {  	[sflag:s21] =	ssyncadd.s32 $0xFFFFCC00  }
0x36: {  	[spmem:s12] =	stream.linear.scatter [tilespmem:s20], [sflag:$0x2], $0x3400, $0x38;
	[tilespmem:$0x17A80] =	vst v63  }
0x37: {  	_ =	swait.ge [sflag:s21], $0x3400  }
0x38: {  	[sflag:s21] =	ssyncset.done $0x0  }
0x39: {  	[sflag:s21] =	ssyncadd.s32 $0xFFFFCC00  }
0x3a: {  	[spmem:s13] =	stream.linear.scatter [tilespmem:s20], [sflag:$0x2], $0x3400, $0x38;
	[tilespmem:$0x17A80] =	vst v63  }
0x3b: {  	_ =	swait.ge [sflag:s21], $0x3400  }
0x3c: {  	[sflag:s21] =	ssyncset.done $0x0  }
0x3d: {  	[sflag:s21] =	ssyncadd.s32 $0xFFFFCC00  }
0x3e: {  	[spmem:s14] =	stream.linear.scatter [tilespmem:s20], [sflag:$0x2], $0x3400, $0x38;
	[tilespmem:$0x17A80] =	vst v63  }
0x3f: {  	_ =	swait.ge [sflag:s21], $0x3400  }
0x40: {  	[sflag:s21] =	ssyncset.done $0x0  }
0x41: {  	[sflag:s21] =	ssyncadd.s32 $0xFFFFCC00  }
0x42: {  	[spmem:s15] =	stream.linear.scatter [tilespmem:s20], [sflag:$0x2], $0x3400, $0x38;
	[tilespmem:$0x17A80] =	vst v63  }
0x43: {  	_ =	swait.ge [sflag:s21], $0x3400  }
0x44: {  	[sflag:s21] =	ssyncset.done $0x0  }
0x45: {  	s26 =	simm.s32 @!p0 $0x200;
	[sflag:s21] =	ssyncadd.s32 $0xFFFFCC00  }
0x46: {  	[spmem:s16] =	stream.linear.scatter @!p0 [tilespmem:s26], [sflag:$0x2], $0x800, $0x38;
	[tilespmem:$0x17A80] =	vst v63  }
0x47: {  	s26 =	simm.s32 @!p0 $0x2  }
.Ltmp3:
0x48: {  	_ =	swait.ge @!p0 [sflag:s26], $0x800;
	(pc) =	sbr.rel .LBB2_4-.Ltmp3, $4  }
0x49: {  	[sflag:s26] =	ssyncset.done @!p0 $0x0  }
0x4a: {  	[sflag:s26] =	ssyncadd.s32 @!p0 $0xFFFFF800  }
0x4b: {  	[bflag:$0x0] =	sbarrier.arrive $0xFFFF  }
0x4c: {  	s26 =	simm.s32 $0x0  }
.LBB2_8:
0x4d: {  	s26 =	sadd.s32 $0x1, s26  }
0x4e: {  	p1 =	sne.s32 s26, $0x4F  }
.Ltmp4:
0x4f: {  	_ = 	snop;
	(pc) =	sbr.rel @!p1 .LBB2_9-.Ltmp4, $1  }
0x50: {  	_ =	sdelay $0x3  }
.LBB2_4:
0x51: {  	s28 =	sshll.u32 s26, $0x5  }
0x52: {  	s28 =	sor.u32 s10, s28  }
0x53: {  	p1 =	sgt.u32 s28, $0x9C3  }
.Ltmp5:
0x54: {  	_ = 	snop;
	(pc) =	sbr.rel @p1 .LBB2_8-.Ltmp5, $1  }
0x55: {  	_ =	sdelay $0x3  }
0x56: {  	s29 =	sor.u32 s7, s28  }
0x57: {  	s30 =	sshll.u32 s29, $0x4  }
0x58: {  	s28 =	simm.s32 $0x0;
	s31 =	sadd.s32 s6, s30  }
0x59: {  	[tilespmem:s28], [sflag:$0x3] =	stream.linear.gather [hbm4b:s31+s28], $0x80, $0x38;
	[tilespmem:$0x17A80] =	vst v63  }
0x5a: {  	_ =	swait.ge [sflag:s22], $0x80  }
0x5b: {  	[sflag:s22] =	ssyncset.done $0x0  }
0x5c: {  	s30 =	sadd.s32 s8, s30;
	[sflag:s22] =	ssyncadd.s32 $0xFFFFFF80  }
0x5d: {  	[tilespmem:s23], [sflag:$0x3] =	stream.linear.gather [hbm4b:s30+s28], $0x80, $0x38;
	[tilespmem:$0x17A80] =	vst v63  }
0x5e: {  	_ =	swait.ge [sflag:s22], $0x80  }
0x5f: {  	s29 =	sshll.u32 s29, $0x5;
	[sflag:s22] =	ssyncset.done $0x0  }
0x60: {  	s29 =	sadd.s32 s4, s29;
	[sflag:s22] =	ssyncadd.s32 $0xFFFFFF80  }
0x61: {  	[tilespmem:s24], [sflag:$0x3] =	stream.linear.gather [hbm4b:s29+s28], $0x100, $0x38;
	[tilespmem:$0x17A80] =	vst v63  }
0x62: {  	_ =	swait.ge [sflag:s22], $0x100  }
0x63: {  	[sflag:s22] =	ssyncset.done $0x0  }
0x64: {  	[sflag:s22] =	ssyncadd.s32 $0xFFFFFF00  }
0x65: {  	[tilespmem:s20], [sflag:$0x1] =	stream.indirect.gather [hbm4b:s3+s23], $0x80, s28, s23, $0xb8;
	[tilespmem:$0x17A80] =	vst v63  }
0x66: {  	_ =	swait.ge [sflag:s25], $0x4000  }
0x67: {  	[sflag:s25] =	ssyncset.done $0x0  }
0x68: {  	[sflag:s25] =	ssyncadd.s32 $0xFFFFC000  }
.LBB2_6:
0x69: {  	s29 =	sshll.u32 s28, $0x4  }
0x6a: {  	s30 =	sshll.u32 s28, $0xB;
	v2 =	vld [tilespmem:s29+$0x100]  }
0x6b: {  	v1 =	vld [tilespmem:s29+$0x180];
	s31 =	sand.u32 $0x3FFFF800, s30  }
0x6c: {  	v3 =	vld [tilespmem:s31+$0x200]  }
0x6d: {  	v4 =	vld [tilespmem:s31+$0x210]  }
0x6e: {  	v5 =	vld [tilespmem:s31+$0x220]  }
0x6f: {  	v7 =	vld [tilespmem:s31+$0x230];
	v6 =	vbroadcast v2, $0x0  }
0x70: {  	v8 =	vld [tilespmem:s31+$0x240]  }
0x71: {  	v9 =	vld [tilespmem:s31+$0x250];
	v3 =	vmul.f32 v3, v6  }
0x72: {  	v10 =	vld [tilespmem:s31+$0x260];
	v4 =	vmul.f32 v4, v6  }
0x73: {  	v11 =	vld [tilespmem:s31+$0x270];
	v63 =	vbroadcast v1, $0x0;
	[tilespmem:s31+$0x200] =	vst v3;
	v3 =	vmul.f32 v5, v6  }
0x74: {  	v13 =	vld [tilespmem:s31+$0x280];
	v12 =	vmul.f32 v7, v6;
	[tilespmem:s31+$0x210] =	vst v4  }
0x75: {  	v14 =	vld [tilespmem:s31+$0x290];
	[tilespmem:s31+$0x220] =	vst v3;
	v3 =	vmul.f32 v8, v63  }
0x76: {  	v16 =	vld [tilespmem:s31+$0x2A0];
	v15 =	vmul.f32 v9, v63;
	[tilespmem:s31+$0x230] =	vst v12  }
0x77: {  	v18 =	vld [tilespmem:s31+$0x2B0];
	v17 =	vbroadcast v2, $0x1;
	[tilespmem:s31+$0x240] =	vst v3;
	v3 =	vmul.f32 v10, v63  }
0x78: {  	v20 =	vld [tilespmem:s31+$0x2C0];
	v19 =	vmul.f32 v11, v63;
	[tilespmem:s31+$0x250] =	vst v15  }
0x79: {  	v21 =	vld [tilespmem:s31+$0x2D0];
	[tilespmem:s31+$0x260] =	vst v3;
	v3 =	vmul.f32 v13, v17  }
0x7a: {  	v23 =	vld [tilespmem:s31+$0x2E0];
	v22 =	vmul.f32 v14, v17;
	[tilespmem:s31+$0x270] =	vst v19  }
0x7b: {  	v25 =	vld [tilespmem:s31+$0x2F0];
	v24 =	vbroadcast v1, $0x1;
	[tilespmem:s31+$0x280] =	vst v3;
	v3 =	vmul.f32 v16, v17  }
0x7c: {  	v27 =	vld [tilespmem:s31+$0x300];
	v26 =	vmul.f32 v18, v17;
	[tilespmem:s31+$0x290] =	vst v22  }
0x7d: {  	v28 =	vld [tilespmem:s31+$0x310];
	[tilespmem:s31+$0x2A0] =	vst v3;
	v3 =	vmul.f32 v20, v24  }
0x7e: {  	v30 =	vld [tilespmem:s31+$0x320];
	v29 =	vmul.f32 v21, v24;
	[tilespmem:s31+$0x2B0] =	vst v26  }
0x7f: {  	v32 =	vld [tilespmem:s31+$0x330];
	v31 =	vbroadcast v2, $0x2;
	[tilespmem:s31+$0x2C0] =	vst v3;
	v3 =	vmul.f32 v23, v24  }
0x80: {  	v34 =	vld [tilespmem:s31+$0x340];
	v33 =	vmul.f32 v25, v24;
	[tilespmem:s31+$0x2D0] =	vst v29  }
0x81: {  	v35 =	vld [tilespmem:s31+$0x350];
	[tilespmem:s31+$0x2E0] =	vst v3;
	v3 =	vmul.f32 v27, v31  }
0x82: {  	v37 =	vld [tilespmem:s31+$0x360];
	v36 =	vmul.f32 v28, v31;
	[tilespmem:s31+$0x2F0] =	vst v33  }
0x83: {  	v39 =	vld [tilespmem:s31+$0x370];
	v38 =	vbroadcast v1, $0x2;
	[tilespmem:s31+$0x300] =	vst v3;
	v3 =	vmul.f32 v30, v31  }
0x84: {  	v41 =	vld [tilespmem:s31+$0x380];
	v40 =	vmul.f32 v32, v31;
	[tilespmem:s31+$0x310] =	vst v36  }
0x85: {  	v42 =	vld [tilespmem:s31+$0x390];
	[tilespmem:s31+$0x320] =	vst v3;
	v3 =	vmul.f32 v34, v38  }
0x86: {  	v44 =	vld [tilespmem:s31+$0x3A0];
	v43 =	vmul.f32 v35, v38;
	[tilespmem:s31+$0x330] =	vst v40  }
0x87: {  	v46 =	vld [tilespmem:s31+$0x3B0];
	v45 =	vbroadcast v2, $0x3;
	[tilespmem:s31+$0x340] =	vst v3;
	v3 =	vmul.f32 v37, v38  }
0x88: {  	v48 =	vld [tilespmem:s31+$0x3C0];
	v47 =	vmul.f32 v39, v38;
	[tilespmem:s31+$0x350] =	vst v43  }
0x89: {  	v49 =	vld [tilespmem:s31+$0x3D0];
	[tilespmem:s31+$0x360] =	vst v3;
	v3 =	vmul.f32 v41, v45  }
0x8a: {  	v51 =	vld [tilespmem:s31+$0x3E0];
	v50 =	vmul.f32 v42, v45;
	[tilespmem:s31+$0x370] =	vst v47  }
0x8b: {  	v53 =	vld [tilespmem:s31+$0x3F0];
	v52 =	vbroadcast v1, $0x3;
	[tilespmem:s31+$0x380] =	vst v3;
	v3 =	vmul.f32 v44, v45  }
0x8c: {  	v55 =	vld [tilespmem:s31+$0x400];
	v54 =	vmul.f32 v46, v45;
	[tilespmem:s31+$0x390] =	vst v50  }
0x8d: {  	v56 =	vld [tilespmem:s31+$0x410];
	[tilespmem:s31+$0x3A0] =	vst v3;
	v3 =	vmul.f32 v48, v52  }
0x8e: {  	v58 =	vld [tilespmem:s31+$0x420];
	v57 =	vmul.f32 v49, v52;
	[tilespmem:s31+$0x3B0] =	vst v54  }
0x8f: {  	v59 =	vbroadcast v2, $0x4;
	v18 =	vld [tilespmem:s31+$0x490];
	[tilespmem:s31+$0x3C0] =	vst v3;
	v3 =	vmul.f32 v51, v52  }
0x90: {  	v62 =	vld [tilespmem:s31+$0x440];
	v61 =	vmul.f32 v53, v52;
	[tilespmem:s31+$0x3D0] =	vst v57  }
0x91: {  	v25 =	vld [tilespmem:s31+$0x4D0];
	[tilespmem:s31+$0x3E0] =	vst v3;
	v3 =	vmul.f32 v55, v59  }
0x92: {  	v21 =	vbroadcast v2, $0x5;
	[tilespmem:s31+$0x3F0] =	vst v61;
	v12 =	vmul.f32 v56, v59;
	v13 =	vld [tilespmem:s31+$0x460]  }
0x93: {  	v14 =	vbroadcast v1, $0x4;
	v32 =	vld [tilespmem:s31+$0x510];
	[tilespmem:s31+$0x400] =	vst v3;
	v3 =	vmul.f32 v58, v59  }
0x94: {  	v28 =	vbroadcast v1, $0x5;
	[tilespmem:s31+$0x410] =	vst v12;
	v26 =	vmul.f32 v18, v21;
	v17 =	vld [tilespmem:s31+$0x480]  }
0x95: {  	v39 =	vld [tilespmem:s31+$0x550];
	[tilespmem:s31+$0x420] =	vst v3;
	v3 =	vmul.f32 v62, v14  }
0x96: {  	v35 =	vbroadcast v2, $0x6;
	v33 =	vmul.f32 v25, v28;
	[tilespmem:s31+$0x490] =	vst v26;
	v20 =	vld [tilespmem:s31+$0x4A0]  }
0x97: {  	v46 =	vld [tilespmem:s31+$0x590];
	[tilespmem:s31+$0x440] =	vst v3;
	v3 =	vmul.f32 v13, v14  }
0x98: {  	v42 =	vbroadcast v1, $0x6;
	v40 =	vmul.f32 v32, v35;
	[tilespmem:s31+$0x4D0] =	vst v33;
	v24 =	vld [tilespmem:s31+$0x4C0]  }
0x99: {  	v53 =	vld [tilespmem:s31+$0x5D0];
	[tilespmem:s31+$0x460] =	vst v3;
	v3 =	vmul.f32 v17, v21  }
0x9a: {  	v49 =	vbroadcast v2, $0x7;
	v47 =	vmul.f32 v39, v42;
	[tilespmem:s31+$0x510] =	vst v40;
	v27 =	vld [tilespmem:s31+$0x4E0]  }
0x9b: {  	v60 =	vld [tilespmem:s31+$0x430];
	[tilespmem:s31+$0x480] =	vst v3;
	v3 =	vmul.f32 v20, v21  }
0x9c: {  	v56 =	vbroadcast v1, $0x7;
	v54 =	vmul.f32 v46, v49;
	[tilespmem:s31+$0x550] =	vst v47;
	v31 =	vld [tilespmem:s31+$0x500]  }
0x9d: {  	v63 =	vld [tilespmem:s31+$0x450];
	[tilespmem:s31+$0x4A0] =	vst v3;
	v3 =	vmul.f32 v24, v28  }
0x9e: {  	v61 =	vmul.f32 v53, v56;
	[tilespmem:s31+$0x590] =	vst v54;
	v34 =	vld [tilespmem:s31+$0x520]  }
0x9f: {  	v15 =	vld [tilespmem:s31+$0x470];
	[tilespmem:s31+$0x4C0] =	vst v3;
	v3 =	vmul.f32 v27, v28  }
0xa0: {  	[tilespmem:s31+$0x5D0] =	vst v61;
	v16 =	vmul.f32 v60, v59;
	v38 =	vld [tilespmem:s31+$0x540]  }
0xa1: {  	v60 =	vld [tilespmem:s31+$0x610];
	[tilespmem:s31+$0x4E0] =	vst v3;
	v3 =	vmul.f32 v31, v35  }
0xa2: {  	v19 =	vmul.f32 v63, v14;
	[tilespmem:s31+$0x430] =	vst v16;
	v41 =	vld [tilespmem:s31+$0x560]  }
0xa3: {  	v22 =	vld [tilespmem:s31+$0x4B0];
	[tilespmem:s31+$0x500] =	vst v3;
	v3 =	vmul.f32 v34, v35  }
0xa4: {  	v63 =	vbroadcast v2, $0x8;
	[tilespmem:s31+$0x450] =	vst v19;
	v23 =	vmul.f32 v15, v14;
	v45 =	vld [tilespmem:s31+$0x580]  }
0xa5: {  	v15 =	vld [tilespmem:s31+$0x650];
	[tilespmem:s31+$0x520] =	vst v3;
	v3 =	vmul.f32 v38, v42  }
0xa6: {  	v16 =	vmul.f32 v60, v63;
	[tilespmem:s31+$0x470] =	vst v23;
	v48 =	vld [tilespmem:s31+$0x5A0]  }
0xa7: {  	v29 =	vld [tilespmem:s31+$0x4F0];
	[tilespmem:s31+$0x540] =	vst v3;
	v3 =	vmul.f32 v41, v42  }
0xa8: {  	v18 =	vbroadcast v1, $0x8;
	[tilespmem:s31+$0x610] =	vst v16;
	v30 =	vmul.f32 v22, v21;
	v52 =	vld [tilespmem:s31+$0x5C0]  }
0xa9: {  	v22 =	vld [tilespmem:s31+$0x690];
	[tilespmem:s31+$0x560] =	vst v3;
	v3 =	vmul.f32 v45, v49  }
0xaa: {  	v23 =	vmul.f32 v15, v18;
	[tilespmem:s31+$0x4B0] =	vst v30;
	v55 =	vld [tilespmem:s31+$0x5E0]  }
0xab: {  	v36 =	vld [tilespmem:s31+$0x530];
	[tilespmem:s31+$0x580] =	vst v3;
	v3 =	vmul.f32 v48, v49  }
0xac: {  	v25 =	vbroadcast v2, $0x9;
	[tilespmem:s31+$0x650] =	vst v23;
	v37 =	vmul.f32 v29, v28;
	v59 =	vld [tilespmem:s31+$0x600]  }
0xad: {  	v29 =	vld [tilespmem:s31+$0x6D0];
	[tilespmem:s31+$0x5A0] =	vst v3;
	v3 =	vmul.f32 v52, v56  }
0xae: {  	v30 =	vmul.f32 v22, v25;
	[tilespmem:s31+$0x4F0] =	vst v37;
	v62 =	vld [tilespmem:s31+$0x620]  }
0xaf: {  	v43 =	vld [tilespmem:s31+$0x570];
	[tilespmem:s31+$0x5C0] =	vst v3;
	v3 =	vmul.f32 v55, v56  }
0xb0: {  	v32 =	vbroadcast v1, $0x9;
	[tilespmem:s31+$0x690] =	vst v30;
	v44 =	vmul.f32 v36, v35;
	v14 =	vld [tilespmem:s31+$0x640]  }
0xb1: {  	v36 =	vld [tilespmem:s31+$0x710];
	[tilespmem:s31+$0x5E0] =	vst v3;
	v3 =	vmul.f32 v59, v63  }
0xb2: {  	v37 =	vmul.f32 v29, v32;
	[tilespmem:s31+$0x530] =	vst v44;
	v17 =	vld [tilespmem:s31+$0x660]  }
0xb3: {  	v50 =	vld [tilespmem:s31+$0x5B0];
	[tilespmem:s31+$0x600] =	vst v3;
	v3 =	vmul.f32 v62, v63  }
0xb4: {  	v39 =	vbroadcast v2, $0xA;
	[tilespmem:s31+$0x6D0] =	vst v37;
	v51 =	vmul.f32 v43, v42;
	v21 =	vld [tilespmem:s31+$0x680]  }
0xb5: {  	v43 =	vld [tilespmem:s31+$0x750];
	[tilespmem:s31+$0x620] =	vst v3;
	v3 =	vmul.f32 v14, v18  }
0xb6: {  	v44 =	vmul.f32 v36, v39;
	[tilespmem:s31+$0x570] =	vst v51;
	v24 =	vld [tilespmem:s31+$0x6A0]  }
0xb7: {  	v57 =	vld [tilespmem:s31+$0x5F0];
	[tilespmem:s31+$0x640] =	vst v3;
	v3 =	vmul.f32 v17, v18  }
0xb8: {  	v46 =	vbroadcast v1, $0xA;
	[tilespmem:s31+$0x710] =	vst v44;
	v58 =	vmul.f32 v50, v49;
	v28 =	vld [tilespmem:s31+$0x6C0]  }
0xb9: {  	v50 =	vld [tilespmem:s31+$0x790];
	[tilespmem:s31+$0x660] =	vst v3;
	v3 =	vmul.f32 v21, v25  }
0xba: {  	v51 =	vmul.f32 v43, v46;
	[tilespmem:s31+$0x5B0] =	vst v58;
	v31 =	vld [tilespmem:s31+$0x6E0]  }
0xbb: {  	v12 =	vld [tilespmem:s31+$0x630];
	[tilespmem:s31+$0x680] =	vst v3;
	v3 =	vmul.f32 v24, v25  }
0xbc: {  	v53 =	vbroadcast v2, $0xB;
	[tilespmem:s31+$0x750] =	vst v51;
	v13 =	vmul.f32 v57, v56;
	v35 =	vld [tilespmem:s31+$0x700]  }
0xbd: {  	v51 =	vld [tilespmem:s31+$0x970];
	[tilespmem:s31+$0x6A0] =	vst v3;
	v3 =	vmul.f32 v28, v32  }
0xbe: {  	v58 =	vmul.f32 v50, v53;
	[tilespmem:s31+$0x5F0] =	vst v13;
	v38 =	vld [tilespmem:s31+$0x720]  }
0xbf: {  	v57 =	vld [tilespmem:s31+$0x7D0];
	[tilespmem:s31+$0x6C0] =	vst v3;
	v3 =	vmul.f32 v31, v32  }
0xc0: {  	v50 =	vbroadcast v1, $0xE;
	[tilespmem:s31+$0x790] =	vst v58;
	v20 =	vmul.f32 v12, v63;
	v42 =	vld [tilespmem:s31+$0x740]  }
0xc1: {  	v19 =	vld [tilespmem:s31+$0x670];
	[tilespmem:s31+$0x6E0] =	vst v3;
	v3 =	vmul.f32 v35, v39  }
0xc2: {  	v60 =	vbroadcast v1, $0xB;
	v58 =	vmul.f32 v51, v50;
	[tilespmem:s31+$0x630] =	vst v20;
	v45 =	vld [tilespmem:s31+$0x760]  }
0xc3: {  	v12 =	vld [tilespmem:s31+$0x810];
	[tilespmem:s31+$0x700] =	vst v3;
	v3 =	vmul.f32 v38, v39  }
0xc4: {  	v13 =	vmul.f32 v57, v60;
	[tilespmem:s31+$0x970] =	vst v58;
	v49 =	vld [tilespmem:s31+$0x780]  }
0xc5: {  	v26 =	vld [tilespmem:s31+$0x6B0];
	[tilespmem:s31+$0x720] =	vst v3;
	v3 =	vmul.f32 v42, v46  }
0xc6: {  	v15 =	vbroadcast v2, $0xC;
	[tilespmem:s31+$0x7D0] =	vst v13;
	v27 =	vmul.f32 v19, v18;
	v52 =	vld [tilespmem:s31+$0x7A0]  }
0xc7: {  	v19 =	vld [tilespmem:s31+$0x850];
	[tilespmem:s31+$0x740] =	vst v3;
	v3 =	vmul.f32 v45, v46  }
0xc8: {  	v20 =	vmul.f32 v12, v15;
	[tilespmem:s31+$0x670] =	vst v27;
	v56 =	vld [tilespmem:s31+$0x7C0]  }
0xc9: {  	v33 =	vld [tilespmem:s31+$0x6F0];
	[tilespmem:s31+$0x760] =	vst v3;
	v3 =	vmul.f32 v49, v53  }
0xca: {  	v22 =	vbroadcast v1, $0xC;
	[tilespmem:s31+$0x810] =	vst v20;
	v34 =	vmul.f32 v26, v25;
	v59 =	vld [tilespmem:s31+$0x7E0]  }
0xcb: {  	v26 =	vld [tilespmem:s31+$0x890];
	[tilespmem:s31+$0x780] =	vst v3;
	v3 =	vmul.f32 v52, v53  }
0xcc: {  	v27 =	vmul.f32 v19, v22;
	[tilespmem:s31+$0x6B0] =	vst v34;
	v63 =	vld [tilespmem:s31+$0x800]  }
0xcd: {  	v40 =	vld [tilespmem:s31+$0x730];
	[tilespmem:s31+$0x7A0] =	vst v3;
	v3 =	vmul.f32 v56, v60  }
0xce: {  	v29 =	vbroadcast v2, $0xD;
	[tilespmem:s31+$0x850] =	vst v27;
	v41 =	vmul.f32 v33, v32;
	v14 =	vld [tilespmem:s31+$0x820]  }
0xcf: {  	v33 =	vld [tilespmem:s31+$0x8D0];
	[tilespmem:s31+$0x7C0] =	vst v3;
	v3 =	vmul.f32 v59, v60  }
0xd0: {  	v34 =	vmul.f32 v26, v29;
	[tilespmem:s31+$0x6F0] =	vst v41;
	v18 =	vld [tilespmem:s31+$0x840]  }
0xd1: {  	v47 =	vld [tilespmem:s31+$0x770];
	[tilespmem:s31+$0x7E0] =	vst v3;
	v3 =	vmul.f32 v63, v15  }
0xd2: {  	v36 =	vbroadcast v1, $0xD;
	[tilespmem:s31+$0x890] =	vst v34;
	v48 =	vmul.f32 v40, v39;
	v21 =	vld [tilespmem:s31+$0x860]  }
0xd3: {  	v40 =	vld [tilespmem:s31+$0x910];
	[tilespmem:s31+$0x800] =	vst v3;
	v3 =	vmul.f32 v14, v15  }
0xd4: {  	v41 =	vmul.f32 v33, v36;
	[tilespmem:s31+$0x730] =	vst v48;
	v25 =	vld [tilespmem:s31+$0x880]  }
0xd5: {  	v54 =	vld [tilespmem:s31+$0x7B0];
	[tilespmem:s31+$0x820] =	vst v3;
	v3 =	vmul.f32 v18, v22  }
0xd6: {  	v43 =	vbroadcast v2, $0xE;
	[tilespmem:s31+$0x8D0] =	vst v41;
	v55 =	vmul.f32 v47, v46;
	v28 =	vld [tilespmem:s31+$0x8A0]  }
0xd7: {  	v47 =	vld [tilespmem:s31+$0x950];
	[tilespmem:s31+$0x840] =	vst v3;
	v3 =	vmul.f32 v21, v22  }
0xd8: {  	v48 =	vmul.f32 v40, v43;
	[tilespmem:s31+$0x770] =	vst v55;
	v32 =	vld [tilespmem:s31+$0x8C0]  }
0xd9: {  	v61 =	vld [tilespmem:s31+$0x7F0];
	[tilespmem:s31+$0x860] =	vst v3;
	v3 =	vmul.f32 v25, v29  }
0xda: {  	[tilespmem:s31+$0x910] =	vst v48;
	v62 =	vmul.f32 v54, v53;
	v35 =	vld [tilespmem:s31+$0x8E0]  }
0xdb: {  	v54 =	vld [tilespmem:s31+$0x990];
	[tilespmem:s31+$0x880] =	vst v3;
	v3 =	vmul.f32 v28, v29  }
0xdc: {  	v55 =	vmul.f32 v47, v50;
	[tilespmem:s31+$0x7B0] =	vst v62;
	v39 =	vld [tilespmem:s31+$0x900]  }
0xdd: {  	v16 =	vld [tilespmem:s31+$0x830];
	[tilespmem:s31+$0x8A0] =	vst v3;
	v3 =	vmul.f32 v32, v36  }
0xde: {  	v2 =	vbroadcast v2, $0xF;
	[tilespmem:s31+$0x950] =	vst v55;
	v17 =	vmul.f32 v61, v60;
	v42 =	vld [tilespmem:s31+$0x920]  }
0xdf: {  	v23 =	vld [tilespmem:s31+$0x870];
	[tilespmem:s31+$0x8C0] =	vst v3;
	v3 =	vmul.f32 v35, v36  }
0xe0: {  	v61 =	vmul.f32 v54, v2;
	[tilespmem:s31+$0x7F0] =	vst v17;
	v46 =	vld [tilespmem:s31+$0x940]  }
0xe1: {  	v30 =	vld [tilespmem:s31+$0x8B0];
	[tilespmem:s31+$0x8E0] =	vst v3;
	v3 =	vmul.f32 v39, v43  }
0xe2: {  	[tilespmem:s31+$0x990] =	vst v61;
	v24 =	vmul.f32 v16, v15;
	v49 =	vld [tilespmem:s31+$0x960]  }
0xe3: {  	v37 =	vld [tilespmem:s31+$0x8F0];
	[tilespmem:s31+$0x900] =	vst v3;
	v3 =	vmul.f32 v42, v43  }
0xe4: {  	[tilespmem:s31+$0x830] =	vst v24;
	v31 =	vmul.f32 v23, v22;
	v53 =	vld [tilespmem:s31+$0x980]  }
0xe5: {  	v44 =	vld [tilespmem:s31+$0x930];
	[tilespmem:s31+$0x920] =	vst v3;
	v3 =	vmul.f32 v46, v50  }
0xe6: {  	[tilespmem:s31+$0x870] =	vst v31;
	v38 =	vmul.f32 v30, v29;
	v56 =	vld [tilespmem:s31+$0x9A0]  }
0xe7: {  	v57 =	vld [tilespmem:s31+$0x9B0];
	[tilespmem:s31+$0x940] =	vst v3;
	v3 =	vmul.f32 v49, v50  }
0xe8: {  	[tilespmem:s31+$0x8B0] =	vst v38;
	v45 =	vmul.f32 v37, v36;
	v59 =	vld [tilespmem:s31+$0x9C0]  }
0xe9: {  	v60 =	vld [tilespmem:s31+$0x9D0];
	[tilespmem:s31+$0x960] =	vst v3;
	v3 =	vmul.f32 v53, v2  }
0xea: {  	v62 =	vld [tilespmem:s31+$0x9E0];
	[tilespmem:s31+$0x8F0] =	vst v45;
	v52 =	vmul.f32 v44, v43  }
0xeb: {  	v1 =	vbroadcast v1, $0xF;
	v63 =	vld [tilespmem:s31+$0x9F0];
	[tilespmem:s31+$0x980] =	vst v3;
	v3 =	vmul.f32 v56, v2  }
0xec: {  	[tilespmem:s31+$0x930] =	vst v52;
	v2 =	vmul.f32 v57, v2  }
0xed: {  	p1 =	sne.s32 s28, $0x7;
	[tilespmem:s31+$0x9A0] =	vst v3;
	v3 =	vmul.f32 v59, v1  }
.Ltmp6:
0xee: {  	[tilespmem:s31+$0x9B0] =	vst v2;
	v2 =	vmul.f32 v60, v1;
	(pc) =	sbr.rel @p1 .LBB2_6-.Ltmp6, $4  }
0xef: {  	[tilespmem:s31+$0x9C0] =	vst v3;
	v3 =	vmul.f32 v62, v1  }
0xf0: {  	[tilespmem:s31+$0x9D0] =	vst v2;
	v1 =	vmul.f32 v63, v1  }
0xf1: {  	[tilespmem:s31+$0x9E0] =	vst v3  }
0xf2: {  	s28 =	sadd.s32 $0x1, s28;
	[tilespmem:s31+$0x9F0] =	vst v1  }
.Ltmp7:
0xf3: {  	(pc) =	sbr.rel .LBB2_8-.Ltmp7, $4  }
0xf4: {  	[spmem:s1] =	stream.indirect.scatter.add.f32 [tilespmem:s20], [sflag:$0x2], $0x80, s23, s23, $0xb8;
	[tilespmem:$0x17A80] =	vst v63  }
0xf5: {  	_ =	swait.ge [sflag:s21], $0x4000  }
0xf6: {  	[sflag:s21] =	ssyncset.done $0x0  }
0xf7: {  	[sflag:s21] =	ssyncadd.s32 $0xFFFFC000  }
.LBB2_10:
0xf8: {  	_ =	sfence.sel $0x180000  }
0xf9: {  	[bflag:$0x0] =	sbarrier.arrive $0xFFFF  }
0xfa: {  	_ =	strace $0x9000004A  }
0xfb: {  	s0 =	sadd.s32 @!p0 $0x100000, s0;
	[bflag:$0x2] =	sbarrier.arrive $0xFFFF  }
0xfc: {  	[sflag:s0] =	ssyncadd.tile.s32 @!p0 $0x1;
	_ =	shalt  }
.Lfunc_end2:
_tile_overlayer_lowered:
.L_overlay_start_2:
0xfd: {  	(tag) =	ssettag $0x2  }
0xfe: {  	s0 =	rddreg [dreg:$0x0];
	s2 =	stileid.u32  }
0xff: {  	s1 =	rddreg [dreg:$0x1];
	p0 =	sne.s32 s2, $0x0  }
0x100: {  	s3 =	rddreg [dreg:$0x2];
	[bflag:$0x3] =	sbarrier.arrive $0xFFFF;
	s2 =	simm.s32 @!p0 $0x1C02  }
0x101: {  	[timem:s3], [sflag:s2] =	dma.local @!p0 [hbm:s0], s1  }
0x102: {  	s0 =	simm.s32 @!p0 $0x2  }
0x103: {  	_ =	swait.ge @!p0 [sflag:s0], s1  }
0x104: {  	s1 =	ssub.s32 @!p0 $0x0, s1;
	[sflag:s0] =	ssyncset.done @!p0 $0x0  }
0x105: {  	[sflag:s0] =	ssyncadd.s32 @!p0 s1  }
0x106: {  	[bflag:$0x3] =	sbarrier.arrive $0xFFFF  }
0x107: {  	_ =	shalt  }

// kernel: kernel.15.cloned.1.call-start
scs
__scs_entry_jumppad:
0x0: {  	(pc) =	sbr.rel $0x88, $3  }
0x1: {  	(tag) =	ssettag $0x0;
	lr =	simm.s32 $0x1  }
0x2: {  	[smem:$0x3F97] =	sst lr;
	_ =	strace $0xD0000000  }
0x3: {  	_ = 	snop  }
0x4: {  	_ = 	snop  }
0x5: {  	_ = 	snop  }
0x6: {  	_ = 	snop  }
0x7: {  	_ = 	snop  }
__scs_overlays_trampoline_lowered:
0x8: {  	[smem:$0x3FA6] =	sst s0  }
0x9: {  	[smem:$0x3FA7] =	sst s1  }
0xa: {  	[smem:$0x3FA8] =	sst s2  }
0xb: {  	[smem:$0x3FA9] =	sst s3  }
0xc: {  	[smem:$0x3FAA] =	sst s4  }
0xd: {  	[smem:$0x3FAB] =	sst s5  }
0xe: {  	[smem:$0x3FAC] =	sst s6  }
0xf: {  	[smem:$0x3FAD] =	sst s7  }
0x10: {  	[smem:$0x3FAE] =	sst s8  }
0x11: {  	[smem:$0x3FAF] =	sst s9;
	s0 =	simm.s32 @!p0 $0x0  }
0x12: {  	s1 =	sld [smem:$0x3F95];
	s0 =	simm.s32 @p0 $0x1  }
0x13: {  	[smem:$0x3FB0] =	sst s0;
	s0 =	simm.s32 @!p1 $0x0  }
0x14: {  	s2 =	sld [smem:$0x3F94];
	s0 =	simm.s32 @p1 $0x1  }
0x15: {  	[smem:$0x3FB1] =	sst s0;
	s0 =	simm.s32 @!p2 $0x0  }
0x16: {  	s3 =	sld [smem:$0x3FDB];
	s0 =	simm.s32 @p2 $0x1  }
0x17: {  	s4 =	simm.s32 $0x1BF5;
	[smem:$0x3FB3] =	sst s0  }
0x18: {  	s0 =	sld [smem:$0x3F96];
	_ =	swait.ge [sflag:s4], $0x0  }
0x19: {  	s7 =	sld [smem:$0x3F97]  }
0x1a: {  	s8 =	sadd.s32 $0xFFFFE003, lr  }
0x1b: {  	s9 =	sadd.s32 $0xFFFFFEF7, lr;
	s5 =	simm.s32 $0xFFFFFFFF;
	p2 =	slt.u32 s8, $0xFFFFF086  }
0x1c: {  	p1 =	slt.u32 s9, $0xF7A;
	s5 =	simm.s32 @!p2 $0x0  }
0x1d: {  	s5 =	simm.s32 @p1 $0x1;
	p0 =	seq.s32 s7, s2  }
0x1e: {  	s7 =	smul.u32 @!p0 $0xF7A, s2;
	p2 =	seq.s32 @!p0 s5, $0x0  }
0x1f: {  	s9 =	smul.u32 $0xF7A, s1;
	s8 =	simm.s32 @!p0 $0x1BF5;
	p2 =	por !p2, p0  }
0x20: {  	[sflag:s8] =	ssyncset.s32 @!p0 $0xFFFFF086;
	s6 =	sadd.s32 @!p0 s3, s7;
	s7 =	simm.s32 @!p0 $0x108  }
0x21: {  	s3 =	sadd.s32 s3, s9;
	s6 =	sadd.s32 @!p0 $0x88, s6;
	s7 =	simm.s32 @p2 $0x1082  }
0x22: {  	[simem:s7], [sflag:s8] =	dma.local @!p0 [hbm:s6], $0xF7A  }
0x23: {  	s9 =	sor.u32 $0xD0000000, s2;
	s6 =	simm.s32 $0x108;
	_ =	swait.ge @!p0 [sflag:s8], $0x0  }
0x24: {  	s3 =	sadd.s32 $0x88, s3;
	s6 =	simm.s32 @!p1 $0x1082;
	[sflag:s4] =	ssyncset.s32 $0xFFFFF086  }
0x25: {  	[simem:s6], [sflag:s4] =	dma.local [hbm:s3], $0xF7A  }
0x26: {  	[smem:$0x3F97] =	sst s1;
	(tag) =	ssettag s2;
	_ =	strace s9  }
0x27: {  	s1 =	sld [smem:$0x3FA7]  }
0x28: {  	s2 =	sld [smem:$0x3FA8]  }
0x29: {  	s4 =	sld [smem:$0x3FAA]  }
0x2a: {  	p0 =	seq.s32 s5, $0x0;
	s5 =	sld [smem:$0x3FAB]  }
0x2b: {  	s6 =	sld [smem:$0x3FAC]  }
0x2c: {  	s7 =	sld [smem:$0x3FAD]  }
0x2d: {  	s3 =	simm.s32 $0x108;
	s8 =	sld [smem:$0x3FAE]  }
0x2e: {  	s3 =	simm.s32 @!p0 $0x1082;
	s9 =	sld [smem:$0x3FAF]  }
0x2f: {  	lr =	sadd.s32 s0, s3;
	s0 =	sld [smem:$0x3FA6]  }
0x30: {  	s3 =	sld [smem:$0x3FA9]  }
0x31: {  	[smem:$0x3FB2] =	sst s10  }
0x32: {  	s10 =	sld [smem:$0x3FB0];
	_ =	sdelay $0x3  }
0x33: {  	p0 =	seq.s32 s10, $0x1;
	s10 =	sld [smem:$0x3FB2];
	_ =	sdelay $0x3  }
0x34: {  	[smem:$0x3FB2] =	sst s10  }
0x35: {  	s10 =	sld [smem:$0x3FB1];
	_ =	sdelay $0x3  }
0x36: {  	p1 =	seq.s32 s10, $0x1;
	s10 =	sld [smem:$0x3FB2];
	_ =	sdelay $0x3  }
0x37: {  	[smem:$0x3FB2] =	sst s10  }
0x38: {  	s10 =	sld [smem:$0x3FB3]  }
0x39: {  	_ = 	snop;
	(pc) =	sbr.ind lr, $3  }
0x3a: {  	_ = 	snop  }
0x3b: {  	_ = 	snop  }
0x3c: {  	p2 =	seq.s32 s10, $0x1;
	s10 =	sld [smem:$0x3FB2]  }
0x3d: {  	_ =	shalt  }
0x3e: {  	_ =	shalt  }
0x3f: {  	_ =	shalt  }
0x40: {  	_ =	shalt  }
0x41: {  	_ =	shalt  }
0x42: {  	_ =	shalt  }
0x43: {  	_ =	shalt  }
0x44: {  	_ =	shalt  }
0x45: {  	_ =	shalt  }
0x46: {  	_ =	shalt  }
0x47: {  	_ =	shalt  }
0x48: {  	_ =	shalt  }
0x49: {  	_ =	shalt  }
0x4a: {  	_ =	shalt  }
0x4b: {  	_ =	shalt  }
0x4c: {  	_ =	shalt  }
0x4d: {  	_ =	shalt  }
0x4e: {  	_ =	shalt  }
0x4f: {  	_ =	shalt  }
0x50: {  	_ =	shalt  }
0x51: {  	_ =	shalt  }
0x52: {  	_ =	shalt  }
0x53: {  	_ =	shalt  }
0x54: {  	_ =	shalt  }
0x55: {  	_ =	shalt  }
0x56: {  	_ =	shalt  }
0x57: {  	_ =	shalt  }
0x58: {  	_ =	shalt  }
0x59: {  	_ =	shalt  }
0x5a: {  	_ =	shalt  }
0x5b: {  	_ =	shalt  }
0x5c: {  	_ =	shalt  }
0x5d: {  	_ =	shalt  }
0x5e: {  	_ =	shalt  }
0x5f: {  	_ =	shalt  }
0x60: {  	_ =	shalt  }
0x61: {  	_ =	shalt  }
0x62: {  	_ =	shalt  }
0x63: {  	_ =	shalt  }
0x64: {  	_ =	shalt  }
0x65: {  	_ =	shalt  }
0x66: {  	_ =	shalt  }
0x67: {  	_ =	shalt  }
0x68: {  	_ =	shalt  }
0x69: {  	_ =	shalt  }
0x6a: {  	_ =	shalt  }
0x6b: {  	_ =	shalt  }
0x6c: {  	_ =	shalt  }
0x6d: {  	_ =	shalt  }
0x6e: {  	_ =	shalt  }
0x6f: {  	_ =	shalt  }
0x70: {  	_ =	shalt  }
0x71: {  	_ =	shalt  }
0x72: {  	_ =	shalt  }
0x73: {  	_ =	shalt  }
0x74: {  	_ =	shalt  }
0x75: {  	_ =	shalt  }
0x76: {  	_ =	shalt  }
0x77: {  	_ =	shalt  }
0x78: {  	_ =	shalt  }
0x79: {  	_ =	shalt  }
0x7a: {  	_ =	shalt  }
0x7b: {  	_ =	shalt  }
0x7c: {  	_ =	shalt  }
0x7d: {  	_ =	shalt  }
0x7e: {  	_ =	shalt  }
0x7f: {  	_ =	shalt  }
0x80: {  	_ =	shalt  }
0x81: {  	_ =	shalt  }
0x82: {  	_ =	shalt  }
0x83: {  	_ =	shalt  }
0x84: {  	_ =	shalt  }
0x85: {  	_ =	shalt  }
0x86: {  	_ =	shalt  }
0x87: {  	_ =	shalt  }
.Lfunc_end0:
.L_simem_size_0:
called_computation.2_lowered:
.L_overlay_start_0:
0x88: {  	s2 =	sld [smem:$0x3FD9]  }
0x89: {  	s3 =	sld [smem:$0x3FFE];
	_ =	sdelay $0x1  }
0x8a: {  	s1 =	srdreg.scid  }
0x8b: {  	s0 =	sand.u32 $0x1, s1  }
0x8c: {  	s17 =	sshll.u32 s0, $0xA;
	s2 =	sadd.s32 s3, s2  }
0x8d: {  	s2 =	sadd.s32 s2, s17  }
0x8e: {  	[smem:$0x3FBE] =	sst s2  }
0x8f: {  	_ = 	snop  }
0x90: {  	s2 =	sld [smem:$0x3FD0];
	(tm) =	ssettm $0x1  }
0x91: {  	s18 =	sld [smem:$0x3FFB];
	_ =	sdelay $0x3  }
0x92: {  	_ =	strace s18  }
0x93: {  	s3 =	sld [smem:$0x3FFC];
	_ =	sdelay $0x3  }
0x94: {  	_ =	strace s3  }
0x95: {  	s3 =	sld [smem:$0x3FFD];
	_ =	sdelay $0x3  }
0x96: {  	_ =	strace s3  }
0x97: {  	_ =	strace $0x8FFFFFFF  }
0x98: {  	s19 =	sld [smem:$0x3FDB];
	_ =	sdelay $0x1  }
0x99: {  	s4 =	simm.s32 $_scs_section_size  }
0x9a: {  	s5 =	simm.s32 $_size__tile_overlayer_lowered;
	s6 =	simm.s32 $_tile_overlayer_lowered  }
0x9b: {  	s22 =	simm.s32 $0x1BFF;
	s21 =	sshll.u32 s6, $0x1;
	s3 =	sadd.s32 s4, s19  }
0x9c: {  	s7 =	simm.s32 $0x0;
	s20 =	sshll.u32 s5, $0x1;
	s5 =	sadd.s32 s21, s3  }
0x9d: {  	[timem:s7], [sflag:s22] =	dma.local [hbm:s5], s20  }
0x9e: {  	_ =	swait.ge [sflag:s22], s20  }
0x9f: {  	s4 =	ssub.s32 $0x0, s20;
	[sflag:s22] =	ssyncset.done $0x0  }
0xa0: {  	[sflag:s22] =	ssyncadd.s32 s4;
	_ =	sdelay $0x1  }
0xa1: {  	s23 =	simm.s32 $0x1B8B  }
0xa2: {  	_ =	swait.ge [sflag:s23], $0x1  }
0xa3: {  	[sflag:s23] =	ssyncset.done $0x0  }
0xa4: {  	s25 =	simm.s32 $0x1B8E;
	s24 =	sld [smem:$0x3FFE];
	[sflag:s23] =	ssyncadd.s32 $0xFFFFFFFF  }
0xa5: {  	s26 =	simm.s32 $execute0_lowered;
	[smem:$0x3FD2] =	sst s25  }
0xa6: {  	s5 =	sshll.u32 s26, $0x1;
	_ =	strace $0x8000004C;
	[dreg:$0x1] =	wrdreg $0xFFFFFFFF  }
0xa7: {  	s28 =	simm.s32 $_size_execute0_lowered;
	s3 =	sadd.s32 s3, s5;
	[dreg:$0x0] =	wrdreg $0x0  }
0xa8: {  	s5 =	sshll.u32 s28, $0x1;
	[dreg:$0x2] =	wrdreg s3  }
0xa9: {  	[dreg:$0x3] =	wrdreg s5  }
0xaa: {  	[dreg:$0x4] =	wrdreg $0xC0  }
0xab: {  	_ =	task [dreg:s7], $0x5FFFF  }
0xac: {  	[dreg:$0x1] =	wrdreg $0xFFFFFFFF  }
0xad: {  	[dreg:$0x0] =	wrdreg $0x60  }
0xae: {  	[dreg:$0x2] =	wrdreg s24  }
0xaf: {  	[dreg:$0x3] =	wrdreg s2  }
0xb0: {  	[dreg:$0x4] =	wrdreg $0x9  }
0xb1: {  	_ =	task.clear_ibuf [dreg:s7], $0x5FFFF;
	_ =	strace $0x9000004C  }
0xb2: {  	s29 =	simm.s32 $0x9;
	_ =	strace $0x8000004E  }
0xb3: {  	_ =	swait.ge [sflag:s29], $0x1  }
0xb4: {  	[sflag:s29] =	ssyncadd.s32 $0xFFFFFFFF  }
0xb5: {  	_ =	strace $0x9000004E  }
0xb6: {  	_ =	sfence  }
0xb7: {  	s30 =	sld [smem:$0x0];
	_ =	sdelay $0x2  }
0xb8: {  	s31 =	sshll.u32 s1, $0xD;
	s1 =	sshrl.u32 s1, $0x2  }
0xb9: {  	s3 =	sand.u32 $0x4000, s31;
	s1 =	sadd.s32 s1, s30  }
0xba: {  	s0 =	sor.u32 s3, s0;
	s1 =	sshll.u32 s1, $0x11  }
0xbb: {  	s0 =	sor.u32 s1, s0  }
0xbc: {  	s0 =	sadd.s32 $0x8F2B, s0  }
0xbd: {  	[sflag:s0] =	ssyncadd.remote.s32 $0x1  }
0xbe: {  	_ =	sfence.sel $0xFFFF  }
0xbf: {  	[dreg:$0x0] =	wrdreg $0xFFFFFFFF;
	(pc) =	sbr.abs _section_cstart, $3  }
0xc0: {  	[dreg:$0x1] =	wrdreg $0xFFFFFFFF  }
0xc1: {  	_ =	task.clear_ibuf [dreg:s7], $0x2FFFF;
	_ =	strace $0x9FFFFFFF  }
0xc2: {  	(tm) =	ssettm $0x7FFFFFFF  }
0xc3: {  	_ =	shalt  }
tec
execute0_lowered:
.L_overlay_start_1:
0x0: {  	(tag) =	ssettag $0x1  }
0x1: {  	s4 =	rddreg [dreg:$0x0]  }
0x2: {  	s5 =	rddreg [dreg:$0x1]  }
0x3: {  	s0 =	rddreg [dreg:$0x2];
	s3 =	srdreg.scid  }
0x4: {  	s2 =	simm.s32 $0x0;
	s1 =	stileid.u32;
	s12 =	simm.s32 $0x2  }
0x5: {  	s13 =	simm.s32 $0x80;
	s14 =	simm.s32 $0x9D80;
	s15 =	simm.s32 $0xC500  }
0x6: {  	s16 =	simm.s32 $0x400;
	s17 =	simm.s32 $0x0;
	s6 =	sand.u32 $0x1, s3  }
0x7: {  	[smem:$0x7FF] =	sst s2;
	s28 =	sshrl.u32 s1, $0x3;
	s3 =	sadd.s32 $0x16C00, s4  }
0x8: {  	s9 =	sshll.u32 s1, $0x5;
	s10 =	sshll.u32 s1, $0x7;
	s7 =	smul.u32 $0x27800, s6  }
0x9: {  	_ =	strace $0x8000004D;
	s8 =	smul.u32 $0x13C00, s28;
	s11 =	ssub.s32 $0x2, s6  }
0xa: {  	s29 =	sand.u32 $0x380, s10;
	s9 =	sadd.s32 s9, s4;
	s6 =	sshll.u32 s6, $0x4  }
.Ltmp0:
0xb: {  	s4 =	sshll.u32 s1, $0x1;
	s10 =	simm.s32 $0x100;
	(pc) =	sbr.rel .LBB2_1-.Ltmp0, $4  }
0xc: {  	s30 =	sshrl.u32 s11, $0x1;
	s9 =	sadd.s32 s6, s9;
	s7 =	sadd.s32 s7, s8  }
0xd: {  	s31 =	ssub.s32 s11, s30;
	s8 =	sadd.s32 $0x3000, s9;
	s7 =	sor.u32 s29, s7  }
0xe: {  	s11 =	simm.s32 $0x1;
	s6 =	smax.u32 s31, $0x1;
	s7 =	sshrl.u32 s7, $0x3  }
0xf: {  	v0 =	vimm.f32 $0.0e+00;
	s5 =	sadd.s32 s5, s7;
	s7 =	sadd.s32 $0x18000, s9;
	s9 =	sadd.s32 $0xCE00, s9  }
.LBB2_7:
0x10: {  	s17 =	sadd.s32 $0x1, s17  }
0x11: {  	p0 =	sne.s32 s17, s6  }
.Ltmp1:
0x12: {  	_ = 	snop;
	(pc) =	sbr.rel @!p0 .LBB2_8-.Ltmp1, $4  }
0x13: {  	[hbm4b:s5+s13] =	stream.strided.scatter [tilespmem:s14], [sflag:$0x1], $0x2780, s16, s13, $0x38;
	[tilespmem:$0xC580] =	vst v63  }
0x14: {  	_ =	swait.ge [sflag:s11], $0x2780  }
0x15: {  	[sflag:s11] =	ssyncset.done $0x0  }
0x16: {  	[sflag:s11] =	ssyncadd.s32 $0xFFFFD880  }
.LBB2_1:
0x17: {  	[tilespmem:s10], [sflag:$0x1] =	stream.linear.gather [hbm4b:s3+s2], $0x9C80, $0x38;
	[tilespmem:$0xC580] =	vst v63  }
0x18: {  	_ =	swait.ge [sflag:s11], $0x9C80  }
0x19: {  	[sflag:s11] =	ssyncset.done $0x0  }
0x1a: {  	s18 =	simm.s32 $0x0;
	[sflag:s11] =	ssyncadd.s32 $0xFFFF6380  }
.LBB2_2:
0x1b: {  	p0 =	sne.s32 s18, $0x9C00  }
.Ltmp2:
0x1c: {  	_ = 	snop;
	(pc) =	sbr.rel @p0 .LBB2_2-.Ltmp2, $3  }
0x1d: {  	_ =	sdelay $0x1  }
0x1e: {  	s19 =	sshra.s32 s18, $0x2  }
0x1f: {  	s18 =	sadd.s32 $0x40, s18;
	[tilespmem:s19+$0x9D80] =	vst v0  }
.Ltmp3:
0x20: {  	(pc) =	sbr.rel .LBB2_4-.Ltmp3, $2  }
0x21: {  	_ =	sdelay $0x2  }
0x22: {  	s18 =	simm.s32 $0x0;
	s19 =	smov.u32 s4  }
.LBB2_6:
0x23: {  	s18 =	sadd.s32 $0x200, s18  }
0x24: {  	p0 =	sne.s32 s18, $0x9E00  }
.Ltmp4:
0x25: {  	_ = 	snop;
	(pc) =	sbr.rel @!p0 .LBB2_7-.Ltmp4, $2  }
0x26: {  	_ =	sdelay $0x2  }
0x27: {  	s19 =	sadd.s32 $0x20, s19  }
.LBB2_4:
0x28: {  	p0 =	sgt.u32 s19, $0x9C3  }
.Ltmp5:
0x29: {  	_ = 	snop;
	(pc) =	sbr.rel @p0 .LBB2_6-.Ltmp5, $1  }
0x2a: {  	_ =	sdelay $0x3  }
0x2b: {  	s20 =	sadd.s32 s18, s9  }
0x2c: {  	[tilespmem:s2], [sflag:$0x2] =	stream.linear.gather [hbm4b:s20+s2], $0x80, $0x38;
	[tilespmem:$0xC580] =	vst v63  }
0x2d: {  	_ =	swait.ge [sflag:s12], $0x80  }
0x2e: {  	[sflag:s12] =	ssyncset.done $0x0  }
0x2f: {  	s30 =	sadd.s32 s18, s8;
	[sflag:s12] =	ssyncadd.s32 $0xFFFFFF80  }
0x30: {  	[tilespmem:s13], [sflag:$0x2] =	stream.linear.gather [hbm4b:s30+s2], $0x80, $0x38;
	[tilespmem:$0xC580] =	vst v63  }
0x31: {  	_ =	swait.ge [sflag:s12], $0x80  }
0x32: {  	[sflag:s12] =	ssyncset.done $0x0  }
0x33: {  	[sflag:s12] =	ssyncadd.s32 $0xFFFFFF80  }
0x34: {  	v1 =	vld [tilespmem:$0x0]  }
0x35: {  	v2 =	vld [tilespmem:$0x80];
	_ =	sdelay $0x4  }
0x36: {  	v1 =	vshll.u32 v1, $0x2;
	v3 =	vshll.u32 v2, $0x2  }
0x37: {  	v3 =	vor.u32 $0x2, v3;
	_ =	sdelay $0x3  }
0x38: {  	v1 =	vld.idx.msk [tilespmem:v1+s10+$0x0], $0xffff  }
0x39: {  	v3 =	vld.idx.msk [tilespmem:v3+s10+$0x0], $0xffff;
	_ =	sdelay $0x4  }
0x3a: {  	v1 =	vadd.f32 v3, v1;
	_ =	sdelay $0x1  }
0x3b: {  	v3 =	vmul.f32 $2.000000030e-01, v1  }
0x3c: {  	vm0 =	vge.f32 v1, $0.0e+00  }
0x3d: {  	v1 =	vsel vm0, v1, v3  }
0x3e: {  	v1 =	vmul.f32 $1.442695020e+00, v1;
	_ =	sdelay $0x1  }
0x3f: {  	(erf) = vpow2.f32 v1;
	_ =	sdelay $0x8  }
0x40: {  	v1 =	vpop (erf)  }
0x41: {  	[tilespmem:v2+s14+$0x0] =	vst.idx.add.f32.msk $0xffff, v1  }
0x42: {  	v2 =	vld [tilespmem:$0x10]  }
0x43: {  	v3 =	vld [tilespmem:$0x90];
	_ =	sdelay $0x4  }
0x44: {  	v2 =	vshll.u32 v2, $0x2;
	v4 =	vshll.u32 v3, $0x2  }
0x45: {  	v4 =	vor.u32 $0x2, v4;
	_ =	sdelay $0x2  }
0x46: {  	[tilespmem:$0xC500] =	vst v1  }
0x47: {  	v1 =	vld.idx.msk [tilespmem:v2+s10+$0x0], $0xffff  }
0x48: {  	v2 =	vld.idx.msk [tilespmem:v4+s10+$0x0], $0xffff;
	_ =	sdelay $0x4  }
0x49: {  	v1 =	vadd.f32 v2, v1;
	_ =	sdelay $0x1  }
0x4a: {  	v2 =	vmul.f32 $2.000000030e-01, v1  }
0x4b: {  	vm9 =	vge.f32 v1, $0.0e+00  }
0x4c: {  	v1 =	vsel vm9, v1, v2  }
0x4d: {  	v1 =	vmul.f32 $1.442695020e+00, v1;
	_ =	sdelay $0x1  }
0x4e: {  	(erf) = vpow2.f32 v1;
	_ =	sdelay $0x8  }
0x4f: {  	v1 =	vpop (erf)  }
0x50: {  	[tilespmem:v3+s14+$0x0] =	vst.idx.add.f32.msk $0xffff, v1  }
0x51: {  	v2 =	vld [tilespmem:$0x20]  }
0x52: {  	v3 =	vld [tilespmem:$0xA0];
	_ =	sdelay $0x4  }
0x53: {  	v2 =	vshll.u32 v2, $0x2;
	v58 =	vshll.u32 v3, $0x2  }
0x54: {  	v4 =	vor.u32 $0x2, v58;
	_ =	sdelay $0x2  }
0x55: {  	[tilespmem:$0xC510] =	vst v1  }
0x56: {  	v1 =	vld.idx.msk [tilespmem:v2+s10+$0x0], $0xffff  }
0x57: {  	v2 =	vld.idx.msk [tilespmem:v4+s10+$0x0], $0xffff;
	_ =	sdelay $0x4  }
0x58: {  	v1 =	vadd.f32 v2, v1;
	_ =	sdelay $0x1  }
0x59: {  	v2 =	vmul.f32 $2.000000030e-01, v1  }
0x5a: {  	vm10 =	vge.f32 v1, $0.0e+00  }
0x5b: {  	v1 =	vsel vm10, v1, v2  }
0x5c: {  	v1 =	vmul.f32 $1.442695020e+00, v1;
	_ =	sdelay $0x1  }
0x5d: {  	(erf) = vpow2.f32 v1;
	_ =	sdelay $0x8  }
0x5e: {  	v1 =	vpop (erf)  }
0x5f: {  	[tilespmem:v3+s14+$0x0] =	vst.idx.add.f32.msk $0xffff, v1  }
0x60: {  	v2 =	vld [tilespmem:$0x30]  }
0x61: {  	v3 =	vld [tilespmem:$0xB0];
	_ =	sdelay $0x4  }
0x62: {  	v2 =	vshll.u32 v2, $0x2;
	v59 =	vshll.u32 v3, $0x2  }
0x63: {  	v4 =	vor.u32 $0x2, v59;
	_ =	sdelay $0x2  }
0x64: {  	[tilespmem:$0xC520] =	vst v1  }
0x65: {  	v1 =	vld.idx.msk [tilespmem:v2+s10+$0x0], $0xffff  }
0x66: {  	v2 =	vld.idx.msk [tilespmem:v4+s10+$0x0], $0xffff;
	_ =	sdelay $0x4  }
0x67: {  	v1 =	vadd.f32 v2, v1;
	_ =	sdelay $0x1  }
0x68: {  	v2 =	vmul.f32 $2.000000030e-01, v1  }
0x69: {  	vm11 =	vge.f32 v1, $0.0e+00  }
0x6a: {  	v1 =	vsel vm11, v1, v2  }
0x6b: {  	v1 =	vmul.f32 $1.442695020e+00, v1;
	_ =	sdelay $0x1  }
0x6c: {  	(erf) = vpow2.f32 v1;
	_ =	sdelay $0x8  }
0x6d: {  	v1 =	vpop (erf)  }
0x6e: {  	[tilespmem:v3+s14+$0x0] =	vst.idx.add.f32.msk $0xffff, v1  }
0x6f: {  	v2 =	vld [tilespmem:$0x40]  }
0x70: {  	v3 =	vld [tilespmem:$0xC0];
	_ =	sdelay $0x4  }
0x71: {  	v2 =	vshll.u32 v2, $0x2;
	v60 =	vshll.u32 v3, $0x2  }
0x72: {  	v4 =	vor.u32 $0x2, v60;
	_ =	sdelay $0x2  }
0x73: {  	[tilespmem:$0xC530] =	vst v1  }
0x74: {  	v1 =	vld.idx.msk [tilespmem:v2+s10+$0x0], $0xffff  }
0x75: {  	v2 =	vld.idx.msk [tilespmem:v4+s10+$0x0], $0xffff;
	_ =	sdelay $0x4  }
0x76: {  	v1 =	vadd.f32 v2, v1;
	_ =	sdelay $0x1  }
0x77: {  	v2 =	vmul.f32 $2.000000030e-01, v1  }
0x78: {  	vm12 =	vge.f32 v1, $0.0e+00  }
0x79: {  	v1 =	vsel vm12, v1, v2  }
0x7a: {  	v1 =	vmul.f32 $1.442695020e+00, v1;
	_ =	sdelay $0x1  }
0x7b: {  	(erf) = vpow2.f32 v1;
	_ =	sdelay $0x8  }
0x7c: {  	v1 =	vpop (erf)  }
0x7d: {  	[tilespmem:v3+s14+$0x0] =	vst.idx.add.f32.msk $0xffff, v1  }
0x7e: {  	v2 =	vld [tilespmem:$0x50]  }
0x7f: {  	v3 =	vld [tilespmem:$0xD0];
	_ =	sdelay $0x4  }
0x80: {  	v2 =	vshll.u32 v2, $0x2;
	v61 =	vshll.u32 v3, $0x2  }
0x81: {  	v4 =	vor.u32 $0x2, v61;
	_ =	sdelay $0x2  }
0x82: {  	[tilespmem:$0xC540] =	vst v1  }
0x83: {  	v1 =	vld.idx.msk [tilespmem:v2+s10+$0x0], $0xffff  }
0x84: {  	v2 =	vld.idx.msk [tilespmem:v4+s10+$0x0], $0xffff;
	_ =	sdelay $0x4  }
0x85: {  	v1 =	vadd.f32 v2, v1;
	_ =	sdelay $0x1  }
0x86: {  	v2 =	vmul.f32 $2.000000030e-01, v1  }
0x87: {  	vm13 =	vge.f32 v1, $0.0e+00  }
0x88: {  	v1 =	vsel vm13, v1, v2  }
0x89: {  	v1 =	vmul.f32 $1.442695020e+00, v1;
	_ =	sdelay $0x1  }
0x8a: {  	(erf) = vpow2.f32 v1;
	_ =	sdelay $0x8  }
0x8b: {  	v1 =	vpop (erf)  }
0x8c: {  	[tilespmem:v3+s14+$0x0] =	vst.idx.add.f32.msk $0xffff, v1  }
0x8d: {  	v2 =	vld [tilespmem:$0x60]  }
0x8e: {  	v3 =	vld [tilespmem:$0xE0];
	_ =	sdelay $0x4  }
0x8f: {  	v2 =	vshll.u32 v2, $0x2;
	v62 =	vshll.u32 v3, $0x2  }
0x90: {  	v4 =	vor.u32 $0x2, v62;
	_ =	sdelay $0x2  }
0x91: {  	[tilespmem:$0xC550] =	vst v1  }
0x92: {  	v1 =	vld.idx.msk [tilespmem:v2+s10+$0x0], $0xffff  }
0x93: {  	v2 =	vld.idx.msk [tilespmem:v4+s10+$0x0], $0xffff;
	_ =	sdelay $0x4  }
0x94: {  	v1 =	vadd.f32 v2, v1;
	_ =	sdelay $0x1  }
0x95: {  	v2 =	vmul.f32 $2.000000030e-01, v1  }
0x96: {  	vm14 =	vge.f32 v1, $0.0e+00  }
0x97: {  	v1 =	vsel vm14, v1, v2  }
0x98: {  	v1 =	vmul.f32 $1.442695020e+00, v1;
	_ =	sdelay $0x1  }
0x99: {  	(erf) = vpow2.f32 v1;
	_ =	sdelay $0x8  }
0x9a: {  	v1 =	vpop (erf)  }
0x9b: {  	[tilespmem:v3+s14+$0x0] =	vst.idx.add.f32.msk $0xffff, v1  }
0x9c: {  	v2 =	vld [tilespmem:$0x70]  }
0x9d: {  	v3 =	vld [tilespmem:$0xF0];
	_ =	sdelay $0x4  }
0x9e: {  	v2 =	vshll.u32 v2, $0x2;
	v63 =	vshll.u32 v3, $0x2  }
0x9f: {  	v4 =	vor.u32 $0x2, v63;
	_ =	sdelay $0x2  }
0xa0: {  	[tilespmem:$0xC560] =	vst v1  }
0xa1: {  	v1 =	vld.idx.msk [tilespmem:v2+s10+$0x0], $0xffff  }
0xa2: {  	v2 =	vld.idx.msk [tilespmem:v4+s10+$0x0], $0xffff;
	_ =	sdelay $0x4  }
0xa3: {  	v1 =	vadd.f32 v2, v1;
	_ =	sdelay $0x1  }
0xa4: {  	v2 =	vmul.f32 $2.000000030e-01, v1  }
0xa5: {  	vm15 =	vge.f32 v1, $0.0e+00  }
0xa6: {  	v1 =	vsel vm15, v1, v2  }
0xa7: {  	v1 =	vmul.f32 $1.442695020e+00, v1;
	_ =	sdelay $0x1  }
0xa8: {  	(erf) = vpow2.f32 v1;
	_ =	sdelay $0x8  }
0xa9: {  	v1 =	vpop (erf)  }
0xaa: {  	[tilespmem:v3+s14+$0x0] =	vst.idx.add.f32.msk $0xffff, v1  }
.Ltmp6:
0xab: {  	s31 =	sadd.s32 s18, s7;
	[tilespmem:$0xC570] =	vst v1;
	(pc) =	sbr.rel .LBB2_6-.Ltmp6, $4  }
0xac: {  	[hbm4b:s31+s2] =	stream.linear.scatter [tilespmem:s15], [sflag:$0x1], $0x80, $0x38;
	[tilespmem:$0xC580] =	vst v63  }
0xad: {  	_ =	swait.ge [sflag:s11], $0x80  }
0xae: {  	[sflag:s11] =	ssyncset.done $0x0  }
0xaf: {  	[sflag:s11] =	ssyncadd.s32 $0xFFFFFF80  }
.LBB2_8:
0xb0: {  	_ =	sfence.sel $0x180000  }
0xb1: {  	[bflag:$0x0] =	sbarrier.arrive $0xFFFF  }
0xb2: {  	p0 =	sne.s32 s1, $0x0;
	_ =	strace $0x9000004D  }
0xb3: {  	s0 =	sadd.s32 @!p0 $0x100000, s0;
	[bflag:$0x2] =	sbarrier.arrive $0xFFFF  }
0xb4: {  	[sflag:s0] =	ssyncadd.tile.s32 @!p0 $0x1;
	_ =	shalt  }
.Lfunc_end2:
_tile_overlayer_lowered:
.L_overlay_start_2:
0xb5: {  	(tag) =	ssettag $0x2  }
0xb6: {  	s0 =	rddreg [dreg:$0x0];
	s2 =	stileid.u32  }
0xb7: {  	s1 =	rddreg [dreg:$0x1];
	p0 =	sne.s32 s2, $0x0  }
0xb8: {  	s3 =	rddreg [dreg:$0x2];
	[bflag:$0x3] =	sbarrier.arrive $0xFFFF;
	s2 =	simm.s32 @!p0 $0x1C01  }
0xb9: {  	[timem:s3], [sflag:s2] =	dma.local @!p0 [hbm:s0], s1  }
0xba: {  	s0 =	simm.s32 @!p0 $0x1  }
0xbb: {  	_ =	swait.ge @!p0 [sflag:s0], s1  }
0xbc: {  	s1 =	ssub.s32 @!p0 $0x0, s1;
	[sflag:s0] =	ssyncset.done @!p0 $0x0  }
0xbd: {  	[sflag:s0] =	ssyncadd.s32 @!p0 s1  }
0xbe: {  	[bflag:$0x3] =	sbarrier.arrive $0xFFFF  }
0xbf: {  	_ =	shalt  }

// kernel: kernel.18.cloned.1.call-start
scs
__scs_entry_jumppad:
0x0: {  	(pc) =	sbr.rel $0x88, $3  }
0x1: {  	(tag) =	ssettag $0x0;
	lr =	simm.s32 $0x1  }
0x2: {  	[smem:$0x3F97] =	sst lr;
	_ =	strace $0xD0000000  }
0x3: {  	_ = 	snop  }
0x4: {  	_ = 	snop  }
0x5: {  	_ = 	snop  }
0x6: {  	_ = 	snop  }
0x7: {  	_ = 	snop  }
__scs_overlays_trampoline_lowered:
0x8: {  	[smem:$0x3FA6] =	sst s0  }
0x9: {  	[smem:$0x3FA7] =	sst s1  }
0xa: {  	[smem:$0x3FA8] =	sst s2  }
0xb: {  	[smem:$0x3FA9] =	sst s3  }
0xc: {  	[smem:$0x3FAA] =	sst s4  }
0xd: {  	[smem:$0x3FAB] =	sst s5  }
0xe: {  	[smem:$0x3FAC] =	sst s6  }
0xf: {  	[smem:$0x3FAD] =	sst s7  }
0x10: {  	[smem:$0x3FAE] =	sst s8  }
0x11: {  	[smem:$0x3FAF] =	sst s9;
	s0 =	simm.s32 @!p0 $0x0  }
0x12: {  	s1 =	sld [smem:$0x3F95];
	s0 =	simm.s32 @p0 $0x1  }
0x13: {  	[smem:$0x3FB0] =	sst s0;
	s0 =	simm.s32 @!p1 $0x0  }
0x14: {  	s2 =	sld [smem:$0x3F94];
	s0 =	simm.s32 @p1 $0x1  }
0x15: {  	[smem:$0x3FB1] =	sst s0;
	s0 =	simm.s32 @!p2 $0x0  }
0x16: {  	s3 =	sld [smem:$0x3FDB];
	s0 =	simm.s32 @p2 $0x1  }
0x17: {  	s4 =	simm.s32 $0x1BF5;
	[smem:$0x3FB3] =	sst s0  }
0x18: {  	s0 =	sld [smem:$0x3F96];
	_ =	swait.ge [sflag:s4], $0x0  }
0x19: {  	s7 =	sld [smem:$0x3F97]  }
0x1a: {  	s8 =	sadd.s32 $0xFFFFE003, lr  }
0x1b: {  	s9 =	sadd.s32 $0xFFFFFEF7, lr;
	s5 =	simm.s32 $0xFFFFFFFF;
	p2 =	slt.u32 s8, $0xFFFFF086  }
0x1c: {  	p1 =	slt.u32 s9, $0xF7A;
	s5 =	simm.s32 @!p2 $0x0  }
0x1d: {  	s5 =	simm.s32 @p1 $0x1;
	p0 =	seq.s32 s7, s2  }
0x1e: {  	s7 =	smul.u32 @!p0 $0xF7A, s2;
	p2 =	seq.s32 @!p0 s5, $0x0  }
0x1f: {  	s9 =	smul.u32 $0xF7A, s1;
	s8 =	simm.s32 @!p0 $0x1BF5;
	p2 =	por !p2, p0  }
0x20: {  	[sflag:s8] =	ssyncset.s32 @!p0 $0xFFFFF086;
	s6 =	sadd.s32 @!p0 s3, s7;
	s7 =	simm.s32 @!p0 $0x108  }
0x21: {  	s3 =	sadd.s32 s3, s9;
	s6 =	sadd.s32 @!p0 $0x88, s6;
	s7 =	simm.s32 @p2 $0x1082  }
0x22: {  	[simem:s7], [sflag:s8] =	dma.local @!p0 [hbm:s6], $0xF7A  }
0x23: {  	s9 =	sor.u32 $0xD0000000, s2;
	s6 =	simm.s32 $0x108;
	_ =	swait.ge @!p0 [sflag:s8], $0x0  }
0x24: {  	s3 =	sadd.s32 $0x88, s3;
	s6 =	simm.s32 @!p1 $0x1082;
	[sflag:s4] =	ssyncset.s32 $0xFFFFF086  }
0x25: {  	[simem:s6], [sflag:s4] =	dma.local [hbm:s3], $0xF7A  }
0x26: {  	[smem:$0x3F97] =	sst s1;
	(tag) =	ssettag s2;
	_ =	strace s9  }
0x27: {  	s1 =	sld [smem:$0x3FA7]  }
0x28: {  	s2 =	sld [smem:$0x3FA8]  }
0x29: {  	s4 =	sld [smem:$0x3FAA]  }
0x2a: {  	p0 =	seq.s32 s5, $0x0;
	s5 =	sld [smem:$0x3FAB]  }
0x2b: {  	s6 =	sld [smem:$0x3FAC]  }
0x2c: {  	s7 =	sld [smem:$0x3FAD]  }
0x2d: {  	s3 =	simm.s32 $0x108;
	s8 =	sld [smem:$0x3FAE]  }
0x2e: {  	s3 =	simm.s32 @!p0 $0x1082;
	s9 =	sld [smem:$0x3FAF]  }
0x2f: {  	lr =	sadd.s32 s0, s3;
	s0 =	sld [smem:$0x3FA6]  }
0x30: {  	s3 =	sld [smem:$0x3FA9]  }
0x31: {  	[smem:$0x3FB2] =	sst s10  }
0x32: {  	s10 =	sld [smem:$0x3FB0];
	_ =	sdelay $0x3  }
0x33: {  	p0 =	seq.s32 s10, $0x1;
	s10 =	sld [smem:$0x3FB2];
	_ =	sdelay $0x3  }
0x34: {  	[smem:$0x3FB2] =	sst s10  }
0x35: {  	s10 =	sld [smem:$0x3FB1];
	_ =	sdelay $0x3  }
0x36: {  	p1 =	seq.s32 s10, $0x1;
	s10 =	sld [smem:$0x3FB2];
	_ =	sdelay $0x3  }
0x37: {  	[smem:$0x3FB2] =	sst s10  }
0x38: {  	s10 =	sld [smem:$0x3FB3]  }
0x39: {  	_ = 	snop;
	(pc) =	sbr.ind lr, $3  }
0x3a: {  	_ = 	snop  }
0x3b: {  	_ = 	snop  }
0x3c: {  	p2 =	seq.s32 s10, $0x1;
	s10 =	sld [smem:$0x3FB2]  }
0x3d: {  	_ =	shalt  }
0x3e: {  	_ =	shalt  }
0x3f: {  	_ =	shalt  }
0x40: {  	_ =	shalt  }
0x41: {  	_ =	shalt  }
0x42: {  	_ =	shalt  }
0x43: {  	_ =	shalt  }
0x44: {  	_ =	shalt  }
0x45: {  	_ =	shalt  }
0x46: {  	_ =	shalt  }
0x47: {  	_ =	shalt  }
0x48: {  	_ =	shalt  }
0x49: {  	_ =	shalt  }
0x4a: {  	_ =	shalt  }
0x4b: {  	_ =	shalt  }
0x4c: {  	_ =	shalt  }
0x4d: {  	_ =	shalt  }
0x4e: {  	_ =	shalt  }
0x4f: {  	_ =	shalt  }
0x50: {  	_ =	shalt  }
0x51: {  	_ =	shalt  }
0x52: {  	_ =	shalt  }
0x53: {  	_ =	shalt  }
0x54: {  	_ =	shalt  }
0x55: {  	_ =	shalt  }
0x56: {  	_ =	shalt  }
0x57: {  	_ =	shalt  }
0x58: {  	_ =	shalt  }
0x59: {  	_ =	shalt  }
0x5a: {  	_ =	shalt  }
0x5b: {  	_ =	shalt  }
0x5c: {  	_ =	shalt  }
0x5d: {  	_ =	shalt  }
0x5e: {  	_ =	shalt  }
0x5f: {  	_ =	shalt  }
0x60: {  	_ =	shalt  }
0x61: {  	_ =	shalt  }
0x62: {  	_ =	shalt  }
0x63: {  	_ =	shalt  }
0x64: {  	_ =	shalt  }
0x65: {  	_ =	shalt  }
0x66: {  	_ =	shalt  }
0x67: {  	_ =	shalt  }
0x68: {  	_ =	shalt  }
0x69: {  	_ =	shalt  }
0x6a: {  	_ =	shalt  }
0x6b: {  	_ =	shalt  }
0x6c: {  	_ =	shalt  }
0x6d: {  	_ =	shalt  }
0x6e: {  	_ =	shalt  }
0x6f: {  	_ =	shalt  }
0x70: {  	_ =	shalt  }
0x71: {  	_ =	shalt  }
0x72: {  	_ =	shalt  }
0x73: {  	_ =	shalt  }
0x74: {  	_ =	shalt  }
0x75: {  	_ =	shalt  }
0x76: {  	_ =	shalt  }
0x77: {  	_ =	shalt  }
0x78: {  	_ =	shalt  }
0x79: {  	_ =	shalt  }
0x7a: {  	_ =	shalt  }
0x7b: {  	_ =	shalt  }
0x7c: {  	_ =	shalt  }
0x7d: {  	_ =	shalt  }
0x7e: {  	_ =	shalt  }
0x7f: {  	_ =	shalt  }
0x80: {  	_ =	shalt  }
0x81: {  	_ =	shalt  }
0x82: {  	_ =	shalt  }
0x83: {  	_ =	shalt  }
0x84: {  	_ =	shalt  }
0x85: {  	_ =	shalt  }
0x86: {  	_ =	shalt  }
0x87: {  	_ =	shalt  }
.Lfunc_end0:
.L_simem_size_0:
called_computation.3_lowered:
.L_overlay_start_0:
0x88: {  	s2 =	sld [smem:$0x3FD9]  }
0x89: {  	s3 =	sld [smem:$0x3FFE];
	_ =	sdelay $0x1  }
0x8a: {  	s1 =	srdreg.scid  }
0x8b: {  	s0 =	sand.u32 $0x1, s1  }
0x8c: {  	s16 =	sshll.u32 s0, $0xA;
	s2 =	sadd.s32 s3, s2  }
0x8d: {  	s2 =	sadd.s32 s2, s16  }
0x8e: {  	[smem:$0x3FBE] =	sst s2  }
0x8f: {  	_ = 	snop  }
0x90: {  	(tm) =	ssettm $0x1  }
0x91: {  	s17 =	sld [smem:$0x3FFB];
	_ =	sdelay $0x3  }
0x92: {  	_ =	strace s17  }
0x93: {  	s2 =	sld [smem:$0x3FFC];
	_ =	sdelay $0x3  }
0x94: {  	_ =	strace s2  }
0x95: {  	s2 =	sld [smem:$0x3FFD];
	_ =	sdelay $0x3  }
0x96: {  	_ =	strace s2  }
0x97: {  	_ =	strace $0x8FFFFFFF  }
0x98: {  	s18 =	sld [smem:$0x3FDB];
	_ =	sdelay $0x1  }
0x99: {  	s19 =	simm.s32 $_scs_section_size  }
0x9a: {  	s4 =	simm.s32 $_size__tile_overlayer_lowered;
	s5 =	simm.s32 $_tile_overlayer_lowered  }
0x9b: {  	s22 =	simm.s32 $0x1BFF;
	s21 =	sshll.u32 s5, $0x1;
	s2 =	sadd.s32 s19, s18  }
0x9c: {  	s6 =	simm.s32 $0x0;
	s20 =	sshll.u32 s4, $0x1;
	s4 =	sadd.s32 s21, s2  }
0x9d: {  	[timem:s6], [sflag:s22] =	dma.local [hbm:s4], s20  }
0x9e: {  	_ =	swait.ge [sflag:s22], s20  }
0x9f: {  	s3 =	ssub.s32 $0x0, s20;
	[sflag:s22] =	ssyncset.done $0x0  }
0xa0: {  	[sflag:s22] =	ssyncadd.s32 s3;
	_ =	sdelay $0x1  }
0xa1: {  	s23 =	simm.s32 $0x1B8B  }
0xa2: {  	_ =	swait.ge [sflag:s23], $0x1  }
0xa3: {  	[sflag:s23] =	ssyncset.done $0x0  }
0xa4: {  	s25 =	simm.s32 $0x1B8E;
	s24 =	sld [smem:$0x3FFE];
	[sflag:s23] =	ssyncadd.s32 $0xFFFFFFFF  }
0xa5: {  	s26 =	simm.s32 $execute0_lowered;
	[smem:$0x3FD2] =	sst s25  }
0xa6: {  	s4 =	sshll.u32 s26, $0x1;
	_ =	strace $0x8000004F;
	[dreg:$0x1] =	wrdreg $0xFFFFFFFF  }
0xa7: {  	s28 =	simm.s32 $_size_execute0_lowered;
	s2 =	sadd.s32 s2, s4;
	[dreg:$0x0] =	wrdreg $0x0  }
0xa8: {  	s4 =	sshll.u32 s28, $0x1;
	[dreg:$0x2] =	wrdreg s2  }
0xa9: {  	[dreg:$0x3] =	wrdreg s4  }
0xaa: {  	[dreg:$0x4] =	wrdreg $0xC0  }
0xab: {  	_ =	task [dreg:s6], $0x5FFFF  }
0xac: {  	[dreg:$0x1] =	wrdreg $0xFFFFFFFF  }
0xad: {  	[dreg:$0x0] =	wrdreg $0x60  }
0xae: {  	[dreg:$0x2] =	wrdreg s24  }
0xaf: {  	[dreg:$0x3] =	wrdreg $0x41800  }
0xb0: {  	[dreg:$0x4] =	wrdreg $0x9  }
0xb1: {  	_ =	task.clear_ibuf [dreg:s6], $0x5FFFF;
	_ =	strace $0x9000004F  }
0xb2: {  	s29 =	simm.s32 $0x9;
	_ =	strace $0x80000051  }
0xb3: {  	_ =	swait.ge [sflag:s29], $0x1  }
0xb4: {  	[sflag:s29] =	ssyncadd.s32 $0xFFFFFFFF  }
0xb5: {  	_ =	strace $0x90000051  }
0xb6: {  	_ =	sfence  }
0xb7: {  	s30 =	sld [smem:$0x0];
	_ =	sdelay $0x2  }
0xb8: {  	s31 =	sshll.u32 s1, $0xD;
	s1 =	sshrl.u32 s1, $0x2  }
0xb9: {  	s3 =	sand.u32 $0x4000, s31;
	s1 =	sadd.s32 s1, s30  }
0xba: {  	s0 =	sor.u32 s3, s0;
	s1 =	sshll.u32 s1, $0x11  }
0xbb: {  	s0 =	sor.u32 s1, s0  }
0xbc: {  	s0 =	sadd.s32 $0x8F2B, s0  }
0xbd: {  	[sflag:s0] =	ssyncadd.remote.s32 $0x1  }
0xbe: {  	_ =	sfence.sel $0xFFFF  }
0xbf: {  	[dreg:$0x0] =	wrdreg $0xFFFFFFFF;
	(pc) =	sbr.abs _section_cstart, $3  }
0xc0: {  	[dreg:$0x1] =	wrdreg $0xFFFFFFFF  }
0xc1: {  	_ =	task.clear_ibuf [dreg:s6], $0x2FFFF;
	_ =	strace $0x9FFFFFFF  }
0xc2: {  	(tm) =	ssettm $0x7FFFFFFF  }
0xc3: {  	_ =	shalt  }
tec
execute0_lowered:
.L_overlay_start_1:
0x0: {  	(tag) =	ssettag $0x1  }
0x1: {  	s9 =	rddreg [dreg:$0x0]  }
0x2: {  	s1 =	rddreg [dreg:$0x1]  }
0x3: {  	s0 =	rddreg [dreg:$0x2];
	s2 =	simm.s32 $0x0;
	s7 =	srdreg.scid  }
0x4: {  	s5 =	stileid.u32;
	s21 =	simm.s32 $0x2;
	s22 =	simm.s32 $0x3  }
0x5: {  	s23 =	simm.s32 $0x80;
	s24 =	simm.s32 $0x100;
	s25 =	simm.s32 $0x1  }
0x6: {  	[smem:$0x7FF] =	sst s2;
	s3 =	sadd.s32 $0x21E00, s9;
	s4 =	sadd.s32 $0x18000, s9  }
0x7: {  	s6 =	sadd.s32 $0xCE00, s9;
	s7 =	sand.u32 $0x1, s7;
	s10 =	smul.u32 $0x4E000, s5  }
0x8: {  	s8 =	sadd.s32 $0x3000, s9;
	s18 =	sadd.s32 $0x49000, s9;
	s15 =	smul.u32 $0x13800, s5  }
0x9: {  	p0 =	sne.s32 s5, $0x0;
	_ =	strace $0x80000050;
	s31 =	ssub.s32 $0x2, s7  }
0xa: {  	s16 =	smul.u32 $0x138800, s7;
	s11 =	sshrl.u32 s31, $0x1;
	s10 =	sshrl.u32 s10, $0x2  }
0xb: {  	s19 =	ssub.s32 s31, s11;
	s9 =	sadd.s32 s10, s1;
	s10 =	sshll.u32 s5, $0x1  }
.Ltmp0:
0xc: {  	s17 =	sadd.s32 s15, s16;
	s20 =	sshrl.u32 s16, $0x3;
	(pc) =	sbr.rel .LBB2_1-.Ltmp0, $4  }
0xd: {  	s16 =	sadd.s32 $0x138000, s1;
	s11 =	sadd.s32 $0x3400, s9;
	s12 =	sadd.s32 $0x6800, s9  }
0xe: {  	s13 =	sadd.s32 $0x9C00, s9;
	s14 =	sadd.s32 $0xD000, s9;
	s17 =	sshrl.u32 s17, $0x3  }
0xf: {  	s15 =	sadd.s32 $0x10400, s9;
	s17 =	sadd.s32 s18, s17;
	s18 =	sadd.s32 s18, s20  }
0x10: {  	v0 =	vimm.f32 $0.0e+00;
	s19 =	smax.u32 s19, $0x1;
	s20 =	simm.s32 $0x180;
	s18 =	sadd.s32 $0x27000, s18  }
.LBB2_9:
0x11: {  	s26 =	sshll.u32 s5, $0x6  }
0x12: {  	[bflag:$0x0] =	sbarrier.arrive $0xFFFF;
	s28 =	sshrl.u32 s9, $0x3;
	s26 =	sor.u32 $0x1C02, s26  }
0x13: {  	[hbm:s17], [sflag:s26] =	dma.local [spmem:s28], $0x2700  }
0x14: {  	_ =	swait.ge [sflag:s21], $0x2700  }
0x15: {  	s2 =	sadd.s32 $0x1, s2;
	[sflag:s21] =	ssyncset.done $0x0  }
0x16: {  	p1 =	sne.s32 s2, s19;
	s28 =	sshrl.u32 @!p0 s16, $0x3;
	[sflag:s21] =	ssyncadd.s32 $0xFFFFD900  }
0x17: {  	[hbm:s18], [sflag:s26] =	dma.local @!p0 [spmem:s28], $0x100  }
.Ltmp1:
0x18: {  	_ = 	snop;
	(pc) =	sbr.rel @!p1 .LBB2_10-.Ltmp1, $4  }
0x19: {  	s26 =	simm.s32 @!p0 $0x2  }
0x1a: {  	_ =	swait.ge @!p0 [sflag:s26], $0x100  }
0x1b: {  	[sflag:s26] =	ssyncset.done @!p0 $0x0  }
0x1c: {  	[sflag:s26] =	ssyncadd.s32 @!p0 $0xFFFFFF00  }
.LBB2_1:
0x1d: {  	s26 =	simm.s32 $0x0;
	s28 =	simm.s32 $0x200  }
.LBB2_2:
0x1e: {  	p1 =	sne.s32 s28, $0xFE00;
	[tilespmem:s26+$0x1F0] =	vst v0  }
0x1f: {  	[tilespmem:s26+$0x180] =	vst v0  }
0x20: {  	[tilespmem:s26+$0x190] =	vst v0  }
.Ltmp2:
0x21: {  	[tilespmem:s26+$0x1A0] =	vst v0;
	(pc) =	sbr.rel @p1 .LBB2_2-.Ltmp2, $4  }
0x22: {  	[tilespmem:s26+$0x1B0] =	vst v0  }
0x23: {  	[tilespmem:s26+$0x1C0] =	vst v0  }
0x24: {  	[tilespmem:s26+$0x1D0] =	vst v0  }
0x25: {  	[tilespmem:s26+$0x1E0] =	vst v0;
	s26 =	sshra.s32 s28, $0x2;
	s28 =	sadd.s32 $0x200, s28  }
0x26: {  	[tilespmem:s26+$0x1F0] =	vst v0  }
0x27: {  	[tilespmem:s26+$0x180] =	vst v0  }
0x28: {  	[tilespmem:s26+$0x190] =	vst v0  }
0x29: {  	[tilespmem:s26+$0x1A0] =	vst v0  }
0x2a: {  	[tilespmem:s26+$0x1B0] =	vst v0  }
0x2b: {  	[tilespmem:s26+$0x1C0] =	vst v0  }
0x2c: {  	[tilespmem:s26+$0x1D0] =	vst v0  }
0x2d: {  	[tilespmem:s26+$0x1E0] =	vst v0  }
0x2e: {  	[spmem:s9] =	stream.linear.scatter [tilespmem:s20], [sflag:$0x2], $0x3400, $0x38;
	[tilespmem:$0x17A00] =	vst v63  }
0x2f: {  	_ =	swait.ge [sflag:s21], $0x3400  }
0x30: {  	[sflag:s21] =	ssyncset.done $0x0  }
0x31: {  	[sflag:s21] =	ssyncadd.s32 $0xFFFFCC00  }
0x32: {  	[spmem:s11] =	stream.linear.scatter [tilespmem:s20], [sflag:$0x2], $0x3400, $0x38;
	[tilespmem:$0x17A00] =	vst v63  }
0x33: {  	_ =	swait.ge [sflag:s21], $0x3400  }
0x34: {  	[sflag:s21] =	ssyncset.done $0x0  }
0x35: {  	[sflag:s21] =	ssyncadd.s32 $0xFFFFCC00  }
0x36: {  	[spmem:s12] =	stream.linear.scatter [tilespmem:s20], [sflag:$0x2], $0x3400, $0x38;
	[tilespmem:$0x17A00] =	vst v63  }
0x37: {  	_ =	swait.ge [sflag:s21], $0x3400  }
0x38: {  	[sflag:s21] =	ssyncset.done $0x0  }
0x39: {  	[sflag:s21] =	ssyncadd.s32 $0xFFFFCC00  }
0x3a: {  	[spmem:s13] =	stream.linear.scatter [tilespmem:s20], [sflag:$0x2], $0x3400, $0x38;
	[tilespmem:$0x17A00] =	vst v63  }
0x3b: {  	_ =	swait.ge [sflag:s21], $0x3400  }
0x3c: {  	[sflag:s21] =	ssyncset.done $0x0  }
0x3d: {  	[sflag:s21] =	ssyncadd.s32 $0xFFFFCC00  }
0x3e: {  	[spmem:s14] =	stream.linear.scatter [tilespmem:s20], [sflag:$0x2], $0x3400, $0x38;
	[tilespmem:$0x17A00] =	vst v63  }
0x3f: {  	_ =	swait.ge [sflag:s21], $0x3400  }
0x40: {  	[sflag:s21] =	ssyncset.done $0x0  }
0x41: {  	[sflag:s21] =	ssyncadd.s32 $0xFFFFCC00  }
0x42: {  	[spmem:s15] =	stream.linear.scatter [tilespmem:s20], [sflag:$0x2], $0x3400, $0x38;
	[tilespmem:$0x17A00] =	vst v63  }
0x43: {  	_ =	swait.ge [sflag:s21], $0x3400  }
0x44: {  	[sflag:s21] =	ssyncset.done $0x0  }
0x45: {  	s26 =	simm.s32 @!p0 $0x180;
	[sflag:s21] =	ssyncadd.s32 $0xFFFFCC00  }
0x46: {  	[spmem:s16] =	stream.linear.scatter @!p0 [tilespmem:s26], [sflag:$0x2], $0x800, $0x38;
	[tilespmem:$0x17A00] =	vst v63  }
0x47: {  	s26 =	simm.s32 @!p0 $0x2  }
.Ltmp3:
0x48: {  	_ =	swait.ge @!p0 [sflag:s26], $0x800;
	(pc) =	sbr.rel .LBB2_4-.Ltmp3, $4  }
0x49: {  	[sflag:s26] =	ssyncset.done @!p0 $0x0  }
0x4a: {  	[sflag:s26] =	ssyncadd.s32 @!p0 $0xFFFFF800  }
0x4b: {  	[bflag:$0x0] =	sbarrier.arrive $0xFFFF  }
0x4c: {  	s26 =	simm.s32 $0x0  }
.LBB2_8:
0x4d: {  	s26 =	sadd.s32 $0x1, s26  }
0x4e: {  	p1 =	sne.s32 s26, $0x4F  }
.Ltmp4:
0x4f: {  	_ = 	snop;
	(pc) =	sbr.rel @!p1 .LBB2_9-.Ltmp4, $1  }
0x50: {  	_ =	sdelay $0x3  }
.LBB2_4:
0x51: {  	s28 =	sshll.u32 s26, $0x5  }
0x52: {  	s28 =	sor.u32 s10, s28  }
0x53: {  	p1 =	sgt.u32 s28, $0x9C3  }
.Ltmp5:
0x54: {  	_ = 	snop;
	(pc) =	sbr.rel @p1 .LBB2_8-.Ltmp5, $1  }
0x55: {  	_ =	sdelay $0x3  }
0x56: {  	s28 =	sor.u32 s7, s28  }
0x57: {  	s29 =	sshll.u32 s28, $0x4  }
0x58: {  	s28 =	simm.s32 $0x0;
	s30 =	sadd.s32 s6, s29  }
0x59: {  	[tilespmem:s28], [sflag:$0x3] =	stream.linear.gather [hbm4b:s30+s28], $0x80, $0x38;
	[tilespmem:$0x17A00] =	vst v63  }
0x5a: {  	_ =	swait.ge [sflag:s22], $0x80  }
0x5b: {  	[sflag:s22] =	ssyncset.done $0x0  }
0x5c: {  	s31 =	sadd.s32 s8, s29;
	[sflag:s22] =	ssyncadd.s32 $0xFFFFFF80  }
0x5d: {  	[tilespmem:s23], [sflag:$0x3] =	stream.linear.gather [hbm4b:s31+s28], $0x80, $0x38;
	[tilespmem:$0x17A00] =	vst v63  }
0x5e: {  	_ =	swait.ge [sflag:s22], $0x80  }
0x5f: {  	[sflag:s22] =	ssyncset.done $0x0  }
0x60: {  	s29 =	sadd.s32 s4, s29;
	[sflag:s22] =	ssyncadd.s32 $0xFFFFFF80  }
0x61: {  	[tilespmem:s24], [sflag:$0x3] =	stream.linear.gather [hbm4b:s29+s28], $0x80, $0x38;
	[tilespmem:$0x17A00] =	vst v63  }
0x62: {  	_ =	swait.ge [sflag:s22], $0x80  }
0x63: {  	[sflag:s22] =	ssyncset.done $0x0  }
0x64: {  	[sflag:s22] =	ssyncadd.s32 $0xFFFFFF80  }
0x65: {  	[tilespmem:s20], [sflag:$0x1] =	stream.indirect.gather [hbm4b:s3+s23], $0x80, s28, s23, $0xb8;
	[tilespmem:$0x17A00] =	vst v63  }
0x66: {  	_ =	swait.ge [sflag:s25], $0x4000  }
0x67: {  	[sflag:s25] =	ssyncset.done $0x0  }
0x68: {  	[sflag:s25] =	ssyncadd.s32 $0xFFFFC000  }
.LBB2_6:
0x69: {  	s29 =	sshll.u32 s28, $0x4  }
0x6a: {  	s29 =	sand.u32 $0x3FFFFFF0, s29  }
0x6b: {  	s31 =	sshll.u32 s28, $0xB;
	v1 =	vld [tilespmem:s29+$0x100]  }
0x6c: {  	s29 =	sand.u32 $0x3FFFF800, s31  }
0x6d: {  	v2 =	vld [tilespmem:s29+$0x180]  }
0x6e: {  	v3 =	vld [tilespmem:s29+$0x190]  }
0x6f: {  	v4 =	vld [tilespmem:s29+$0x1A0]  }
0x70: {  	v6 =	vld [tilespmem:s29+$0x1B0];
	v5 =	vbroadcast v1, $0x0  }
0x71: {  	v7 =	vld [tilespmem:s29+$0x1C0]  }
0x72: {  	v8 =	vld [tilespmem:s29+$0x1D0];
	v2 =	vmul.f32 v5, v2  }
0x73: {  	v9 =	vld [tilespmem:s29+$0x1E0];
	v3 =	vmul.f32 v3, v5  }
0x74: {  	v34 =	vld [tilespmem:s29+$0x1F0];
	[tilespmem:s29+$0x180] =	vst v2;
	v2 =	vmul.f32 v4, v5  }
0x75: {  	v35 =	vld [tilespmem:s29+$0x200];
	[tilespmem:s29+$0x190] =	vst v3;
	v3 =	vmul.f32 v6, v5  }
0x76: {  	v36 =	vld [tilespmem:s29+$0x210];
	[tilespmem:s29+$0x1A0] =	vst v2;
	v2 =	vmul.f32 v7, v5  }
0x77: {  	v37 =	vld [tilespmem:s29+$0x220];
	[tilespmem:s29+$0x1B0] =	vst v3;
	v3 =	vmul.f32 v8, v5  }
0x78: {  	v10 =	vld [tilespmem:s29+$0x230];
	v38 =	vbroadcast v1, $0x1;
	[tilespmem:s29+$0x1C0] =	vst v2;
	v2 =	vmul.f32 v9, v5  }
0x79: {  	v39 =	vld [tilespmem:s29+$0x240];
	[tilespmem:s29+$0x1D0] =	vst v3;
	v3 =	vmul.f32 v34, v5  }
0x7a: {  	v40 =	vld [tilespmem:s29+$0x250];
	[tilespmem:s29+$0x1E0] =	vst v2;
	v2 =	vmul.f32 v35, v38  }
0x7b: {  	v41 =	vld [tilespmem:s29+$0x260];
	[tilespmem:s29+$0x1F0] =	vst v3;
	v3 =	vmul.f32 v36, v38  }
0x7c: {  	v42 =	vld [tilespmem:s29+$0x270];
	[tilespmem:s29+$0x200] =	vst v2;
	v2 =	vmul.f32 v37, v38  }
0x7d: {  	v43 =	vld [tilespmem:s29+$0x280];
	[tilespmem:s29+$0x210] =	vst v3;
	v3 =	vmul.f32 v10, v38  }
0x7e: {  	v44 =	vld [tilespmem:s29+$0x290];
	[tilespmem:s29+$0x220] =	vst v2;
	v2 =	vmul.f32 v39, v38  }
0x7f: {  	v45 =	vld [tilespmem:s29+$0x2A0];
	[tilespmem:s29+$0x230] =	vst v3;
	v3 =	vmul.f32 v40, v38  }
0x80: {  	v47 =	vld [tilespmem:s29+$0x2B0];
	v46 =	vbroadcast v1, $0x2;
	[tilespmem:s29+$0x240] =	vst v2;
	v2 =	vmul.f32 v41, v38  }
0x81: {  	v48 =	vld [tilespmem:s29+$0x2C0];
	[tilespmem:s29+$0x250] =	vst v3;
	v3 =	vmul.f32 v42, v38  }
0x82: {  	v49 =	vld [tilespmem:s29+$0x2D0];
	[tilespmem:s29+$0x260] =	vst v2;
	v2 =	vmul.f32 v43, v46  }
0x83: {  	v50 =	vld [tilespmem:s29+$0x2E0];
	[tilespmem:s29+$0x270] =	vst v3;
	v3 =	vmul.f32 v44, v46  }
0x84: {  	v51 =	vld [tilespmem:s29+$0x2F0];
	[tilespmem:s29+$0x280] =	vst v2;
	v2 =	vmul.f32 v45, v46  }
0x85: {  	v52 =	vld [tilespmem:s29+$0x300];
	[tilespmem:s29+$0x290] =	vst v3;
	v3 =	vmul.f32 v47, v46  }
0x86: {  	v53 =	vld [tilespmem:s29+$0x310];
	[tilespmem:s29+$0x2A0] =	vst v2;
	v2 =	vmul.f32 v48, v46  }
0x87: {  	v54 =	vld [tilespmem:s29+$0x320];
	[tilespmem:s29+$0x2B0] =	vst v3;
	v3 =	vmul.f32 v49, v46  }
0x88: {  	v56 =	vld [tilespmem:s29+$0x330];
	v55 =	vbroadcast v1, $0x3;
	[tilespmem:s29+$0x2C0] =	vst v2;
	v2 =	vmul.f32 v50, v46  }
0x89: {  	v57 =	vld [tilespmem:s29+$0x340];
	[tilespmem:s29+$0x2D0] =	vst v3;
	v3 =	vmul.f32 v51, v46  }
0x8a: {  	v58 =	vld [tilespmem:s29+$0x350];
	[tilespmem:s29+$0x2E0] =	vst v2;
	v2 =	vmul.f32 v52, v55  }
0x8b: {  	v59 =	vld [tilespmem:s29+$0x360];
	[tilespmem:s29+$0x2F0] =	vst v3;
	v3 =	vmul.f32 v53, v55  }
0x8c: {  	v60 =	vld [tilespmem:s29+$0x370];
	[tilespmem:s29+$0x300] =	vst v2;
	v2 =	vmul.f32 v54, v55  }
0x8d: {  	v61 =	vld [tilespmem:s29+$0x380];
	[tilespmem:s29+$0x310] =	vst v3;
	v3 =	vmul.f32 v56, v55  }
0x8e: {  	v62 =	vld [tilespmem:s29+$0x390];
	[tilespmem:s29+$0x320] =	vst v2;
	v2 =	vmul.f32 v57, v55  }
0x8f: {  	v63 =	vld [tilespmem:s29+$0x3A0];
	[tilespmem:s29+$0x330] =	vst v3;
	v3 =	vmul.f32 v58, v55  }
0x90: {  	v13 =	vld [tilespmem:s29+$0x3B0];
	v12 =	vbroadcast v1, $0x4;
	[tilespmem:s29+$0x340] =	vst v2;
	v2 =	vmul.f32 v59, v55  }
0x91: {  	v14 =	vld [tilespmem:s29+$0x3C0];
	[tilespmem:s29+$0x350] =	vst v3;
	v3 =	vmul.f32 v60, v55  }
0x92: {  	v15 =	vld [tilespmem:s29+$0x3D0];
	[tilespmem:s29+$0x360] =	vst v2;
	v2 =	vmul.f32 v61, v12  }
0x93: {  	v16 =	vld [tilespmem:s29+$0x3E0];
	[tilespmem:s29+$0x370] =	vst v3;
	v3 =	vmul.f32 v62, v12  }
0x94: {  	v17 =	vld [tilespmem:s29+$0x3F0];
	[tilespmem:s29+$0x380] =	vst v2;
	v2 =	vmul.f32 v63, v12  }
0x95: {  	v18 =	vld [tilespmem:s29+$0x400];
	[tilespmem:s29+$0x390] =	vst v3;
	v3 =	vmul.f32 v13, v12  }
0x96: {  	v19 =	vld [tilespmem:s29+$0x410];
	[tilespmem:s29+$0x3A0] =	vst v2;
	v2 =	vmul.f32 v14, v12  }
0x97: {  	v20 =	vld [tilespmem:s29+$0x420];
	[tilespmem:s29+$0x3B0] =	vst v3;
	v3 =	vmul.f32 v15, v12  }
0x98: {  	v22 =	vld [tilespmem:s29+$0x430];
	v21 =	vbroadcast v1, $0x5;
	[tilespmem:s29+$0x3C0] =	vst v2;
	v2 =	vmul.f32 v16, v12  }
0x99: {  	v23 =	vld [tilespmem:s29+$0x440];
	[tilespmem:s29+$0x3D0] =	vst v3;
	v3 =	vmul.f32 v17, v12  }
0x9a: {  	v24 =	vld [tilespmem:s29+$0x450];
	[tilespmem:s29+$0x3E0] =	vst v2;
	v2 =	vmul.f32 v18, v21  }
0x9b: {  	v25 =	vld [tilespmem:s29+$0x460];
	[tilespmem:s29+$0x3F0] =	vst v3;
	v3 =	vmul.f32 v19, v21  }
0x9c: {  	v26 =	vld [tilespmem:s29+$0x470];
	[tilespmem:s29+$0x400] =	vst v2;
	v2 =	vmul.f32 v20, v21  }
0x9d: {  	v27 =	vld [tilespmem:s29+$0x480];
	[tilespmem:s29+$0x410] =	vst v3;
	v3 =	vmul.f32 v22, v21  }
0x9e: {  	v28 =	vld [tilespmem:s29+$0x490];
	[tilespmem:s29+$0x420] =	vst v2;
	v2 =	vmul.f32 v23, v21  }
0x9f: {  	v29 =	vld [tilespmem:s29+$0x4A0];
	[tilespmem:s29+$0x430] =	vst v3;
	v3 =	vmul.f32 v24, v21  }
0xa0: {  	v31 =	vld [tilespmem:s29+$0x4B0];
	v30 =	vbroadcast v1, $0x6;
	[tilespmem:s29+$0x440] =	vst v2;
	v2 =	vmul.f32 v25, v21  }
0xa1: {  	v32 =	vld [tilespmem:s29+$0x4C0];
	[tilespmem:s29+$0x450] =	vst v3;
	v3 =	vmul.f32 v26, v21  }
0xa2: {  	v33 =	vld [tilespmem:s29+$0x4D0];
	[tilespmem:s29+$0x460] =	vst v2;
	v2 =	vmul.f32 v27, v30  }
0xa3: {  	v34 =	vld [tilespmem:s29+$0x4E0];
	[tilespmem:s29+$0x470] =	vst v3;
	v3 =	vmul.f32 v28, v30  }
0xa4: {  	v35 =	vld [tilespmem:s29+$0x4F0];
	[tilespmem:s29+$0x480] =	vst v2;
	v2 =	vmul.f32 v29, v30  }
0xa5: {  	v36 =	vld [tilespmem:s29+$0x500];
	[tilespmem:s29+$0x490] =	vst v3;
	v3 =	vmul.f32 v31, v30  }
0xa6: {  	v37 =	vld [tilespmem:s29+$0x510];
	[tilespmem:s29+$0x4A0] =	vst v2;
	v2 =	vmul.f32 v32, v30  }
0xa7: {  	v38 =	vld [tilespmem:s29+$0x520];
	[tilespmem:s29+$0x4B0] =	vst v3;
	v3 =	vmul.f32 v33, v30  }
0xa8: {  	v39 =	vbroadcast v1, $0x7;
	v40 =	vld [tilespmem:s29+$0x530];
	[tilespmem:s29+$0x4C0] =	vst v2;
	v2 =	vmul.f32 v34, v30  }
0xa9: {  	v41 =	vld [tilespmem:s29+$0x540];
	[tilespmem:s29+$0x4D0] =	vst v3;
	v3 =	vmul.f32 v35, v30  }
0xaa: {  	v42 =	vld [tilespmem:s29+$0x550];
	[tilespmem:s29+$0x4E0] =	vst v2;
	v2 =	vmul.f32 v36, v39  }
0xab: {  	v43 =	vld [tilespmem:s29+$0x560];
	[tilespmem:s29+$0x4F0] =	vst v3;
	v3 =	vmul.f32 v37, v39  }
0xac: {  	v44 =	vld [tilespmem:s29+$0x570];
	[tilespmem:s29+$0x500] =	vst v2;
	v2 =	vmul.f32 v38, v39  }
0xad: {  	v45 =	vld [tilespmem:s29+$0x580];
	[tilespmem:s29+$0x510] =	vst v3;
	v3 =	vmul.f32 v40, v39  }
0xae: {  	v46 =	vld [tilespmem:s29+$0x590];
	[tilespmem:s29+$0x520] =	vst v2;
	v2 =	vmul.f32 v41, v39  }
0xaf: {  	v47 =	vld [tilespmem:s29+$0x5A0];
	[tilespmem:s29+$0x530] =	vst v3;
	v3 =	vmul.f32 v42, v39  }
0xb0: {  	v48 =	vbroadcast v1, $0x8;
	v49 =	vld [tilespmem:s29+$0x5B0];
	[tilespmem:s29+$0x540] =	vst v2;
	v2 =	vmul.f32 v43, v39  }
0xb1: {  	v50 =	vld [tilespmem:s29+$0x5C0];
	[tilespmem:s29+$0x550] =	vst v3;
	v3 =	vmul.f32 v44, v39  }
0xb2: {  	v51 =	vld [tilespmem:s29+$0x5D0];
	[tilespmem:s29+$0x560] =	vst v2;
	v2 =	vmul.f32 v45, v48  }
0xb3: {  	v52 =	vld [tilespmem:s29+$0x5E0];
	[tilespmem:s29+$0x570] =	vst v3;
	v3 =	vmul.f32 v46, v48  }
0xb4: {  	v53 =	vld [tilespmem:s29+$0x5F0];
	[tilespmem:s29+$0x580] =	vst v2;
	v2 =	vmul.f32 v47, v48  }
0xb5: {  	v54 =	vld [tilespmem:s29+$0x600];
	[tilespmem:s29+$0x590] =	vst v3;
	v3 =	vmul.f32 v49, v48  }
0xb6: {  	v55 =	vld [tilespmem:s29+$0x610];
	[tilespmem:s29+$0x5A0] =	vst v2;
	v2 =	vmul.f32 v50, v48  }
0xb7: {  	v56 =	vld [tilespmem:s29+$0x620];
	[tilespmem:s29+$0x5B0] =	vst v3;
	v3 =	vmul.f32 v51, v48  }
0xb8: {  	v57 =	vbroadcast v1, $0x9;
	v58 =	vld [tilespmem:s29+$0x630];
	[tilespmem:s29+$0x5C0] =	vst v2;
	v2 =	vmul.f32 v52, v48  }
0xb9: {  	v59 =	vld [tilespmem:s29+$0x640];
	[tilespmem:s29+$0x5D0] =	vst v3;
	v3 =	vmul.f32 v53, v48  }
0xba: {  	v60 =	vld [tilespmem:s29+$0x650];
	[tilespmem:s29+$0x5E0] =	vst v2;
	v2 =	vmul.f32 v54, v57  }
0xbb: {  	v61 =	vld [tilespmem:s29+$0x660];
	[tilespmem:s29+$0x5F0] =	vst v3;
	v3 =	vmul.f32 v55, v57  }
0xbc: {  	v62 =	vld [tilespmem:s29+$0x670];
	[tilespmem:s29+$0x600] =	vst v2;
	v2 =	vmul.f32 v56, v57  }
0xbd: {  	v63 =	vld [tilespmem:s29+$0x680];
	[tilespmem:s29+$0x610] =	vst v3;
	v3 =	vmul.f32 v58, v57  }
0xbe: {  	v12 =	vld [tilespmem:s29+$0x690];
	[tilespmem:s29+$0x620] =	vst v2;
	v2 =	vmul.f32 v59, v57  }
0xbf: {  	v13 =	vld [tilespmem:s29+$0x6A0];
	[tilespmem:s29+$0x630] =	vst v3;
	v3 =	vmul.f32 v60, v57  }
0xc0: {  	v14 =	vbroadcast v1, $0xA;
	v15 =	vld [tilespmem:s29+$0x6B0];
	[tilespmem:s29+$0x640] =	vst v2;
	v2 =	vmul.f32 v61, v57  }
0xc1: {  	v16 =	vld [tilespmem:s29+$0x6C0];
	[tilespmem:s29+$0x650] =	vst v3;
	v3 =	vmul.f32 v62, v57  }
0xc2: {  	v17 =	vld [tilespmem:s29+$0x6D0];
	[tilespmem:s29+$0x660] =	vst v2;
	v2 =	vmul.f32 v63, v14  }
0xc3: {  	v18 =	vld [tilespmem:s29+$0x6E0];
	[tilespmem:s29+$0x670] =	vst v3;
	v3 =	vmul.f32 v12, v14  }
0xc4: {  	v19 =	vld [tilespmem:s29+$0x6F0];
	[tilespmem:s29+$0x680] =	vst v2;
	v2 =	vmul.f32 v13, v14  }
0xc5: {  	v20 =	vld [tilespmem:s29+$0x700];
	[tilespmem:s29+$0x690] =	vst v3;
	v3 =	vmul.f32 v15, v14  }
0xc6: {  	v21 =	vld [tilespmem:s29+$0x710];
	[tilespmem:s29+$0x6A0] =	vst v2;
	v2 =	vmul.f32 v16, v14  }
0xc7: {  	v22 =	vld [tilespmem:s29+$0x720];
	[tilespmem:s29+$0x6B0] =	vst v3;
	v3 =	vmul.f32 v17, v14  }
0xc8: {  	v23 =	vbroadcast v1, $0xB;
	v24 =	vld [tilespmem:s29+$0x730];
	[tilespmem:s29+$0x6C0] =	vst v2;
	v2 =	vmul.f32 v18, v14  }
0xc9: {  	v25 =	vld [tilespmem:s29+$0x740];
	[tilespmem:s29+$0x6D0] =	vst v3;
	v3 =	vmul.f32 v19, v14  }
0xca: {  	v26 =	vld [tilespmem:s29+$0x750];
	[tilespmem:s29+$0x6E0] =	vst v2;
	v2 =	vmul.f32 v20, v23  }
0xcb: {  	v27 =	vld [tilespmem:s29+$0x760];
	[tilespmem:s29+$0x6F0] =	vst v3;
	v3 =	vmul.f32 v21, v23  }
0xcc: {  	v28 =	vld [tilespmem:s29+$0x770];
	[tilespmem:s29+$0x700] =	vst v2;
	v2 =	vmul.f32 v22, v23  }
0xcd: {  	v29 =	vld [tilespmem:s29+$0x780];
	[tilespmem:s29+$0x710] =	vst v3;
	v3 =	vmul.f32 v24, v23  }
0xce: {  	v30 =	vld [tilespmem:s29+$0x790];
	[tilespmem:s29+$0x720] =	vst v2;
	v2 =	vmul.f32 v25, v23  }
0xcf: {  	v31 =	vld [tilespmem:s29+$0x7A0];
	[tilespmem:s29+$0x730] =	vst v3;
	v3 =	vmul.f32 v26, v23  }
0xd0: {  	v32 =	vbroadcast v1, $0xC;
	v33 =	vld [tilespmem:s29+$0x7B0];
	[tilespmem:s29+$0x740] =	vst v2;
	v2 =	vmul.f32 v27, v23  }
0xd1: {  	v34 =	vld [tilespmem:s29+$0x7C0];
	[tilespmem:s29+$0x750] =	vst v3;
	v3 =	vmul.f32 v28, v23  }
0xd2: {  	v35 =	vld [tilespmem:s29+$0x7D0];
	[tilespmem:s29+$0x760] =	vst v2;
	v2 =	vmul.f32 v29, v32  }
0xd3: {  	v36 =	vld [tilespmem:s29+$0x7E0];
	[tilespmem:s29+$0x770] =	vst v3;
	v3 =	vmul.f32 v30, v32  }
0xd4: {  	v37 =	vld [tilespmem:s29+$0x7F0];
	[tilespmem:s29+$0x780] =	vst v2;
	v2 =	vmul.f32 v31, v32  }
0xd5: {  	v38 =	vld [tilespmem:s29+$0x800];
	[tilespmem:s29+$0x790] =	vst v3;
	v3 =	vmul.f32 v33, v32  }
0xd6: {  	v39 =	vld [tilespmem:s29+$0x810];
	[tilespmem:s29+$0x7A0] =	vst v2;
	v2 =	vmul.f32 v34, v32  }
0xd7: {  	v40 =	vld [tilespmem:s29+$0x820];
	[tilespmem:s29+$0x7B0] =	vst v3;
	v3 =	vmul.f32 v35, v32  }
0xd8: {  	v41 =	vbroadcast v1, $0xD;
	v42 =	vld [tilespmem:s29+$0x830];
	[tilespmem:s29+$0x7C0] =	vst v2;
	v2 =	vmul.f32 v36, v32  }
0xd9: {  	v43 =	vld [tilespmem:s29+$0x840];
	[tilespmem:s29+$0x7D0] =	vst v3;
	v3 =	vmul.f32 v37, v32  }
0xda: {  	v44 =	vld [tilespmem:s29+$0x850];
	[tilespmem:s29+$0x7E0] =	vst v2;
	v2 =	vmul.f32 v38, v41  }
0xdb: {  	v45 =	vld [tilespmem:s29+$0x860];
	[tilespmem:s29+$0x7F0] =	vst v3;
	v3 =	vmul.f32 v39, v41  }
0xdc: {  	v46 =	vld [tilespmem:s29+$0x870];
	[tilespmem:s29+$0x800] =	vst v2;
	v2 =	vmul.f32 v40, v41  }
0xdd: {  	v47 =	vld [tilespmem:s29+$0x880];
	[tilespmem:s29+$0x810] =	vst v3;
	v3 =	vmul.f32 v42, v41  }
0xde: {  	v48 =	vld [tilespmem:s29+$0x890];
	[tilespmem:s29+$0x820] =	vst v2;
	v2 =	vmul.f32 v43, v41  }
0xdf: {  	v49 =	vld [tilespmem:s29+$0x8A0];
	[tilespmem:s29+$0x830] =	vst v3;
	v3 =	vmul.f32 v44, v41  }
0xe0: {  	v50 =	vbroadcast v1, $0xE;
	v51 =	vld [tilespmem:s29+$0x8B0];
	[tilespmem:s29+$0x840] =	vst v2;
	v2 =	vmul.f32 v45, v41  }
0xe1: {  	v52 =	vld [tilespmem:s29+$0x8C0];
	[tilespmem:s29+$0x850] =	vst v3;
	v3 =	vmul.f32 v46, v41  }
0xe2: {  	v53 =	vld [tilespmem:s29+$0x8D0];
	[tilespmem:s29+$0x860] =	vst v2;
	v2 =	vmul.f32 v47, v50  }
0xe3: {  	v54 =	vld [tilespmem:s29+$0x8E0];
	[tilespmem:s29+$0x870] =	vst v3;
	v3 =	vmul.f32 v48, v50  }
0xe4: {  	v55 =	vld [tilespmem:s29+$0x8F0];
	[tilespmem:s29+$0x880] =	vst v2;
	v2 =	vmul.f32 v49, v50  }
0xe5: {  	v56 =	vld [tilespmem:s29+$0x900];
	[tilespmem:s29+$0x890] =	vst v3;
	v3 =	vmul.f32 v51, v50  }
0xe6: {  	v57 =	vld [tilespmem:s29+$0x910];
	[tilespmem:s29+$0x8A0] =	vst v2;
	v2 =	vmul.f32 v52, v50  }
0xe7: {  	v58 =	vld [tilespmem:s29+$0x920];
	[tilespmem:s29+$0x8B0] =	vst v3;
	v3 =	vmul.f32 v53, v50  }
0xe8: {  	v1 =	vbroadcast v1, $0xF;
	v59 =	vld [tilespmem:s29+$0x930];
	[tilespmem:s29+$0x8C0] =	vst v2;
	v2 =	vmul.f32 v54, v50  }
0xe9: {  	v60 =	vld [tilespmem:s29+$0x940];
	[tilespmem:s29+$0x8D0] =	vst v3;
	v3 =	vmul.f32 v55, v50  }
0xea: {  	v61 =	vld [tilespmem:s29+$0x950];
	[tilespmem:s29+$0x8E0] =	vst v2;
	v2 =	vmul.f32 v56, v1  }
0xeb: {  	v62 =	vld [tilespmem:s29+$0x960];
	[tilespmem:s29+$0x8F0] =	vst v3;
	v3 =	vmul.f32 v57, v1  }
0xec: {  	v63 =	vld [tilespmem:s29+$0x970];
	[tilespmem:s29+$0x900] =	vst v2;
	v2 =	vmul.f32 v58, v1  }
0xed: {  	[tilespmem:s29+$0x910] =	vst v3;
	v3 =	vmul.f32 v59, v1  }
0xee: {  	p1 =	sne.s32 s28, $0x7;
	[tilespmem:s29+$0x920] =	vst v2;
	v2 =	vmul.f32 v60, v1  }
.Ltmp6:
0xef: {  	[tilespmem:s29+$0x930] =	vst v3;
	v3 =	vmul.f32 v61, v1;
	(pc) =	sbr.rel @p1 .LBB2_6-.Ltmp6, $4  }
0xf0: {  	[tilespmem:s29+$0x940] =	vst v2;
	v2 =	vmul.f32 v62, v1  }
0xf1: {  	[tilespmem:s29+$0x950] =	vst v3;
	v1 =	vmul.f32 v63, v1  }
0xf2: {  	[tilespmem:s29+$0x960] =	vst v2  }
0xf3: {  	s28 =	sadd.s32 $0x1, s28;
	[tilespmem:s29+$0x970] =	vst v1  }
.Ltmp7:
0xf4: {  	(pc) =	sbr.rel .LBB2_8-.Ltmp7, $4  }
0xf5: {  	[spmem:s1] =	stream.indirect.scatter.add.f32 [tilespmem:s20], [sflag:$0x2], $0x80, s23, s23, $0xb8;
	[tilespmem:$0x17A00] =	vst v63  }
0xf6: {  	_ =	swait.ge [sflag:s21], $0x4000  }
0xf7: {  	[sflag:s21] =	ssyncset.done $0x0  }
0xf8: {  	[sflag:s21] =	ssyncadd.s32 $0xFFFFC000  }
.LBB2_10:
0xf9: {  	_ =	sfence.sel $0x180000  }
0xfa: {  	[bflag:$0x0] =	sbarrier.arrive $0xFFFF  }
0xfb: {  	_ =	strace $0x90000050  }
0xfc: {  	s0 =	sadd.s32 @!p0 $0x100000, s0;
	[bflag:$0x2] =	sbarrier.arrive $0xFFFF  }
0xfd: {  	[sflag:s0] =	ssyncadd.tile.s32 @!p0 $0x1;
	_ =	shalt  }
.Lfunc_end2:
_tile_overlayer_lowered:
.L_overlay_start_2:
0xfe: {  	(tag) =	ssettag $0x2  }
0xff: {  	s0 =	rddreg [dreg:$0x0];
	s2 =	stileid.u32  }
0x100: {  	s1 =	rddreg [dreg:$0x1];
	p0 =	sne.s32 s2, $0x0  }
0x101: {  	s3 =	rddreg [dreg:$0x2];
	[bflag:$0x3] =	sbarrier.arrive $0xFFFF;
	s2 =	simm.s32 @!p0 $0x1C02  }
0x102: {  	[timem:s3], [sflag:s2] =	dma.local @!p0 [hbm:s0], s1  }
0x103: {  	s0 =	simm.s32 @!p0 $0x2  }
0x104: {  	_ =	swait.ge @!p0 [sflag:s0], s1  }
0x105: {  	s1 =	ssub.s32 @!p0 $0x0, s1;
	[sflag:s0] =	ssyncset.done @!p0 $0x0  }
0x106: {  	[sflag:s0] =	ssyncadd.s32 @!p0 s1  }
0x107: {  	[bflag:$0x3] =	sbarrier.arrive $0xFFFF  }
0x108: {  	_ =	shalt  }

// kernel: kernel.9.cloned.1.call-start
scs
__scs_entry_jumppad:
0x0: {  	(pc) =	sbr.rel $0x88, $3  }
0x1: {  	(tag) =	ssettag $0x0;
	lr =	simm.s32 $0x1  }
0x2: {  	[smem:$0x3F97] =	sst lr;
	_ =	strace $0xD0000000  }
0x3: {  	_ = 	snop  }
0x4: {  	_ = 	snop  }
0x5: {  	_ = 	snop  }
0x6: {  	_ = 	snop  }
0x7: {  	_ = 	snop  }
__scs_overlays_trampoline_lowered:
0x8: {  	[smem:$0x3FA6] =	sst s0  }
0x9: {  	[smem:$0x3FA7] =	sst s1  }
0xa: {  	[smem:$0x3FA8] =	sst s2  }
0xb: {  	[smem:$0x3FA9] =	sst s3  }
0xc: {  	[smem:$0x3FAA] =	sst s4  }
0xd: {  	[smem:$0x3FAB] =	sst s5  }
0xe: {  	[smem:$0x3FAC] =	sst s6  }
0xf: {  	[smem:$0x3FAD] =	sst s7  }
0x10: {  	[smem:$0x3FAE] =	sst s8  }
0x11: {  	[smem:$0x3FAF] =	sst s9;
	s0 =	simm.s32 @!p0 $0x0  }
0x12: {  	s1 =	sld [smem:$0x3F95];
	s0 =	simm.s32 @p0 $0x1  }
0x13: {  	[smem:$0x3FB0] =	sst s0;
	s0 =	simm.s32 @!p1 $0x0  }
0x14: {  	s2 =	sld [smem:$0x3F94];
	s0 =	simm.s32 @p1 $0x1  }
0x15: {  	[smem:$0x3FB1] =	sst s0;
	s0 =	simm.s32 @!p2 $0x0  }
0x16: {  	s3 =	sld [smem:$0x3FDB];
	s0 =	simm.s32 @p2 $0x1  }
0x17: {  	s4 =	simm.s32 $0x1BF5;
	[smem:$0x3FB3] =	sst s0  }
0x18: {  	s0 =	sld [smem:$0x3F96];
	_ =	swait.ge [sflag:s4], $0x0  }
0x19: {  	s7 =	sld [smem:$0x3F97]  }
0x1a: {  	s8 =	sadd.s32 $0xFFFFE003, lr  }
0x1b: {  	s9 =	sadd.s32 $0xFFFFFEF7, lr;
	s5 =	simm.s32 $0xFFFFFFFF;
	p2 =	slt.u32 s8, $0xFFFFF086  }
0x1c: {  	p1 =	slt.u32 s9, $0xF7A;
	s5 =	simm.s32 @!p2 $0x0  }
0x1d: {  	s5 =	simm.s32 @p1 $0x1;
	p0 =	seq.s32 s7, s2  }
0x1e: {  	s7 =	smul.u32 @!p0 $0xF7A, s2;
	p2 =	seq.s32 @!p0 s5, $0x0  }
0x1f: {  	s9 =	smul.u32 $0xF7A, s1;
	s8 =	simm.s32 @!p0 $0x1BF5;
	p2 =	por !p2, p0  }
0x20: {  	[sflag:s8] =	ssyncset.s32 @!p0 $0xFFFFF086;
	s6 =	sadd.s32 @!p0 s3, s7;
	s7 =	simm.s32 @!p0 $0x108  }
0x21: {  	s3 =	sadd.s32 s3, s9;
	s6 =	sadd.s32 @!p0 $0x88, s6;
	s7 =	simm.s32 @p2 $0x1082  }
0x22: {  	[simem:s7], [sflag:s8] =	dma.local @!p0 [hbm:s6], $0xF7A  }
0x23: {  	s9 =	sor.u32 $0xD0000000, s2;
	s6 =	simm.s32 $0x108;
	_ =	swait.ge @!p0 [sflag:s8], $0x0  }
0x24: {  	s3 =	sadd.s32 $0x88, s3;
	s6 =	simm.s32 @!p1 $0x1082;
	[sflag:s4] =	ssyncset.s32 $0xFFFFF086  }
0x25: {  	[simem:s6], [sflag:s4] =	dma.local [hbm:s3], $0xF7A  }
0x26: {  	[smem:$0x3F97] =	sst s1;
	(tag) =	ssettag s2;
	_ =	strace s9  }
0x27: {  	s1 =	sld [smem:$0x3FA7]  }
0x28: {  	s2 =	sld [smem:$0x3FA8]  }
0x29: {  	s4 =	sld [smem:$0x3FAA]  }
0x2a: {  	p0 =	seq.s32 s5, $0x0;
	s5 =	sld [smem:$0x3FAB]  }
0x2b: {  	s6 =	sld [smem:$0x3FAC]  }
0x2c: {  	s7 =	sld [smem:$0x3FAD]  }
0x2d: {  	s3 =	simm.s32 $0x108;
	s8 =	sld [smem:$0x3FAE]  }
0x2e: {  	s3 =	simm.s32 @!p0 $0x1082;
	s9 =	sld [smem:$0x3FAF]  }
0x2f: {  	lr =	sadd.s32 s0, s3;
	s0 =	sld [smem:$0x3FA6]  }
0x30: {  	s3 =	sld [smem:$0x3FA9]  }
0x31: {  	[smem:$0x3FB2] =	sst s10  }
0x32: {  	s10 =	sld [smem:$0x3FB0];
	_ =	sdelay $0x3  }
0x33: {  	p0 =	seq.s32 s10, $0x1;
	s10 =	sld [smem:$0x3FB2];
	_ =	sdelay $0x3  }
0x34: {  	[smem:$0x3FB2] =	sst s10  }
0x35: {  	s10 =	sld [smem:$0x3FB1];
	_ =	sdelay $0x3  }
0x36: {  	p1 =	seq.s32 s10, $0x1;
	s10 =	sld [smem:$0x3FB2];
	_ =	sdelay $0x3  }
0x37: {  	[smem:$0x3FB2] =	sst s10  }
0x38: {  	s10 =	sld [smem:$0x3FB3]  }
0x39: {  	_ = 	snop;
	(pc) =	sbr.ind lr, $3  }
0x3a: {  	_ = 	snop  }
0x3b: {  	_ = 	snop  }
0x3c: {  	p2 =	seq.s32 s10, $0x1;
	s10 =	sld [smem:$0x3FB2]  }
0x3d: {  	_ =	shalt  }
0x3e: {  	_ =	shalt  }
0x3f: {  	_ =	shalt  }
0x40: {  	_ =	shalt  }
0x41: {  	_ =	shalt  }
0x42: {  	_ =	shalt  }
0x43: {  	_ =	shalt  }
0x44: {  	_ =	shalt  }
0x45: {  	_ =	shalt  }
0x46: {  	_ =	shalt  }
0x47: {  	_ =	shalt  }
0x48: {  	_ =	shalt  }
0x49: {  	_ =	shalt  }
0x4a: {  	_ =	shalt  }
0x4b: {  	_ =	shalt  }
0x4c: {  	_ =	shalt  }
0x4d: {  	_ =	shalt  }
0x4e: {  	_ =	shalt  }
0x4f: {  	_ =	shalt  }
0x50: {  	_ =	shalt  }
0x51: {  	_ =	shalt  }
0x52: {  	_ =	shalt  }
0x53: {  	_ =	shalt  }
0x54: {  	_ =	shalt  }
0x55: {  	_ =	shalt  }
0x56: {  	_ =	shalt  }
0x57: {  	_ =	shalt  }
0x58: {  	_ =	shalt  }
0x59: {  	_ =	shalt  }
0x5a: {  	_ =	shalt  }
0x5b: {  	_ =	shalt  }
0x5c: {  	_ =	shalt  }
0x5d: {  	_ =	shalt  }
0x5e: {  	_ =	shalt  }
0x5f: {  	_ =	shalt  }
0x60: {  	_ =	shalt  }
0x61: {  	_ =	shalt  }
0x62: {  	_ =	shalt  }
0x63: {  	_ =	shalt  }
0x64: {  	_ =	shalt  }
0x65: {  	_ =	shalt  }
0x66: {  	_ =	shalt  }
0x67: {  	_ =	shalt  }
0x68: {  	_ =	shalt  }
0x69: {  	_ =	shalt  }
0x6a: {  	_ =	shalt  }
0x6b: {  	_ =	shalt  }
0x6c: {  	_ =	shalt  }
0x6d: {  	_ =	shalt  }
0x6e: {  	_ =	shalt  }
0x6f: {  	_ =	shalt  }
0x70: {  	_ =	shalt  }
0x71: {  	_ =	shalt  }
0x72: {  	_ =	shalt  }
0x73: {  	_ =	shalt  }
0x74: {  	_ =	shalt  }
0x75: {  	_ =	shalt  }
0x76: {  	_ =	shalt  }
0x77: {  	_ =	shalt  }
0x78: {  	_ =	shalt  }
0x79: {  	_ =	shalt  }
0x7a: {  	_ =	shalt  }
0x7b: {  	_ =	shalt  }
0x7c: {  	_ =	shalt  }
0x7d: {  	_ =	shalt  }
0x7e: {  	_ =	shalt  }
0x7f: {  	_ =	shalt  }
0x80: {  	_ =	shalt  }
0x81: {  	_ =	shalt  }
0x82: {  	_ =	shalt  }
0x83: {  	_ =	shalt  }
0x84: {  	_ =	shalt  }
0x85: {  	_ =	shalt  }
0x86: {  	_ =	shalt  }
0x87: {  	_ =	shalt  }
.Lfunc_end0:
.L_simem_size_0:
called_computation_lowered:
.L_overlay_start_0:
0x88: {  	s2 =	sld [smem:$0x3FD9]  }
0x89: {  	s3 =	sld [smem:$0x3FFE];
	_ =	sdelay $0x1  }
0x8a: {  	s1 =	srdreg.scid  }
0x8b: {  	s0 =	sand.u32 $0x1, s1  }
0x8c: {  	s17 =	sshll.u32 s0, $0xA;
	s2 =	sadd.s32 s3, s2  }
0x8d: {  	s2 =	sadd.s32 s2, s17  }
0x8e: {  	[smem:$0x3FBE] =	sst s2  }
0x8f: {  	_ = 	snop  }
0x90: {  	s2 =	sld [smem:$0x3FD0];
	(tm) =	ssettm $0x1  }
0x91: {  	s18 =	sld [smem:$0x3FFB];
	_ =	sdelay $0x3  }
0x92: {  	_ =	strace s18  }
0x93: {  	s3 =	sld [smem:$0x3FFC];
	_ =	sdelay $0x3  }
0x94: {  	_ =	strace s3  }
0x95: {  	s3 =	sld [smem:$0x3FFD];
	_ =	sdelay $0x3  }
0x96: {  	_ =	strace s3  }
0x97: {  	_ =	strace $0x8FFFFFFF  }
0x98: {  	s19 =	sld [smem:$0x3FDB];
	_ =	sdelay $0x1  }
0x99: {  	s4 =	simm.s32 $_scs_section_size  }
0x9a: {  	s5 =	simm.s32 $_size__tile_overlayer_lowered;
	s6 =	simm.s32 $_tile_overlayer_lowered  }
0x9b: {  	s22 =	simm.s32 $0x1BFF;
	s21 =	sshll.u32 s6, $0x1;
	s3 =	sadd.s32 s4, s19  }
0x9c: {  	s7 =	simm.s32 $0x0;
	s20 =	sshll.u32 s5, $0x1;
	s5 =	sadd.s32 s21, s3  }
0x9d: {  	[timem:s7], [sflag:s22] =	dma.local [hbm:s5], s20  }
0x9e: {  	_ =	swait.ge [sflag:s22], s20  }
0x9f: {  	s4 =	ssub.s32 $0x0, s20;
	[sflag:s22] =	ssyncset.done $0x0  }
0xa0: {  	[sflag:s22] =	ssyncadd.s32 s4;
	_ =	sdelay $0x1  }
0xa1: {  	s23 =	simm.s32 $0x1B8B  }
0xa2: {  	_ =	swait.ge [sflag:s23], $0x1  }
0xa3: {  	[sflag:s23] =	ssyncset.done $0x0  }
0xa4: {  	s25 =	simm.s32 $0x1B8E;
	s24 =	sld [smem:$0x3FFE];
	[sflag:s23] =	ssyncadd.s32 $0xFFFFFFFF  }
0xa5: {  	s26 =	simm.s32 $execute0_lowered;
	[smem:$0x3FD2] =	sst s25  }
0xa6: {  	s5 =	sshll.u32 s26, $0x1;
	_ =	strace $0x80000046;
	[dreg:$0x1] =	wrdreg $0xFFFFFFFF  }
0xa7: {  	s28 =	simm.s32 $_size_execute0_lowered;
	s3 =	sadd.s32 s3, s5;
	[dreg:$0x0] =	wrdreg $0x0  }
0xa8: {  	s5 =	sshll.u32 s28, $0x1;
	[dreg:$0x2] =	wrdreg s3  }
0xa9: {  	[dreg:$0x3] =	wrdreg s5  }
0xaa: {  	[dreg:$0x4] =	wrdreg $0xC0  }
0xab: {  	_ =	task [dreg:s7], $0x5FFFF  }
0xac: {  	[dreg:$0x1] =	wrdreg $0xFFFFFFFF  }
0xad: {  	[dreg:$0x0] =	wrdreg $0x60  }
0xae: {  	[dreg:$0x2] =	wrdreg s24  }
0xaf: {  	[dreg:$0x3] =	wrdreg s2  }
0xb0: {  	[dreg:$0x4] =	wrdreg $0x9  }
0xb1: {  	_ =	task.clear_ibuf [dreg:s7], $0x5FFFF;
	_ =	strace $0x90000046  }
0xb2: {  	s29 =	simm.s32 $0x9;
	_ =	strace $0x80000048  }
0xb3: {  	_ =	swait.ge [sflag:s29], $0x1  }
0xb4: {  	[sflag:s29] =	ssyncadd.s32 $0xFFFFFFFF  }
0xb5: {  	_ =	strace $0x90000048  }
0xb6: {  	_ =	sfence  }
0xb7: {  	s30 =	sld [smem:$0x0];
	_ =	sdelay $0x2  }
0xb8: {  	s31 =	sshll.u32 s1, $0xD;
	s1 =	sshrl.u32 s1, $0x2  }
0xb9: {  	s3 =	sand.u32 $0x4000, s31;
	s1 =	sadd.s32 s1, s30  }
0xba: {  	s0 =	sor.u32 s3, s0;
	s1 =	sshll.u32 s1, $0x11  }
0xbb: {  	s0 =	sor.u32 s1, s0  }
0xbc: {  	s0 =	sadd.s32 $0x8F2B, s0  }
0xbd: {  	[sflag:s0] =	ssyncadd.remote.s32 $0x1  }
0xbe: {  	_ =	sfence.sel $0xFFFF  }
0xbf: {  	[dreg:$0x0] =	wrdreg $0xFFFFFFFF;
	(pc) =	sbr.abs _section_cstart, $3  }
0xc0: {  	[dreg:$0x1] =	wrdreg $0xFFFFFFFF  }
0xc1: {  	_ =	task.clear_ibuf [dreg:s7], $0x2FFFF;
	_ =	strace $0x9FFFFFFF  }
0xc2: {  	(tm) =	ssettm $0x7FFFFFFF  }
0xc3: {  	_ =	shalt  }
tec
execute0_lowered:
.L_overlay_start_1:
0x0: {  	(tag) =	ssettag $0x1  }
0x1: {  	s7 =	rddreg [dreg:$0x0]  }
0x2: {  	s9 =	rddreg [dreg:$0x1];
	s1 =	srdreg.scid  }
0x3: {  	s0 =	rddreg [dreg:$0x2];
	s3 =	simm.s32 $0x0;
	s13 =	simm.s32 $0x2  }
0x4: {  	s14 =	simm.s32 $0x80;
	s15 =	simm.s32 $0x9D80;
	s16 =	simm.s32 $0xEC00  }
0x5: {  	s17 =	simm.s32 $0x400;
	s18 =	simm.s32 $0x0;
	s2 =	sand.u32 $0x1, s1  }
0x6: {  	s1 =	stileid.u32;
	[smem:$0x7FF] =	sst s3;
	s5 =	sadd.s32 $0xCE00, s7  }
0x7: {  	s6 =	smul.u32 $0x4E800, s2;
	s4 =	sshrl.u32 s1, $0x3;
	_ =	strace $0x80000047  }
0x8: {  	s10 =	sshll.u32 s1, $0x7;
	s11 =	ssub.s32 $0x2, s2;
	s8 =	smul.u32 $0x27400, s4  }
.Ltmp0:
0x9: {  	s4 =	sadd.s32 $0x3DE00, s7;
	s10 =	sand.u32 $0x380, s10;
	(pc) =	sbr.rel .LBB2_1-.Ltmp0, $4  }
0xa: {  	s31 =	sshrl.u32 s11, $0x1;
	s8 =	sadd.s32 s6, s8;
	s6 =	sadd.s32 $0x3000, s7  }
0xb: {  	s7 =	sadd.s32 $0x3F200, s7;
	s8 =	sor.u32 s10, s8;
	s10 =	ssub.s32 s11, s31  }
0xc: {  	s11 =	simm.s32 $0x100;
	s12 =	sshrl.u32 s8, $0x3;
	s8 =	sshll.u32 s1, $0x1  }
0xd: {  	v0 =	vimm.f32 $0.0e+00;
	s10 =	smax.u32 s10, $0x1;
	s9 =	sadd.s32 s9, s12;
	s12 =	simm.s32 $0x1  }
.LBB2_9:
0xe: {  	s18 =	sadd.s32 $0x1, s18  }
0xf: {  	p0 =	sne.s32 s18, s10  }
.Ltmp1:
0x10: {  	_ = 	snop;
	(pc) =	sbr.rel @!p0 .LBB2_10-.Ltmp1, $4  }
0x11: {  	[hbm4b:s9+s14] =	stream.strided.scatter [tilespmem:s15], [sflag:$0x1], $0x4E80, s17, s14, $0x38;
	[tilespmem:$0xED00] =	vst v63  }
0x12: {  	_ =	swait.ge [sflag:s12], $0x4E80  }
0x13: {  	[sflag:s12] =	ssyncset.done $0x0  }
0x14: {  	[sflag:s12] =	ssyncadd.s32 $0xFFFFB180  }
.LBB2_1:
0x15: {  	[tilespmem:s11], [sflag:$0x1] =	stream.linear.gather [hbm4b:s4+s3], $0x9C80, $0x38;
	[tilespmem:$0xED00] =	vst v63  }
0x16: {  	_ =	swait.ge [sflag:s12], $0x9C80  }
0x17: {  	[sflag:s12] =	ssyncset.done $0x0  }
0x18: {  	s19 =	simm.s32 $0x0;
	[sflag:s12] =	ssyncadd.s32 $0xFFFF6380  }
.LBB2_2:
0x19: {  	p0 =	sne.s32 s19, $0x13840  }
.Ltmp2:
0x1a: {  	_ = 	snop;
	(pc) =	sbr.rel @p0 .LBB2_2-.Ltmp2, $3  }
0x1b: {  	_ =	sdelay $0x1  }
0x1c: {  	s20 =	sshra.s32 s19, $0x2  }
0x1d: {  	s19 =	sadd.s32 $0x40, s19;
	[tilespmem:s20+$0x9D80] =	vst v0  }
.Ltmp3:
0x1e: {  	(pc) =	sbr.rel .LBB2_4-.Ltmp3, $2  }
0x1f: {  	_ =	sdelay $0x2  }
0x20: {  	s19 =	simm.s32 $0x0  }
.LBB2_8:
0x21: {  	s19 =	sadd.s32 $0x1, s19  }
0x22: {  	p0 =	sne.s32 s19, $0x4F  }
.Ltmp4:
0x23: {  	_ = 	snop;
	(pc) =	sbr.rel @!p0 .LBB2_9-.Ltmp4, $1  }
0x24: {  	_ =	sdelay $0x3  }
.LBB2_4:
0x25: {  	s20 =	sshll.u32 s19, $0x5  }
0x26: {  	s20 =	sor.u32 s8, s20  }
0x27: {  	p0 =	sgt.u32 s20, $0x9C3  }
.Ltmp5:
0x28: {  	_ = 	snop;
	(pc) =	sbr.rel @p0 .LBB2_8-.Ltmp5, $1  }
0x29: {  	_ =	sdelay $0x3  }
0x2a: {  	s20 =	sor.u32 s2, s20  }
0x2b: {  	s21 =	sshll.u32 s20, $0x4  }
0x2c: {  	s23 =	simm.s32 $0x0;
	s22 =	sadd.s32 s5, s21  }
0x2d: {  	[tilespmem:s23], [sflag:$0x2] =	stream.linear.gather [hbm4b:s22+s23], $0x80, $0x38;
	[tilespmem:$0xED00] =	vst v63  }
0x2e: {  	_ =	swait.ge [sflag:s13], $0x80  }
0x2f: {  	[sflag:s13] =	ssyncset.done $0x0  }
0x30: {  	s21 =	sadd.s32 s6, s21;
	[sflag:s13] =	ssyncadd.s32 $0xFFFFFF80  }
0x31: {  	[tilespmem:s14], [sflag:$0x2] =	stream.linear.gather [hbm4b:s21+s23], $0x80, $0x38;
	[tilespmem:$0xED00] =	vst v63  }
0x32: {  	_ =	swait.ge [sflag:s13], $0x80  }
0x33: {  	[sflag:s13] =	ssyncset.done $0x0  }
0x34: {  	s21 =	simm.s32 $0x0;
	[sflag:s13] =	ssyncadd.s32 $0xFFFFFF80  }
0x35: {  	v1 =	vld [tilespmem:s21+$0x80]  }
0x36: {  	v2 =	vld [tilespmem:s21+$0x0];
	_ =	sdelay $0x4  }
0x37: {  	v3 =	vshll.u32 v1, $0x2;
	v2 =	vshll.u32 v2, $0x2  }
0x38: {  	v4 =	vor.u32 $0x2, v3;
	_ =	sdelay $0x3  }
0x39: {  	v5 =	vld.idx.msk [tilespmem:v2+s11+$0x0], $0xffff  }
0x3a: {  	v4 =	vld.idx.msk [tilespmem:v4+s11+$0x0], $0xffff;
	_ =	sdelay $0x4  }
0x3b: {  	v4 =	vadd.f32 v4, v5;
	_ =	sdelay $0x1  }
0x3c: {  	v5 =	vmul.f32 $2.000000030e-01, v4  }
0x3d: {  	vm0 =	vge.f32 v4, $0.0e+00  }
0x3e: {  	v4 =	vsel vm0, v4, v5  }
0x3f: {  	v4 =	vmul.f32 $1.442695020e+00, v4;
	_ =	sdelay $0x1  }
0x40: {  	(erf) = vpow2.f32 v4;
	_ =	sdelay $0x4  }
0x41: {  	v1 =	vshll.u32 v1, $0x1;
	_ =	sdelay $0x1  }
0x42: {  	v2 =	vor.u32 $0x1, v2  }
0x43: {  	v3 =	vor.u32 $0x3, v3  }
0x44: {  	v4 =	vpop (erf)  }
0x45: {  	[tilespmem:v1+s15+$0x0] =	vst.idx.add.f32.msk $0xffff, v4  }
0x46: {  	[tilespmem:s21+$0xEC00] =	vst v4  }
0x47: {  	v2 =	vld.idx.msk [tilespmem:v2+s11+$0x0], $0xffff  }
0x48: {  	v3 =	vld.idx.msk [tilespmem:v3+s11+$0x0], $0xffff;
	_ =	sdelay $0x4  }
0x49: {  	v2 =	vadd.f32 v3, v2;
	_ =	sdelay $0x1  }
0x4a: {  	v3 =	vmul.f32 $2.000000030e-01, v2  }
0x4b: {  	vm15 =	vge.f32 v2, $0.0e+00  }
0x4c: {  	v2 =	vsel vm15, v2, v3  }
0x4d: {  	v2 =	vmul.f32 $1.442695020e+00, v2;
	_ =	sdelay $0x1  }
0x4e: {  	(erf) = vpow2.f32 v2;
	_ =	sdelay $0x3  }
0x4f: {  	s22 =	simm.s32 $0x40;
	v1 =	vor.u32 $0x1, v1  }
.LBB2_6:
0x50: {  	_ =	sdelay $0x3  }
0x51: {  	p0 =	sne.s32 s22, $0x1C0;
	s23 =	smov.u32 s22;
	s22 =	sadd.s32 $0x40, s22;
	v2 =	vpop (erf)  }
0x52: {  	s23 =	sshra.s32 s23, $0x2;
	[tilespmem:v1+s15+$0x0] =	vst.idx.add.f32.msk $0xffff, v2  }
0x53: {  	v1 =	vld [tilespmem:s23+$0x80];
	[tilespmem:s21+$0xEC80] =	vst v2;
	s21 =	smov.u32 s23  }
0x54: {  	v2 =	vld [tilespmem:s21+$0x0];
	_ =	sdelay $0x3  }
0x55: {  	v3 =	vshll.u32 v1, $0x2  }
0x56: {  	v2 =	vshll.u32 v2, $0x2;
	v4 =	vor.u32 $0x2, v3;
	_ =	sdelay $0x4  }
0x57: {  	v4 =	vld.idx.msk [tilespmem:v4+s11+$0x0], $0xffff  }
0x58: {  	v5 =	vld.idx.msk [tilespmem:v2+s11+$0x0], $0xffff;
	_ =	sdelay $0x5  }
0x59: {  	v4 =	vadd.f32 v4, v5;
	_ =	sdelay $0x1  }
0x5a: {  	v5 =	vmul.f32 $2.000000030e-01, v4  }
0x5b: {  	vm0 =	vge.f32 v4, $0.0e+00  }
0x5c: {  	v4 =	vsel vm0, v4, v5  }
0x5d: {  	v4 =	vmul.f32 $1.442695020e+00, v4;
	_ =	sdelay $0x1  }
0x5e: {  	(erf) = vpow2.f32 v4;
	_ =	sdelay $0x4  }
0x5f: {  	v1 =	vshll.u32 v1, $0x1;
	_ =	sdelay $0x1  }
0x60: {  	v3 =	vor.u32 $0x3, v3;
	v2 =	vor.u32 $0x1, v2;
	_ =	sdelay $0x1  }
0x61: {  	v4 =	vpop (erf)  }
0x62: {  	[tilespmem:v1+s15+$0x0] =	vst.idx.add.f32.msk $0xffff, v4  }
0x63: {  	[tilespmem:s21+$0xEC00] =	vst v4  }
0x64: {  	v2 =	vld.idx.msk [tilespmem:v2+s11+$0x0], $0xffff  }
0x65: {  	v3 =	vld.idx.msk [tilespmem:v3+s11+$0x0], $0xffff;
	_ =	sdelay $0x5  }
0x66: {  	v2 =	vadd.f32 v3, v2;
	_ =	sdelay $0x1  }
0x67: {  	vm0 =	vge.f32 v2, $0.0e+00;
	v3 =	vmul.f32 $2.000000030e-01, v2;
	_ =	sdelay $0x1  }
0x68: {  	v2 =	vsel vm0, v2, v3  }
0x69: {  	v2 =	vmul.f32 $1.442695020e+00, v2;
	_ =	sdelay $0x1  }
.Ltmp6:
0x6a: {  	(erf) = vpow2.f32 v2;
	(pc) =	sbr.rel @p0 .LBB2_6-.Ltmp6, $2  }
0x6b: {  	_ =	sdelay $0x2  }
0x6c: {  	v1 =	vor.u32 $0x1, v1  }
0x6d: {  	_ =	sdelay $0x3  }
0x6e: {  	v2 =	vpop (erf)  }
0x6f: {  	s20 =	sshll.u32 s20, $0x5;
	[tilespmem:v1+s15+$0x0] =	vst.idx.add.f32.msk $0xffff, v2  }
.Ltmp7:
0x70: {  	s20 =	sadd.s32 s7, s20;
	[tilespmem:s21+$0xEC80] =	vst v2;
	(pc) =	sbr.rel .LBB2_8-.Ltmp7, $4  }
0x71: {  	[hbm4b:s20+s3] =	stream.linear.scatter [tilespmem:s16], [sflag:$0x1], $0x100, $0x38;
	[tilespmem:$0xED00] =	vst v63  }
0x72: {  	_ =	swait.ge [sflag:s12], $0x100  }
0x73: {  	[sflag:s12] =	ssyncset.done $0x0  }
0x74: {  	[sflag:s12] =	ssyncadd.s32 $0xFFFFFF00  }
.LBB2_10:
0x75: {  	_ =	sfence.sel $0x180000  }
0x76: {  	[bflag:$0x0] =	sbarrier.arrive $0xFFFF  }
0x77: {  	p0 =	sne.s32 s1, $0x0;
	_ =	strace $0x90000047  }
0x78: {  	s0 =	sadd.s32 @!p0 $0x100000, s0;
	[bflag:$0x2] =	sbarrier.arrive $0xFFFF  }
0x79: {  	[sflag:s0] =	ssyncadd.tile.s32 @!p0 $0x1;
	_ =	shalt  }
.Lfunc_end2:
_tile_overlayer_lowered:
.L_overlay_start_2:
0x7a: {  	(tag) =	ssettag $0x2  }
0x7b: {  	s0 =	rddreg [dreg:$0x0];
	s2 =	stileid.u32  }
0x7c: {  	s1 =	rddreg [dreg:$0x1];
	p0 =	sne.s32 s2, $0x0  }
0x7d: {  	s3 =	rddreg [dreg:$0x2];
	[bflag:$0x3] =	sbarrier.arrive $0xFFFF;
	s2 =	simm.s32 @!p0 $0x1C01  }
0x7e: {  	[timem:s3], [sflag:s2] =	dma.local @!p0 [hbm:s0], s1  }
0x7f: {  	s0 =	simm.s32 @!p0 $0x1  }
0x80: {  	_ =	swait.ge @!p0 [sflag:s0], s1  }
0x81: {  	s1 =	ssub.s32 @!p0 $0x0, s1;
	[sflag:s0] =	ssyncset.done @!p0 $0x0  }
0x82: {  	[sflag:s0] =	ssyncadd.s32 @!p0 s1  }
0x83: {  	[bflag:$0x3] =	sbarrier.arrive $0xFFFF  }
0x84: {  	_ =	shalt  }

</sc_bundles>
